<compile_context>
chip_gen: v7x
topology: tpu7x:2x2x1
jax: 0.10.2.dev20260603
libtpu: 0.0.44.dev20260713+nightly
codegen_flags: <defaults>
</compile_context>

<pallas_src>
import functools

import jax
import jax.numpy as jnp
from jax import lax
from jax.experimental import pallas as pl
from jax.experimental.pallas import tpu as pltpu
from jax.experimental.pallas import tpu_sc as plsc

_DICT = 100000
_NW = 32
_BLK = 480
_G = 16
_NL = 16
_MW = 128

_params = pltpu.CompilerParams(needs_layout_passes=False)


def _sload(ref, *idx):
    v = plsc.load_gather(ref, [jnp.full((_NL,), i, jnp.int32) for i in idx])
    return v[0]


def _row_vload(ref, row, col0):
    lanes = lax.iota(jnp.int32, _NL)
    return plsc.load_gather(
        ref, [jnp.full((_NL,), row, jnp.int32), col0 + lanes])


def _row_vstore(ref, row, col0, val):
    lanes = lax.iota(jnp.int32, _NL)
    plsc.store_scatter(
        ref, [jnp.full((_NL,), row, jnp.int32), col0 + lanes], val)


def _build_table(base_weight, extract_index, scatter_index, msk0):
    V, D = base_weight.shape
    T = extract_index.shape[0]
    nvec = D // _NL
    chunk = ((T // _NW) + _G - 1) // _G * _G
    ngrp = chunk // _G
    mesh = plsc.VectorSubcoreMesh(core_axis_name="c", subcore_axis_name="s")

    @functools.partial(
        pl.kernel,
        mesh=mesh,
        compiler_params=_params,
        out_type=(
            jax.ShapeDtypeStruct((_DICT, D), jnp.float32),
            jax.ShapeDtypeStruct((2 * _NW, D), jnp.float32),
            jax.ShapeDtypeStruct((2 * _NW, _NL), jnp.int32),
        ),
        scratch_types=[
            pltpu.VMEM((2 * _BLK,), jnp.int32),
            pltpu.VMEM((2 * _BLK,), jnp.int32),
            pltpu.VMEM((2, _G, D), jnp.float32),
            pltpu.VMEM((4, D), jnp.float32),
            pltpu.VMEM((D,), jnp.float32),
            pltpu.VMEM((_MW,), jnp.float32),
            pltpu.VMEM((_NL,), jnp.int32),
            pltpu.SemaphoreType.DMA((2,)),
            pltpu.SemaphoreType.DMA((4,)),
        ],
    )
    def build(base_hbm, eidx_hbm, sidx_hbm, msk_hbm,
              table_hbm, psum_hbm, pmeta_hbm,
              sidx_v, eidx_v, rows_v, stage_v, acc_v, ones_v, meta_v,
              sem_g, sem_s):
        wid = lax.axis_index("s") * 2 + lax.axis_index("c")
        c0 = pl.multiple_of(wid * chunk, _G)
        c1 = jnp.minimum(c0 + chunk, T)
        lanes = lax.iota(jnp.int32, _NL)

        for k in range(_MW // _NL):
            ones_v[pl.ds(k * _NL, _NL)] = jnp.ones((_NL,), jnp.float32)

        a0 = pl.multiple_of((c0 // _BLK) * _BLK, _BLK)
        bs0 = (c0 // _BLK) % 2
        boffs0 = pl.multiple_of(bs0 * _BLK, 8)
        pltpu.sync_copy(sidx_hbm.at[pl.ds(a0, _BLK)],
                        sidx_v.at[pl.ds(boffs0, _BLK)])
        pltpu.sync_copy(eidx_hbm.at[pl.ds(a0, _BLK)],
                        eidx_v.at[pl.ds(boffs0, _BLK)])
        cur0 = _sload(sidx_v, c0 - a0 + bs0 * _BLK)

        bo0 = pl.multiple_of(c0 - a0 + bs0 * _BLK, _G)
        pg0 = (c0 // _G) % 2
        pltpu.async_copy(base_hbm.at[eidx_v.at[pl.ds(bo0, _G)]],
                         rows_v.at[pg0], sem_g.at[pg0])

        def write_partial(slot, seg, cnt):
            pltpu.sync_copy(acc_v, psum_hbm.at[slot])
            meta = jnp.where(lanes == 0, seg,
                             jnp.where(lanes == 1, cnt, jnp.int32(0)))
            meta_v[pl.ds(0, _NL)] = meta
            pltpu.sync_copy(meta_v, pmeta_hbm.at[slot])

        def body(j, st):
            cur, cnt, first, ncl = st
            i = c0 + j
            live = i < c1
            ig = i // _G
            pg = ig % 2

            @pl.when((i % _G == 0) & live)
            def _():
                inx = i + _G
                @pl.when((inx % _BLK == 0) & (inx < c1))
                def _():
                    ian = pl.multiple_of(inx, _BLK)
                    bsn = pl.multiple_of(((inx // _BLK) % 2) * _BLK, 8)
                    pltpu.sync_copy(sidx_hbm.at[pl.ds(ian, _BLK)],
                                    sidx_v.at[pl.ds(bsn, _BLK)])
                    pltpu.sync_copy(eidx_hbm.at[pl.ds(ian, _BLK)],
                                    eidx_v.at[pl.ds(bsn, _BLK)])

                pltpu.make_async_copy(base_hbm.at[pl.ds(0, _G)],
                                      rows_v.at[pg], sem_g.at[pg]).wait()

                @pl.when(inx < c1)
                def _():
                    bon = pl.multiple_of(
                        inx - (inx // _BLK) * _BLK
                        + ((inx // _BLK) % 2) * _BLK, _G)
                    pltpu.async_copy(
                        base_hbm.at[eidx_v.at[pl.ds(bon, _G)]],
                        rows_v.at[1 - pg], sem_g.at[1 - pg])

            boff = i - (i // _BLK) * _BLK + ((i // _BLK) % 2) * _BLK
            sv = _sload(sidx_v, boff)
            is_b = live & (sv != cur)
            close_int = is_b & (first == 0)
            close_first = is_b & (first == 1)

            @pl.when(close_int)
            def _():
                slot = ncl % 4

                @pl.when(ncl >= 4)
                def _():
                    pltpu.make_async_copy(
                        table_hbm.at[0], stage_v.at[slot],
                        sem_s.at[slot]).wait()
                    pltpu.make_async_copy(
                        msk_hbm.at[0], ones_v, sem_s.at[slot]).wait()

                den = jnp.full((_NL,), cnt.astype(jnp.float32))
                inv = jnp.ones((_NL,), jnp.float32) / den

                @plsc.parallel_loop(0, D, step=_NL, unroll=8)
                def _(o):
                    sl = pl.ds(pl.multiple_of(o, _NL), _NL)
                    stage_v[slot, sl] = acc_v[sl] * inv
                pltpu.async_copy(stage_v.at[slot], table_hbm.at[cur],
                                 sem_s.at[slot])
                pltpu.async_copy(ones_v, msk_hbm.at[cur], sem_s.at[slot])

            @pl.when(close_first)
            def _():
                write_partial(2 * wid, cur, cnt)

            goff = i - ig * _G

            @pl.when(live)
            def _():
                @plsc.parallel_loop(0, D, step=_NL, unroll=8)
                def _(o):
                    sl = pl.ds(pl.multiple_of(o, _NL), _NL)
                    row_k = rows_v[pg, goff, sl]
                    acc_v[sl] = jnp.where(is_b, row_k, acc_v[sl] + row_k)

            cnt_new = jnp.where(is_b, jnp.int32(1),
                                jnp.where(live, cnt + 1, cnt))
            cur_new = jnp.where(is_b, sv, cur)
            ncl_new = jnp.where(close_int, ncl + 1, ncl)
            first_new = jnp.where(is_b, jnp.int32(0), first)
            return (cur_new, cnt_new, first_new, ncl_new)

        cur_f, cnt_f, first_f, ncl_f = lax.fori_loop(
            0, chunk, body, (cur0, jnp.int32(0), jnp.int32(1), jnp.int32(0)))

        @pl.when(first_f == 1)
        def _():
            write_partial(2 * wid, cur_f, cnt_f)
            meta_v[pl.ds(0, _NL)] = jnp.where(
                lanes == 0, jnp.int32(-1), jnp.int32(0))
            pltpu.sync_copy(meta_v, pmeta_hbm.at[2 * wid + 1])

        @pl.when(first_f == 0)
        def _():
            write_partial(2 * wid + 1, cur_f, cnt_f)

        for k in range(4):
            @pl.when(ncl_f > k)
            def _(k=k):
                pltpu.make_async_copy(
                    table_hbm.at[0], stage_v.at[k], sem_s.at[k]).wait()
                pltpu.make_async_copy(
                    msk_hbm.at[0], ones_v, sem_s.at[k]).wait()

    return build(base_weight, extract_index, scatter_index, msk0)


def _combine_gather(table, msk, psum, pmeta, flat_tokens):
    N = flat_tokens.shape[0]
    D = table.shape[1]
    nvec = D // _NL
    per_w = N // _NW
    blk = 64
    nparts = pmeta.shape[0]
    mesh = plsc.VectorSubcoreMesh(core_axis_name="c", subcore_axis_name="s")

    @functools.partial(
        pl.kernel,
        mesh=mesh,
        compiler_params=_params,
        out_type=jax.ShapeDtypeStruct((N, D), jnp.float32),
        scratch_types=[
            pltpu.VMEM((2 * _NW, D), jnp.float32),
            pltpu.VMEM((2 * _NW, _NL), jnp.int32),
            pltpu.VMEM((D,), jnp.float32),
            pltpu.VMEM((D,), jnp.float32),
            pltpu.VMEM((_MW,), jnp.float32),
            pltpu.VMEM((64,), jnp.int32),
            pltpu.VMEM((64, D), jnp.float32),
            pltpu.VMEM((64, _MW), jnp.float32),
            pltpu.SemaphoreType.DMA,
            pltpu.SemaphoreType.DMA,
        ],
    )
    def gat(table_hbm, msk_hbm, psum_hbm, pmeta_hbm, tok_hbm, out_hbm,
            parts_v, pmeta_v, sacc_v, sstage_v, ones_v, idx_v, rows_v,
            mrows_v, sem, sem2):
        sid = lax.axis_index("s")
        wid = sid * 2 + lax.axis_index("c")
        zv = jnp.zeros((_NL,), jnp.float32)

        @pl.when(sid == 0)
        def _():
            for k in range(_MW // _NL):
                ones_v[pl.ds(k * _NL, _NL)] = jnp.ones((_NL,), jnp.float32)
            pltpu.sync_copy(psum_hbm, parts_v)
            pltpu.sync_copy(pmeta_hbm, pmeta_v)

            def close(seg, cnt):
                den = jnp.full((_NL,), cnt.astype(jnp.float32))
                inv = jnp.ones((_NL,), jnp.float32) / den
                for k in range(nvec):
                    sl = pl.ds(k * _NL, _NL)
                    sstage_v[sl] = sacc_v[sl] * inv
                pltpu.sync_copy(sstage_v, table_hbm.at[seg])
                pltpu.sync_copy(ones_v, msk_hbm.at[seg])

            def body(e, st):
                cur, cnt = st
                id_e = _sload(pmeta_v, e, 0)
                cnt_e = _sload(pmeta_v, e, 1)
                valid = cnt_e > 0
                same = valid & (id_e == cur)
                newseg = valid & jnp.logical_not(same)
                @pl.when(newseg & (cur >= 0))
                def _():
                    close(cur, cnt)

                @pl.when(newseg)
                def _():
                    for k in range(nvec):
                        sacc_v[pl.ds(k * _NL, _NL)] = _row_vload(
                            parts_v, e, k * _NL)

                @pl.when(same)
                def _():
                    for k in range(nvec):
                        sl = pl.ds(k * _NL, _NL)
                        sacc_v[sl] = sacc_v[sl] + _row_vload(
                            parts_v, e, k * _NL)

                cur_new = jnp.where(newseg, id_e, cur)
                cnt_new = jnp.where(newseg, cnt_e,
                                    jnp.where(same, cnt + cnt_e, cnt))
                return (cur_new, cnt_new)

            cur_f, cnt_f = lax.fori_loop(
                0, nparts, body, (jnp.int32(-1), jnp.int32(0)))

            @pl.when(cur_f >= 0)
            def _():
                close(cur_f, cnt_f)

        plsc.subcore_barrier()

        base = wid * per_w

        def gbody(b, carry):
            off = pl.multiple_of(base + b * blk, blk)
            pltpu.sync_copy(tok_hbm.at[pl.ds(off, blk)], idx_v)
            cp1 = pltpu.async_copy(table_hbm.at[idx_v], rows_v, sem)
            cp2 = pltpu.async_copy(msk_hbm.at[idx_v], mrows_v, sem2)
            cp1.wait()
            cp2.wait()

            def mbody(j, mcarry):
                m = _sload(mrows_v, j, 0)

                @pl.when(m == 0.0)
                def _():
                    for k in range(nvec):
                        _row_vstore(rows_v, j, k * _NL, zv)
                return mcarry

            lax.fori_loop(0, blk, mbody, jnp.int32(0))
            pltpu.sync_copy(rows_v, out_hbm.at[pl.ds(off, blk)])
            return carry

        lax.fori_loop(0, per_w // blk, gbody, jnp.int32(0))

    return gat(table, msk, psum, pmeta, flat_tokens)


def kernel(base_weight, extract_index, scatter_index, token_index):
    B, L = token_index.shape
    D = base_weight.shape[1]
    z0 = base_weight[0, 0] * 0.0
    msk0 = jnp.full((_DICT, _MW), 0.0, jnp.float32) + z0
    table, psum, pmeta = _build_table(
        base_weight, extract_index, scatter_index, msk0)
    out = _combine_gather(table, msk0, psum, pmeta, token_index.reshape(-1))
    return out.reshape(B, L, D)

# --- scband reference (transcript-rebuilt; emitter-appended) ---
"""Pipeline reference for scband-composite-embedding-bart-75453985456584 (READ-ONLY COPY).

The authoritative reference and input builder live on the scoring server;
editing this copy changes nothing except your own understanding.
"""

import jax, jax.numpy as jnp
import numpy as np

DICT_SIZE = 100000
BASE_VOCAB = 50265
D = 768
T = 300000
B = 1024
L = 50
PAD = 1


def setup_inputs(seed: int = 0) -> dict:
    key = jax.random.key(seed)
    k1, k2, k3, k4 = jax.random.split(key, 4)
    base_weight = jax.random.normal(k1, (BASE_VOCAB, D), dtype=jnp.float32) * 0.02
    extract_index = jax.random.randint(k2, (T,), 0, BASE_VOCAB, dtype=jnp.int32)
    scatter_index = jnp.sort(jax.random.randint(k3, (T,), 0, DICT_SIZE, dtype=jnp.int32))
    token_index = jax.random.randint(k4, (B, L), 0, DICT_SIZE, dtype=jnp.int32)
    return {
        'base_weight': base_weight,
        'extract_index': extract_index,
        'scatter_index': scatter_index,
        'token_index': token_index,
    }


def reference(base_weight, extract_index, scatter_index, token_index):
    # scatter_embeddings: scatter_mean of base-vocab rows into composite dictionary rows
    scatter_src = jnp.take(base_weight, extract_index, axis=0)  # [T, D]
    sums = jax.ops.segment_sum(scatter_src, scatter_index, num_segments=DICT_SIZE)  # [DICT_SIZE, D]
    counts = jnp.bincount(scatter_index, length=DICT_SIZE)  # [DICT_SIZE]
    embedding_weight = sums / jnp.maximum(counts, 1).astype(sums.dtype)[:, None]
    # forward: F.embedding(token_index, embedding_weight, padding_idx=PAD)
    # padding_idx only affects gradients in torch; forward is a plain gather.
    emb = jnp.take(embedding_weight, token_index, axis=0)  # [B, L, D]
    return emb

if __name__ == "__main__":
    import jax
    _d = setup_inputs()
    print(jax.jit(kernel)(*tuple(_d.values())))

</pallas_src>

<mosaic_0001>
#map = affine_map<(d0, d1) -> (0, 0)>
#map1 = affine_map<(d0, d1) -> (0)>
module attributes {stable_mosaic.version = 14 : i64} {
  func.func @gat(%arg0: i32, %arg1: i32, %arg2: memref<100000x768xf32, #tpu.memory_space<hbm>>, %arg3: memref<100000x128xf32, #tpu.memory_space<hbm>>, %arg4: memref<64x768xf32, #tpu.memory_space<hbm>>, %arg5: memref<64x16xi32, #tpu.memory_space<hbm>>, %arg6: memref<51200xi32, #tpu.memory_space<hbm>>, %arg7: memref<51200x768xf32, #tpu.memory_space<hbm>>, %arg8: memref<64x768xf32, #tpu.memory_space<vmem>>, %arg9: memref<64x16xi32, #tpu.memory_space<vmem>>, %arg10: memref<768xf32, #tpu.memory_space<vmem>>, %arg11: memref<768xf32, #tpu.memory_space<vmem>>, %arg12: memref<128xf32, #tpu.memory_space<vmem>>, %arg13: memref<64xi32, #tpu.memory_space<vmem>>, %arg14: memref<64x768xf32, #tpu.memory_space<vmem>>, %arg15: memref<64x128xf32, #tpu.memory_space<vmem>>, %arg16: memref<!tpu.dma_semaphore, #tpu.memory_space<semaphore_mem>>, %arg17: memref<!tpu.dma_semaphore, #tpu.memory_space<semaphore_mem>>) attributes {dimension_semantics = [#tpu.dimension_semantics<core_parallel>, #tpu.dimension_semantics<subcore_parallel>], iteration_bounds = array<i64: 2, 16>, scalar_prefetch = 0 : i64, scratch_operands = 10 : i64, tpu.core_type = #tpu.core_type<sc_vector_subcore>, window_params = [{transform_indices = #map}, {transform_indices = #map}, {transform_indices = #map}, {transform_indices = #map}, {transform_indices = #map1}, {transform_indices = #map}]} {
    %mul3A = arith.constant 2 : i32
    %mul3A_0 = arith.muli %arg1, %mul3A : i32
    %add3A = arith.addi %mul3A_0, %arg0 : i32
    %broadcast_in_dim3A = arith.constant 0.000000e+00 : f32
    %broadcast_in_dim3A_1 = vector.broadcast %broadcast_in_dim3A : f32 to vector<16xf32>
    %eq3A = arith.constant 0 : i32
    %eq3A_2 = arith.cmpi eq, %arg1, %eq3A : i32
    %convert_element_type3A = arith.extui %eq3A_2 : i1 to i32
    %cond3A = arith.constant 0 : i32
    %cond3A_3 = arith.cmpi ne, %convert_element_type3A, %cond3A : i32
    scf.if %cond3A_3 {
      %broadcast_in_dim3A_11 = arith.constant 1.000000e+00 : f32
      %broadcast_in_dim3A_12 = vector.broadcast %broadcast_in_dim3A_11 : f32 to vector<16xf32>
      %swap3A = arith.constant 0 : index
      %swap3A_13 = tpu.vector_load %arg12[%swap3A] {strides = array<i32>} : memref<128xf32, #tpu.memory_space<vmem>>, vector<16xf32>,
      tpu.vector_store %arg12[%swap3A], %broadcast_in_dim3A_12 {strides = array<i32>} : memref<128xf32, #tpu.memory_space<vmem>>, vector<16xf32>,
      %broadcast_in_dim3A_14 = arith.constant 1.000000e+00 : f32
      %broadcast_in_dim3A_15 = vector.broadcast %broadcast_in_dim3A_14 : f32 to vector<16xf32>
      %swap3A_16 = arith.constant 16 : index
      %swap3A_17 = tpu.vector_load %arg12[%swap3A_16] {strides = array<i32>} : memref<128xf32, #tpu.memory_space<vmem>>, vector<16xf32>,
      tpu.vector_store %arg12[%swap3A_16], %broadcast_in_dim3A_15 {strides = array<i32>} : memref<128xf32, #tpu.memory_space<vmem>>, vector<16xf32>,
      %broadcast_in_dim3A_18 = arith.constant 1.000000e+00 : f32
      %broadcast_in_dim3A_19 = vector.broadcast %broadcast_in_dim3A_18 : f32 to vector<16xf32>
      %swap3A_20 = arith.constant 32 : index
      %swap3A_21 = tpu.vector_load %arg12[%swap3A_20] {strides = array<i32>} : memref<128xf32, #tpu.memory_space<vmem>>, vector<16xf32>,
      tpu.vector_store %arg12[%swap3A_20], %broadcast_in_dim3A_19 {strides = array<i32>} : memref<128xf32, #tpu.memory_space<vmem>>, vector<16xf32>,
      %broadcast_in_dim3A_22 = arith.constant 1.000000e+00 : f32
      %broadcast_in_dim3A_23 = vector.broadcast %broadcast_in_dim3A_22 : f32 to vector<16xf32>
      %swap3A_24 = arith.constant 48 : index
      %swap3A_25 = tpu.vector_load %arg12[%swap3A_24] {strides = array<i32>} : memref<128xf32, #tpu.memory_space<vmem>>, vector<16xf32>,
      tpu.vector_store %arg12[%swap3A_24], %broadcast_in_dim3A_23 {strides = array<i32>} : memref<128xf32, #tpu.memory_space<vmem>>, vector<16xf32>,
      %broadcast_in_dim3A_26 = arith.constant 1.000000e+00 : f32
      %broadcast_in_dim3A_27 = vector.broadcast %broadcast_in_dim3A_26 : f32 to vector<16xf32>
      %swap3A_28 = arith.constant 64 : index
      %swap3A_29 = tpu.vector_load %arg12[%swap3A_28] {strides = array<i32>} : memref<128xf32, #tpu.memory_space<vmem>>, vector<16xf32>,
      tpu.vector_store %arg12[%swap3A_28], %broadcast_in_dim3A_27 {strides = array<i32>} : memref<128xf32, #tpu.memory_space<vmem>>, vector<16xf32>,
      %broadcast_in_dim3A_30 = arith.constant 1.000000e+00 : f32
      %broadcast_in_dim3A_31 = vector.broadcast %broadcast_in_dim3A_30 : f32 to vector<16xf32>
      %swap3A_32 = arith.constant 80 : index
      %swap3A_33 = tpu.vector_load %arg12[%swap3A_32] {strides = array<i32>} : memref<128xf32, #tpu.memory_space<vmem>>, vector<16xf32>,
      tpu.vector_store %arg12[%swap3A_32], %broadcast_in_dim3A_31 {strides = array<i32>} : memref<128xf32, #tpu.memory_space<vmem>>, vector<16xf32>,
      %broadcast_in_dim3A_34 = arith.constant 1.000000e+00 : f32
      %broadcast_in_dim3A_35 = vector.broadcast %broadcast_in_dim3A_34 : f32 to vector<16xf32>
      %swap3A_36 = arith.constant 96 : index
      %swap3A_37 = tpu.vector_load %arg12[%swap3A_36] {strides = array<i32>} : memref<128xf32, #tpu.memory_space<vmem>>, vector<16xf32>,
      tpu.vector_store %arg12[%swap3A_36], %broadcast_in_dim3A_35 {strides = array<i32>} : memref<128xf32, #tpu.memory_space<vmem>>, vector<16xf32>,
      %broadcast_in_dim3A_38 = arith.constant 1.000000e+00 : f32
      %broadcast_in_dim3A_39 = vector.broadcast %broadcast_in_dim3A_38 : f32 to vector<16xf32>
      %swap3A_40 = arith.constant 112 : index
      %swap3A_41 = tpu.vector_load %arg12[%swap3A_40] {strides = array<i32>} : memref<128xf32, #tpu.memory_space<vmem>>, vector<16xf32>,
      tpu.vector_store %arg12[%swap3A_40], %broadcast_in_dim3A_39 {strides = array<i32>} : memref<128xf32, #tpu.memory_space<vmem>>, vector<16xf32>,
      "tpu.region"() ({
        %run_scoped3A = tpu.sem_alloc : memref<!tpu.dma_semaphore, #tpu.memory_space<semaphore_mem>>
        tpu.enqueue_dma source(%arg4 : memref<64x768xf32, #tpu.memory_space<hbm>>) target(%arg8 : memref<64x768xf32, #tpu.memory_space<vmem>>) target_semaphore(%run_scoped3A : memref<!tpu.dma_semaphore, #tpu.memory_space<semaphore_mem>>)
        tpu.wait_dma2 semaphore(%run_scoped3A : memref<!tpu.dma_semaphore, #tpu.memory_space<semaphore_mem>>) src(%arg4 : memref<64x768xf32, #tpu.memory_space<hbm>>) dst(%arg8 : memref<64x768xf32, #tpu.memory_space<vmem>>)
        tpu.yield
      }) : () -> ()
      "tpu.region"() ({
        %run_scoped3A = tpu.sem_alloc : memref<!tpu.dma_semaphore, #tpu.memory_space<semaphore_mem>>
        tpu.enqueue_dma source(%arg5 : memref<64x16xi32, #tpu.memory_space<hbm>>) target(%arg9 : memref<64x16xi32, #tpu.memory_space<vmem>>) target_semaphore(%run_scoped3A : memref<!tpu.dma_semaphore, #tpu.memory_space<semaphore_mem>>)
        tpu.wait_dma2 semaphore(%run_scoped3A : memref<!tpu.dma_semaphore, #tpu.memory_space<semaphore_mem>>) src(%arg5 : memref<64x16xi32, #tpu.memory_space<hbm>>) dst(%arg9 : memref<64x16xi32, #tpu.memory_space<vmem>>)
        tpu.yield
      }) : () -> ()
      %scan3A_42 = arith.constant -1 : i32
      %scan3A_43 = arith.constant 0 : i32
      %scan3A_44 = arith.constant 0 : i32
      %scan3A_45 = arith.constant 64 : i32
      %scan3A_46 = arith.addi %scan3A_44, %scan3A_45 : i32
      %scan3A_47 = arith.constant 1 : i32
      %scan3A_48:2 = scf.for %scan3A_54 = %scan3A_44 to %scan3A_46 step %scan3A_47 iter_args(%scan3A_55 = %scan3A_42, %scan3A_56 = %scan3A_43) -> (i32, i32)  : i32 {
        %broadcast_in_dim3A_57 = vector.broadcast %scan3A_54 : i32 to vector<16xi32>
        %broadcast_in_dim3A_58 = arith.constant 0 : i32
        %broadcast_in_dim3A_59 = vector.broadcast %broadcast_in_dim3A_58 : i32 to vector<16xi32>
        %gather3A = tpu.vector_load_idx %arg9[%broadcast_in_dim3A_57, %broadcast_in_dim3A_59] : memref<64x16xi32, #tpu.memory_space<vmem>>[vector<16xi32>, vector<16xi32>], vector<16xi32>,
        %slice3A = vector.extract_strided_slice %gather3A {offsets = [0], sizes = [1], strides = [1]} : vector<16xi32> to vector<1xi32>
        %squeeze3A = vector.extract %slice3A[0] : i32 from vector<1xi32>
        %broadcast_in_dim3A_60 = vector.broadcast %scan3A_54 : i32 to vector<16xi32>
        %broadcast_in_dim3A_61 = arith.constant 1 : i32
        %broadcast_in_dim3A_62 = vector.broadcast %broadcast_in_dim3A_61 : i32 to vector<16xi32>
        %gather3A_63 = tpu.vector_load_idx %arg9[%broadcast_in_dim3A_60, %broadcast_in_dim3A_62] : memref<64x16xi32, #tpu.memory_space<vmem>>[vector<16xi32>, vector<16xi32>], vector<16xi32>,
        %slice3A_64 = vector.extract_strided_slice %gather3A_63 {offsets = [0], sizes = [1], strides = [1]} : vector<16xi32> to vector<1xi32>
        %squeeze3A_65 = vector.extract %slice3A_64[0] : i32 from vector<1xi32>
        %gt3A = arith.constant 0 : i32
        %gt3A_66 = arith.cmpi sgt, %squeeze3A_65, %gt3A : i32
        %eq3A_67 = arith.cmpi eq, %squeeze3A, %scan3A_55 : i32
        %and3A = arith.andi %gt3A_66, %eq3A_67 : i1
        %not3A = arith.constant true
        %not3A_68 = arith.xori %and3A, %not3A : i1
        %and3A_69 = arith.andi %gt3A_66, %not3A_68 : i1
        %ge3A_70 = arith.constant 0 : i32
        %ge3A_71 = arith.cmpi sge, %scan3A_55, %ge3A_70 : i32
        %and3A_72 = arith.andi %and3A_69, %ge3A_71 : i1
        %convert_element_type3A_73 = arith.extui %and3A_72 : i1 to i32
        %cond3A_74 = arith.constant 0 : i32
        %cond3A_75 = arith.cmpi ne, %convert_element_type3A_73, %cond3A_74 : i32
        scf.if %cond3A_75 {
          %convert_element_type3A_85 = arith.sitofp %scan3A_56 : i32 to f32
          %broadcast_in_dim3A_86 = vector.broadcast %convert_element_type3A_85 : f32 to vector<16xf32>
          %broadcast_in_dim3A_87 = arith.constant 1.000000e+00 : f32
          %broadcast_in_dim3A_88 = vector.broadcast %broadcast_in_dim3A_87 : f32 to vector<16xf32>
          %div3A = arith.divf %broadcast_in_dim3A_88, %broadcast_in_dim3A_86 : vector<16xf32>
          %get3A = arith.constant 0 : index
          %get3A_89 = tpu.vector_load %arg10[%get3A] {strides = array<i32>} : memref<768xf32, #tpu.memory_space<vmem>>, vector<16xf32>,
          %mul3A_90 = arith.mulf %get3A_89, %div3A : vector<16xf32>
          %swap3A_91 = arith.constant 0 : index
          %swap3A_92 = tpu.vector_load %arg11[%swap3A_91] {strides = array<i32>} : memref<768xf32, #tpu.memory_space<vmem>>, vector<16xf32>,
          tpu.vector_store %arg11[%swap3A_91], %mul3A_90 {strides = array<i32>} : memref<768xf32, #tpu.memory_space<vmem>>, vector<16xf32>,
          %get3A_93 = arith.constant 16 : index
          %get3A_94 = tpu.vector_load %arg10[%get3A_93] {strides = array<i32>} : memref<768xf32, #tpu.memory_space<vmem>>, vector<16xf32>,
          %mul3A_95 = arith.mulf %get3A_94, %div3A : vector<16xf32>
          %swap3A_96 = arith.constant 16 : index
          %swap3A_97 = tpu.vector_load %arg11[%swap3A_96] {strides = array<i32>} : memref<768xf32, #tpu.memory_space<vmem>>, vector<16xf32>,
          tpu.vector_store %arg11[%swap3A_96], %mul3A_95 {strides = array<i32>} : memref<768xf32, #tpu.memory_space<vmem>>, vector<16xf32>,
          %get3A_98 = arith.constant 32 : index
          %get3A_99 = tpu.vector_load %arg10[%get3A_98] {strides = array<i32>} : memref<768xf32, #tpu.memory_space<vmem>>, vector<16xf32>,
          %mul3A_100 = arith.mulf %get3A_99, %div3A : vector<16xf32>
          %swap3A_101 = arith.constant 32 : index
          %swap3A_102 = tpu.vector_load %arg11[%swap3A_101] {strides = array<i32>} : memref<768xf32, #tpu.memory_space<vmem>>, vector<16xf32>,
          tpu.vector_store %arg11[%swap3A_101], %mul3A_100 {strides = array<i32>} : memref<768xf32, #tpu.memory_space<vmem>>, vector<16xf32>,
          %get3A_103 = arith.constant 48 : index
          %get3A_104 = tpu.vector_load %arg10[%get3A_103] {strides = array<i32>} : memref<768xf32, #tpu.memory_space<vmem>>, vector<16xf32>,
          %mul3A_105 = arith.mulf %get3A_104, %div3A : vector<16xf32>
          %swap3A_106 = arith.constant 48 : index
          %swap3A_107 = tpu.vector_load %arg11[%swap3A_106] {strides = array<i32>} : memref<768xf32, #tpu.memory_space<vmem>>, vector<16xf32>,
          tpu.vector_store %arg11[%swap3A_106], %mul3A_105 {strides = array<i32>} : memref<768xf32, #tpu.memory_space<vmem>>, vector<16xf32>,
          %get3A_108 = arith.constant 64 : index
          %get3A_109 = tpu.vector_load %arg10[%get3A_108] {strides = array<i32>} : memref<768xf32, #tpu.memory_space<vmem>>, vector<16xf32>,
          %mul3A_110 = arith.mulf %get3A_109, %div3A : vector<16xf32>
          %swap3A_111 = arith.constant 64 : index
          %swap3A_112 = tpu.vector_load %arg11[%swap3A_111] {strides = array<i32>} : memref<768xf32, #tpu.memory_space<vmem>>, vector<16xf32>,
          tpu.vector_store %arg11[%swap3A_111], %mul3A_110 {strides = array<i32>} : memref<768xf32, #tpu.memory_space<vmem>>, vector<16xf32>,
          %get3A_113 = arith.constant 80 : index
          %get3A_114 = tpu.vector_load %arg10[%get3A_113] {strides = array<i32>} : memref<768xf32, #tpu.memory_space<vmem>>, vector<16xf32>,
          %mul3A_115 = arith.mulf %get3A_114, %div3A : vector<16xf32>
          %swap3A_116 = arith.constant 80 : index
          %swap3A_117 = tpu.vector_load %arg11[%swap3A_116] {strides = array<i32>} : memref<768xf32, #tpu.memory_space<vmem>>, vector<16xf32>,
          tpu.vector_store %arg11[%swap3A_116], %mul3A_115 {strides = array<i32>} : memref<768xf32, #tpu.memory_space<vmem>>, vector<16xf32>,
          %get3A_118 = arith.constant 96 : index
          %get3A_119 = tpu.vector_load %arg10[%get3A_118] {strides = array<i32>} : memref<768xf32, #tpu.memory_space<vmem>>, vector<16xf32>,
          %mul3A_120 = arith.mulf %get3A_119, %div3A : vector<16xf32>
          %swap3A_121 = arith.constant 96 : index
          %swap3A_122 = tpu.vector_load %arg11[%swap3A_121] {strides = array<i32>} : memref<768xf32, #tpu.memory_space<vmem>>, vector<16xf32>,
          tpu.vector_store %arg11[%swap3A_121], %mul3A_120 {strides = array<i32>} : memref<768xf32, #tpu.memory_space<vmem>>, vector<16xf32>,
          %get3A_123 = arith.constant 112 : index
          %get3A_124 = tpu.vector_load %arg10[%get3A_123] {strides = array<i32>} : memref<768xf32, #tpu.memory_space<vmem>>, vector<16xf32>,
          %mul3A_125 = arith.mulf %get3A_124, %div3A : vector<16xf32>
          %swap3A_126 = arith.constant 112 : index
          %swap3A_127 = tpu.vector_load %arg11[%swap3A_126] {strides = array<i32>} : memref<768xf32, #tpu.memory_space<vmem>>, vector<16xf32>,
          tpu.vector_store %arg11[%swap3A_126], %mul3A_125 {strides = array<i32>} : memref<768xf32, #tpu.memory_space<vmem>>, vector<16xf32>,
          %get3A_128 = arith.constant 128 : index
          %get3A_129 = tpu.vector_load %arg10[%get3A_128] {strides = array<i32>} : memref<768xf32, #tpu.memory_space<vmem>>, vector<16xf32>,
          %mul3A_130 = arith.mulf %get3A_129, %div3A : vector<16xf32>
          %swap3A_131 = arith.constant 128 : index
          %swap3A_132 = tpu.vector_load %arg11[%swap3A_131] {strides = array<i32>} : memref<768xf32, #tpu.memory_space<vmem>>, vector<16xf32>,
          tpu.vector_store %arg11[%swap3A_131], %mul3A_130 {strides = array<i32>} : memref<768xf32, #tpu.memory_space<vmem>>, vector<16xf32>,
          %get3A_133 = arith.constant 144 : index
          %get3A_134 = tpu.vector_load %arg10[%get3A_133] {strides = array<i32>} : memref<768xf32, #tpu.memory_space<vmem>>, vector<16xf32>,
          %mul3A_135 = arith.mulf %get3A_134, %div3A : vector<16xf32>
          %swap3A_136 = arith.constant 144 : index
          %swap3A_137 = tpu.vector_load %arg11[%swap3A_136] {strides = array<i32>} : memref<768xf32, #tpu.memory_space<vmem>>, vector<16xf32>,
          tpu.vector_store %arg11[%swap3A_136], %mul3A_135 {strides = array<i32>} : memref<768xf32, #tpu.memory_space<vmem>>, vector<16xf32>,
          %get3A_138 = arith.constant 160 : index
          %get3A_139 = tpu.vector_load %arg10[%get3A_138] {strides = array<i32>} : memref<768xf32, #tpu.memory_space<vmem>>, vector<16xf32>,
          %mul3A_140 = arith.mulf %get3A_139, %div3A : vector<16xf32>
          %swap3A_141 = arith.constant 160 : index
          %swap3A_142 = tpu.vector_load %arg11[%swap3A_141] {strides = array<i32>} : memref<768xf32, #tpu.memory_space<vmem>>, vector<16xf32>,
          tpu.vector_store %arg11[%swap3A_141], %mul3A_140 {strides = array<i32>} : memref<768xf32, #tpu.memory_space<vmem>>, vector<16xf32>,
          %get3A_143 = arith.constant 176 : index
          %get3A_144 = tpu.vector_load %arg10[%get3A_143] {strides = array<i32>} : memref<768xf32, #tpu.memory_space<vmem>>, vector<16xf32>,
          %mul3A_145 = arith.mulf %get3A_144, %div3A : vector<16xf32>
          %swap3A_146 = arith.constant 176 : index
          %swap3A_147 = tpu.vector_load %arg11[%swap3A_146] {strides = array<i32>} : memref<768xf32, #tpu.memory_space<vmem>>, vector<16xf32>,
          tpu.vector_store %arg11[%swap3A_146], %mul3A_145 {strides = array<i32>} : memref<768xf32, #tpu.memory_space<vmem>>, vector<16xf32>,
          %get3A_148 = arith.constant 192 : index
          %get3A_149 = tpu.vector_load %arg10[%get3A_148] {strides = array<i32>} : memref<768xf32, #tpu.memory_space<vmem>>, vector<16xf32>,
          %mul3A_150 = arith.mulf %get3A_149, %div3A : vector<16xf32>
          %swap3A_151 = arith.constant 192 : index
          %swap3A_152 = tpu.vector_load %arg11[%swap3A_151] {strides = array<i32>} : memref<768xf32, #tpu.memory_space<vmem>>, vector<16xf32>,
          tpu.vector_store %arg11[%swap3A_151], %mul3A_150 {strides = array<i32>} : memref<768xf32, #tpu.memory_space<vmem>>, vector<16xf32>,
          %get3A_153 = arith.constant 208 : index
          %get3A_154 = tpu.vector_load %arg10[%get3A_153] {strides = array<i32>} : memref<768xf32, #tpu.memory_space<vmem>>, vector<16xf32>,
          %mul3A_155 = arith.mulf %get3A_154, %div3A : vector<16xf32>
          %swap3A_156 = arith.constant 208 : index
          %swap3A_157 = tpu.vector_load %arg11[%swap3A_156] {strides = array<i32>} : memref<768xf32, #tpu.memory_space<vmem>>, vector<16xf32>,
          tpu.vector_store %arg11[%swap3A_156], %mul3A_155 {strides = array<i32>} : memref<768xf32, #tpu.memory_space<vmem>>, vector<16xf32>,
          %get3A_158 = arith.constant 224 : index
          %get3A_159 = tpu.vector_load %arg10[%get3A_158] {strides = array<i32>} : memref<768xf32, #tpu.memory_space<vmem>>, vector<16xf32>,
          %mul3A_160 = arith.mulf %get3A_159, %div3A : vector<16xf32>
          %swap3A_161 = arith.constant 224 : index
          %swap3A_162 = tpu.vector_load %arg11[%swap3A_161] {strides = array<i32>} : memref<768xf32, #tpu.memory_space<vmem>>, vector<16xf32>,
          tpu.vector_store %arg11[%swap3A_161], %mul3A_160 {strides = array<i32>} : memref<768xf32, #tpu.memory_space<vmem>>, vector<16xf32>,
          %get3A_163 = arith.constant 240 : index
          %get3A_164 = tpu.vector_load %arg10[%get3A_163] {strides = array<i32>} : memref<768xf32, #tpu.memory_space<vmem>>, vector<16xf32>,
          %mul3A_165 = arith.mulf %get3A_164, %div3A : vector<16xf32>
          %swap3A_166 = arith.constant 240 : index
          %swap3A_167 = tpu.vector_load %arg11[%swap3A_166] {strides = array<i32>} : memref<768xf32, #tpu.memory_space<vmem>>, vector<16xf32>,
          tpu.vector_store %arg11[%swap3A_166], %mul3A_165 {strides = array<i32>} : memref<768xf32, #tpu.memory_space<vmem>>, vector<16xf32>,
          %get3A_168 = arith.constant 256 : index
          %get3A_169 = tpu.vector_load %arg10[%get3A_168] {strides = array<i32>} : memref<768xf32, #tpu.memory_space<vmem>>, vector<16xf32>,
          %mul3A_170 = arith.mulf %get3A_169, %div3A : vector<16xf32>
          %swap3A_171 = arith.constant 256 : index
          %swap3A_172 = tpu.vector_load %arg11[%swap3A_171] {strides = array<i32>} : memref<768xf32, #tpu.memory_space<vmem>>, vector<16xf32>,
          tpu.vector_store %arg11[%swap3A_171], %mul3A_170 {strides = array<i32>} : memref<768xf32, #tpu.memory_space<vmem>>, vector<16xf32>,
          %get3A_173 = arith.constant 272 : index
          %get3A_174 = tpu.vector_load %arg10[%get3A_173] {strides = array<i32>} : memref<768xf32, #tpu.memory_space<vmem>>, vector<16xf32>,
          %mul3A_175 = arith.mulf %get3A_174, %div3A : vector<16xf32>
          %swap3A_176 = arith.constant 272 : index
          %swap3A_177 = tpu.vector_load %arg11[%swap3A_176] {strides = array<i32>} : memref<768xf32, #tpu.memory_space<vmem>>, vector<16xf32>,
          tpu.vector_store %arg11[%swap3A_176], %mul3A_175 {strides = array<i32>} : memref<768xf32, #tpu.memory_space<vmem>>, vector<16xf32>,
          %get3A_178 = arith.constant 288 : index
          %get3A_179 = tpu.vector_load %arg10[%get3A_178] {strides = array<i32>} : memref<768xf32, #tpu.memory_space<vmem>>, vector<16xf32>,
          %mul3A_180 = arith.mulf %get3A_179, %div3A : vector<16xf32>
          %swap3A_181 = arith.constant 288 : index
          %swap3A_182 = tpu.vector_load %arg11[%swap3A_181] {strides = array<i32>} : memref<768xf32, #tpu.memory_space<vmem>>, vector<16xf32>,
          tpu.vector_store %arg11[%swap3A_181], %mul3A_180 {strides = array<i32>} : memref<768xf32, #tpu.memory_space<vmem>>, vector<16xf32>,
          %get3A_183 = arith.constant 304 : index
          %get3A_184 = tpu.vector_load %arg10[%get3A_183] {strides = array<i32>} : memref<768xf32, #tpu.memory_space<vmem>>, vector<16xf32>,
          %mul3A_185 = arith.mulf %get3A_184, %div3A : vector<16xf32>
          %swap3A_186 = arith.constant 304 : index
          %swap3A_187 = tpu.vector_load %arg11[%swap3A_186] {strides = array<i32>} : memref<768xf32, #tpu.memory_space<vmem>>, vector<16xf32>,
          tpu.vector_store %arg11[%swap3A_186], %mul3A_185 {strides = array<i32>} : memref<768xf32, #tpu.memory_space<vmem>>, vector<16xf32>,
          %get3A_188 = arith.constant 320 : index
          %get3A_189 = tpu.vector_load %arg10[%get3A_188] {strides = array<i32>} : memref<768xf32, #tpu.memory_space<vmem>>, vector<16xf32>,
          %mul3A_190 = arith.mulf %get3A_189, %div3A : vector<16xf32>
          %swap3A_191 = arith.constant 320 : index
          %swap3A_192 = tpu.vector_load %arg11[%swap3A_191] {strides = array<i32>} : memref<768xf32, #tpu.memory_space<vmem>>, vector<16xf32>,
          tpu.vector_store %arg11[%swap3A_191], %mul3A_190 {strides = array<i32>} : memref<768xf32, #tpu.memory_space<vmem>>, vector<16xf32>,
          %get3A_193 = arith.constant 336 : index
          %get3A_194 = tpu.vector_load %arg10[%get3A_193] {strides = array<i32>} : memref<768xf32, #tpu.memory_space<vmem>>, vector<16xf32>,
          %mul3A_195 = arith.mulf %get3A_194, %div3A : vector<16xf32>
          %swap3A_196 = arith.constant 336 : index
          %swap3A_197 = tpu.vector_load %arg11[%swap3A_196] {strides = array<i32>} : memref<768xf32, #tpu.memory_space<vmem>>, vector<16xf32>,
          tpu.vector_store %arg11[%swap3A_196], %mul3A_195 {strides = array<i32>} : memref<768xf32, #tpu.memory_space<vmem>>, vector<16xf32>,
          %get3A_198 = arith.constant 352 : index
          %get3A_199 = tpu.vector_load %arg10[%get3A_198] {strides = array<i32>} : memref<768xf32, #tpu.memory_space<vmem>>, vector<16xf32>,
          %mul3A_200 = arith.mulf %get3A_199, %div3A : vector<16xf32>
          %swap3A_201 = arith.constant 352 : index
          %swap3A_202 = tpu.vector_load %arg11[%swap3A_201] {strides = array<i32>} : memref<768xf32, #tpu.memory_space<vmem>>, vector<16xf32>,
          tpu.vector_store %arg11[%swap3A_201], %mul3A_200 {strides = array<i32>} : memref<768xf32, #tpu.memory_space<vmem>>, vector<16xf32>,
          %get3A_203 = arith.constant 368 : index
          %get3A_204 = tpu.vector_load %arg10[%get3A_203] {strides = array<i32>} : memref<768xf32, #tpu.memory_space<vmem>>, vector<16xf32>,
          %mul3A_205 = arith.mulf %get3A_204, %div3A : vector<16xf32>
          %swap3A_206 = arith.constant 368 : index
          %swap3A_207 = tpu.vector_load %arg11[%swap3A_206] {strides = array<i32>} : memref<768xf32, #tpu.memory_space<vmem>>, vector<16xf32>,
          tpu.vector_store %arg11[%swap3A_206], %mul3A_205 {strides = array<i32>} : memref<768xf32, #tpu.memory_space<vmem>>, vector<16xf32>,
          %get3A_208 = arith.constant 384 : index
          %get3A_209 = tpu.vector_load %arg10[%get3A_208] {strides = array<i32>} : memref<768xf32, #tpu.memory_space<vmem>>, vector<16xf32>,
          %mul3A_210 = arith.mulf %get3A_209, %div3A : vector<16xf32>
          %swap3A_211 = arith.constant 384 : index
          %swap3A_212 = tpu.vector_load %arg11[%swap3A_211] {strides = array<i32>} : memref<768xf32, #tpu.memory_space<vmem>>, vector<16xf32>,
          tpu.vector_store %arg11[%swap3A_211], %mul3A_210 {strides = array<i32>} : memref<768xf32, #tpu.memory_space<vmem>>, vector<16xf32>,
          %get3A_213 = arith.constant 400 : index
          %get3A_214 = tpu.vector_load %arg10[%get3A_213] {strides = array<i32>} : memref<768xf32, #tpu.memory_space<vmem>>, vector<16xf32>,
          %mul3A_215 = arith.mulf %get3A_214, %div3A : vector<16xf32>
          %swap3A_216 = arith.constant 400 : index
          %swap3A_217 = tpu.vector_load %arg11[%swap3A_216] {strides = array<i32>} : memref<768xf32, #tpu.memory_space<vmem>>, vector<16xf32>,
          tpu.vector_store %arg11[%swap3A_216], %mul3A_215 {strides = array<i32>} : memref<768xf32, #tpu.memory_space<vmem>>, vector<16xf32>,
          %get3A_218 = arith.constant 416 : index
          %get3A_219 = tpu.vector_load %arg10[%get3A_218] {strides = array<i32>} : memref<768xf32, #tpu.memory_space<vmem>>, vector<16xf32>,
          %mul3A_220 = arith.mulf %get3A_219, %div3A : vector<16xf32>
          %swap3A_221 = arith.constant 416 : index
          %swap3A_222 = tpu.vector_load %arg11[%swap3A_221] {strides = array<i32>} : memref<768xf32, #tpu.memory_space<vmem>>, vector<16xf32>,
          tpu.vector_store %arg11[%swap3A_221], %mul3A_220 {strides = array<i32>} : memref<768xf32, #tpu.memory_space<vmem>>, vector<16xf32>,
          %get3A_223 = arith.constant 432 : index
          %get3A_224 = tpu.vector_load %arg10[%get3A_223] {strides = array<i32>} : memref<768xf32, #tpu.memory_space<vmem>>, vector<16xf32>,
          %mul3A_225 = arith.mulf %get3A_224, %div3A : vector<16xf32>
          %swap3A_226 = arith.constant 432 : index
          %swap3A_227 = tpu.vector_load %arg11[%swap3A_226] {strides = array<i32>} : memref<768xf32, #tpu.memory_space<vmem>>, vector<16xf32>,
          tpu.vector_store %arg11[%swap3A_226], %mul3A_225 {strides = array<i32>} : memref<768xf32, #tpu.memory_space<vmem>>, vector<16xf32>,
          %get3A_228 = arith.constant 448 : index
          %get3A_229 = tpu.vector_load %arg10[%get3A_228] {strides = array<i32>} : memref<768xf32, #tpu.memory_space<vmem>>, vector<16xf32>,
          %mul3A_230 = arith.mulf %get3A_229, %div3A : vector<16xf32>
          %swap3A_231 = arith.constant 448 : index
          %swap3A_232 = tpu.vector_load %arg11[%swap3A_231] {strides = array<i32>} : memref<768xf32, #tpu.memory_space<vmem>>, vector<16xf32>,
          tpu.vector_store %arg11[%swap3A_231], %mul3A_230 {strides = array<i32>} : memref<768xf32, #tpu.memory_space<vmem>>, vector<16xf32>,
          %get3A_233 = arith.constant 464 : index
          %get3A_234 = tpu.vector_load %arg10[%get3A_233] {strides = array<i32>} : memref<768xf32, #tpu.memory_space<vmem>>, vector<16xf32>,
          %mul3A_235 = arith.mulf %get3A_234, %div3A : vector<16xf32>
          %swap3A_236 = arith.constant 464 : index
          %swap3A_237 = tpu.vector_load %arg11[%swap3A_236] {strides = array<i32>} : memref<768xf32, #tpu.memory_space<vmem>>, vector<16xf32>,
          tpu.vector_store %arg11[%swap3A_236], %mul3A_235 {strides = array<i32>} : memref<768xf32, #tpu.memory_space<vmem>>, vector<16xf32>,
          %get3A_238 = arith.constant 480 : index
          %get3A_239 = tpu.vector_load %arg10[%get3A_238] {strides = array<i32>} : memref<768xf32, #tpu.memory_space<vmem>>, vector<16xf32>,
          %mul3A_240 = arith.mulf %get3A_239, %div3A : vector<16xf32>
          %swap3A_241 = arith.constant 480 : index
          %swap3A_242 = tpu.vector_load %arg11[%swap3A_241] {strides = array<i32>} : memref<768xf32, #tpu.memory_space<vmem>>, vector<16xf32>,
          tpu.vector_store %arg11[%swap3A_241], %mul3A_240 {strides = array<i32>} : memref<768xf32, #tpu.memory_space<vmem>>, vector<16xf32>,
          %get3A_243 = arith.constant 496 : index
          %get3A_244 = tpu.vector_load %arg10[%get3A_243] {strides = array<i32>} : memref<768xf32, #tpu.memory_space<vmem>>, vector<16xf32>,
          %mul3A_245 = arith.mulf %get3A_244, %div3A : vector<16xf32>
          %swap3A_246 = arith.constant 496 : index
          %swap3A_247 = tpu.vector_load %arg11[%swap3A_246] {strides = array<i32>} : memref<768xf32, #tpu.memory_space<vmem>>, vector<16xf32>,
          tpu.vector_store %arg11[%swap3A_246], %mul3A_245 {strides = array<i32>} : memref<768xf32, #tpu.memory_space<vmem>>, vector<16xf32>,
          %get3A_248 = arith.constant 512 : index
          %get3A_249 = tpu.vector_load %arg10[%get3A_248] {strides = array<i32>} : memref<768xf32, #tpu.memory_space<vmem>>, vector<16xf32>,
          %mul3A_250 = arith.mulf %get3A_249, %div3A : vector<16xf32>
          %swap3A_251 = arith.constant 512 : index
          %swap3A_252 = tpu.vector_load %arg11[%swap3A_251] {strides = array<i32>} : memref<768xf32, #tpu.memory_space<vmem>>, vector<16xf32>,
          tpu.vector_store %arg11[%swap3A_251], %mul3A_250 {strides = array<i32>} : memref<768xf32, #tpu.memory_space<vmem>>, vector<16xf32>,
          %get3A_253 = arith.constant 528 : index
          %get3A_254 = tpu.vector_load %arg10[%get3A_253] {strides = array<i32>} : memref<768xf32, #tpu.memory_space<vmem>>, vector<16xf32>,
          %mul3A_255 = arith.mulf %get3A_254, %div3A : vector<16xf32>
          %swap3A_256 = arith.constant 528 : index
          %swap3A_257 = tpu.vector_load %arg11[%swap3A_256] {strides = array<i32>} : memref<768xf32, #tpu.memory_space<vmem>>, vector<16xf32>,
          tpu.vector_store %arg11[%swap3A_256], %mul3A_255 {strides = array<i32>} : memref<768xf32, #tpu.memory_space<vmem>>, vector<16xf32>,
          %get3A_258 = arith.constant 544 : index
          %get3A_259 = tpu.vector_load %arg10[%get3A_258] {strides = array<i32>} : memref<768xf32, #tpu.memory_space<vmem>>, vector<16xf32>,
          %mul3A_260 = arith.mulf %get3A_259, %div3A : vector<16xf32>
          %swap3A_261 = arith.constant 544 : index
          %swap3A_262 = tpu.vector_load %arg11[%swap3A_261] {strides = array<i32>} : memref<768xf32, #tpu.memory_space<vmem>>, vector<16xf32>,
          tpu.vector_store %arg11[%swap3A_261], %mul3A_260 {strides = array<i32>} : memref<768xf32, #tpu.memory_space<vmem>>, vector<16xf32>,
          %get3A_263 = arith.constant 560 : index
          %get3A_264 = tpu.vector_load %arg10[%get3A_263] {strides = array<i32>} : memref<768xf32, #tpu.memory_space<vmem>>, vector<16xf32>,
          %mul3A_265 = arith.mulf %get3A_264, %div3A : vector<16xf32>
          %swap3A_266 = arith.constant 560 : index
          %swap3A_267 = tpu.vector_load %arg11[%swap3A_266] {strides = array<i32>} : memref<768xf32, #tpu.memory_space<vmem>>, vector<16xf32>,
          tpu.vector_store %arg11[%swap3A_266], %mul3A_265 {strides = array<i32>} : memref<768xf32, #tpu.memory_space<vmem>>, vector<16xf32>,
          %get3A_268 = arith.constant 576 : index
          %get3A_269 = tpu.vector_load %arg10[%get3A_268] {strides = array<i32>} : memref<768xf32, #tpu.memory_space<vmem>>, vector<16xf32>,
          %mul3A_270 = arith.mulf %get3A_269, %div3A : vector<16xf32>
          %swap3A_271 = arith.constant 576 : index
          %swap3A_272 = tpu.vector_load %arg11[%swap3A_271] {strides = array<i32>} : memref<768xf32, #tpu.memory_space<vmem>>, vector<16xf32>,
          tpu.vector_store %arg11[%swap3A_271], %mul3A_270 {strides = array<i32>} : memref<768xf32, #tpu.memory_space<vmem>>, vector<16xf32>,
          %get3A_273 = arith.constant 592 : index
          %get3A_274 = tpu.vector_load %arg10[%get3A_273] {strides = array<i32>} : memref<768xf32, #tpu.memory_space<vmem>>, vector<16xf32>,
          %mul3A_275 = arith.mulf %get3A_274, %div3A : vector<16xf32>
          %swap3A_276 = arith.constant 592 : index
          %swap3A_277 = tpu.vector_load %arg11[%swap3A_276] {strides = array<i32>} : memref<768xf32, #tpu.memory_space<vmem>>, vector<16xf32>,
          tpu.vector_store %arg11[%swap3A_276], %mul3A_275 {strides = array<i32>} : memref<768xf32, #tpu.memory_space<vmem>>, vector<16xf32>,
          %get3A_278 = arith.constant 608 : index
          %get3A_279 = tpu.vector_load %arg10[%get3A_278] {strides = array<i32>} : memref<768xf32, #tpu.memory_space<vmem>>, vector<16xf32>,
          %mul3A_280 = arith.mulf %get3A_279, %div3A : vector<16xf32>
          %swap3A_281 = arith.constant 608 : index
          %swap3A_282 = tpu.vector_load %arg11[%swap3A_281] {strides = array<i32>} : memref<768xf32, #tpu.memory_space<vmem>>, vector<16xf32>,
          tpu.vector_store %arg11[%swap3A_281], %mul3A_280 {strides = array<i32>} : memref<768xf32, #tpu.memory_space<vmem>>, vector<16xf32>,
          %get3A_283 = arith.constant 624 : index
          %get3A_284 = tpu.vector_load %arg10[%get3A_283] {strides = array<i32>} : memref<768xf32, #tpu.memory_space<vmem>>, vector<16xf32>,
          %mul3A_285 = arith.mulf %get3A_284, %div3A : vector<16xf32>
          %swap3A_286 = arith.constant 624 : index
          %swap3A_287 = tpu.vector_load %arg11[%swap3A_286] {strides = array<i32>} : memref<768xf32, #tpu.memory_space<vmem>>, vector<16xf32>,
          tpu.vector_store %arg11[%swap3A_286], %mul3A_285 {strides = array<i32>} : memref<768xf32, #tpu.memory_space<vmem>>, vector<16xf32>,
          %get3A_288 = arith.constant 640 : index
          %get3A_289 = tpu.vector_load %arg10[%get3A_288] {strides = array<i32>} : memref<768xf32, #tpu.memory_space<vmem>>, vector<16xf32>,
          %mul3A_290 = arith.mulf %get3A_289, %div3A : vector<16xf32>
          %swap3A_291 = arith.constant 640 : index
          %swap3A_292 = tpu.vector_load %arg11[%swap3A_291] {strides = array<i32>} : memref<768xf32, #tpu.memory_space<vmem>>, vector<16xf32>,
          tpu.vector_store %arg11[%swap3A_291], %mul3A_290 {strides = array<i32>} : memref<768xf32, #tpu.memory_space<vmem>>, vector<16xf32>,
          %get3A_293 = arith.constant 656 : index
          %get3A_294 = tpu.vector_load %arg10[%get3A_293] {strides = array<i32>} : memref<768xf32, #tpu.memory_space<vmem>>, vector<16xf32>,
          %mul3A_295 = arith.mulf %get3A_294, %div3A : vector<16xf32>
          %swap3A_296 = arith.constant 656 : index
          %swap3A_297 = tpu.vector_load %arg11[%swap3A_296] {strides = array<i32>} : memref<768xf32, #tpu.memory_space<vmem>>, vector<16xf32>,
          tpu.vector_store %arg11[%swap3A_296], %mul3A_295 {strides = array<i32>} : memref<768xf32, #tpu.memory_space<vmem>>, vector<16xf32>,
          %get3A_298 = arith.constant 672 : index
          %get3A_299 = tpu.vector_load %arg10[%get3A_298] {strides = array<i32>} : memref<768xf32, #tpu.memory_space<vmem>>, vector<16xf32>,
          %mul3A_300 = arith.mulf %get3A_299, %div3A : vector<16xf32>
          %swap3A_301 = arith.constant 672 : index
          %swap3A_302 = tpu.vector_load %arg11[%swap3A_301] {strides = array<i32>} : memref<768xf32, #tpu.memory_space<vmem>>, vector<16xf32>,
          tpu.vector_store %arg11[%swap3A_301], %mul3A_300 {strides = array<i32>} : memref<768xf32, #tpu.memory_space<vmem>>, vector<16xf32>,
          %get3A_303 = arith.constant 688 : index
          %get3A_304 = tpu.vector_load %arg10[%get3A_303] {strides = array<i32>} : memref<768xf32, #tpu.memory_space<vmem>>, vector<16xf32>,
          %mul3A_305 = arith.mulf %get3A_304, %div3A : vector<16xf32>
          %swap3A_306 = arith.constant 688 : index
          %swap3A_307 = tpu.vector_load %arg11[%swap3A_306] {strides = array<i32>} : memref<768xf32, #tpu.memory_space<vmem>>, vector<16xf32>,
          tpu.vector_store %arg11[%swap3A_306], %mul3A_305 {strides = array<i32>} : memref<768xf32, #tpu.memory_space<vmem>>, vector<16xf32>,
          %get3A_308 = arith.constant 704 : index
          %get3A_309 = tpu.vector_load %arg10[%get3A_308] {strides = array<i32>} : memref<768xf32, #tpu.memory_space<vmem>>, vector<16xf32>,
          %mul3A_310 = arith.mulf %get3A_309, %div3A : vector<16xf32>
          %swap3A_311 = arith.constant 704 : index
          %swap3A_312 = tpu.vector_load %arg11[%swap3A_311] {strides = array<i32>} : memref<768xf32, #tpu.memory_space<vmem>>, vector<16xf32>,
          tpu.vector_store %arg11[%swap3A_311], %mul3A_310 {strides = array<i32>} : memref<768xf32, #tpu.memory_space<vmem>>, vector<16xf32>,
          %get3A_313 = arith.constant 720 : index
          %get3A_314 = tpu.vector_load %arg10[%get3A_313] {strides = array<i32>} : memref<768xf32, #tpu.memory_space<vmem>>, vector<16xf32>,
          %mul3A_315 = arith.mulf %get3A_314, %div3A : vector<16xf32>
          %swap3A_316 = arith.constant 720 : index
          %swap3A_317 = tpu.vector_load %arg11[%swap3A_316] {strides = array<i32>} : memref<768xf32, #tpu.memory_space<vmem>>, vector<16xf32>,
          tpu.vector_store %arg11[%swap3A_316], %mul3A_315 {strides = array<i32>} : memref<768xf32, #tpu.memory_space<vmem>>, vector<16xf32>,
          %get3A_318 = arith.constant 736 : index
          %get3A_319 = tpu.vector_load %arg10[%get3A_318] {strides = array<i32>} : memref<768xf32, #tpu.memory_space<vmem>>, vector<16xf32>,
          %mul3A_320 = arith.mulf %get3A_319, %div3A : vector<16xf32>
          %swap3A_321 = arith.constant 736 : index
          %swap3A_322 = tpu.vector_load %arg11[%swap3A_321] {strides = array<i32>} : memref<768xf32, #tpu.memory_space<vmem>>, vector<16xf32>,
          tpu.vector_store %arg11[%swap3A_321], %mul3A_320 {strides = array<i32>} : memref<768xf32, #tpu.memory_space<vmem>>, vector<16xf32>,
          %get3A_323 = arith.constant 752 : index
          %get3A_324 = tpu.vector_load %arg10[%get3A_323] {strides = array<i32>} : memref<768xf32, #tpu.memory_space<vmem>>, vector<16xf32>,
          %mul3A_325 = arith.mulf %get3A_324, %div3A : vector<16xf32>
          %swap3A_326 = arith.constant 752 : index
          %swap3A_327 = tpu.vector_load %arg11[%swap3A_326] {strides = array<i32>} : memref<768xf32, #tpu.memory_space<vmem>>, vector<16xf32>,
          tpu.vector_store %arg11[%swap3A_326], %mul3A_325 {strides = array<i32>} : memref<768xf32, #tpu.memory_space<vmem>>, vector<16xf32>,
          "tpu.region"() ({
            %run_scoped3A = tpu.sem_alloc : memref<!tpu.dma_semaphore, #tpu.memory_space<semaphore_mem>>
            %dma_start3A = arith.constant 0 : i32
            %dma_start3A_328 = tpu.memref_slice %arg2[%scan3A_55, %dma_start3A] : memref<100000x768xf32, #tpu.memory_space<hbm>> -> memref<1x768xf32, #tpu.memory_space<hbm>>
            %dma_start3A_329 = tpu.memref_squeeze %dma_start3A_328 : memref<1x768xf32, #tpu.memory_space<hbm>> -> memref<768xf32, #tpu.memory_space<hbm>>
            %dma_start3A_330 = arith.constant 0 : i32
            %dma_start3A_331 = tpu.memref_slice %arg2[%scan3A_55, %dma_start3A_330] : memref<100000x768xf32, #tpu.memory_space<hbm>> -> memref<1x768xf32, #tpu.memory_space<hbm>>
            %dma_start3A_332 = tpu.memref_squeeze %dma_start3A_331 : memref<1x768xf32, #tpu.memory_space<hbm>> -> memref<768xf32, #tpu.memory_space<hbm>>
            tpu.enqueue_dma source(%arg11 : memref<768xf32, #tpu.memory_space<vmem>>) target(%dma_start3A_332 : memref<768xf32, #tpu.memory_space<hbm>>) target_semaphore(%run_scoped3A : memref<!tpu.dma_semaphore, #tpu.memory_space<semaphore_mem>>)
            %dma_wait3A = arith.constant 0 : i32
            %dma_wait3A_333 = tpu.memref_slice %arg2[%scan3A_55, %dma_wait3A] : memref<100000x768xf32, #tpu.memory_space<hbm>> -> memref<1x768xf32, #tpu.memory_space<hbm>>
            %dma_wait3A_334 = tpu.memref_squeeze %dma_wait3A_333 : memref<1x768xf32, #tpu.memory_space<hbm>> -> memref<768xf32, #tpu.memory_space<hbm>>
            %dma_wait3A_335 = arith.constant 0 : i32
            %dma_wait3A_336 = tpu.memref_slice %arg2[%scan3A_55, %dma_wait3A_335] : memref<100000x768xf32, #tpu.memory_space<hbm>> -> memref<1x768xf32, #tpu.memory_space<hbm>>
            %dma_wait3A_337 = tpu.memref_squeeze %dma_wait3A_336 : memref<1x768xf32, #tpu.memory_space<hbm>> -> memref<768xf32, #tpu.memory_space<hbm>>
            tpu.wait_dma2 semaphore(%run_scoped3A : memref<!tpu.dma_semaphore, #tpu.memory_space<semaphore_mem>>) src(%arg11 : memref<768xf32, #tpu.memory_space<vmem>>) dst(%dma_wait3A_337 : memref<768xf32, #tpu.memory_space<hbm>>)
            tpu.yield
          }) : () -> ()
          "tpu.region"() ({
            %run_scoped3A = tpu.sem_alloc : memref<!tpu.dma_semaphore, #tpu.memory_space<semaphore_mem>>
            %dma_start3A = arith.constant 0 : i32
            %dma_start3A_328 = tpu.memref_slice %arg3[%scan3A_55, %dma_start3A] : memref<100000x128xf32, #tpu.memory_space<hbm>> -> memref<1x128xf32, #tpu.memory_space<hbm>>
            %dma_start3A_329 = tpu.memref_squeeze %dma_start3A_328 : memref<1x128xf32, #tpu.memory_space<hbm>> -> memref<128xf32, #tpu.memory_space<hbm>>
            %dma_start3A_330 = arith.constant 0 : i32
            %dma_start3A_331 = tpu.memref_slice %arg3[%scan3A_55, %dma_start3A_330] : memref<100000x128xf32, #tpu.memory_space<hbm>> -> memref<1x128xf32, #tpu.memory_space<hbm>>
            %dma_start3A_332 = tpu.memref_squeeze %dma_start3A_331 : memref<1x128xf32, #tpu.memory_space<hbm>> -> memref<128xf32, #tpu.memory_space<hbm>>
            tpu.enqueue_dma source(%arg12 : memref<128xf32, #tpu.memory_space<vmem>>) target(%dma_start3A_332 : memref<128xf32, #tpu.memory_space<hbm>>) target_semaphore(%run_scoped3A : memref<!tpu.dma_semaphore, #tpu.memory_space<semaphore_mem>>)
            %dma_wait3A = arith.constant 0 : i32
            %dma_wait3A_333 = tpu.memref_slice %arg3[%scan3A_55, %dma_wait3A] : memref<100000x128xf32, #tpu.memory_space<hbm>> -> memref<1x128xf32, #tpu.memory_space<hbm>>
            %dma_wait3A_334 = tpu.memref_squeeze %dma_wait3A_333 : memref<1x128xf32, #tpu.memory_space<hbm>> -> memref<128xf32, #tpu.memory_space<hbm>>
            %dma_wait3A_335 = arith.constant 0 : i32
            %dma_wait3A_336 = tpu.memref_slice %arg3[%scan3A_55, %dma_wait3A_335] : memref<100000x128xf32, #tpu.memory_space<hbm>> -> memref<1x128xf32, #tpu.memory_space<hbm>>
            %dma_wait3A_337 = tpu.memref_squeeze %dma_wait3A_336 : memref<1x128xf32, #tpu.memory_space<hbm>> -> memref<128xf32, #tpu.memory_space<hbm>>
            tpu.wait_dma2 semaphore(%run_scoped3A : memref<!tpu.dma_semaphore, #tpu.memory_space<semaphore_mem>>) src(%arg12 : memref<128xf32, #tpu.memory_space<vmem>>) dst(%dma_wait3A_337 : memref<128xf32, #tpu.memory_space<hbm>>)
            tpu.yield
          }) : () -> ()
        } else {
        }
        %convert_element_type3A_76 = arith.extui %and3A_69 : i1 to i32
        %cond3A_77 = arith.constant 0 : i32
        %cond3A_78 = arith.cmpi ne, %convert_element_type3A_76, %cond3A_77 : i32
        scf.if %cond3A_78 {
          %iota3A = tpu.iota {dimensions = array<i32: 0>} : vector<16xi32>
          %broadcast_in_dim3A_85 = vector.broadcast %scan3A_54 : i32 to vector<16xi32>
          %add3A_86 = arith.constant 0 : i32
          %add3A_87 = vector.broadcast %add3A_86 : i32 to vector<16xi32>
          %add3A_88 = arith.addi %add3A_87, %iota3A : vector<16xi32>
          %gather3A_89 = tpu.vector_load_idx %arg8[%broadcast_in_dim3A_85, %add3A_88] : memref<64x768xf32, #tpu.memory_space<vmem>>[vector<16xi32>, vector<16xi32>], vector<16xf32>,
          %swap3A_90 = arith.constant 0 : index
          %swap3A_91 = tpu.vector_load %arg10[%swap3A_90] {strides = array<i32>} : memref<768xf32, #tpu.memory_space<vmem>>, vector<16xf32>,
          tpu.vector_store %arg10[%swap3A_90], %gather3A_89 {strides = array<i32>} : memref<768xf32, #tpu.memory_space<vmem>>, vector<16xf32>,
          %iota3A_92 = tpu.iota {dimensions = array<i32: 0>} : vector<16xi32>
          %broadcast_in_dim3A_93 = vector.broadcast %scan3A_54 : i32 to vector<16xi32>
          %add3A_94 = arith.constant 16 : i32
          %add3A_95 = vector.broadcast %add3A_94 : i32 to vector<16xi32>
          %add3A_96 = arith.addi %add3A_95, %iota3A_92 : vector<16xi32>
          %gather3A_97 = tpu.vector_load_idx %arg8[%broadcast_in_dim3A_93, %add3A_96] : memref<64x768xf32, #tpu.memory_space<vmem>>[vector<16xi32>, vector<16xi32>], vector<16xf32>,
          %swap3A_98 = arith.constant 16 : index
          %swap3A_99 = tpu.vector_load %arg10[%swap3A_98] {strides = array<i32>} : memref<768xf32, #tpu.memory_space<vmem>>, vector<16xf32>,
          tpu.vector_store %arg10[%swap3A_98], %gather3A_97 {strides = array<i32>} : memref<768xf32, #tpu.memory_space<vmem>>, vector<16xf32>,
          %iota3A_100 = tpu.iota {dimensions = array<i32: 0>} : vector<16xi32>
          %broadcast_in_dim3A_101 = vector.broadcast %scan3A_54 : i32 to vector<16xi32>
          %add3A_102 = arith.constant 32 : i32
          %add3A_103 = vector.broadcast %add3A_102 : i32 to vector<16xi32>
          %add3A_104 = arith.addi %add3A_103, %iota3A_100 : vector<16xi32>
          %gather3A_105 = tpu.vector_load_idx %arg8[%broadcast_in_dim3A_101, %add3A_104] : memref<64x768xf32, #tpu.memory_space<vmem>>[vector<16xi32>, vector<16xi32>], vector<16xf32>,
          %swap3A_106 = arith.constant 32 : index
          %swap3A_107 = tpu.vector_load %arg10[%swap3A_106] {strides = array<i32>} : memref<768xf32, #tpu.memory_space<vmem>>, vector<16xf32>,
          tpu.vector_store %arg10[%swap3A_106], %gather3A_105 {strides = array<i32>} : memref<768xf32, #tpu.memory_space<vmem>>, vector<16xf32>,
          %iota3A_108 = tpu.iota {dimensions = array<i32: 0>} : vector<16xi32>
          %broadcast_in_dim3A_109 = vector.broadcast %scan3A_54 : i32 to vector<16xi32>
          %add3A_110 = arith.constant 48 : i32
          %add3A_111 = vector.broadcast %add3A_110 : i32 to vector<16xi32>
          %add3A_112 = arith.addi %add3A_111, %iota3A_108 : vector<16xi32>
          %gather3A_113 = tpu.vector_load_idx %arg8[%broadcast_in_dim3A_109, %add3A_112] : memref<64x768xf32, #tpu.memory_space<vmem>>[vector<16xi32>, vector<16xi32>], vector<16xf32>,
          %swap3A_114 = arith.constant 48 : index
          %swap3A_115 = tpu.vector_load %arg10[%swap3A_114] {strides = array<i32>} : memref<768xf32, #tpu.memory_space<vmem>>, vector<16xf32>,
          tpu.vector_store %arg10[%swap3A_114], %gather3A_113 {strides = array<i32>} : memref<768xf32, #tpu.memory_space<vmem>>, vector<16xf32>,
          %iota3A_116 = tpu.iota {dimensions = array<i32: 0>} : vector<16xi32>
          %broadcast_in_dim3A_117 = vector.broadcast %scan3A_54 : i32 to vector<16xi32>
          %add3A_118 = arith.constant 64 : i32
          %add3A_119 = vector.broadcast %add3A_118 : i32 to vector<16xi32>
          %add3A_120 = arith.addi %add3A_119, %iota3A_116 : vector<16xi32>
          %gather3A_121 = tpu.vector_load_idx %arg8[%broadcast_in_dim3A_117, %add3A_120] : memref<64x768xf32, #tpu.memory_space<vmem>>[vector<16xi32>, vector<16xi32>], vector<16xf32>,
          %swap3A_122 = arith.constant 64 : index
          %swap3A_123 = tpu.vector_load %arg10[%swap3A_122] {strides = array<i32>} : memref<768xf32, #tpu.memory_space<vmem>>, vector<16xf32>,
          tpu.vector_store %arg10[%swap3A_122], %gather3A_121 {strides = array<i32>} : memref<768xf32, #tpu.memory_space<vmem>>, vector<16xf32>,
          %iota3A_124 = tpu.iota {dimensions = array<i32: 0>} : vector<16xi32>
          %broadcast_in_dim3A_125 = vector.broadcast %scan3A_54 : i32 to vector<16xi32>
          %add3A_126 = arith.constant 80 : i32
          %add3A_127 = vector.broadcast %add3A_126 : i32 to vector<16xi32>
          %add3A_128 = arith.addi %add3A_127, %iota3A_124 : vector<16xi32>
          %gather3A_129 = tpu.vector_load_idx %arg8[%broadcast_in_dim3A_125, %add3A_128] : memref<64x768xf32, #tpu.memory_space<vmem>>[vector<16xi32>, vector<16xi32>], vector<16xf32>,
          %swap3A_130 = arith.constant 80 : index
          %swap3A_131 = tpu.vector_load %arg10[%swap3A_130] {strides = array<i32>} : memref<768xf32, #tpu.memory_space<vmem>>, vector<16xf32>,
          tpu.vector_store %arg10[%swap3A_130], %gather3A_129 {strides = array<i32>} : memref<768xf32, #tpu.memory_space<vmem>>, vector<16xf32>,
          %iota3A_132 = tpu.iota {dimensions = array<i32: 0>} : vector<16xi32>
          %broadcast_in_dim3A_133 = vector.broadcast %scan3A_54 : i32 to vector<16xi32>
          %add3A_134 = arith.constant 96 : i32
          %add3A_135 = vector.broadcast %add3A_134 : i32 to vector<16xi32>
          %add3A_136 = arith.addi %add3A_135, %iota3A_132 : vector<16xi32>
          %gather3A_137 = tpu.vector_load_idx %arg8[%broadcast_in_dim3A_133, %add3A_136] : memref<64x768xf32, #tpu.memory_space<vmem>>[vector<16xi32>, vector<16xi32>], vector<16xf32>,
          %swap3A_138 = arith.constant 96 : index
          %swap3A_139 = tpu.vector_load %arg10[%swap3A_138] {strides = array<i32>} : memref<768xf32, #tpu.memory_space<vmem>>, vector<16xf32>,
          tpu.vector_store %arg10[%swap3A_138], %gather3A_137 {strides = array<i32>} : memref<768xf32, #tpu.memory_space<vmem>>, vector<16xf32>,
          %iota3A_140 = tpu.iota {dimensions = array<i32: 0>} : vector<16xi32>
          %broadcast_in_dim3A_141 = vector.broadcast %scan3A_54 : i32 to vector<16xi32>
          %add3A_142 = arith.constant 112 : i32
          %add3A_143 = vector.broadcast %add3A_142 : i32 to vector<16xi32>
          %add3A_144 = arith.addi %add3A_143, %iota3A_140 : vector<16xi32>
          %gather3A_145 = tpu.vector_load_idx %arg8[%broadcast_in_dim3A_141, %add3A_144] : memref<64x768xf32, #tpu.memory_space<vmem>>[vector<16xi32>, vector<16xi32>], vector<16xf32>,
          %swap3A_146 = arith.constant 112 : index
          %swap3A_147 = tpu.vector_load %arg10[%swap3A_146] {strides = array<i32>} : memref<768xf32, #tpu.memory_space<vmem>>, vector<16xf32>,
          tpu.vector_store %arg10[%swap3A_146], %gather3A_145 {strides = array<i32>} : memref<768xf32, #tpu.memory_space<vmem>>, vector<16xf32>,
          %iota3A_148 = tpu.iota {dimensions = array<i32: 0>} : vector<16xi32>
          %broadcast_in_dim3A_149 = vector.broadcast %scan3A_54 : i32 to vector<16xi32>
          %add3A_150 = arith.constant 128 : i32
          %add3A_151 = vector.broadcast %add3A_150 : i32 to vector<16xi32>
          %add3A_152 = arith.addi %add3A_151, %iota3A_148 : vector<16xi32>
          %gather3A_153 = tpu.vector_load_idx %arg8[%broadcast_in_dim3A_149, %add3A_152] : memref<64x768xf32, #tpu.memory_space<vmem>>[vector<16xi32>, vector<16xi32>], vector<16xf32>,
          %swap3A_154 = arith.constant 128 : index
          %swap3A_155 = tpu.vector_load %arg10[%swap3A_154] {strides = array<i32>} : memref<768xf32, #tpu.memory_space<vmem>>, vector<16xf32>,
          tpu.vector_store %arg10[%swap3A_154], %gather3A_153 {strides = array<i32>} : memref<768xf32, #tpu.memory_space<vmem>>, vector<16xf32>,
          %iota3A_156 = tpu.iota {dimensions = array<i32: 0>} : vector<16xi32>
          %broadcast_in_dim3A_157 = vector.broadcast %scan3A_54 : i32 to vector<16xi32>
          %add3A_158 = arith.constant 144 : i32
          %add3A_159 = vector.broadcast %add3A_158 : i32 to vector<16xi32>
          %add3A_160 = arith.addi %add3A_159, %iota3A_156 : vector<16xi32>
          %gather3A_161 = tpu.vector_load_idx %arg8[%broadcast_in_dim3A_157, %add3A_160] : memref<64x768xf32, #tpu.memory_space<vmem>>[vector<16xi32>, vector<16xi32>], vector<16xf32>,
          %swap3A_162 = arith.constant 144 : index
          %swap3A_163 = tpu.vector_load %arg10[%swap3A_162] {strides = array<i32>} : memref<768xf32, #tpu.memory_space<vmem>>, vector<16xf32>,
          tpu.vector_store %arg10[%swap3A_162], %gather3A_161 {strides = array<i32>} : memref<768xf32, #tpu.memory_space<vmem>>, vector<16xf32>,
          %iota3A_164 = tpu.iota {dimensions = array<i32: 0>} : vector<16xi32>
          %broadcast_in_dim3A_165 = vector.broadcast %scan3A_54 : i32 to vector<16xi32>
          %add3A_166 = arith.constant 160 : i32
          %add3A_167 = vector.broadcast %add3A_166 : i32 to vector<16xi32>
          %add3A_168 = arith.addi %add3A_167, %iota3A_164 : vector<16xi32>
          %gather3A_169 = tpu.vector_load_idx %arg8[%broadcast_in_dim3A_165, %add3A_168] : memref<64x768xf32, #tpu.memory_space<vmem>>[vector<16xi32>, vector<16xi32>], vector<16xf32>,
          %swap3A_170 = arith.constant 160 : index
          %swap3A_171 = tpu.vector_load %arg10[%swap3A_170] {strides = array<i32>} : memref<768xf32, #tpu.memory_space<vmem>>, vector<16xf32>,
          tpu.vector_store %arg10[%swap3A_170], %gather3A_169 {strides = array<i32>} : memref<768xf32, #tpu.memory_space<vmem>>, vector<16xf32>,
          %iota3A_172 = tpu.iota {dimensions = array<i32: 0>} : vector<16xi32>
          %broadcast_in_dim3A_173 = vector.broadcast %scan3A_54 : i32 to vector<16xi32>
          %add3A_174 = arith.constant 176 : i32
          %add3A_175 = vector.broadcast %add3A_174 : i32 to vector<16xi32>
          %add3A_176 = arith.addi %add3A_175, %iota3A_172 : vector<16xi32>
          %gather3A_177 = tpu.vector_load_idx %arg8[%broadcast_in_dim3A_173, %add3A_176] : memref<64x768xf32, #tpu.memory_space<vmem>>[vector<16xi32>, vector<16xi32>], vector<16xf32>,
          %swap3A_178 = arith.constant 176 : index
          %swap3A_179 = tpu.vector_load %arg10[%swap3A_178] {strides = array<i32>} : memref<768xf32, #tpu.memory_space<vmem>>, vector<16xf32>,
          tpu.vector_store %arg10[%swap3A_178], %gather3A_177 {strides = array<i32>} : memref<768xf32, #tpu.memory_space<vmem>>, vector<16xf32>,
          %iota3A_180 = tpu.iota {dimensions = array<i32: 0>} : vector<16xi32>
          %broadcast_in_dim3A_181 = vector.broadcast %scan3A_54 : i32 to vector<16xi32>
          %add3A_182 = arith.constant 192 : i32
          %add3A_183 = vector.broadcast %add3A_182 : i32 to vector<16xi32>
          %add3A_184 = arith.addi %add3A_183, %iota3A_180 : vector<16xi32>
          %gather3A_185 = tpu.vector_load_idx %arg8[%broadcast_in_dim3A_181, %add3A_184] : memref<64x768xf32, #tpu.memory_space<vmem>>[vector<16xi32>, vector<16xi32>], vector<16xf32>,
          %swap3A_186 = arith.constant 192 : index
          %swap3A_187 = tpu.vector_load %arg10[%swap3A_186] {strides = array<i32>} : memref<768xf32, #tpu.memory_space<vmem>>, vector<16xf32>,
          tpu.vector_store %arg10[%swap3A_186], %gather3A_185 {strides = array<i32>} : memref<768xf32, #tpu.memory_space<vmem>>, vector<16xf32>,
          %iota3A_188 = tpu.iota {dimensions = array<i32: 0>} : vector<16xi32>
          %broadcast_in_dim3A_189 = vector.broadcast %scan3A_54 : i32 to vector<16xi32>
          %add3A_190 = arith.constant 208 : i32
          %add3A_191 = vector.broadcast %add3A_190 : i32 to vector<16xi32>
          %add3A_192 = arith.addi %add3A_191, %iota3A_188 : vector<16xi32>
          %gather3A_193 = tpu.vector_load_idx %arg8[%broadcast_in_dim3A_189, %add3A_192] : memref<64x768xf32, #tpu.memory_space<vmem>>[vector<16xi32>, vector<16xi32>], vector<16xf32>,
          %swap3A_194 = arith.constant 208 : index
          %swap3A_195 = tpu.vector_load %arg10[%swap3A_194] {strides = array<i32>} : memref<768xf32, #tpu.memory_space<vmem>>, vector<16xf32>,
          tpu.vector_store %arg10[%swap3A_194], %gather3A_193 {strides = array<i32>} : memref<768xf32, #tpu.memory_space<vmem>>, vector<16xf32>,
          %iota3A_196 = tpu.iota {dimensions = array<i32: 0>} : vector<16xi32>
          %broadcast_in_dim3A_197 = vector.broadcast %scan3A_54 : i32 to vector<16xi32>
          %add3A_198 = arith.constant 224 : i32
          %add3A_199 = vector.broadcast %add3A_198 : i32 to vector<16xi32>
          %add3A_200 = arith.addi %add3A_199, %iota3A_196 : vector<16xi32>
          %gather3A_201 = tpu.vector_load_idx %arg8[%broadcast_in_dim3A_197, %add3A_200] : memref<64x768xf32, #tpu.memory_space<vmem>>[vector<16xi32>, vector<16xi32>], vector<16xf32>,
          %swap3A_202 = arith.constant 224 : index
          %swap3A_203 = tpu.vector_load %arg10[%swap3A_202] {strides = array<i32>} : memref<768xf32, #tpu.memory_space<vmem>>, vector<16xf32>,
          tpu.vector_store %arg10[%swap3A_202], %gather3A_201 {strides = array<i32>} : memref<768xf32, #tpu.memory_space<vmem>>, vector<16xf32>,
          %iota3A_204 = tpu.iota {dimensions = array<i32: 0>} : vector<16xi32>
          %broadcast_in_dim3A_205 = vector.broadcast %scan3A_54 : i32 to vector<16xi32>
          %add3A_206 = arith.constant 240 : i32
          %add3A_207 = vector.broadcast %add3A_206 : i32 to vector<16xi32>
          %add3A_208 = arith.addi %add3A_207, %iota3A_204 : vector<16xi32>
          %gather3A_209 = tpu.vector_load_idx %arg8[%broadcast_in_dim3A_205, %add3A_208] : memref<64x768xf32, #tpu.memory_space<vmem>>[vector<16xi32>, vector<16xi32>], vector<16xf32>,
          %swap3A_210 = arith.constant 240 : index
          %swap3A_211 = tpu.vector_load %arg10[%swap3A_210] {strides = array<i32>} : memref<768xf32, #tpu.memory_space<vmem>>, vector<16xf32>,
          tpu.vector_store %arg10[%swap3A_210], %gather3A_209 {strides = array<i32>} : memref<768xf32, #tpu.memory_space<vmem>>, vector<16xf32>,
          %iota3A_212 = tpu.iota {dimensions = array<i32: 0>} : vector<16xi32>
          %broadcast_in_dim3A_213 = vector.broadcast %scan3A_54 : i32 to vector<16xi32>
          %add3A_214 = arith.constant 256 : i32
          %add3A_215 = vector.broadcast %add3A_214 : i32 to vector<16xi32>
          %add3A_216 = arith.addi %add3A_215, %iota3A_212 : vector<16xi32>
          %gather3A_217 = tpu.vector_load_idx %arg8[%broadcast_in_dim3A_213, %add3A_216] : memref<64x768xf32, #tpu.memory_space<vmem>>[vector<16xi32>, vector<16xi32>], vector<16xf32>,
          %swap3A_218 = arith.constant 256 : index
          %swap3A_219 = tpu.vector_load %arg10[%swap3A_218] {strides = array<i32>} : memref<768xf32, #tpu.memory_space<vmem>>, vector<16xf32>,
          tpu.vector_store %arg10[%swap3A_218], %gather3A_217 {strides = array<i32>} : memref<768xf32, #tpu.memory_space<vmem>>, vector<16xf32>,
          %iota3A_220 = tpu.iota {dimensions = array<i32: 0>} : vector<16xi32>
          %broadcast_in_dim3A_221 = vector.broadcast %scan3A_54 : i32 to vector<16xi32>
          %add3A_222 = arith.constant 272 : i32
          %add3A_223 = vector.broadcast %add3A_222 : i32 to vector<16xi32>
          %add3A_224 = arith.addi %add3A_223, %iota3A_220 : vector<16xi32>
          %gather3A_225 = tpu.vector_load_idx %arg8[%broadcast_in_dim3A_221, %add3A_224] : memref<64x768xf32, #tpu.memory_space<vmem>>[vector<16xi32>, vector<16xi32>], vector<16xf32>,
          %swap3A_226 = arith.constant 272 : index
          %swap3A_227 = tpu.vector_load %arg10[%swap3A_226] {strides = array<i32>} : memref<768xf32, #tpu.memory_space<vmem>>, vector<16xf32>,
          tpu.vector_store %arg10[%swap3A_226], %gather3A_225 {strides = array<i32>} : memref<768xf32, #tpu.memory_space<vmem>>, vector<16xf32>,
          %iota3A_228 = tpu.iota {dimensions = array<i32: 0>} : vector<16xi32>
          %broadcast_in_dim3A_229 = vector.broadcast %scan3A_54 : i32 to vector<16xi32>
          %add3A_230 = arith.constant 288 : i32
          %add3A_231 = vector.broadcast %add3A_230 : i32 to vector<16xi32>
          %add3A_232 = arith.addi %add3A_231, %iota3A_228 : vector<16xi32>
          %gather3A_233 = tpu.vector_load_idx %arg8[%broadcast_in_dim3A_229, %add3A_232] : memref<64x768xf32, #tpu.memory_space<vmem>>[vector<16xi32>, vector<16xi32>], vector<16xf32>,
          %swap3A_234 = arith.constant 288 : index
          %swap3A_235 = tpu.vector_load %arg10[%swap3A_234] {strides = array<i32>} : memref<768xf32, #tpu.memory_space<vmem>>, vector<16xf32>,
          tpu.vector_store %arg10[%swap3A_234], %gather3A_233 {strides = array<i32>} : memref<768xf32, #tpu.memory_space<vmem>>, vector<16xf32>,
          %iota3A_236 = tpu.iota {dimensions = array<i32: 0>} : vector<16xi32>
          %broadcast_in_dim3A_237 = vector.broadcast %scan3A_54 : i32 to vector<16xi32>
          %add3A_238 = arith.constant 304 : i32
          %add3A_239 = vector.broadcast %add3A_238 : i32 to vector<16xi32>
          %add3A_240 = arith.addi %add3A_239, %iota3A_236 : vector<16xi32>
          %gather3A_241 = tpu.vector_load_idx %arg8[%broadcast_in_dim3A_237, %add3A_240] : memref<64x768xf32, #tpu.memory_space<vmem>>[vector<16xi32>, vector<16xi32>], vector<16xf32>,
          %swap3A_242 = arith.constant 304 : index
          %swap3A_243 = tpu.vector_load %arg10[%swap3A_242] {strides = array<i32>} : memref<768xf32, #tpu.memory_space<vmem>>, vector<16xf32>,
          tpu.vector_store %arg10[%swap3A_242], %gather3A_241 {strides = array<i32>} : memref<768xf32, #tpu.memory_space<vmem>>, vector<16xf32>,
          %iota3A_244 = tpu.iota {dimensions = array<i32: 0>} : vector<16xi32>
          %broadcast_in_dim3A_245 = vector.broadcast %scan3A_54 : i32 to vector<16xi32>
          %add3A_246 = arith.constant 320 : i32
          %add3A_247 = vector.broadcast %add3A_246 : i32 to vector<16xi32>
          %add3A_248 = arith.addi %add3A_247, %iota3A_244 : vector<16xi32>
          %gather3A_249 = tpu.vector_load_idx %arg8[%broadcast_in_dim3A_245, %add3A_248] : memref<64x768xf32, #tpu.memory_space<vmem>>[vector<16xi32>, vector<16xi32>], vector<16xf32>,
          %swap3A_250 = arith.constant 320 : index
          %swap3A_251 = tpu.vector_load %arg10[%swap3A_250] {strides = array<i32>} : memref<768xf32, #tpu.memory_space<vmem>>, vector<16xf32>,
          tpu.vector_store %arg10[%swap3A_250], %gather3A_249 {strides = array<i32>} : memref<768xf32, #tpu.memory_space<vmem>>, vector<16xf32>,
          %iota3A_252 = tpu.iota {dimensions = array<i32: 0>} : vector<16xi32>
          %broadcast_in_dim3A_253 = vector.broadcast %scan3A_54 : i32 to vector<16xi32>
          %add3A_254 = arith.constant 336 : i32
          %add3A_255 = vector.broadcast %add3A_254 : i32 to vector<16xi32>
          %add3A_256 = arith.addi %add3A_255, %iota3A_252 : vector<16xi32>
          %gather3A_257 = tpu.vector_load_idx %arg8[%broadcast_in_dim3A_253, %add3A_256] : memref<64x768xf32, #tpu.memory_space<vmem>>[vector<16xi32>, vector<16xi32>], vector<16xf32>,
          %swap3A_258 = arith.constant 336 : index
          %swap3A_259 = tpu.vector_load %arg10[%swap3A_258] {strides = array<i32>} : memref<768xf32, #tpu.memory_space<vmem>>, vector<16xf32>,
          tpu.vector_store %arg10[%swap3A_258], %gather3A_257 {strides = array<i32>} : memref<768xf32, #tpu.memory_space<vmem>>, vector<16xf32>,
          %iota3A_260 = tpu.iota {dimensions = array<i32: 0>} : vector<16xi32>
          %broadcast_in_dim3A_261 = vector.broadcast %scan3A_54 : i32 to vector<16xi32>
          %add3A_262 = arith.constant 352 : i32
          %add3A_263 = vector.broadcast %add3A_262 : i32 to vector<16xi32>
          %add3A_264 = arith.addi %add3A_263, %iota3A_260 : vector<16xi32>
          %gather3A_265 = tpu.vector_load_idx %arg8[%broadcast_in_dim3A_261, %add3A_264] : memref<64x768xf32, #tpu.memory_space<vmem>>[vector<16xi32>, vector<16xi32>], vector<16xf32>,
          %swap3A_266 = arith.constant 352 : index
          %swap3A_267 = tpu.vector_load %arg10[%swap3A_266] {strides = array<i32>} : memref<768xf32, #tpu.memory_space<vmem>>, vector<16xf32>,
          tpu.vector_store %arg10[%swap3A_266], %gather3A_265 {strides = array<i32>} : memref<768xf32, #tpu.memory_space<vmem>>, vector<16xf32>,
          %iota3A_268 = tpu.iota {dimensions = array<i32: 0>} : vector<16xi32>
          %broadcast_in_dim3A_269 = vector.broadcast %scan3A_54 : i32 to vector<16xi32>
          %add3A_270 = arith.constant 368 : i32
          %add3A_271 = vector.broadcast %add3A_270 : i32 to vector<16xi32>
          %add3A_272 = arith.addi %add3A_271, %iota3A_268 : vector<16xi32>
          %gather3A_273 = tpu.vector_load_idx %arg8[%broadcast_in_dim3A_269, %add3A_272] : memref<64x768xf32, #tpu.memory_space<vmem>>[vector<16xi32>, vector<16xi32>], vector<16xf32>,
          %swap3A_274 = arith.constant 368 : index
          %swap3A_275 = tpu.vector_load %arg10[%swap3A_274] {strides = array<i32>} : memref<768xf32, #tpu.memory_space<vmem>>, vector<16xf32>,
          tpu.vector_store %arg10[%swap3A_274], %gather3A_273 {strides = array<i32>} : memref<768xf32, #tpu.memory_space<vmem>>, vector<16xf32>,
          %iota3A_276 = tpu.iota {dimensions = array<i32: 0>} : vector<16xi32>
          %broadcast_in_dim3A_277 = vector.broadcast %scan3A_54 : i32 to vector<16xi32>
          %add3A_278 = arith.constant 384 : i32
          %add3A_279 = vector.broadcast %add3A_278 : i32 to vector<16xi32>
          %add3A_280 = arith.addi %add3A_279, %iota3A_276 : vector<16xi32>
          %gather3A_281 = tpu.vector_load_idx %arg8[%broadcast_in_dim3A_277, %add3A_280] : memref<64x768xf32, #tpu.memory_space<vmem>>[vector<16xi32>, vector<16xi32>], vector<16xf32>,
          %swap3A_282 = arith.constant 384 : index
          %swap3A_283 = tpu.vector_load %arg10[%swap3A_282] {strides = array<i32>} : memref<768xf32, #tpu.memory_space<vmem>>, vector<16xf32>,
          tpu.vector_store %arg10[%swap3A_282], %gather3A_281 {strides = array<i32>} : memref<768xf32, #tpu.memory_space<vmem>>, vector<16xf32>,
          %iota3A_284 = tpu.iota {dimensions = array<i32: 0>} : vector<16xi32>
          %broadcast_in_dim3A_285 = vector.broadcast %scan3A_54 : i32 to vector<16xi32>
          %add3A_286 = arith.constant 400 : i32
          %add3A_287 = vector.broadcast %add3A_286 : i32 to vector<16xi32>
          %add3A_288 = arith.addi %add3A_287, %iota3A_284 : vector<16xi32>
          %gather3A_289 = tpu.vector_load_idx %arg8[%broadcast_in_dim3A_285, %add3A_288] : memref<64x768xf32, #tpu.memory_space<vmem>>[vector<16xi32>, vector<16xi32>], vector<16xf32>,
          %swap3A_290 = arith.constant 400 : index
          %swap3A_291 = tpu.vector_load %arg10[%swap3A_290] {strides = array<i32>} : memref<768xf32, #tpu.memory_space<vmem>>, vector<16xf32>,
          tpu.vector_store %arg10[%swap3A_290], %gather3A_289 {strides = array<i32>} : memref<768xf32, #tpu.memory_space<vmem>>, vector<16xf32>,
          %iota3A_292 = tpu.iota {dimensions = array<i32: 0>} : vector<16xi32>
          %broadcast_in_dim3A_293 = vector.broadcast %scan3A_54 : i32 to vector<16xi32>
          %add3A_294 = arith.constant 416 : i32
          %add3A_295 = vector.broadcast %add3A_294 : i32 to vector<16xi32>
          %add3A_296 = arith.addi %add3A_295, %iota3A_292 : vector<16xi32>
          %gather3A_297 = tpu.vector_load_idx %arg8[%broadcast_in_dim3A_293, %add3A_296] : memref<64x768xf32, #tpu.memory_space<vmem>>[vector<16xi32>, vector<16xi32>], vector<16xf32>,
          %swap3A_298 = arith.constant 416 : index
          %swap3A_299 = tpu.vector_load %arg10[%swap3A_298] {strides = array<i32>} : memref<768xf32, #tpu.memory_space<vmem>>, vector<16xf32>,
          tpu.vector_store %arg10[%swap3A_298], %gather3A_297 {strides = array<i32>} : memref<768xf32, #tpu.memory_space<vmem>>, vector<16xf32>,
          %iota3A_300 = tpu.iota {dimensions = array<i32: 0>} : vector<16xi32>
          %broadcast_in_dim3A_301 = vector.broadcast %scan3A_54 : i32 to vector<16xi32>
          %add3A_302 = arith.constant 432 : i32
          %add3A_303 = vector.broadcast %add3A_302 : i32 to vector<16xi32>
          %add3A_304 = arith.addi %add3A_303, %iota3A_300 : vector<16xi32>
          %gather3A_305 = tpu.vector_load_idx %arg8[%broadcast_in_dim3A_301, %add3A_304] : memref<64x768xf32, #tpu.memory_space<vmem>>[vector<16xi32>, vector<16xi32>], vector<16xf32>,
          %swap3A_306 = arith.constant 432 : index
          %swap3A_307 = tpu.vector_load %arg10[%swap3A_306] {strides = array<i32>} : memref<768xf32, #tpu.memory_space<vmem>>, vector<16xf32>,
          tpu.vector_store %arg10[%swap3A_306], %gather3A_305 {strides = array<i32>} : memref<768xf32, #tpu.memory_space<vmem>>, vector<16xf32>,
          %iota3A_308 = tpu.iota {dimensions = array<i32: 0>} : vector<16xi32>
          %broadcast_in_dim3A_309 = vector.broadcast %scan3A_54 : i32 to vector<16xi32>
          %add3A_310 = arith.constant 448 : i32
          %add3A_311 = vector.broadcast %add3A_310 : i32 to vector<16xi32>
          %add3A_312 = arith.addi %add3A_311, %iota3A_308 : vector<16xi32>
          %gather3A_313 = tpu.vector_load_idx %arg8[%broadcast_in_dim3A_309, %add3A_312] : memref<64x768xf32, #tpu.memory_space<vmem>>[vector<16xi32>, vector<16xi32>], vector<16xf32>,
          %swap3A_314 = arith.constant 448 : index
          %swap3A_315 = tpu.vector_load %arg10[%swap3A_314] {strides = array<i32>} : memref<768xf32, #tpu.memory_space<vmem>>, vector<16xf32>,
          tpu.vector_store %arg10[%swap3A_314], %gather3A_313 {strides = array<i32>} : memref<768xf32, #tpu.memory_space<vmem>>, vector<16xf32>,
          %iota3A_316 = tpu.iota {dimensions = array<i32: 0>} : vector<16xi32>
          %broadcast_in_dim3A_317 = vector.broadcast %scan3A_54 : i32 to vector<16xi32>
          %add3A_318 = arith.constant 464 : i32
          %add3A_319 = vector.broadcast %add3A_318 : i32 to vector<16xi32>
          %add3A_320 = arith.addi %add3A_319, %iota3A_316 : vector<16xi32>
          %gather3A_321 = tpu.vector_load_idx %arg8[%broadcast_in_dim3A_317, %add3A_320] : memref<64x768xf32, #tpu.memory_space<vmem>>[vector<16xi32>, vector<16xi32>], vector<16xf32>,
          %swap3A_322 = arith.constant 464 : index
          %swap3A_323 = tpu.vector_load %arg10[%swap3A_322] {strides = array<i32>} : memref<768xf32, #tpu.memory_space<vmem>>, vector<16xf32>,
          tpu.vector_store %arg10[%swap3A_322], %gather3A_321 {strides = array<i32>} : memref<768xf32, #tpu.memory_space<vmem>>, vector<16xf32>,
          %iota3A_324 = tpu.iota {dimensions = array<i32: 0>} : vector<16xi32>
          %broadcast_in_dim3A_325 = vector.broadcast %scan3A_54 : i32 to vector<16xi32>
          %add3A_326 = arith.constant 480 : i32
          %add3A_327 = vector.broadcast %add3A_326 : i32 to vector<16xi32>
          %add3A_328 = arith.addi %add3A_327, %iota3A_324 : vector<16xi32>
          %gather3A_329 = tpu.vector_load_idx %arg8[%broadcast_in_dim3A_325, %add3A_328] : memref<64x768xf32, #tpu.memory_space<vmem>>[vector<16xi32>, vector<16xi32>], vector<16xf32>,
          %swap3A_330 = arith.constant 480 : index
          %swap3A_331 = tpu.vector_load %arg10[%swap3A_330] {strides = array<i32>} : memref<768xf32, #tpu.memory_space<vmem>>, vector<16xf32>,
          tpu.vector_store %arg10[%swap3A_330], %gather3A_329 {strides = array<i32>} : memref<768xf32, #tpu.memory_space<vmem>>, vector<16xf32>,
          %iota3A_332 = tpu.iota {dimensions = array<i32: 0>} : vector<16xi32>
          %broadcast_in_dim3A_333 = vector.broadcast %scan3A_54 : i32 to vector<16xi32>
          %add3A_334 = arith.constant 496 : i32
          %add3A_335 = vector.broadcast %add3A_334 : i32 to vector<16xi32>
          %add3A_336 = arith.addi %add3A_335, %iota3A_332 : vector<16xi32>
          %gather3A_337 = tpu.vector_load_idx %arg8[%broadcast_in_dim3A_333, %add3A_336] : memref<64x768xf32, #tpu.memory_space<vmem>>[vector<16xi32>, vector<16xi32>], vector<16xf32>,
          %swap3A_338 = arith.constant 496 : index
          %swap3A_339 = tpu.vector_load %arg10[%swap3A_338] {strides = array<i32>} : memref<768xf32, #tpu.memory_space<vmem>>, vector<16xf32>,
          tpu.vector_store %arg10[%swap3A_338], %gather3A_337 {strides = array<i32>} : memref<768xf32, #tpu.memory_space<vmem>>, vector<16xf32>,
          %iota3A_340 = tpu.iota {dimensions = array<i32: 0>} : vector<16xi32>
          %broadcast_in_dim3A_341 = vector.broadcast %scan3A_54 : i32 to vector<16xi32>
          %add3A_342 = arith.constant 512 : i32
          %add3A_343 = vector.broadcast %add3A_342 : i32 to vector<16xi32>
          %add3A_344 = arith.addi %add3A_343, %iota3A_340 : vector<16xi32>
          %gather3A_345 = tpu.vector_load_idx %arg8[%broadcast_in_dim3A_341, %add3A_344] : memref<64x768xf32, #tpu.memory_space<vmem>>[vector<16xi32>, vector<16xi32>], vector<16xf32>,
          %swap3A_346 = arith.constant 512 : index
          %swap3A_347 = tpu.vector_load %arg10[%swap3A_346] {strides = array<i32>} : memref<768xf32, #tpu.memory_space<vmem>>, vector<16xf32>,
          tpu.vector_store %arg10[%swap3A_346], %gather3A_345 {strides = array<i32>} : memref<768xf32, #tpu.memory_space<vmem>>, vector<16xf32>,
          %iota3A_348 = tpu.iota {dimensions = array<i32: 0>} : vector<16xi32>
          %broadcast_in_dim3A_349 = vector.broadcast %scan3A_54 : i32 to vector<16xi32>
          %add3A_350 = arith.constant 528 : i32
          %add3A_351 = vector.broadcast %add3A_350 : i32 to vector<16xi32>
          %add3A_352 = arith.addi %add3A_351, %iota3A_348 : vector<16xi32>
          %gather3A_353 = tpu.vector_load_idx %arg8[%broadcast_in_dim3A_349, %add3A_352] : memref<64x768xf32, #tpu.memory_space<vmem>>[vector<16xi32>, vector<16xi32>], vector<16xf32>,
          %swap3A_354 = arith.constant 528 : index
          %swap3A_355 = tpu.vector_load %arg10[%swap3A_354] {strides = array<i32>} : memref<768xf32, #tpu.memory_space<vmem>>, vector<16xf32>,
          tpu.vector_store %arg10[%swap3A_354], %gather3A_353 {strides = array<i32>} : memref<768xf32, #tpu.memory_space<vmem>>, vector<16xf32>,
          %iota3A_356 = tpu.iota {dimensions = array<i32: 0>} : vector<16xi32>
          %broadcast_in_dim3A_357 = vector.broadcast %scan3A_54 : i32 to vector<16xi32>
          %add3A_358 = arith.constant 544 : i32
          %add3A_359 = vector.broadcast %add3A_358 : i32 to vector<16xi32>
          %add3A_360 = arith.addi %add3A_359, %iota3A_356 : vector<16xi32>
          %gather3A_361 = tpu.vector_load_idx %arg8[%broadcast_in_dim3A_357, %add3A_360] : memref<64x768xf32, #tpu.memory_space<vmem>>[vector<16xi32>, vector<16xi32>], vector<16xf32>,
          %swap3A_362 = arith.constant 544 : index
          %swap3A_363 = tpu.vector_load %arg10[%swap3A_362] {strides = array<i32>} : memref<768xf32, #tpu.memory_space<vmem>>, vector<16xf32>,
          tpu.vector_store %arg10[%swap3A_362], %gather3A_361 {strides = array<i32>} : memref<768xf32, #tpu.memory_space<vmem>>, vector<16xf32>,
          %iota3A_364 = tpu.iota {dimensions = array<i32: 0>} : vector<16xi32>
          %broadcast_in_dim3A_365 = vector.broadcast %scan3A_54 : i32 to vector<16xi32>
          %add3A_366 = arith.constant 560 : i32
          %add3A_367 = vector.broadcast %add3A_366 : i32 to vector<16xi32>
          %add3A_368 = arith.addi %add3A_367, %iota3A_364 : vector<16xi32>
          %gather3A_369 = tpu.vector_load_idx %arg8[%broadcast_in_dim3A_365, %add3A_368] : memref<64x768xf32, #tpu.memory_space<vmem>>[vector<16xi32>, vector<16xi32>], vector<16xf32>,
          %swap3A_370 = arith.constant 560 : index
          %swap3A_371 = tpu.vector_load %arg10[%swap3A_370] {strides = array<i32>} : memref<768xf32, #tpu.memory_space<vmem>>, vector<16xf32>,
          tpu.vector_store %arg10[%swap3A_370], %gather3A_369 {strides = array<i32>} : memref<768xf32, #tpu.memory_space<vmem>>, vector<16xf32>,
          %iota3A_372 = tpu.iota {dimensions = array<i32: 0>} : vector<16xi32>
          %broadcast_in_dim3A_373 = vector.broadcast %scan3A_54 : i32 to vector<16xi32>
          %add3A_374 = arith.constant 576 : i32
          %add3A_375 = vector.broadcast %add3A_374 : i32 to vector<16xi32>
          %add3A_376 = arith.addi %add3A_375, %iota3A_372 : vector<16xi32>
          %gather3A_377 = tpu.vector_load_idx %arg8[%broadcast_in_dim3A_373, %add3A_376] : memref<64x768xf32, #tpu.memory_space<vmem>>[vector<16xi32>, vector<16xi32>], vector<16xf32>,
          %swap3A_378 = arith.constant 576 : index
          %swap3A_379 = tpu.vector_load %arg10[%swap3A_378] {strides = array<i32>} : memref<768xf32, #tpu.memory_space<vmem>>, vector<16xf32>,
          tpu.vector_store %arg10[%swap3A_378], %gather3A_377 {strides = array<i32>} : memref<768xf32, #tpu.memory_space<vmem>>, vector<16xf32>,
          %iota3A_380 = tpu.iota {dimensions = array<i32: 0>} : vector<16xi32>
          %broadcast_in_dim3A_381 = vector.broadcast %scan3A_54 : i32 to vector<16xi32>
          %add3A_382 = arith.constant 592 : i32
          %add3A_383 = vector.broadcast %add3A_382 : i32 to vector<16xi32>
          %add3A_384 = arith.addi %add3A_383, %iota3A_380 : vector<16xi32>
          %gather3A_385 = tpu.vector_load_idx %arg8[%broadcast_in_dim3A_381, %add3A_384] : memref<64x768xf32, #tpu.memory_space<vmem>>[vector<16xi32>, vector<16xi32>], vector<16xf32>,
          %swap3A_386 = arith.constant 592 : index
          %swap3A_387 = tpu.vector_load %arg10[%swap3A_386] {strides = array<i32>} : memref<768xf32, #tpu.memory_space<vmem>>, vector<16xf32>,
          tpu.vector_store %arg10[%swap3A_386], %gather3A_385 {strides = array<i32>} : memref<768xf32, #tpu.memory_space<vmem>>, vector<16xf32>,
          %iota3A_388 = tpu.iota {dimensions = array<i32: 0>} : vector<16xi32>
          %broadcast_in_dim3A_389 = vector.broadcast %scan3A_54 : i32 to vector<16xi32>
          %add3A_390 = arith.constant 608 : i32
          %add3A_391 = vector.broadcast %add3A_390 : i32 to vector<16xi32>
          %add3A_392 = arith.addi %add3A_391, %iota3A_388 : vector<16xi32>
          %gather3A_393 = tpu.vector_load_idx %arg8[%broadcast_in_dim3A_389, %add3A_392] : memref<64x768xf32, #tpu.memory_space<vmem>>[vector<16xi32>, vector<16xi32>], vector<16xf32>,
          %swap3A_394 = arith.constant 608 : index
          %swap3A_395 = tpu.vector_load %arg10[%swap3A_394] {strides = array<i32>} : memref<768xf32, #tpu.memory_space<vmem>>, vector<16xf32>,
          tpu.vector_store %arg10[%swap3A_394], %gather3A_393 {strides = array<i32>} : memref<768xf32, #tpu.memory_space<vmem>>, vector<16xf32>,
          %iota3A_396 = tpu.iota {dimensions = array<i32: 0>} : vector<16xi32>
          %broadcast_in_dim3A_397 = vector.broadcast %scan3A_54 : i32 to vector<16xi32>
          %add3A_398 = arith.constant 624 : i32
          %add3A_399 = vector.broadcast %add3A_398 : i32 to vector<16xi32>
          %add3A_400 = arith.addi %add3A_399, %iota3A_396 : vector<16xi32>
          %gather3A_401 = tpu.vector_load_idx %arg8[%broadcast_in_dim3A_397, %add3A_400] : memref<64x768xf32, #tpu.memory_space<vmem>>[vector<16xi32>, vector<16xi32>], vector<16xf32>,
          %swap3A_402 = arith.constant 624 : index
          %swap3A_403 = tpu.vector_load %arg10[%swap3A_402] {strides = array<i32>} : memref<768xf32, #tpu.memory_space<vmem>>, vector<16xf32>,
          tpu.vector_store %arg10[%swap3A_402], %gather3A_401 {strides = array<i32>} : memref<768xf32, #tpu.memory_space<vmem>>, vector<16xf32>,
          %iota3A_404 = tpu.iota {dimensions = array<i32: 0>} : vector<16xi32>
          %broadcast_in_dim3A_405 = vector.broadcast %scan3A_54 : i32 to vector<16xi32>
          %add3A_406 = arith.constant 640 : i32
          %add3A_407 = vector.broadcast %add3A_406 : i32 to vector<16xi32>
          %add3A_408 = arith.addi %add3A_407, %iota3A_404 : vector<16xi32>
          %gather3A_409 = tpu.vector_load_idx %arg8[%broadcast_in_dim3A_405, %add3A_408] : memref<64x768xf32, #tpu.memory_space<vmem>>[vector<16xi32>, vector<16xi32>], vector<16xf32>,
          %swap3A_410 = arith.constant 640 : index
          %swap3A_411 = tpu.vector_load %arg10[%swap3A_410] {strides = array<i32>} : memref<768xf32, #tpu.memory_space<vmem>>, vector<16xf32>,
          tpu.vector_store %arg10[%swap3A_410], %gather3A_409 {strides = array<i32>} : memref<768xf32, #tpu.memory_space<vmem>>, vector<16xf32>,
          %iota3A_412 = tpu.iota {dimensions = array<i32: 0>} : vector<16xi32>
          %broadcast_in_dim3A_413 = vector.broadcast %scan3A_54 : i32 to vector<16xi32>
          %add3A_414 = arith.constant 656 : i32
          %add3A_415 = vector.broadcast %add3A_414 : i32 to vector<16xi32>
          %add3A_416 = arith.addi %add3A_415, %iota3A_412 : vector<16xi32>
          %gather3A_417 = tpu.vector_load_idx %arg8[%broadcast_in_dim3A_413, %add3A_416] : memref<64x768xf32, #tpu.memory_space<vmem>>[vector<16xi32>, vector<16xi32>], vector<16xf32>,
          %swap3A_418 = arith.constant 656 : index
          %swap3A_419 = tpu.vector_load %arg10[%swap3A_418] {strides = array<i32>} : memref<768xf32, #tpu.memory_space<vmem>>, vector<16xf32>,
          tpu.vector_store %arg10[%swap3A_418], %gather3A_417 {strides = array<i32>} : memref<768xf32, #tpu.memory_space<vmem>>, vector<16xf32>,
          %iota3A_420 = tpu.iota {dimensions = array<i32: 0>} : vector<16xi32>
          %broadcast_in_dim3A_421 = vector.broadcast %scan3A_54 : i32 to vector<16xi32>
          %add3A_422 = arith.constant 672 : i32
          %add3A_423 = vector.broadcast %add3A_422 : i32 to vector<16xi32>
          %add3A_424 = arith.addi %add3A_423, %iota3A_420 : vector<16xi32>
          %gather3A_425 = tpu.vector_load_idx %arg8[%broadcast_in_dim3A_421, %add3A_424] : memref<64x768xf32, #tpu.memory_space<vmem>>[vector<16xi32>, vector<16xi32>], vector<16xf32>,
          %swap3A_426 = arith.constant 672 : index
          %swap3A_427 = tpu.vector_load %arg10[%swap3A_426] {strides = array<i32>} : memref<768xf32, #tpu.memory_space<vmem>>, vector<16xf32>,
          tpu.vector_store %arg10[%swap3A_426], %gather3A_425 {strides = array<i32>} : memref<768xf32, #tpu.memory_space<vmem>>, vector<16xf32>,
          %iota3A_428 = tpu.iota {dimensions = array<i32: 0>} : vector<16xi32>
          %broadcast_in_dim3A_429 = vector.broadcast %scan3A_54 : i32 to vector<16xi32>
          %add3A_430 = arith.constant 688 : i32
          %add3A_431 = vector.broadcast %add3A_430 : i32 to vector<16xi32>
          %add3A_432 = arith.addi %add3A_431, %iota3A_428 : vector<16xi32>
          %gather3A_433 = tpu.vector_load_idx %arg8[%broadcast_in_dim3A_429, %add3A_432] : memref<64x768xf32, #tpu.memory_space<vmem>>[vector<16xi32>, vector<16xi32>], vector<16xf32>,
          %swap3A_434 = arith.constant 688 : index
          %swap3A_435 = tpu.vector_load %arg10[%swap3A_434] {strides = array<i32>} : memref<768xf32, #tpu.memory_space<vmem>>, vector<16xf32>,
          tpu.vector_store %arg10[%swap3A_434], %gather3A_433 {strides = array<i32>} : memref<768xf32, #tpu.memory_space<vmem>>, vector<16xf32>,
          %iota3A_436 = tpu.iota {dimensions = array<i32: 0>} : vector<16xi32>
          %broadcast_in_dim3A_437 = vector.broadcast %scan3A_54 : i32 to vector<16xi32>
          %add3A_438 = arith.constant 704 : i32
          %add3A_439 = vector.broadcast %add3A_438 : i32 to vector<16xi32>
          %add3A_440 = arith.addi %add3A_439, %iota3A_436 : vector<16xi32>
          %gather3A_441 = tpu.vector_load_idx %arg8[%broadcast_in_dim3A_437, %add3A_440] : memref<64x768xf32, #tpu.memory_space<vmem>>[vector<16xi32>, vector<16xi32>], vector<16xf32>,
          %swap3A_442 = arith.constant 704 : index
          %swap3A_443 = tpu.vector_load %arg10[%swap3A_442] {strides = array<i32>} : memref<768xf32, #tpu.memory_space<vmem>>, vector<16xf32>,
          tpu.vector_store %arg10[%swap3A_442], %gather3A_441 {strides = array<i32>} : memref<768xf32, #tpu.memory_space<vmem>>, vector<16xf32>,
          %iota3A_444 = tpu.iota {dimensions = array<i32: 0>} : vector<16xi32>
          %broadcast_in_dim3A_445 = vector.broadcast %scan3A_54 : i32 to vector<16xi32>
          %add3A_446 = arith.constant 720 : i32
          %add3A_447 = vector.broadcast %add3A_446 : i32 to vector<16xi32>
          %add3A_448 = arith.addi %add3A_447, %iota3A_444 : vector<16xi32>
          %gather3A_449 = tpu.vector_load_idx %arg8[%broadcast_in_dim3A_445, %add3A_448] : memref<64x768xf32, #tpu.memory_space<vmem>>[vector<16xi32>, vector<16xi32>], vector<16xf32>,
          %swap3A_450 = arith.constant 720 : index
          %swap3A_451 = tpu.vector_load %arg10[%swap3A_450] {strides = array<i32>} : memref<768xf32, #tpu.memory_space<vmem>>, vector<16xf32>,
          tpu.vector_store %arg10[%swap3A_450], %gather3A_449 {strides = array<i32>} : memref<768xf32, #tpu.memory_space<vmem>>, vector<16xf32>,
          %iota3A_452 = tpu.iota {dimensions = array<i32: 0>} : vector<16xi32>
          %broadcast_in_dim3A_453 = vector.broadcast %scan3A_54 : i32 to vector<16xi32>
          %add3A_454 = arith.constant 736 : i32
          %add3A_455 = vector.broadcast %add3A_454 : i32 to vector<16xi32>
          %add3A_456 = arith.addi %add3A_455, %iota3A_452 : vector<16xi32>
          %gather3A_457 = tpu.vector_load_idx %arg8[%broadcast_in_dim3A_453, %add3A_456] : memref<64x768xf32, #tpu.memory_space<vmem>>[vector<16xi32>, vector<16xi32>], vector<16xf32>,
          %swap3A_458 = arith.constant 736 : index
          %swap3A_459 = tpu.vector_load %arg10[%swap3A_458] {strides = array<i32>} : memref<768xf32, #tpu.memory_space<vmem>>, vector<16xf32>,
          tpu.vector_store %arg10[%swap3A_458], %gather3A_457 {strides = array<i32>} : memref<768xf32, #tpu.memory_space<vmem>>, vector<16xf32>,
          %iota3A_460 = tpu.iota {dimensions = array<i32: 0>} : vector<16xi32>
          %broadcast_in_dim3A_461 = vector.broadcast %scan3A_54 : i32 to vector<16xi32>
          %add3A_462 = arith.constant 752 : i32
          %add3A_463 = vector.broadcast %add3A_462 : i32 to vector<16xi32>
          %add3A_464 = arith.addi %add3A_463, %iota3A_460 : vector<16xi32>
          %gather3A_465 = tpu.vector_load_idx %arg8[%broadcast_in_dim3A_461, %add3A_464] : memref<64x768xf32, #tpu.memory_space<vmem>>[vector<16xi32>, vector<16xi32>], vector<16xf32>,
          %swap3A_466 = arith.constant 752 : index
          %swap3A_467 = tpu.vector_load %arg10[%swap3A_466] {strides = array<i32>} : memref<768xf32, #tpu.memory_space<vmem>>, vector<16xf32>,
          tpu.vector_store %arg10[%swap3A_466], %gather3A_465 {strides = array<i32>} : memref<768xf32, #tpu.memory_space<vmem>>, vector<16xf32>,
        } else {
        }
        %convert_element_type3A_79 = arith.extui %and3A : i1 to i32
        %cond3A_80 = arith.constant 0 : i32
        %cond3A_81 = arith.cmpi ne, %convert_element_type3A_79, %cond3A_80 : i32
        scf.if %cond3A_81 {
          %get3A = arith.constant 0 : index
          %get3A_85 = tpu.vector_load %arg10[%get3A] {strides = array<i32>} : memref<768xf32, #tpu.memory_space<vmem>>, vector<16xf32>,
          %iota3A = tpu.iota {dimensions = array<i32: 0>} : vector<16xi32>
          %broadcast_in_dim3A_86 = vector.broadcast %scan3A_54 : i32 to vector<16xi32>
          %add3A_87 = arith.constant 0 : i32
          %add3A_88 = vector.broadcast %add3A_87 : i32 to vector<16xi32>
          %add3A_89 = arith.addi %add3A_88, %iota3A : vector<16xi32>
          %gather3A_90 = tpu.vector_load_idx %arg8[%broadcast_in_dim3A_86, %add3A_89] : memref<64x768xf32, #tpu.memory_space<vmem>>[vector<16xi32>, vector<16xi32>], vector<16xf32>,
          %add3A_91 = arith.addf %get3A_85, %gather3A_90 : vector<16xf32>
          %swap3A_92 = arith.constant 0 : index
          %swap3A_93 = tpu.vector_load %arg10[%swap3A_92] {strides = array<i32>} : memref<768xf32, #tpu.memory_space<vmem>>, vector<16xf32>,
          tpu.vector_store %arg10[%swap3A_92], %add3A_91 {strides = array<i32>} : memref<768xf32, #tpu.memory_space<vmem>>, vector<16xf32>,
          %get3A_94 = arith.constant 16 : index
          %get3A_95 = tpu.vector_load %arg10[%get3A_94] {strides = array<i32>} : memref<768xf32, #tpu.memory_space<vmem>>, vector<16xf32>,
          %iota3A_96 = tpu.iota {dimensions = array<i32: 0>} : vector<16xi32>
          %broadcast_in_dim3A_97 = vector.broadcast %scan3A_54 : i32 to vector<16xi32>
          %add3A_98 = arith.constant 16 : i32
          %add3A_99 = vector.broadcast %add3A_98 : i32 to vector<16xi32>
          %add3A_100 = arith.addi %add3A_99, %iota3A_96 : vector<16xi32>
          %gather3A_101 = tpu.vector_load_idx %arg8[%broadcast_in_dim3A_97, %add3A_100] : memref<64x768xf32, #tpu.memory_space<vmem>>[vector<16xi32>, vector<16xi32>], vector<16xf32>,
          %add3A_102 = arith.addf %get3A_95, %gather3A_101 : vector<16xf32>
          %swap3A_103 = arith.constant 16 : index
          %swap3A_104 = tpu.vector_load %arg10[%swap3A_103] {strides = array<i32>} : memref<768xf32, #tpu.memory_space<vmem>>, vector<16xf32>,
          tpu.vector_store %arg10[%swap3A_103], %add3A_102 {strides = array<i32>} : memref<768xf32, #tpu.memory_space<vmem>>, vector<16xf32>,
          %get3A_105 = arith.constant 32 : index
          %get3A_106 = tpu.vector_load %arg10[%get3A_105] {strides = array<i32>} : memref<768xf32, #tpu.memory_space<vmem>>, vector<16xf32>,
          %iota3A_107 = tpu.iota {dimensions = array<i32: 0>} : vector<16xi32>
          %broadcast_in_dim3A_108 = vector.broadcast %scan3A_54 : i32 to vector<16xi32>
          %add3A_109 = arith.constant 32 : i32
          %add3A_110 = vector.broadcast %add3A_109 : i32 to vector<16xi32>
          %add3A_111 = arith.addi %add3A_110, %iota3A_107 : vector<16xi32>
          %gather3A_112 = tpu.vector_load_idx %arg8[%broadcast_in_dim3A_108, %add3A_111] : memref<64x768xf32, #tpu.memory_space<vmem>>[vector<16xi32>, vector<16xi32>], vector<16xf32>,
          %add3A_113 = arith.addf %get3A_106, %gather3A_112 : vector<16xf32>
          %swap3A_114 = arith.constant 32 : index
          %swap3A_115 = tpu.vector_load %arg10[%swap3A_114] {strides = array<i32>} : memref<768xf32, #tpu.memory_space<vmem>>, vector<16xf32>,
          tpu.vector_store %arg10[%swap3A_114], %add3A_113 {strides = array<i32>} : memref<768xf32, #tpu.memory_space<vmem>>, vector<16xf32>,
          %get3A_116 = arith.constant 48 : index
          %get3A_117 = tpu.vector_load %arg10[%get3A_116] {strides = array<i32>} : memref<768xf32, #tpu.memory_space<vmem>>, vector<16xf32>,
          %iota3A_118 = tpu.iota {dimensions = array<i32: 0>} : vector<16xi32>
          %broadcast_in_dim3A_119 = vector.broadcast %scan3A_54 : i32 to vector<16xi32>
          %add3A_120 = arith.constant 48 : i32
          %add3A_121 = vector.broadcast %add3A_120 : i32 to vector<16xi32>
          %add3A_122 = arith.addi %add3A_121, %iota3A_118 : vector<16xi32>
          %gather3A_123 = tpu.vector_load_idx %arg8[%broadcast_in_dim3A_119, %add3A_122] : memref<64x768xf32, #tpu.memory_space<vmem>>[vector<16xi32>, vector<16xi32>], vector<16xf32>,
          %add3A_124 = arith.addf %get3A_117, %gather3A_123 : vector<16xf32>
          %swap3A_125 = arith.constant 48 : index
          %swap3A_126 = tpu.vector_load %arg10[%swap3A_125] {strides = array<i32>} : memref<768xf32, #tpu.memory_space<vmem>>, vector<16xf32>,
          tpu.vector_store %arg10[%swap3A_125], %add3A_124 {strides = array<i32>} : memref<768xf32, #tpu.memory_space<vmem>>, vector<16xf32>,
          %get3A_127 = arith.constant 64 : index
          %get3A_128 = tpu.vector_load %arg10[%get3A_127] {strides = array<i32>} : memref<768xf32, #tpu.memory_space<vmem>>, vector<16xf32>,
          %iota3A_129 = tpu.iota {dimensions = array<i32: 0>} : vector<16xi32>
          %broadcast_in_dim3A_130 = vector.broadcast %scan3A_54 : i32 to vector<16xi32>
          %add3A_131 = arith.constant 64 : i32
          %add3A_132 = vector.broadcast %add3A_131 : i32 to vector<16xi32>
          %add3A_133 = arith.addi %add3A_132, %iota3A_129 : vector<16xi32>
          %gather3A_134 = tpu.vector_load_idx %arg8[%broadcast_in_dim3A_130, %add3A_133] : memref<64x768xf32, #tpu.memory_space<vmem>>[vector<16xi32>, vector<16xi32>], vector<16xf32>,
          %add3A_135 = arith.addf %get3A_128, %gather3A_134 : vector<16xf32>
          %swap3A_136 = arith.constant 64 : index
          %swap3A_137 = tpu.vector_load %arg10[%swap3A_136] {strides = array<i32>} : memref<768xf32, #tpu.memory_space<vmem>>, vector<16xf32>,
          tpu.vector_store %arg10[%swap3A_136], %add3A_135 {strides = array<i32>} : memref<768xf32, #tpu.memory_space<vmem>>, vector<16xf32>,
          %get3A_138 = arith.constant 80 : index
          %get3A_139 = tpu.vector_load %arg10[%get3A_138] {strides = array<i32>} : memref<768xf32, #tpu.memory_space<vmem>>, vector<16xf32>,
          %iota3A_140 = tpu.iota {dimensions = array<i32: 0>} : vector<16xi32>
          %broadcast_in_dim3A_141 = vector.broadcast %scan3A_54 : i32 to vector<16xi32>
          %add3A_142 = arith.constant 80 : i32
          %add3A_143 = vector.broadcast %add3A_142 : i32 to vector<16xi32>
          %add3A_144 = arith.addi %add3A_143, %iota3A_140 : vector<16xi32>
          %gather3A_145 = tpu.vector_load_idx %arg8[%broadcast_in_dim3A_141, %add3A_144] : memref<64x768xf32, #tpu.memory_space<vmem>>[vector<16xi32>, vector<16xi32>], vector<16xf32>,
          %add3A_146 = arith.addf %get3A_139, %gather3A_145 : vector<16xf32>
          %swap3A_147 = arith.constant 80 : index
          %swap3A_148 = tpu.vector_load %arg10[%swap3A_147] {strides = array<i32>} : memref<768xf32, #tpu.memory_space<vmem>>, vector<16xf32>,
          tpu.vector_store %arg10[%swap3A_147], %add3A_146 {strides = array<i32>} : memref<768xf32, #tpu.memory_space<vmem>>, vector<16xf32>,
          %get3A_149 = arith.constant 96 : index
          %get3A_150 = tpu.vector_load %arg10[%get3A_149] {strides = array<i32>} : memref<768xf32, #tpu.memory_space<vmem>>, vector<16xf32>,
          %iota3A_151 = tpu.iota {dimensions = array<i32: 0>} : vector<16xi32>
          %broadcast_in_dim3A_152 = vector.broadcast %scan3A_54 : i32 to vector<16xi32>
          %add3A_153 = arith.constant 96 : i32
          %add3A_154 = vector.broadcast %add3A_153 : i32 to vector<16xi32>
          %add3A_155 = arith.addi %add3A_154, %iota3A_151 : vector<16xi32>
          %gather3A_156 = tpu.vector_load_idx %arg8[%broadcast_in_dim3A_152, %add3A_155] : memref<64x768xf32, #tpu.memory_space<vmem>>[vector<16xi32>, vector<16xi32>], vector<16xf32>,
          %add3A_157 = arith.addf %get3A_150, %gather3A_156 : vector<16xf32>
          %swap3A_158 = arith.constant 96 : index
          %swap3A_159 = tpu.vector_load %arg10[%swap3A_158] {strides = array<i32>} : memref<768xf32, #tpu.memory_space<vmem>>, vector<16xf32>,
          tpu.vector_store %arg10[%swap3A_158], %add3A_157 {strides = array<i32>} : memref<768xf32, #tpu.memory_space<vmem>>, vector<16xf32>,
          %get3A_160 = arith.constant 112 : index
          %get3A_161 = tpu.vector_load %arg10[%get3A_160] {strides = array<i32>} : memref<768xf32, #tpu.memory_space<vmem>>, vector<16xf32>,
          %iota3A_162 = tpu.iota {dimensions = array<i32: 0>} : vector<16xi32>
          %broadcast_in_dim3A_163 = vector.broadcast %scan3A_54 : i32 to vector<16xi32>
          %add3A_164 = arith.constant 112 : i32
          %add3A_165 = vector.broadcast %add3A_164 : i32 to vector<16xi32>
          %add3A_166 = arith.addi %add3A_165, %iota3A_162 : vector<16xi32>
          %gather3A_167 = tpu.vector_load_idx %arg8[%broadcast_in_dim3A_163, %add3A_166] : memref<64x768xf32, #tpu.memory_space<vmem>>[vector<16xi32>, vector<16xi32>], vector<16xf32>,
          %add3A_168 = arith.addf %get3A_161, %gather3A_167 : vector<16xf32>
          %swap3A_169 = arith.constant 112 : index
          %swap3A_170 = tpu.vector_load %arg10[%swap3A_169] {strides = array<i32>} : memref<768xf32, #tpu.memory_space<vmem>>, vector<16xf32>,
          tpu.vector_store %arg10[%swap3A_169], %add3A_168 {strides = array<i32>} : memref<768xf32, #tpu.memory_space<vmem>>, vector<16xf32>,
          %get3A_171 = arith.constant 128 : index
          %get3A_172 = tpu.vector_load %arg10[%get3A_171] {strides = array<i32>} : memref<768xf32, #tpu.memory_space<vmem>>, vector<16xf32>,
          %iota3A_173 = tpu.iota {dimensions = array<i32: 0>} : vector<16xi32>
          %broadcast_in_dim3A_174 = vector.broadcast %scan3A_54 : i32 to vector<16xi32>
          %add3A_175 = arith.constant 128 : i32
          %add3A_176 = vector.broadcast %add3A_175 : i32 to vector<16xi32>
          %add3A_177 = arith.addi %add3A_176, %iota3A_173 : vector<16xi32>
          %gather3A_178 = tpu.vector_load_idx %arg8[%broadcast_in_dim3A_174, %add3A_177] : memref<64x768xf32, #tpu.memory_space<vmem>>[vector<16xi32>, vector<16xi32>], vector<16xf32>,
          %add3A_179 = arith.addf %get3A_172, %gather3A_178 : vector<16xf32>
          %swap3A_180 = arith.constant 128 : index
          %swap3A_181 = tpu.vector_load %arg10[%swap3A_180] {strides = array<i32>} : memref<768xf32, #tpu.memory_space<vmem>>, vector<16xf32>,
          tpu.vector_store %arg10[%swap3A_180], %add3A_179 {strides = array<i32>} : memref<768xf32, #tpu.memory_space<vmem>>, vector<16xf32>,
          %get3A_182 = arith.constant 144 : index
          %get3A_183 = tpu.vector_load %arg10[%get3A_182] {strides = array<i32>} : memref<768xf32, #tpu.memory_space<vmem>>, vector<16xf32>,
          %iota3A_184 = tpu.iota {dimensions = array<i32: 0>} : vector<16xi32>
          %broadcast_in_dim3A_185 = vector.broadcast %scan3A_54 : i32 to vector<16xi32>
          %add3A_186 = arith.constant 144 : i32
          %add3A_187 = vector.broadcast %add3A_186 : i32 to vector<16xi32>
          %add3A_188 = arith.addi %add3A_187, %iota3A_184 : vector<16xi32>
          %gather3A_189 = tpu.vector_load_idx %arg8[%broadcast_in_dim3A_185, %add3A_188] : memref<64x768xf32, #tpu.memory_space<vmem>>[vector<16xi32>, vector<16xi32>], vector<16xf32>,
          %add3A_190 = arith.addf %get3A_183, %gather3A_189 : vector<16xf32>
          %swap3A_191 = arith.constant 144 : index
          %swap3A_192 = tpu.vector_load %arg10[%swap3A_191] {strides = array<i32>} : memref<768xf32, #tpu.memory_space<vmem>>, vector<16xf32>,
          tpu.vector_store %arg10[%swap3A_191], %add3A_190 {strides = array<i32>} : memref<768xf32, #tpu.memory_space<vmem>>, vector<16xf32>,
          %get3A_193 = arith.constant 160 : index
          %get3A_194 = tpu.vector_load %arg10[%get3A_193] {strides = array<i32>} : memref<768xf32, #tpu.memory_space<vmem>>, vector<16xf32>,
          %iota3A_195 = tpu.iota {dimensions = array<i32: 0>} : vector<16xi32>
          %broadcast_in_dim3A_196 = vector.broadcast %scan3A_54 : i32 to vector<16xi32>
          %add3A_197 = arith.constant 160 : i32
          %add3A_198 = vector.broadcast %add3A_197 : i32 to vector<16xi32>
          %add3A_199 = arith.addi %add3A_198, %iota3A_195 : vector<16xi32>
          %gather3A_200 = tpu.vector_load_idx %arg8[%broadcast_in_dim3A_196, %add3A_199] : memref<64x768xf32, #tpu.memory_space<vmem>>[vector<16xi32>, vector<16xi32>], vector<16xf32>,
          %add3A_201 = arith.addf %get3A_194, %gather3A_200 : vector<16xf32>
          %swap3A_202 = arith.constant 160 : index
          %swap3A_203 = tpu.vector_load %arg10[%swap3A_202] {strides = array<i32>} : memref<768xf32, #tpu.memory_space<vmem>>, vector<16xf32>,
          tpu.vector_store %arg10[%swap3A_202], %add3A_201 {strides = array<i32>} : memref<768xf32, #tpu.memory_space<vmem>>, vector<16xf32>,
          %get3A_204 = arith.constant 176 : index
          %get3A_205 = tpu.vector_load %arg10[%get3A_204] {strides = array<i32>} : memref<768xf32, #tpu.memory_space<vmem>>, vector<16xf32>,
          %iota3A_206 = tpu.iota {dimensions = array<i32: 0>} : vector<16xi32>
          %broadcast_in_dim3A_207 = vector.broadcast %scan3A_54 : i32 to vector<16xi32>
          %add3A_208 = arith.constant 176 : i32
          %add3A_209 = vector.broadcast %add3A_208 : i32 to vector<16xi32>
          %add3A_210 = arith.addi %add3A_209, %iota3A_206 : vector<16xi32>
          %gather3A_211 = tpu.vector_load_idx %arg8[%broadcast_in_dim3A_207, %add3A_210] : memref<64x768xf32, #tpu.memory_space<vmem>>[vector<16xi32>, vector<16xi32>], vector<16xf32>,
          %add3A_212 = arith.addf %get3A_205, %gather3A_211 : vector<16xf32>
          %swap3A_213 = arith.constant 176 : index
          %swap3A_214 = tpu.vector_load %arg10[%swap3A_213] {strides = array<i32>} : memref<768xf32, #tpu.memory_space<vmem>>, vector<16xf32>,
          tpu.vector_store %arg10[%swap3A_213], %add3A_212 {strides = array<i32>} : memref<768xf32, #tpu.memory_space<vmem>>, vector<16xf32>,
          %get3A_215 = arith.constant 192 : index
          %get3A_216 = tpu.vector_load %arg10[%get3A_215] {strides = array<i32>} : memref<768xf32, #tpu.memory_space<vmem>>, vector<16xf32>,
          %iota3A_217 = tpu.iota {dimensions = array<i32: 0>} : vector<16xi32>
          %broadcast_in_dim3A_218 = vector.broadcast %scan3A_54 : i32 to vector<16xi32>
          %add3A_219 = arith.constant 192 : i32
          %add3A_220 = vector.broadcast %add3A_219 : i32 to vector<16xi32>
          %add3A_221 = arith.addi %add3A_220, %iota3A_217 : vector<16xi32>
          %gather3A_222 = tpu.vector_load_idx %arg8[%broadcast_in_dim3A_218, %add3A_221] : memref<64x768xf32, #tpu.memory_space<vmem>>[vector<16xi32>, vector<16xi32>], vector<16xf32>,
          %add3A_223 = arith.addf %get3A_216, %gather3A_222 : vector<16xf32>
          %swap3A_224 = arith.constant 192 : index
          %swap3A_225 = tpu.vector_load %arg10[%swap3A_224] {strides = array<i32>} : memref<768xf32, #tpu.memory_space<vmem>>, vector<16xf32>,
          tpu.vector_store %arg10[%swap3A_224], %add3A_223 {strides = array<i32>} : memref<768xf32, #tpu.memory_space<vmem>>, vector<16xf32>,
          %get3A_226 = arith.constant 208 : index
          %get3A_227 = tpu.vector_load %arg10[%get3A_226] {strides = array<i32>} : memref<768xf32, #tpu.memory_space<vmem>>, vector<16xf32>,
          %iota3A_228 = tpu.iota {dimensions = array<i32: 0>} : vector<16xi32>
          %broadcast_in_dim3A_229 = vector.broadcast %scan3A_54 : i32 to vector<16xi32>
          %add3A_230 = arith.constant 208 : i32
          %add3A_231 = vector.broadcast %add3A_230 : i32 to vector<16xi32>
          %add3A_232 = arith.addi %add3A_231, %iota3A_228 : vector<16xi32>
          %gather3A_233 = tpu.vector_load_idx %arg8[%broadcast_in_dim3A_229, %add3A_232] : memref<64x768xf32, #tpu.memory_space<vmem>>[vector<16xi32>, vector<16xi32>], vector<16xf32>,
          %add3A_234 = arith.addf %get3A_227, %gather3A_233 : vector<16xf32>
          %swap3A_235 = arith.constant 208 : index
          %swap3A_236 = tpu.vector_load %arg10[%swap3A_235] {strides = array<i32>} : memref<768xf32, #tpu.memory_space<vmem>>, vector<16xf32>,
          tpu.vector_store %arg10[%swap3A_235], %add3A_234 {strides = array<i32>} : memref<768xf32, #tpu.memory_space<vmem>>, vector<16xf32>,
          %get3A_237 = arith.constant 224 : index
          %get3A_238 = tpu.vector_load %arg10[%get3A_237] {strides = array<i32>} : memref<768xf32, #tpu.memory_space<vmem>>, vector<16xf32>,
          %iota3A_239 = tpu.iota {dimensions = array<i32: 0>} : vector<16xi32>
          %broadcast_in_dim3A_240 = vector.broadcast %scan3A_54 : i32 to vector<16xi32>
          %add3A_241 = arith.constant 224 : i32
          %add3A_242 = vector.broadcast %add3A_241 : i32 to vector<16xi32>
          %add3A_243 = arith.addi %add3A_242, %iota3A_239 : vector<16xi32>
          %gather3A_244 = tpu.vector_load_idx %arg8[%broadcast_in_dim3A_240, %add3A_243] : memref<64x768xf32, #tpu.memory_space<vmem>>[vector<16xi32>, vector<16xi32>], vector<16xf32>,
          %add3A_245 = arith.addf %get3A_238, %gather3A_244 : vector<16xf32>
          %swap3A_246 = arith.constant 224 : index
          %swap3A_247 = tpu.vector_load %arg10[%swap3A_246] {strides = array<i32>} : memref<768xf32, #tpu.memory_space<vmem>>, vector<16xf32>,
          tpu.vector_store %arg10[%swap3A_246], %add3A_245 {strides = array<i32>} : memref<768xf32, #tpu.memory_space<vmem>>, vector<16xf32>,
          %get3A_248 = arith.constant 240 : index
          %get3A_249 = tpu.vector_load %arg10[%get3A_248] {strides = array<i32>} : memref<768xf32, #tpu.memory_space<vmem>>, vector<16xf32>,
          %iota3A_250 = tpu.iota {dimensions = array<i32: 0>} : vector<16xi32>
          %broadcast_in_dim3A_251 = vector.broadcast %scan3A_54 : i32 to vector<16xi32>
          %add3A_252 = arith.constant 240 : i32
          %add3A_253 = vector.broadcast %add3A_252 : i32 to vector<16xi32>
          %add3A_254 = arith.addi %add3A_253, %iota3A_250 : vector<16xi32>
          %gather3A_255 = tpu.vector_load_idx %arg8[%broadcast_in_dim3A_251, %add3A_254] : memref<64x768xf32, #tpu.memory_space<vmem>>[vector<16xi32>, vector<16xi32>], vector<16xf32>,
          %add3A_256 = arith.addf %get3A_249, %gather3A_255 : vector<16xf32>
          %swap3A_257 = arith.constant 240 : index
          %swap3A_258 = tpu.vector_load %arg10[%swap3A_257] {strides = array<i32>} : memref<768xf32, #tpu.memory_space<vmem>>, vector<16xf32>,
          tpu.vector_store %arg10[%swap3A_257], %add3A_256 {strides = array<i32>} : memref<768xf32, #tpu.memory_space<vmem>>, vector<16xf32>,
          %get3A_259 = arith.constant 256 : index
          %get3A_260 = tpu.vector_load %arg10[%get3A_259] {strides = array<i32>} : memref<768xf32, #tpu.memory_space<vmem>>, vector<16xf32>,
          %iota3A_261 = tpu.iota {dimensions = array<i32: 0>} : vector<16xi32>
          %broadcast_in_dim3A_262 = vector.broadcast %scan3A_54 : i32 to vector<16xi32>
          %add3A_263 = arith.constant 256 : i32
          %add3A_264 = vector.broadcast %add3A_263 : i32 to vector<16xi32>
          %add3A_265 = arith.addi %add3A_264, %iota3A_261 : vector<16xi32>
          %gather3A_266 = tpu.vector_load_idx %arg8[%broadcast_in_dim3A_262, %add3A_265] : memref<64x768xf32, #tpu.memory_space<vmem>>[vector<16xi32>, vector<16xi32>], vector<16xf32>,
          %add3A_267 = arith.addf %get3A_260, %gather3A_266 : vector<16xf32>
          %swap3A_268 = arith.constant 256 : index
          %swap3A_269 = tpu.vector_load %arg10[%swap3A_268] {strides = array<i32>} : memref<768xf32, #tpu.memory_space<vmem>>, vector<16xf32>,
          tpu.vector_store %arg10[%swap3A_268], %add3A_267 {strides = array<i32>} : memref<768xf32, #tpu.memory_space<vmem>>, vector<16xf32>,
          %get3A_270 = arith.constant 272 : index
          %get3A_271 = tpu.vector_load %arg10[%get3A_270] {strides = array<i32>} : memref<768xf32, #tpu.memory_space<vmem>>, vector<16xf32>,
          %iota3A_272 = tpu.iota {dimensions = array<i32: 0>} : vector<16xi32>
          %broadcast_in_dim3A_273 = vector.broadcast %scan3A_54 : i32 to vector<16xi32>
          %add3A_274 = arith.constant 272 : i32
          %add3A_275 = vector.broadcast %add3A_274 : i32 to vector<16xi32>
          %add3A_276 = arith.addi %add3A_275, %iota3A_272 : vector<16xi32>
          %gather3A_277 = tpu.vector_load_idx %arg8[%broadcast_in_dim3A_273, %add3A_276] : memref<64x768xf32, #tpu.memory_space<vmem>>[vector<16xi32>, vector<16xi32>], vector<16xf32>,
          %add3A_278 = arith.addf %get3A_271, %gather3A_277 : vector<16xf32>
          %swap3A_279 = arith.constant 272 : index
          %swap3A_280 = tpu.vector_load %arg10[%swap3A_279] {strides = array<i32>} : memref<768xf32, #tpu.memory_space<vmem>>, vector<16xf32>,
          tpu.vector_store %arg10[%swap3A_279], %add3A_278 {strides = array<i32>} : memref<768xf32, #tpu.memory_space<vmem>>, vector<16xf32>,
          %get3A_281 = arith.constant 288 : index
          %get3A_282 = tpu.vector_load %arg10[%get3A_281] {strides = array<i32>} : memref<768xf32, #tpu.memory_space<vmem>>, vector<16xf32>,
          %iota3A_283 = tpu.iota {dimensions = array<i32: 0>} : vector<16xi32>
          %broadcast_in_dim3A_284 = vector.broadcast %scan3A_54 : i32 to vector<16xi32>
          %add3A_285 = arith.constant 288 : i32
          %add3A_286 = vector.broadcast %add3A_285 : i32 to vector<16xi32>
          %add3A_287 = arith.addi %add3A_286, %iota3A_283 : vector<16xi32>
          %gather3A_288 = tpu.vector_load_idx %arg8[%broadcast_in_dim3A_284, %add3A_287] : memref<64x768xf32, #tpu.memory_space<vmem>>[vector<16xi32>, vector<16xi32>], vector<16xf32>,
          %add3A_289 = arith.addf %get3A_282, %gather3A_288 : vector<16xf32>
          %swap3A_290 = arith.constant 288 : index
          %swap3A_291 = tpu.vector_load %arg10[%swap3A_290] {strides = array<i32>} : memref<768xf32, #tpu.memory_space<vmem>>, vector<16xf32>,
          tpu.vector_store %arg10[%swap3A_290], %add3A_289 {strides = array<i32>} : memref<768xf32, #tpu.memory_space<vmem>>, vector<16xf32>,
          %get3A_292 = arith.constant 304 : index
          %get3A_293 = tpu.vector_load %arg10[%get3A_292] {strides = array<i32>} : memref<768xf32, #tpu.memory_space<vmem>>, vector<16xf32>,
          %iota3A_294 = tpu.iota {dimensions = array<i32: 0>} : vector<16xi32>
          %broadcast_in_dim3A_295 = vector.broadcast %scan3A_54 : i32 to vector<16xi32>
          %add3A_296 = arith.constant 304 : i32
          %add3A_297 = vector.broadcast %add3A_296 : i32 to vector<16xi32>
          %add3A_298 = arith.addi %add3A_297, %iota3A_294 : vector<16xi32>
          %gather3A_299 = tpu.vector_load_idx %arg8[%broadcast_in_dim3A_295, %add3A_298] : memref<64x768xf32, #tpu.memory_space<vmem>>[vector<16xi32>, vector<16xi32>], vector<16xf32>,
          %add3A_300 = arith.addf %get3A_293, %gather3A_299 : vector<16xf32>
          %swap3A_301 = arith.constant 304 : index
          %swap3A_302 = tpu.vector_load %arg10[%swap3A_301] {strides = array<i32>} : memref<768xf32, #tpu.memory_space<vmem>>, vector<16xf32>,
          tpu.vector_store %arg10[%swap3A_301], %add3A_300 {strides = array<i32>} : memref<768xf32, #tpu.memory_space<vmem>>, vector<16xf32>,
          %get3A_303 = arith.constant 320 : index
          %get3A_304 = tpu.vector_load %arg10[%get3A_303] {strides = array<i32>} : memref<768xf32, #tpu.memory_space<vmem>>, vector<16xf32>,
          %iota3A_305 = tpu.iota {dimensions = array<i32: 0>} : vector<16xi32>
          %broadcast_in_dim3A_306 = vector.broadcast %scan3A_54 : i32 to vector<16xi32>
          %add3A_307 = arith.constant 320 : i32
          %add3A_308 = vector.broadcast %add3A_307 : i32 to vector<16xi32>
          %add3A_309 = arith.addi %add3A_308, %iota3A_305 : vector<16xi32>
          %gather3A_310 = tpu.vector_load_idx %arg8[%broadcast_in_dim3A_306, %add3A_309] : memref<64x768xf32, #tpu.memory_space<vmem>>[vector<16xi32>, vector<16xi32>], vector<16xf32>,
          %add3A_311 = arith.addf %get3A_304, %gather3A_310 : vector<16xf32>
          %swap3A_312 = arith.constant 320 : index
          %swap3A_313 = tpu.vector_load %arg10[%swap3A_312] {strides = array<i32>} : memref<768xf32, #tpu.memory_space<vmem>>, vector<16xf32>,
          tpu.vector_store %arg10[%swap3A_312], %add3A_311 {strides = array<i32>} : memref<768xf32, #tpu.memory_space<vmem>>, vector<16xf32>,
          %get3A_314 = arith.constant 336 : index
          %get3A_315 = tpu.vector_load %arg10[%get3A_314] {strides = array<i32>} : memref<768xf32, #tpu.memory_space<vmem>>, vector<16xf32>,
          %iota3A_316 = tpu.iota {dimensions = array<i32: 0>} : vector<16xi32>
          %broadcast_in_dim3A_317 = vector.broadcast %scan3A_54 : i32 to vector<16xi32>
          %add3A_318 = arith.constant 336 : i32
          %add3A_319 = vector.broadcast %add3A_318 : i32 to vector<16xi32>
          %add3A_320 = arith.addi %add3A_319, %iota3A_316 : vector<16xi32>
          %gather3A_321 = tpu.vector_load_idx %arg8[%broadcast_in_dim3A_317, %add3A_320] : memref<64x768xf32, #tpu.memory_space<vmem>>[vector<16xi32>, vector<16xi32>], vector<16xf32>,
          %add3A_322 = arith.addf %get3A_315, %gather3A_321 : vector<16xf32>
          %swap3A_323 = arith.constant 336 : index
          %swap3A_324 = tpu.vector_load %arg10[%swap3A_323] {strides = array<i32>} : memref<768xf32, #tpu.memory_space<vmem>>, vector<16xf32>,
          tpu.vector_store %arg10[%swap3A_323], %add3A_322 {strides = array<i32>} : memref<768xf32, #tpu.memory_space<vmem>>, vector<16xf32>,
          %get3A_325 = arith.constant 352 : index
          %get3A_326 = tpu.vector_load %arg10[%get3A_325] {strides = array<i32>} : memref<768xf32, #tpu.memory_space<vmem>>, vector<16xf32>,
          %iota3A_327 = tpu.iota {dimensions = array<i32: 0>} : vector<16xi32>
          %broadcast_in_dim3A_328 = vector.broadcast %scan3A_54 : i32 to vector<16xi32>
          %add3A_329 = arith.constant 352 : i32
          %add3A_330 = vector.broadcast %add3A_329 : i32 to vector<16xi32>
          %add3A_331 = arith.addi %add3A_330, %iota3A_327 : vector<16xi32>
          %gather3A_332 = tpu.vector_load_idx %arg8[%broadcast_in_dim3A_328, %add3A_331] : memref<64x768xf32, #tpu.memory_space<vmem>>[vector<16xi32>, vector<16xi32>], vector<16xf32>,
          %add3A_333 = arith.addf %get3A_326, %gather3A_332 : vector<16xf32>
          %swap3A_334 = arith.constant 352 : index
          %swap3A_335 = tpu.vector_load %arg10[%swap3A_334] {strides = array<i32>} : memref<768xf32, #tpu.memory_space<vmem>>, vector<16xf32>,
          tpu.vector_store %arg10[%swap3A_334], %add3A_333 {strides = array<i32>} : memref<768xf32, #tpu.memory_space<vmem>>, vector<16xf32>,
          %get3A_336 = arith.constant 368 : index
          %get3A_337 = tpu.vector_load %arg10[%get3A_336] {strides = array<i32>} : memref<768xf32, #tpu.memory_space<vmem>>, vector<16xf32>,
          %iota3A_338 = tpu.iota {dimensions = array<i32: 0>} : vector<16xi32>
          %broadcast_in_dim3A_339 = vector.broadcast %scan3A_54 : i32 to vector<16xi32>
          %add3A_340 = arith.constant 368 : i32
          %add3A_341 = vector.broadcast %add3A_340 : i32 to vector<16xi32>
          %add3A_342 = arith.addi %add3A_341, %iota3A_338 : vector<16xi32>
          %gather3A_343 = tpu.vector_load_idx %arg8[%broadcast_in_dim3A_339, %add3A_342] : memref<64x768xf32, #tpu.memory_space<vmem>>[vector<16xi32>, vector<16xi32>], vector<16xf32>,
          %add3A_344 = arith.addf %get3A_337, %gather3A_343 : vector<16xf32>
          %swap3A_345 = arith.constant 368 : index
          %swap3A_346 = tpu.vector_load %arg10[%swap3A_345] {strides = array<i32>} : memref<768xf32, #tpu.memory_space<vmem>>, vector<16xf32>,
          tpu.vector_store %arg10[%swap3A_345], %add3A_344 {strides = array<i32>} : memref<768xf32, #tpu.memory_space<vmem>>, vector<16xf32>,
          %get3A_347 = arith.constant 384 : index
          %get3A_348 = tpu.vector_load %arg10[%get3A_347] {strides = array<i32>} : memref<768xf32, #tpu.memory_space<vmem>>, vector<16xf32>,
          %iota3A_349 = tpu.iota {dimensions = array<i32: 0>} : vector<16xi32>
          %broadcast_in_dim3A_350 = vector.broadcast %scan3A_54 : i32 to vector<16xi32>
          %add3A_351 = arith.constant 384 : i32
          %add3A_352 = vector.broadcast %add3A_351 : i32 to vector<16xi32>
          %add3A_353 = arith.addi %add3A_352, %iota3A_349 : vector<16xi32>
          %gather3A_354 = tpu.vector_load_idx %arg8[%broadcast_in_dim3A_350, %add3A_353] : memref<64x768xf32, #tpu.memory_space<vmem>>[vector<16xi32>, vector<16xi32>], vector<16xf32>,
          %add3A_355 = arith.addf %get3A_348, %gather3A_354 : vector<16xf32>
          %swap3A_356 = arith.constant 384 : index
          %swap3A_357 = tpu.vector_load %arg10[%swap3A_356] {strides = array<i32>} : memref<768xf32, #tpu.memory_space<vmem>>, vector<16xf32>,
          tpu.vector_store %arg10[%swap3A_356], %add3A_355 {strides = array<i32>} : memref<768xf32, #tpu.memory_space<vmem>>, vector<16xf32>,
          %get3A_358 = arith.constant 400 : index
          %get3A_359 = tpu.vector_load %arg10[%get3A_358] {strides = array<i32>} : memref<768xf32, #tpu.memory_space<vmem>>, vector<16xf32>,
          %iota3A_360 = tpu.iota {dimensions = array<i32: 0>} : vector<16xi32>
          %broadcast_in_dim3A_361 = vector.broadcast %scan3A_54 : i32 to vector<16xi32>
          %add3A_362 = arith.constant 400 : i32
          %add3A_363 = vector.broadcast %add3A_362 : i32 to vector<16xi32>
          %add3A_364 = arith.addi %add3A_363, %iota3A_360 : vector<16xi32>
          %gather3A_365 = tpu.vector_load_idx %arg8[%broadcast_in_dim3A_361, %add3A_364] : memref<64x768xf32, #tpu.memory_space<vmem>>[vector<16xi32>, vector<16xi32>], vector<16xf32>,
          %add3A_366 = arith.addf %get3A_359, %gather3A_365 : vector<16xf32>
          %swap3A_367 = arith.constant 400 : index
          %swap3A_368 = tpu.vector_load %arg10[%swap3A_367] {strides = array<i32>} : memref<768xf32, #tpu.memory_space<vmem>>, vector<16xf32>,
          tpu.vector_store %arg10[%swap3A_367], %add3A_366 {strides = array<i32>} : memref<768xf32, #tpu.memory_space<vmem>>, vector<16xf32>,
          %get3A_369 = arith.constant 416 : index
          %get3A_370 = tpu.vector_load %arg10[%get3A_369] {strides = array<i32>} : memref<768xf32, #tpu.memory_space<vmem>>, vector<16xf32>,
          %iota3A_371 = tpu.iota {dimensions = array<i32: 0>} : vector<16xi32>
          %broadcast_in_dim3A_372 = vector.broadcast %scan3A_54 : i32 to vector<16xi32>
          %add3A_373 = arith.constant 416 : i32
          %add3A_374 = vector.broadcast %add3A_373 : i32 to vector<16xi32>
          %add3A_375 = arith.addi %add3A_374, %iota3A_371 : vector<16xi32>
          %gather3A_376 = tpu.vector_load_idx %arg8[%broadcast_in_dim3A_372, %add3A_375] : memref<64x768xf32, #tpu.memory_space<vmem>>[vector<16xi32>, vector<16xi32>], vector<16xf32>,
          %add3A_377 = arith.addf %get3A_370, %gather3A_376 : vector<16xf32>
          %swap3A_378 = arith.constant 416 : index
          %swap3A_379 = tpu.vector_load %arg10[%swap3A_378] {strides = array<i32>} : memref<768xf32, #tpu.memory_space<vmem>>, vector<16xf32>,
          tpu.vector_store %arg10[%swap3A_378], %add3A_377 {strides = array<i32>} : memref<768xf32, #tpu.memory_space<vmem>>, vector<16xf32>,
          %get3A_380 = arith.constant 432 : index
          %get3A_381 = tpu.vector_load %arg10[%get3A_380] {strides = array<i32>} : memref<768xf32, #tpu.memory_space<vmem>>, vector<16xf32>,
          %iota3A_382 = tpu.iota {dimensions = array<i32: 0>} : vector<16xi32>
          %broadcast_in_dim3A_383 = vector.broadcast %scan3A_54 : i32 to vector<16xi32>
          %add3A_384 = arith.constant 432 : i32
          %add3A_385 = vector.broadcast %add3A_384 : i32 to vector<16xi32>
          %add3A_386 = arith.addi %add3A_385, %iota3A_382 : vector<16xi32>
          %gather3A_387 = tpu.vector_load_idx %arg8[%broadcast_in_dim3A_383, %add3A_386] : memref<64x768xf32, #tpu.memory_space<vmem>>[vector<16xi32>, vector<16xi32>], vector<16xf32>,
          %add3A_388 = arith.addf %get3A_381, %gather3A_387 : vector<16xf32>
          %swap3A_389 = arith.constant 432 : index
          %swap3A_390 = tpu.vector_load %arg10[%swap3A_389] {strides = array<i32>} : memref<768xf32, #tpu.memory_space<vmem>>, vector<16xf32>,
          tpu.vector_store %arg10[%swap3A_389], %add3A_388 {strides = array<i32>} : memref<768xf32, #tpu.memory_space<vmem>>, vector<16xf32>,
          %get3A_391 = arith.constant 448 : index
          %get3A_392 = tpu.vector_load %arg10[%get3A_391] {strides = array<i32>} : memref<768xf32, #tpu.memory_space<vmem>>, vector<16xf32>,
          %iota3A_393 = tpu.iota {dimensions = array<i32: 0>} : vector<16xi32>
          %broadcast_in_dim3A_394 = vector.broadcast %scan3A_54 : i32 to vector<16xi32>
          %add3A_395 = arith.constant 448 : i32
          %add3A_396 = vector.broadcast %add3A_395 : i32 to vector<16xi32>
          %add3A_397 = arith.addi %add3A_396, %iota3A_393 : vector<16xi32>
          %gather3A_398 = tpu.vector_load_idx %arg8[%broadcast_in_dim3A_394, %add3A_397] : memref<64x768xf32, #tpu.memory_space<vmem>>[vector<16xi32>, vector<16xi32>], vector<16xf32>,
          %add3A_399 = arith.addf %get3A_392, %gather3A_398 : vector<16xf32>
          %swap3A_400 = arith.constant 448 : index
          %swap3A_401 = tpu.vector_load %arg10[%swap3A_400] {strides = array<i32>} : memref<768xf32, #tpu.memory_space<vmem>>, vector<16xf32>,
          tpu.vector_store %arg10[%swap3A_400], %add3A_399 {strides = array<i32>} : memref<768xf32, #tpu.memory_space<vmem>>, vector<16xf32>,
          %get3A_402 = arith.constant 464 : index
          %get3A_403 = tpu.vector_load %arg10[%get3A_402] {strides = array<i32>} : memref<768xf32, #tpu.memory_space<vmem>>, vector<16xf32>,
          %iota3A_404 = tpu.iota {dimensions = array<i32: 0>} : vector<16xi32>
          %broadcast_in_dim3A_405 = vector.broadcast %scan3A_54 : i32 to vector<16xi32>
          %add3A_406 = arith.constant 464 : i32
          %add3A_407 = vector.broadcast %add3A_406 : i32 to vector<16xi32>
          %add3A_408 = arith.addi %add3A_407, %iota3A_404 : vector<16xi32>
          %gather3A_409 = tpu.vector_load_idx %arg8[%broadcast_in_dim3A_405, %add3A_408] : memref<64x768xf32, #tpu.memory_space<vmem>>[vector<16xi32>, vector<16xi32>], vector<16xf32>,
          %add3A_410 = arith.addf %get3A_403, %gather3A_409 : vector<16xf32>
          %swap3A_411 = arith.constant 464 : index
          %swap3A_412 = tpu.vector_load %arg10[%swap3A_411] {strides = array<i32>} : memref<768xf32, #tpu.memory_space<vmem>>, vector<16xf32>,
          tpu.vector_store %arg10[%swap3A_411], %add3A_410 {strides = array<i32>} : memref<768xf32, #tpu.memory_space<vmem>>, vector<16xf32>,
          %get3A_413 = arith.constant 480 : index
          %get3A_414 = tpu.vector_load %arg10[%get3A_413] {strides = array<i32>} : memref<768xf32, #tpu.memory_space<vmem>>, vector<16xf32>,
          %iota3A_415 = tpu.iota {dimensions = array<i32: 0>} : vector<16xi32>
          %broadcast_in_dim3A_416 = vector.broadcast %scan3A_54 : i32 to vector<16xi32>
          %add3A_417 = arith.constant 480 : i32
          %add3A_418 = vector.broadcast %add3A_417 : i32 to vector<16xi32>
          %add3A_419 = arith.addi %add3A_418, %iota3A_415 : vector<16xi32>
          %gather3A_420 = tpu.vector_load_idx %arg8[%broadcast_in_dim3A_416, %add3A_419] : memref<64x768xf32, #tpu.memory_space<vmem>>[vector<16xi32>, vector<16xi32>], vector<16xf32>,
          %add3A_421 = arith.addf %get3A_414, %gather3A_420 : vector<16xf32>
          %swap3A_422 = arith.constant 480 : index
          %swap3A_423 = tpu.vector_load %arg10[%swap3A_422] {strides = array<i32>} : memref<768xf32, #tpu.memory_space<vmem>>, vector<16xf32>,
          tpu.vector_store %arg10[%swap3A_422], %add3A_421 {strides = array<i32>} : memref<768xf32, #tpu.memory_space<vmem>>, vector<16xf32>,
          %get3A_424 = arith.constant 496 : index
          %get3A_425 = tpu.vector_load %arg10[%get3A_424] {strides = array<i32>} : memref<768xf32, #tpu.memory_space<vmem>>, vector<16xf32>,
          %iota3A_426 = tpu.iota {dimensions = array<i32: 0>} : vector<16xi32>
          %broadcast_in_dim3A_427 = vector.broadcast %scan3A_54 : i32 to vector<16xi32>
          %add3A_428 = arith.constant 496 : i32
          %add3A_429 = vector.broadcast %add3A_428 : i32 to vector<16xi32>
          %add3A_430 = arith.addi %add3A_429, %iota3A_426 : vector<16xi32>
          %gather3A_431 = tpu.vector_load_idx %arg8[%broadcast_in_dim3A_427, %add3A_430] : memref<64x768xf32, #tpu.memory_space<vmem>>[vector<16xi32>, vector<16xi32>], vector<16xf32>,
          %add3A_432 = arith.addf %get3A_425, %gather3A_431 : vector<16xf32>
          %swap3A_433 = arith.constant 496 : index
          %swap3A_434 = tpu.vector_load %arg10[%swap3A_433] {strides = array<i32>} : memref<768xf32, #tpu.memory_space<vmem>>, vector<16xf32>,
          tpu.vector_store %arg10[%swap3A_433], %add3A_432 {strides = array<i32>} : memref<768xf32, #tpu.memory_space<vmem>>, vector<16xf32>,
          %get3A_435 = arith.constant 512 : index
          %get3A_436 = tpu.vector_load %arg10[%get3A_435] {strides = array<i32>} : memref<768xf32, #tpu.memory_space<vmem>>, vector<16xf32>,
          %iota3A_437 = tpu.iota {dimensions = array<i32: 0>} : vector<16xi32>
          %broadcast_in_dim3A_438 = vector.broadcast %scan3A_54 : i32 to vector<16xi32>
          %add3A_439 = arith.constant 512 : i32
          %add3A_440 = vector.broadcast %add3A_439 : i32 to vector<16xi32>
          %add3A_441 = arith.addi %add3A_440, %iota3A_437 : vector<16xi32>
          %gather3A_442 = tpu.vector_load_idx %arg8[%broadcast_in_dim3A_438, %add3A_441] : memref<64x768xf32, #tpu.memory_space<vmem>>[vector<16xi32>, vector<16xi32>], vector<16xf32>,
          %add3A_443 = arith.addf %get3A_436, %gather3A_442 : vector<16xf32>
          %swap3A_444 = arith.constant 512 : index
          %swap3A_445 = tpu.vector_load %arg10[%swap3A_444] {strides = array<i32>} : memref<768xf32, #tpu.memory_space<vmem>>, vector<16xf32>,
          tpu.vector_store %arg10[%swap3A_444], %add3A_443 {strides = array<i32>} : memref<768xf32, #tpu.memory_space<vmem>>, vector<16xf32>,
          %get3A_446 = arith.constant 528 : index
          %get3A_447 = tpu.vector_load %arg10[%get3A_446] {strides = array<i32>} : memref<768xf32, #tpu.memory_space<vmem>>, vector<16xf32>,
          %iota3A_448 = tpu.iota {dimensions = array<i32: 0>} : vector<16xi32>
          %broadcast_in_dim3A_449 = vector.broadcast %scan3A_54 : i32 to vector<16xi32>
          %add3A_450 = arith.constant 528 : i32
          %add3A_451 = vector.broadcast %add3A_450 : i32 to vector<16xi32>
          %add3A_452 = arith.addi %add3A_451, %iota3A_448 : vector<16xi32>
          %gather3A_453 = tpu.vector_load_idx %arg8[%broadcast_in_dim3A_449, %add3A_452] : memref<64x768xf32, #tpu.memory_space<vmem>>[vector<16xi32>, vector<16xi32>], vector<16xf32>,
          %add3A_454 = arith.addf %get3A_447, %gather3A_453 : vector<16xf32>
          %swap3A_455 = arith.constant 528 : index
          %swap3A_456 = tpu.vector_load %arg10[%swap3A_455] {strides = array<i32>} : memref<768xf32, #tpu.memory_space<vmem>>, vector<16xf32>,
          tpu.vector_store %arg10[%swap3A_455], %add3A_454 {strides = array<i32>} : memref<768xf32, #tpu.memory_space<vmem>>, vector<16xf32>,
          %get3A_457 = arith.constant 544 : index
          %get3A_458 = tpu.vector_load %arg10[%get3A_457] {strides = array<i32>} : memref<768xf32, #tpu.memory_space<vmem>>, vector<16xf32>,
          %iota3A_459 = tpu.iota {dimensions = array<i32: 0>} : vector<16xi32>
          %broadcast_in_dim3A_460 = vector.broadcast %scan3A_54 : i32 to vector<16xi32>
          %add3A_461 = arith.constant 544 : i32
          %add3A_462 = vector.broadcast %add3A_461 : i32 to vector<16xi32>
          %add3A_463 = arith.addi %add3A_462, %iota3A_459 : vector<16xi32>
          %gather3A_464 = tpu.vector_load_idx %arg8[%broadcast_in_dim3A_460, %add3A_463] : memref<64x768xf32, #tpu.memory_space<vmem>>[vector<16xi32>, vector<16xi32>], vector<16xf32>,
          %add3A_465 = arith.addf %get3A_458, %gather3A_464 : vector<16xf32>
          %swap3A_466 = arith.constant 544 : index
          %swap3A_467 = tpu.vector_load %arg10[%swap3A_466] {strides = array<i32>} : memref<768xf32, #tpu.memory_space<vmem>>, vector<16xf32>,
          tpu.vector_store %arg10[%swap3A_466], %add3A_465 {strides = array<i32>} : memref<768xf32, #tpu.memory_space<vmem>>, vector<16xf32>,
          %get3A_468 = arith.constant 560 : index
          %get3A_469 = tpu.vector_load %arg10[%get3A_468] {strides = array<i32>} : memref<768xf32, #tpu.memory_space<vmem>>, vector<16xf32>,
          %iota3A_470 = tpu.iota {dimensions = array<i32: 0>} : vector<16xi32>
          %broadcast_in_dim3A_471 = vector.broadcast %scan3A_54 : i32 to vector<16xi32>
          %add3A_472 = arith.constant 560 : i32
          %add3A_473 = vector.broadcast %add3A_472 : i32 to vector<16xi32>
          %add3A_474 = arith.addi %add3A_473, %iota3A_470 : vector<16xi32>
          %gather3A_475 = tpu.vector_load_idx %arg8[%broadcast_in_dim3A_471, %add3A_474] : memref<64x768xf32, #tpu.memory_space<vmem>>[vector<16xi32>, vector<16xi32>], vector<16xf32>,
          %add3A_476 = arith.addf %get3A_469, %gather3A_475 : vector<16xf32>
          %swap3A_477 = arith.constant 560 : index
          %swap3A_478 = tpu.vector_load %arg10[%swap3A_477] {strides = array<i32>} : memref<768xf32, #tpu.memory_space<vmem>>, vector<16xf32>,
          tpu.vector_store %arg10[%swap3A_477], %add3A_476 {strides = array<i32>} : memref<768xf32, #tpu.memory_space<vmem>>, vector<16xf32>,
          %get3A_479 = arith.constant 576 : index
          %get3A_480 = tpu.vector_load %arg10[%get3A_479] {strides = array<i32>} : memref<768xf32, #tpu.memory_space<vmem>>, vector<16xf32>,
          %iota3A_481 = tpu.iota {dimensions = array<i32: 0>} : vector<16xi32>
          %broadcast_in_dim3A_482 = vector.broadcast %scan3A_54 : i32 to vector<16xi32>
          %add3A_483 = arith.constant 576 : i32
          %add3A_484 = vector.broadcast %add3A_483 : i32 to vector<16xi32>
          %add3A_485 = arith.addi %add3A_484, %iota3A_481 : vector<16xi32>
          %gather3A_486 = tpu.vector_load_idx %arg8[%broadcast_in_dim3A_482, %add3A_485] : memref<64x768xf32, #tpu.memory_space<vmem>>[vector<16xi32>, vector<16xi32>], vector<16xf32>,
          %add3A_487 = arith.addf %get3A_480, %gather3A_486 : vector<16xf32>
          %swap3A_488 = arith.constant 576 : index
          %swap3A_489 = tpu.vector_load %arg10[%swap3A_488] {strides = array<i32>} : memref<768xf32, #tpu.memory_space<vmem>>, vector<16xf32>,
          tpu.vector_store %arg10[%swap3A_488], %add3A_487 {strides = array<i32>} : memref<768xf32, #tpu.memory_space<vmem>>, vector<16xf32>,
          %get3A_490 = arith.constant 592 : index
          %get3A_491 = tpu.vector_load %arg10[%get3A_490] {strides = array<i32>} : memref<768xf32, #tpu.memory_space<vmem>>, vector<16xf32>,
          %iota3A_492 = tpu.iota {dimensions = array<i32: 0>} : vector<16xi32>
          %broadcast_in_dim3A_493 = vector.broadcast %scan3A_54 : i32 to vector<16xi32>
          %add3A_494 = arith.constant 592 : i32
          %add3A_495 = vector.broadcast %add3A_494 : i32 to vector<16xi32>
          %add3A_496 = arith.addi %add3A_495, %iota3A_492 : vector<16xi32>
          %gather3A_497 = tpu.vector_load_idx %arg8[%broadcast_in_dim3A_493, %add3A_496] : memref<64x768xf32, #tpu.memory_space<vmem>>[vector<16xi32>, vector<16xi32>], vector<16xf32>,
          %add3A_498 = arith.addf %get3A_491, %gather3A_497 : vector<16xf32>
          %swap3A_499 = arith.constant 592 : index
          %swap3A_500 = tpu.vector_load %arg10[%swap3A_499] {strides = array<i32>} : memref<768xf32, #tpu.memory_space<vmem>>, vector<16xf32>,
          tpu.vector_store %arg10[%swap3A_499], %add3A_498 {strides = array<i32>} : memref<768xf32, #tpu.memory_space<vmem>>, vector<16xf32>,
          %get3A_501 = arith.constant 608 : index
          %get3A_502 = tpu.vector_load %arg10[%get3A_501] {strides = array<i32>} : memref<768xf32, #tpu.memory_space<vmem>>, vector<16xf32>,
          %iota3A_503 = tpu.iota {dimensions = array<i32: 0>} : vector<16xi32>
          %broadcast_in_dim3A_504 = vector.broadcast %scan3A_54 : i32 to vector<16xi32>
          %add3A_505 = arith.constant 608 : i32
          %add3A_506 = vector.broadcast %add3A_505 : i32 to vector<16xi32>
          %add3A_507 = arith.addi %add3A_506, %iota3A_503 : vector<16xi32>
          %gather3A_508 = tpu.vector_load_idx %arg8[%broadcast_in_dim3A_504, %add3A_507] : memref<64x768xf32, #tpu.memory_space<vmem>>[vector<16xi32>, vector<16xi32>], vector<16xf32>,
          %add3A_509 = arith.addf %get3A_502, %gather3A_508 : vector<16xf32>
          %swap3A_510 = arith.constant 608 : index
          %swap3A_511 = tpu.vector_load %arg10[%swap3A_510] {strides = array<i32>} : memref<768xf32, #tpu.memory_space<vmem>>, vector<16xf32>,
          tpu.vector_store %arg10[%swap3A_510], %add3A_509 {strides = array<i32>} : memref<768xf32, #tpu.memory_space<vmem>>, vector<16xf32>,
          %get3A_512 = arith.constant 624 : index
          %get3A_513 = tpu.vector_load %arg10[%get3A_512] {strides = array<i32>} : memref<768xf32, #tpu.memory_space<vmem>>, vector<16xf32>,
          %iota3A_514 = tpu.iota {dimensions = array<i32: 0>} : vector<16xi32>
          %broadcast_in_dim3A_515 = vector.broadcast %scan3A_54 : i32 to vector<16xi32>
          %add3A_516 = arith.constant 624 : i32
          %add3A_517 = vector.broadcast %add3A_516 : i32 to vector<16xi32>
          %add3A_518 = arith.addi %add3A_517, %iota3A_514 : vector<16xi32>
          %gather3A_519 = tpu.vector_load_idx %arg8[%broadcast_in_dim3A_515, %add3A_518] : memref<64x768xf32, #tpu.memory_space<vmem>>[vector<16xi32>, vector<16xi32>], vector<16xf32>,
          %add3A_520 = arith.addf %get3A_513, %gather3A_519 : vector<16xf32>
          %swap3A_521 = arith.constant 624 : index
          %swap3A_522 = tpu.vector_load %arg10[%swap3A_521] {strides = array<i32>} : memref<768xf32, #tpu.memory_space<vmem>>, vector<16xf32>,
          tpu.vector_store %arg10[%swap3A_521], %add3A_520 {strides = array<i32>} : memref<768xf32, #tpu.memory_space<vmem>>, vector<16xf32>,
          %get3A_523 = arith.constant 640 : index
          %get3A_524 = tpu.vector_load %arg10[%get3A_523] {strides = array<i32>} : memref<768xf32, #tpu.memory_space<vmem>>, vector<16xf32>,
          %iota3A_525 = tpu.iota {dimensions = array<i32: 0>} : vector<16xi32>
          %broadcast_in_dim3A_526 = vector.broadcast %scan3A_54 : i32 to vector<16xi32>
          %add3A_527 = arith.constant 640 : i32
          %add3A_528 = vector.broadcast %add3A_527 : i32 to vector<16xi32>
          %add3A_529 = arith.addi %add3A_528, %iota3A_525 : vector<16xi32>
          %gather3A_530 = tpu.vector_load_idx %arg8[%broadcast_in_dim3A_526, %add3A_529] : memref<64x768xf32, #tpu.memory_space<vmem>>[vector<16xi32>, vector<16xi32>], vector<16xf32>,
          %add3A_531 = arith.addf %get3A_524, %gather3A_530 : vector<16xf32>
          %swap3A_532 = arith.constant 640 : index
          %swap3A_533 = tpu.vector_load %arg10[%swap3A_532] {strides = array<i32>} : memref<768xf32, #tpu.memory_space<vmem>>, vector<16xf32>,
          tpu.vector_store %arg10[%swap3A_532], %add3A_531 {strides = array<i32>} : memref<768xf32, #tpu.memory_space<vmem>>, vector<16xf32>,
          %get3A_534 = arith.constant 656 : index
          %get3A_535 = tpu.vector_load %arg10[%get3A_534] {strides = array<i32>} : memref<768xf32, #tpu.memory_space<vmem>>, vector<16xf32>,
          %iota3A_536 = tpu.iota {dimensions = array<i32: 0>} : vector<16xi32>
          %broadcast_in_dim3A_537 = vector.broadcast %scan3A_54 : i32 to vector<16xi32>
          %add3A_538 = arith.constant 656 : i32
          %add3A_539 = vector.broadcast %add3A_538 : i32 to vector<16xi32>
          %add3A_540 = arith.addi %add3A_539, %iota3A_536 : vector<16xi32>
          %gather3A_541 = tpu.vector_load_idx %arg8[%broadcast_in_dim3A_537, %add3A_540] : memref<64x768xf32, #tpu.memory_space<vmem>>[vector<16xi32>, vector<16xi32>], vector<16xf32>,
          %add3A_542 = arith.addf %get3A_535, %gather3A_541 : vector<16xf32>
          %swap3A_543 = arith.constant 656 : index
          %swap3A_544 = tpu.vector_load %arg10[%swap3A_543] {strides = array<i32>} : memref<768xf32, #tpu.memory_space<vmem>>, vector<16xf32>,
          tpu.vector_store %arg10[%swap3A_543], %add3A_542 {strides = array<i32>} : memref<768xf32, #tpu.memory_space<vmem>>, vector<16xf32>,
          %get3A_545 = arith.constant 672 : index
          %get3A_546 = tpu.vector_load %arg10[%get3A_545] {strides = array<i32>} : memref<768xf32, #tpu.memory_space<vmem>>, vector<16xf32>,
          %iota3A_547 = tpu.iota {dimensions = array<i32: 0>} : vector<16xi32>
          %broadcast_in_dim3A_548 = vector.broadcast %scan3A_54 : i32 to vector<16xi32>
          %add3A_549 = arith.constant 672 : i32
          %add3A_550 = vector.broadcast %add3A_549 : i32 to vector<16xi32>
          %add3A_551 = arith.addi %add3A_550, %iota3A_547 : vector<16xi32>
          %gather3A_552 = tpu.vector_load_idx %arg8[%broadcast_in_dim3A_548, %add3A_551] : memref<64x768xf32, #tpu.memory_space<vmem>>[vector<16xi32>, vector<16xi32>], vector<16xf32>,
          %add3A_553 = arith.addf %get3A_546, %gather3A_552 : vector<16xf32>
          %swap3A_554 = arith.constant 672 : index
          %swap3A_555 = tpu.vector_load %arg10[%swap3A_554] {strides = array<i32>} : memref<768xf32, #tpu.memory_space<vmem>>, vector<16xf32>,
          tpu.vector_store %arg10[%swap3A_554], %add3A_553 {strides = array<i32>} : memref<768xf32, #tpu.memory_space<vmem>>, vector<16xf32>,
          %get3A_556 = arith.constant 688 : index
          %get3A_557 = tpu.vector_load %arg10[%get3A_556] {strides = array<i32>} : memref<768xf32, #tpu.memory_space<vmem>>, vector<16xf32>,
          %iota3A_558 = tpu.iota {dimensions = array<i32: 0>} : vector<16xi32>
          %broadcast_in_dim3A_559 = vector.broadcast %scan3A_54 : i32 to vector<16xi32>
          %add3A_560 = arith.constant 688 : i32
          %add3A_561 = vector.broadcast %add3A_560 : i32 to vector<16xi32>
          %add3A_562 = arith.addi %add3A_561, %iota3A_558 : vector<16xi32>
          %gather3A_563 = tpu.vector_load_idx %arg8[%broadcast_in_dim3A_559, %add3A_562] : memref<64x768xf32, #tpu.memory_space<vmem>>[vector<16xi32>, vector<16xi32>], vector<16xf32>,
          %add3A_564 = arith.addf %get3A_557, %gather3A_563 : vector<16xf32>
          %swap3A_565 = arith.constant 688 : index
          %swap3A_566 = tpu.vector_load %arg10[%swap3A_565] {strides = array<i32>} : memref<768xf32, #tpu.memory_space<vmem>>, vector<16xf32>,
          tpu.vector_store %arg10[%swap3A_565], %add3A_564 {strides = array<i32>} : memref<768xf32, #tpu.memory_space<vmem>>, vector<16xf32>,
          %get3A_567 = arith.constant 704 : index
          %get3A_568 = tpu.vector_load %arg10[%get3A_567] {strides = array<i32>} : memref<768xf32, #tpu.memory_space<vmem>>, vector<16xf32>,
          %iota3A_569 = tpu.iota {dimensions = array<i32: 0>} : vector<16xi32>
          %broadcast_in_dim3A_570 = vector.broadcast %scan3A_54 : i32 to vector<16xi32>
          %add3A_571 = arith.constant 704 : i32
          %add3A_572 = vector.broadcast %add3A_571 : i32 to vector<16xi32>
          %add3A_573 = arith.addi %add3A_572, %iota3A_569 : vector<16xi32>
          %gather3A_574 = tpu.vector_load_idx %arg8[%broadcast_in_dim3A_570, %add3A_573] : memref<64x768xf32, #tpu.memory_space<vmem>>[vector<16xi32>, vector<16xi32>], vector<16xf32>,
          %add3A_575 = arith.addf %get3A_568, %gather3A_574 : vector<16xf32>
          %swap3A_576 = arith.constant 704 : index
          %swap3A_577 = tpu.vector_load %arg10[%swap3A_576] {strides = array<i32>} : memref<768xf32, #tpu.memory_space<vmem>>, vector<16xf32>,
          tpu.vector_store %arg10[%swap3A_576], %add3A_575 {strides = array<i32>} : memref<768xf32, #tpu.memory_space<vmem>>, vector<16xf32>,
          %get3A_578 = arith.constant 720 : index
          %get3A_579 = tpu.vector_load %arg10[%get3A_578] {strides = array<i32>} : memref<768xf32, #tpu.memory_space<vmem>>, vector<16xf32>,
          %iota3A_580 = tpu.iota {dimensions = array<i32: 0>} : vector<16xi32>
          %broadcast_in_dim3A_581 = vector.broadcast %scan3A_54 : i32 to vector<16xi32>
          %add3A_582 = arith.constant 720 : i32
          %add3A_583 = vector.broadcast %add3A_582 : i32 to vector<16xi32>
          %add3A_584 = arith.addi %add3A_583, %iota3A_580 : vector<16xi32>
          %gather3A_585 = tpu.vector_load_idx %arg8[%broadcast_in_dim3A_581, %add3A_584] : memref<64x768xf32, #tpu.memory_space<vmem>>[vector<16xi32>, vector<16xi32>], vector<16xf32>,
          %add3A_586 = arith.addf %get3A_579, %gather3A_585 : vector<16xf32>
          %swap3A_587 = arith.constant 720 : index
          %swap3A_588 = tpu.vector_load %arg10[%swap3A_587] {strides = array<i32>} : memref<768xf32, #tpu.memory_space<vmem>>, vector<16xf32>,
          tpu.vector_store %arg10[%swap3A_587], %add3A_586 {strides = array<i32>} : memref<768xf32, #tpu.memory_space<vmem>>, vector<16xf32>,
          %get3A_589 = arith.constant 736 : index
          %get3A_590 = tpu.vector_load %arg10[%get3A_589] {strides = array<i32>} : memref<768xf32, #tpu.memory_space<vmem>>, vector<16xf32>,
          %iota3A_591 = tpu.iota {dimensions = array<i32: 0>} : vector<16xi32>
          %broadcast_in_dim3A_592 = vector.broadcast %scan3A_54 : i32 to vector<16xi32>
          %add3A_593 = arith.constant 736 : i32
          %add3A_594 = vector.broadcast %add3A_593 : i32 to vector<16xi32>
          %add3A_595 = arith.addi %add3A_594, %iota3A_591 : vector<16xi32>
          %gather3A_596 = tpu.vector_load_idx %arg8[%broadcast_in_dim3A_592, %add3A_595] : memref<64x768xf32, #tpu.memory_space<vmem>>[vector<16xi32>, vector<16xi32>], vector<16xf32>,
          %add3A_597 = arith.addf %get3A_590, %gather3A_596 : vector<16xf32>
          %swap3A_598 = arith.constant 736 : index
          %swap3A_599 = tpu.vector_load %arg10[%swap3A_598] {strides = array<i32>} : memref<768xf32, #tpu.memory_space<vmem>>, vector<16xf32>,
          tpu.vector_store %arg10[%swap3A_598], %add3A_597 {strides = array<i32>} : memref<768xf32, #tpu.memory_space<vmem>>, vector<16xf32>,
          %get3A_600 = arith.constant 752 : index
          %get3A_601 = tpu.vector_load %arg10[%get3A_600] {strides = array<i32>} : memref<768xf32, #tpu.memory_space<vmem>>, vector<16xf32>,
          %iota3A_602 = tpu.iota {dimensions = array<i32: 0>} : vector<16xi32>
          %broadcast_in_dim3A_603 = vector.broadcast %scan3A_54 : i32 to vector<16xi32>
          %add3A_604 = arith.constant 752 : i32
          %add3A_605 = vector.broadcast %add3A_604 : i32 to vector<16xi32>
          %add3A_606 = arith.addi %add3A_605, %iota3A_602 : vector<16xi32>
          %gather3A_607 = tpu.vector_load_idx %arg8[%broadcast_in_dim3A_603, %add3A_606] : memref<64x768xf32, #tpu.memory_space<vmem>>[vector<16xi32>, vector<16xi32>], vector<16xf32>,
          %add3A_608 = arith.addf %get3A_601, %gather3A_607 : vector<16xf32>
          %swap3A_609 = arith.constant 752 : index
          %swap3A_610 = tpu.vector_load %arg10[%swap3A_609] {strides = array<i32>} : memref<768xf32, #tpu.memory_space<vmem>>, vector<16xf32>,
          tpu.vector_store %arg10[%swap3A_609], %add3A_608 {strides = array<i32>} : memref<768xf32, #tpu.memory_space<vmem>>, vector<16xf32>,
        } else {
        }
        %select_n3A = arith.select %and3A_69, %squeeze3A, %scan3A_55 : i32
        %add3A_82 = arith.addi %scan3A_56, %squeeze3A_65 : i32
        %select_n3A_83 = arith.select %and3A, %add3A_82, %scan3A_56 : i32
        %select_n3A_84 = arith.select %and3A_69, %squeeze3A_65, %select_n3A_83 : i32
        scf.yield %select_n3A, %select_n3A_84 : i32, i32
      }
      %scan3A_49 = arith.constant 64 : i32
      %ge3A = arith.constant 0 : i32
      %ge3A_50 = arith.cmpi sge, %scan3A_48#0, %ge3A : i32
      %convert_element_type3A_51 = arith.extui %ge3A_50 : i1 to i32
      %cond3A_52 = arith.constant 0 : i32
      %cond3A_53 = arith.cmpi ne, %convert_element_type3A_51, %cond3A_52 : i32
      scf.if %cond3A_53 {
        %convert_element_type3A_54 = arith.sitofp %scan3A_48#1 : i32 to f32
        %broadcast_in_dim3A_55 = vector.broadcast %convert_element_type3A_54 : f32 to vector<16xf32>
        %broadcast_in_dim3A_56 = arith.constant 1.000000e+00 : f32
        %broadcast_in_dim3A_57 = vector.broadcast %broadcast_in_dim3A_56 : f32 to vector<16xf32>
        %div3A = arith.divf %broadcast_in_dim3A_57, %broadcast_in_dim3A_55 : vector<16xf32>
        %get3A = arith.constant 0 : index
        %get3A_58 = tpu.vector_load %arg10[%get3A] {strides = array<i32>} : memref<768xf32, #tpu.memory_space<vmem>>, vector<16xf32>,
        %mul3A_59 = arith.mulf %get3A_58, %div3A : vector<16xf32>
        %swap3A_60 = arith.constant 0 : index
        %swap3A_61 = tpu.vector_load %arg11[%swap3A_60] {strides = array<i32>} : memref<768xf32, #tpu.memory_space<vmem>>, vector<16xf32>,
        tpu.vector_store %arg11[%swap3A_60], %mul3A_59 {strides = array<i32>} : memref<768xf32, #tpu.memory_space<vmem>>, vector<16xf32>,
        %get3A_62 = arith.constant 16 : index
        %get3A_63 = tpu.vector_load %arg10[%get3A_62] {strides = array<i32>} : memref<768xf32, #tpu.memory_space<vmem>>, vector<16xf32>,
        %mul3A_64 = arith.mulf %get3A_63, %div3A : vector<16xf32>
        %swap3A_65 = arith.constant 16 : index
        %swap3A_66 = tpu.vector_load %arg11[%swap3A_65] {strides = array<i32>} : memref<768xf32, #tpu.memory_space<vmem>>, vector<16xf32>,
        tpu.vector_store %arg11[%swap3A_65], %mul3A_64 {strides = array<i32>} : memref<768xf32, #tpu.memory_space<vmem>>, vector<16xf32>,
        %get3A_67 = arith.constant 32 : index
        %get3A_68 = tpu.vector_load %arg10[%get3A_67] {strides = array<i32>} : memref<768xf32, #tpu.memory_space<vmem>>, vector<16xf32>,
        %mul3A_69 = arith.mulf %get3A_68, %div3A : vector<16xf32>
        %swap3A_70 = arith.constant 32 : index
        %swap3A_71 = tpu.vector_load %arg11[%swap3A_70] {strides = array<i32>} : memref<768xf32, #tpu.memory_space<vmem>>, vector<16xf32>,
        tpu.vector_store %arg11[%swap3A_70], %mul3A_69 {strides = array<i32>} : memref<768xf32, #tpu.memory_space<vmem>>, vector<16xf32>,
        %get3A_72 = arith.constant 48 : index
        %get3A_73 = tpu.vector_load %arg10[%get3A_72] {strides = array<i32>} : memref<768xf32, #tpu.memory_space<vmem>>, vector<16xf32>,
        %mul3A_74 = arith.mulf %get3A_73, %div3A : vector<16xf32>
        %swap3A_75 = arith.constant 48 : index
        %swap3A_76 = tpu.vector_load %arg11[%swap3A_75] {strides = array<i32>} : memref<768xf32, #tpu.memory_space<vmem>>, vector<16xf32>,
        tpu.vector_store %arg11[%swap3A_75], %mul3A_74 {strides = array<i32>} : memref<768xf32, #tpu.memory_space<vmem>>, vector<16xf32>,
        %get3A_77 = arith.constant 64 : index
        %get3A_78 = tpu.vector_load %arg10[%get3A_77] {strides = array<i32>} : memref<768xf32, #tpu.memory_space<vmem>>, vector<16xf32>,
        %mul3A_79 = arith.mulf %get3A_78, %div3A : vector<16xf32>
        %swap3A_80 = arith.constant 64 : index
        %swap3A_81 = tpu.vector_load %arg11[%swap3A_80] {strides = array<i32>} : memref<768xf32, #tpu.memory_space<vmem>>, vector<16xf32>,
        tpu.vector_store %arg11[%swap3A_80], %mul3A_79 {strides = array<i32>} : memref<768xf32, #tpu.memory_space<vmem>>, vector<16xf32>,
        %get3A_82 = arith.constant 80 : index
        %get3A_83 = tpu.vector_load %arg10[%get3A_82] {strides = array<i32>} : memref<768xf32, #tpu.memory_space<vmem>>, vector<16xf32>,
        %mul3A_84 = arith.mulf %get3A_83, %div3A : vector<16xf32>
        %swap3A_85 = arith.constant 80 : index
        %swap3A_86 = tpu.vector_load %arg11[%swap3A_85] {strides = array<i32>} : memref<768xf32, #tpu.memory_space<vmem>>, vector<16xf32>,
        tpu.vector_store %arg11[%swap3A_85], %mul3A_84 {strides = array<i32>} : memref<768xf32, #tpu.memory_space<vmem>>, vector<16xf32>,
        %get3A_87 = arith.constant 96 : index
        %get3A_88 = tpu.vector_load %arg10[%get3A_87] {strides = array<i32>} : memref<768xf32, #tpu.memory_space<vmem>>, vector<16xf32>,
        %mul3A_89 = arith.mulf %get3A_88, %div3A : vector<16xf32>
        %swap3A_90 = arith.constant 96 : index
        %swap3A_91 = tpu.vector_load %arg11[%swap3A_90] {strides = array<i32>} : memref<768xf32, #tpu.memory_space<vmem>>, vector<16xf32>,
        tpu.vector_store %arg11[%swap3A_90], %mul3A_89 {strides = array<i32>} : memref<768xf32, #tpu.memory_space<vmem>>, vector<16xf32>,
        %get3A_92 = arith.constant 112 : index
        %get3A_93 = tpu.vector_load %arg10[%get3A_92] {strides = array<i32>} : memref<768xf32, #tpu.memory_space<vmem>>, vector<16xf32>,
        %mul3A_94 = arith.mulf %get3A_93, %div3A : vector<16xf32>
        %swap3A_95 = arith.constant 112 : index
        %swap3A_96 = tpu.vector_load %arg11[%swap3A_95] {strides = array<i32>} : memref<768xf32, #tpu.memory_space<vmem>>, vector<16xf32>,
        tpu.vector_store %arg11[%swap3A_95], %mul3A_94 {strides = array<i32>} : memref<768xf32, #tpu.memory_space<vmem>>, vector<16xf32>,
        %get3A_97 = arith.constant 128 : index
        %get3A_98 = tpu.vector_load %arg10[%get3A_97] {strides = array<i32>} : memref<768xf32, #tpu.memory_space<vmem>>, vector<16xf32>,
        %mul3A_99 = arith.mulf %get3A_98, %div3A : vector<16xf32>
        %swap3A_100 = arith.constant 128 : index
        %swap3A_101 = tpu.vector_load %arg11[%swap3A_100] {strides = array<i32>} : memref<768xf32, #tpu.memory_space<vmem>>, vector<16xf32>,
        tpu.vector_store %arg11[%swap3A_100], %mul3A_99 {strides = array<i32>} : memref<768xf32, #tpu.memory_space<vmem>>, vector<16xf32>,
        %get3A_102 = arith.constant 144 : index
        %get3A_103 = tpu.vector_load %arg10[%get3A_102] {strides = array<i32>} : memref<768xf32, #tpu.memory_space<vmem>>, vector<16xf32>,
        %mul3A_104 = arith.mulf %get3A_103, %div3A : vector<16xf32>
        %swap3A_105 = arith.constant 144 : index
        %swap3A_106 = tpu.vector_load %arg11[%swap3A_105] {strides = array<i32>} : memref<768xf32, #tpu.memory_space<vmem>>, vector<16xf32>,
        tpu.vector_store %arg11[%swap3A_105], %mul3A_104 {strides = array<i32>} : memref<768xf32, #tpu.memory_space<vmem>>, vector<16xf32>,
        %get3A_107 = arith.constant 160 : index
        %get3A_108 = tpu.vector_load %arg10[%get3A_107] {strides = array<i32>} : memref<768xf32, #tpu.memory_space<vmem>>, vector<16xf32>,
        %mul3A_109 = arith.mulf %get3A_108, %div3A : vector<16xf32>
        %swap3A_110 = arith.constant 160 : index
        %swap3A_111 = tpu.vector_load %arg11[%swap3A_110] {strides = array<i32>} : memref<768xf32, #tpu.memory_space<vmem>>, vector<16xf32>,
        tpu.vector_store %arg11[%swap3A_110], %mul3A_109 {strides = array<i32>} : memref<768xf32, #tpu.memory_space<vmem>>, vector<16xf32>,
        %get3A_112 = arith.constant 176 : index
        %get3A_113 = tpu.vector_load %arg10[%get3A_112] {strides = array<i32>} : memref<768xf32, #tpu.memory_space<vmem>>, vector<16xf32>,
        %mul3A_114 = arith.mulf %get3A_113, %div3A : vector<16xf32>
        %swap3A_115 = arith.constant 176 : index
        %swap3A_116 = tpu.vector_load %arg11[%swap3A_115] {strides = array<i32>} : memref<768xf32, #tpu.memory_space<vmem>>, vector<16xf32>,
        tpu.vector_store %arg11[%swap3A_115], %mul3A_114 {strides = array<i32>} : memref<768xf32, #tpu.memory_space<vmem>>, vector<16xf32>,
        %get3A_117 = arith.constant 192 : index
        %get3A_118 = tpu.vector_load %arg10[%get3A_117] {strides = array<i32>} : memref<768xf32, #tpu.memory_space<vmem>>, vector<16xf32>,
        %mul3A_119 = arith.mulf %get3A_118, %div3A : vector<16xf32>
        %swap3A_120 = arith.constant 192 : index
        %swap3A_121 = tpu.vector_load %arg11[%swap3A_120] {strides = array<i32>} : memref<768xf32, #tpu.memory_space<vmem>>, vector<16xf32>,
        tpu.vector_store %arg11[%swap3A_120], %mul3A_119 {strides = array<i32>} : memref<768xf32, #tpu.memory_space<vmem>>, vector<16xf32>,
        %get3A_122 = arith.constant 208 : index
        %get3A_123 = tpu.vector_load %arg10[%get3A_122] {strides = array<i32>} : memref<768xf32, #tpu.memory_space<vmem>>, vector<16xf32>,
        %mul3A_124 = arith.mulf %get3A_123, %div3A : vector<16xf32>
        %swap3A_125 = arith.constant 208 : index
        %swap3A_126 = tpu.vector_load %arg11[%swap3A_125] {strides = array<i32>} : memref<768xf32, #tpu.memory_space<vmem>>, vector<16xf32>,
        tpu.vector_store %arg11[%swap3A_125], %mul3A_124 {strides = array<i32>} : memref<768xf32, #tpu.memory_space<vmem>>, vector<16xf32>,
        %get3A_127 = arith.constant 224 : index
        %get3A_128 = tpu.vector_load %arg10[%get3A_127] {strides = array<i32>} : memref<768xf32, #tpu.memory_space<vmem>>, vector<16xf32>,
        %mul3A_129 = arith.mulf %get3A_128, %div3A : vector<16xf32>
        %swap3A_130 = arith.constant 224 : index
        %swap3A_131 = tpu.vector_load %arg11[%swap3A_130] {strides = array<i32>} : memref<768xf32, #tpu.memory_space<vmem>>, vector<16xf32>,
        tpu.vector_store %arg11[%swap3A_130], %mul3A_129 {strides = array<i32>} : memref<768xf32, #tpu.memory_space<vmem>>, vector<16xf32>,
        %get3A_132 = arith.constant 240 : index
        %get3A_133 = tpu.vector_load %arg10[%get3A_132] {strides = array<i32>} : memref<768xf32, #tpu.memory_space<vmem>>, vector<16xf32>,
        %mul3A_134 = arith.mulf %get3A_133, %div3A : vector<16xf32>
        %swap3A_135 = arith.constant 240 : index
        %swap3A_136 = tpu.vector_load %arg11[%swap3A_135] {strides = array<i32>} : memref<768xf32, #tpu.memory_space<vmem>>, vector<16xf32>,
        tpu.vector_store %arg11[%swap3A_135], %mul3A_134 {strides = array<i32>} : memref<768xf32, #tpu.memory_space<vmem>>, vector<16xf32>,
        %get3A_137 = arith.constant 256 : index
        %get3A_138 = tpu.vector_load %arg10[%get3A_137] {strides = array<i32>} : memref<768xf32, #tpu.memory_space<vmem>>, vector<16xf32>,
        %mul3A_139 = arith.mulf %get3A_138, %div3A : vector<16xf32>
        %swap3A_140 = arith.constant 256 : index
        %swap3A_141 = tpu.vector_load %arg11[%swap3A_140] {strides = array<i32>} : memref<768xf32, #tpu.memory_space<vmem>>, vector<16xf32>,
        tpu.vector_store %arg11[%swap3A_140], %mul3A_139 {strides = array<i32>} : memref<768xf32, #tpu.memory_space<vmem>>, vector<16xf32>,
        %get3A_142 = arith.constant 272 : index
        %get3A_143 = tpu.vector_load %arg10[%get3A_142] {strides = array<i32>} : memref<768xf32, #tpu.memory_space<vmem>>, vector<16xf32>,
        %mul3A_144 = arith.mulf %get3A_143, %div3A : vector<16xf32>
        %swap3A_145 = arith.constant 272 : index
        %swap3A_146 = tpu.vector_load %arg11[%swap3A_145] {strides = array<i32>} : memref<768xf32, #tpu.memory_space<vmem>>, vector<16xf32>,
        tpu.vector_store %arg11[%swap3A_145], %mul3A_144 {strides = array<i32>} : memref<768xf32, #tpu.memory_space<vmem>>, vector<16xf32>,
        %get3A_147 = arith.constant 288 : index
        %get3A_148 = tpu.vector_load %arg10[%get3A_147] {strides = array<i32>} : memref<768xf32, #tpu.memory_space<vmem>>, vector<16xf32>,
        %mul3A_149 = arith.mulf %get3A_148, %div3A : vector<16xf32>
        %swap3A_150 = arith.constant 288 : index
        %swap3A_151 = tpu.vector_load %arg11[%swap3A_150] {strides = array<i32>} : memref<768xf32, #tpu.memory_space<vmem>>, vector<16xf32>,
        tpu.vector_store %arg11[%swap3A_150], %mul3A_149 {strides = array<i32>} : memref<768xf32, #tpu.memory_space<vmem>>, vector<16xf32>,
        %get3A_152 = arith.constant 304 : index
        %get3A_153 = tpu.vector_load %arg10[%get3A_152] {strides = array<i32>} : memref<768xf32, #tpu.memory_space<vmem>>, vector<16xf32>,
        %mul3A_154 = arith.mulf %get3A_153, %div3A : vector<16xf32>
        %swap3A_155 = arith.constant 304 : index
        %swap3A_156 = tpu.vector_load %arg11[%swap3A_155] {strides = array<i32>} : memref<768xf32, #tpu.memory_space<vmem>>, vector<16xf32>,
        tpu.vector_store %arg11[%swap3A_155], %mul3A_154 {strides = array<i32>} : memref<768xf32, #tpu.memory_space<vmem>>, vector<16xf32>,
        %get3A_157 = arith.constant 320 : index
        %get3A_158 = tpu.vector_load %arg10[%get3A_157] {strides = array<i32>} : memref<768xf32, #tpu.memory_space<vmem>>, vector<16xf32>,
        %mul3A_159 = arith.mulf %get3A_158, %div3A : vector<16xf32>
        %swap3A_160 = arith.constant 320 : index
        %swap3A_161 = tpu.vector_load %arg11[%swap3A_160] {strides = array<i32>} : memref<768xf32, #tpu.memory_space<vmem>>, vector<16xf32>,
        tpu.vector_store %arg11[%swap3A_160], %mul3A_159 {strides = array<i32>} : memref<768xf32, #tpu.memory_space<vmem>>, vector<16xf32>,
        %get3A_162 = arith.constant 336 : index
        %get3A_163 = tpu.vector_load %arg10[%get3A_162] {strides = array<i32>} : memref<768xf32, #tpu.memory_space<vmem>>, vector<16xf32>,
        %mul3A_164 = arith.mulf %get3A_163, %div3A : vector<16xf32>
        %swap3A_165 = arith.constant 336 : index
        %swap3A_166 = tpu.vector_load %arg11[%swap3A_165] {strides = array<i32>} : memref<768xf32, #tpu.memory_space<vmem>>, vector<16xf32>,
        tpu.vector_store %arg11[%swap3A_165], %mul3A_164 {strides = array<i32>} : memref<768xf32, #tpu.memory_space<vmem>>, vector<16xf32>,
        %get3A_167 = arith.constant 352 : index
        %get3A_168 = tpu.vector_load %arg10[%get3A_167] {strides = array<i32>} : memref<768xf32, #tpu.memory_space<vmem>>, vector<16xf32>,
        %mul3A_169 = arith.mulf %get3A_168, %div3A : vector<16xf32>
        %swap3A_170 = arith.constant 352 : index
        %swap3A_171 = tpu.vector_load %arg11[%swap3A_170] {strides = array<i32>} : memref<768xf32, #tpu.memory_space<vmem>>, vector<16xf32>,
        tpu.vector_store %arg11[%swap3A_170], %mul3A_169 {strides = array<i32>} : memref<768xf32, #tpu.memory_space<vmem>>, vector<16xf32>,
        %get3A_172 = arith.constant 368 : index
        %get3A_173 = tpu.vector_load %arg10[%get3A_172] {strides = array<i32>} : memref<768xf32, #tpu.memory_space<vmem>>, vector<16xf32>,
        %mul3A_174 = arith.mulf %get3A_173, %div3A : vector<16xf32>
        %swap3A_175 = arith.constant 368 : index
        %swap3A_176 = tpu.vector_load %arg11[%swap3A_175] {strides = array<i32>} : memref<768xf32, #tpu.memory_space<vmem>>, vector<16xf32>,
        tpu.vector_store %arg11[%swap3A_175], %mul3A_174 {strides = array<i32>} : memref<768xf32, #tpu.memory_space<vmem>>, vector<16xf32>,
        %get3A_177 = arith.constant 384 : index
        %get3A_178 = tpu.vector_load %arg10[%get3A_177] {strides = array<i32>} : memref<768xf32, #tpu.memory_space<vmem>>, vector<16xf32>,
        %mul3A_179 = arith.mulf %get3A_178, %div3A : vector<16xf32>
        %swap3A_180 = arith.constant 384 : index
        %swap3A_181 = tpu.vector_load %arg11[%swap3A_180] {strides = array<i32>} : memref<768xf32, #tpu.memory_space<vmem>>, vector<16xf32>,
        tpu.vector_store %arg11[%swap3A_180], %mul3A_179 {strides = array<i32>} : memref<768xf32, #tpu.memory_space<vmem>>, vector<16xf32>,
        %get3A_182 = arith.constant 400 : index
        %get3A_183 = tpu.vector_load %arg10[%get3A_182] {strides = array<i32>} : memref<768xf32, #tpu.memory_space<vmem>>, vector<16xf32>,
        %mul3A_184 = arith.mulf %get3A_183, %div3A : vector<16xf32>
        %swap3A_185 = arith.constant 400 : index
        %swap3A_186 = tpu.vector_load %arg11[%swap3A_185] {strides = array<i32>} : memref<768xf32, #tpu.memory_space<vmem>>, vector<16xf32>,
        tpu.vector_store %arg11[%swap3A_185], %mul3A_184 {strides = array<i32>} : memref<768xf32, #tpu.memory_space<vmem>>, vector<16xf32>,
        %get3A_187 = arith.constant 416 : index
        %get3A_188 = tpu.vector_load %arg10[%get3A_187] {strides = array<i32>} : memref<768xf32, #tpu.memory_space<vmem>>, vector<16xf32>,
        %mul3A_189 = arith.mulf %get3A_188, %div3A : vector<16xf32>
        %swap3A_190 = arith.constant 416 : index
        %swap3A_191 = tpu.vector_load %arg11[%swap3A_190] {strides = array<i32>} : memref<768xf32, #tpu.memory_space<vmem>>, vector<16xf32>,
        tpu.vector_store %arg11[%swap3A_190], %mul3A_189 {strides = array<i32>} : memref<768xf32, #tpu.memory_space<vmem>>, vector<16xf32>,
        %get3A_192 = arith.constant 432 : index
        %get3A_193 = tpu.vector_load %arg10[%get3A_192] {strides = array<i32>} : memref<768xf32, #tpu.memory_space<vmem>>, vector<16xf32>,
        %mul3A_194 = arith.mulf %get3A_193, %div3A : vector<16xf32>
        %swap3A_195 = arith.constant 432 : index
        %swap3A_196 = tpu.vector_load %arg11[%swap3A_195] {strides = array<i32>} : memref<768xf32, #tpu.memory_space<vmem>>, vector<16xf32>,
        tpu.vector_store %arg11[%swap3A_195], %mul3A_194 {strides = array<i32>} : memref<768xf32, #tpu.memory_space<vmem>>, vector<16xf32>,
        %get3A_197 = arith.constant 448 : index
        %get3A_198 = tpu.vector_load %arg10[%get3A_197] {strides = array<i32>} : memref<768xf32, #tpu.memory_space<vmem>>, vector<16xf32>,
        %mul3A_199 = arith.mulf %get3A_198, %div3A : vector<16xf32>
        %swap3A_200 = arith.constant 448 : index
        %swap3A_201 = tpu.vector_load %arg11[%swap3A_200] {strides = array<i32>} : memref<768xf32, #tpu.memory_space<vmem>>, vector<16xf32>,
        tpu.vector_store %arg11[%swap3A_200], %mul3A_199 {strides = array<i32>} : memref<768xf32, #tpu.memory_space<vmem>>, vector<16xf32>,
        %get3A_202 = arith.constant 464 : index
        %get3A_203 = tpu.vector_load %arg10[%get3A_202] {strides = array<i32>} : memref<768xf32, #tpu.memory_space<vmem>>, vector<16xf32>,
        %mul3A_204 = arith.mulf %get3A_203, %div3A : vector<16xf32>
        %swap3A_205 = arith.constant 464 : index
        %swap3A_206 = tpu.vector_load %arg11[%swap3A_205] {strides = array<i32>} : memref<768xf32, #tpu.memory_space<vmem>>, vector<16xf32>,
        tpu.vector_store %arg11[%swap3A_205], %mul3A_204 {strides = array<i32>} : memref<768xf32, #tpu.memory_space<vmem>>, vector<16xf32>,
        %get3A_207 = arith.constant 480 : index
        %get3A_208 = tpu.vector_load %arg10[%get3A_207] {strides = array<i32>} : memref<768xf32, #tpu.memory_space<vmem>>, vector<16xf32>,
        %mul3A_209 = arith.mulf %get3A_208, %div3A : vector<16xf32>
        %swap3A_210 = arith.constant 480 : index
        %swap3A_211 = tpu.vector_load %arg11[%swap3A_210] {strides = array<i32>} : memref<768xf32, #tpu.memory_space<vmem>>, vector<16xf32>,
        tpu.vector_store %arg11[%swap3A_210], %mul3A_209 {strides = array<i32>} : memref<768xf32, #tpu.memory_space<vmem>>, vector<16xf32>,
        %get3A_212 = arith.constant 496 : index
        %get3A_213 = tpu.vector_load %arg10[%get3A_212] {strides = array<i32>} : memref<768xf32, #tpu.memory_space<vmem>>, vector<16xf32>,
        %mul3A_214 = arith.mulf %get3A_213, %div3A : vector<16xf32>
        %swap3A_215 = arith.constant 496 : index
        %swap3A_216 = tpu.vector_load %arg11[%swap3A_215] {strides = array<i32>} : memref<768xf32, #tpu.memory_space<vmem>>, vector<16xf32>,
        tpu.vector_store %arg11[%swap3A_215], %mul3A_214 {strides = array<i32>} : memref<768xf32, #tpu.memory_space<vmem>>, vector<16xf32>,
        %get3A_217 = arith.constant 512 : index
        %get3A_218 = tpu.vector_load %arg10[%get3A_217] {strides = array<i32>} : memref<768xf32, #tpu.memory_space<vmem>>, vector<16xf32>,
        %mul3A_219 = arith.mulf %get3A_218, %div3A : vector<16xf32>
        %swap3A_220 = arith.constant 512 : index
        %swap3A_221 = tpu.vector_load %arg11[%swap3A_220] {strides = array<i32>} : memref<768xf32, #tpu.memory_space<vmem>>, vector<16xf32>,
        tpu.vector_store %arg11[%swap3A_220], %mul3A_219 {strides = array<i32>} : memref<768xf32, #tpu.memory_space<vmem>>, vector<16xf32>,
        %get3A_222 = arith.constant 528 : index
        %get3A_223 = tpu.vector_load %arg10[%get3A_222] {strides = array<i32>} : memref<768xf32, #tpu.memory_space<vmem>>, vector<16xf32>,
        %mul3A_224 = arith.mulf %get3A_223, %div3A : vector<16xf32>
        %swap3A_225 = arith.constant 528 : index
        %swap3A_226 = tpu.vector_load %arg11[%swap3A_225] {strides = array<i32>} : memref<768xf32, #tpu.memory_space<vmem>>, vector<16xf32>,
        tpu.vector_store %arg11[%swap3A_225], %mul3A_224 {strides = array<i32>} : memref<768xf32, #tpu.memory_space<vmem>>, vector<16xf32>,
        %get3A_227 = arith.constant 544 : index
        %get3A_228 = tpu.vector_load %arg10[%get3A_227] {strides = array<i32>} : memref<768xf32, #tpu.memory_space<vmem>>, vector<16xf32>,
        %mul3A_229 = arith.mulf %get3A_228, %div3A : vector<16xf32>
        %swap3A_230 = arith.constant 544 : index
        %swap3A_231 = tpu.vector_load %arg11[%swap3A_230] {strides = array<i32>} : memref<768xf32, #tpu.memory_space<vmem>>, vector<16xf32>,
        tpu.vector_store %arg11[%swap3A_230], %mul3A_229 {strides = array<i32>} : memref<768xf32, #tpu.memory_space<vmem>>, vector<16xf32>,
        %get3A_232 = arith.constant 560 : index
        %get3A_233 = tpu.vector_load %arg10[%get3A_232] {strides = array<i32>} : memref<768xf32, #tpu.memory_space<vmem>>, vector<16xf32>,
        %mul3A_234 = arith.mulf %get3A_233, %div3A : vector<16xf32>
        %swap3A_235 = arith.constant 560 : index
        %swap3A_236 = tpu.vector_load %arg11[%swap3A_235] {strides = array<i32>} : memref<768xf32, #tpu.memory_space<vmem>>, vector<16xf32>,
        tpu.vector_store %arg11[%swap3A_235], %mul3A_234 {strides = array<i32>} : memref<768xf32, #tpu.memory_space<vmem>>, vector<16xf32>,
        %get3A_237 = arith.constant 576 : index
        %get3A_238 = tpu.vector_load %arg10[%get3A_237] {strides = array<i32>} : memref<768xf32, #tpu.memory_space<vmem>>, vector<16xf32>,
        %mul3A_239 = arith.mulf %get3A_238, %div3A : vector<16xf32>
        %swap3A_240 = arith.constant 576 : index
        %swap3A_241 = tpu.vector_load %arg11[%swap3A_240] {strides = array<i32>} : memref<768xf32, #tpu.memory_space<vmem>>, vector<16xf32>,
        tpu.vector_store %arg11[%swap3A_240], %mul3A_239 {strides = array<i32>} : memref<768xf32, #tpu.memory_space<vmem>>, vector<16xf32>,
        %get3A_242 = arith.constant 592 : index
        %get3A_243 = tpu.vector_load %arg10[%get3A_242] {strides = array<i32>} : memref<768xf32, #tpu.memory_space<vmem>>, vector<16xf32>,
        %mul3A_244 = arith.mulf %get3A_243, %div3A : vector<16xf32>
        %swap3A_245 = arith.constant 592 : index
        %swap3A_246 = tpu.vector_load %arg11[%swap3A_245] {strides = array<i32>} : memref<768xf32, #tpu.memory_space<vmem>>, vector<16xf32>,
        tpu.vector_store %arg11[%swap3A_245], %mul3A_244 {strides = array<i32>} : memref<768xf32, #tpu.memory_space<vmem>>, vector<16xf32>,
        %get3A_247 = arith.constant 608 : index
        %get3A_248 = tpu.vector_load %arg10[%get3A_247] {strides = array<i32>} : memref<768xf32, #tpu.memory_space<vmem>>, vector<16xf32>,
        %mul3A_249 = arith.mulf %get3A_248, %div3A : vector<16xf32>
        %swap3A_250 = arith.constant 608 : index
        %swap3A_251 = tpu.vector_load %arg11[%swap3A_250] {strides = array<i32>} : memref<768xf32, #tpu.memory_space<vmem>>, vector<16xf32>,
        tpu.vector_store %arg11[%swap3A_250], %mul3A_249 {strides = array<i32>} : memref<768xf32, #tpu.memory_space<vmem>>, vector<16xf32>,
        %get3A_252 = arith.constant 624 : index
        %get3A_253 = tpu.vector_load %arg10[%get3A_252] {strides = array<i32>} : memref<768xf32, #tpu.memory_space<vmem>>, vector<16xf32>,
        %mul3A_254 = arith.mulf %get3A_253, %div3A : vector<16xf32>
        %swap3A_255 = arith.constant 624 : index
        %swap3A_256 = tpu.vector_load %arg11[%swap3A_255] {strides = array<i32>} : memref<768xf32, #tpu.memory_space<vmem>>, vector<16xf32>,
        tpu.vector_store %arg11[%swap3A_255], %mul3A_254 {strides = array<i32>} : memref<768xf32, #tpu.memory_space<vmem>>, vector<16xf32>,
        %get3A_257 = arith.constant 640 : index
        %get3A_258 = tpu.vector_load %arg10[%get3A_257] {strides = array<i32>} : memref<768xf32, #tpu.memory_space<vmem>>, vector<16xf32>,
        %mul3A_259 = arith.mulf %get3A_258, %div3A : vector<16xf32>
        %swap3A_260 = arith.constant 640 : index
        %swap3A_261 = tpu.vector_load %arg11[%swap3A_260] {strides = array<i32>} : memref<768xf32, #tpu.memory_space<vmem>>, vector<16xf32>,
        tpu.vector_store %arg11[%swap3A_260], %mul3A_259 {strides = array<i32>} : memref<768xf32, #tpu.memory_space<vmem>>, vector<16xf32>,
        %get3A_262 = arith.constant 656 : index
        %get3A_263 = tpu.vector_load %arg10[%get3A_262] {strides = array<i32>} : memref<768xf32, #tpu.memory_space<vmem>>, vector<16xf32>,
        %mul3A_264 = arith.mulf %get3A_263, %div3A : vector<16xf32>
        %swap3A_265 = arith.constant 656 : index
        %swap3A_266 = tpu.vector_load %arg11[%swap3A_265] {strides = array<i32>} : memref<768xf32, #tpu.memory_space<vmem>>, vector<16xf32>,
        tpu.vector_store %arg11[%swap3A_265], %mul3A_264 {strides = array<i32>} : memref<768xf32, #tpu.memory_space<vmem>>, vector<16xf32>,
        %get3A_267 = arith.constant 672 : index
        %get3A_268 = tpu.vector_load %arg10[%get3A_267] {strides = array<i32>} : memref<768xf32, #tpu.memory_space<vmem>>, vector<16xf32>,
        %mul3A_269 = arith.mulf %get3A_268, %div3A : vector<16xf32>
        %swap3A_270 = arith.constant 672 : index
        %swap3A_271 = tpu.vector_load %arg11[%swap3A_270] {strides = array<i32>} : memref<768xf32, #tpu.memory_space<vmem>>, vector<16xf32>,
        tpu.vector_store %arg11[%swap3A_270], %mul3A_269 {strides = array<i32>} : memref<768xf32, #tpu.memory_space<vmem>>, vector<16xf32>,
        %get3A_272 = arith.constant 688 : index
        %get3A_273 = tpu.vector_load %arg10[%get3A_272] {strides = array<i32>} : memref<768xf32, #tpu.memory_space<vmem>>, vector<16xf32>,
        %mul3A_274 = arith.mulf %get3A_273, %div3A : vector<16xf32>
        %swap3A_275 = arith.constant 688 : index
        %swap3A_276 = tpu.vector_load %arg11[%swap3A_275] {strides = array<i32>} : memref<768xf32, #tpu.memory_space<vmem>>, vector<16xf32>,
        tpu.vector_store %arg11[%swap3A_275], %mul3A_274 {strides = array<i32>} : memref<768xf32, #tpu.memory_space<vmem>>, vector<16xf32>,
        %get3A_277 = arith.constant 704 : index
        %get3A_278 = tpu.vector_load %arg10[%get3A_277] {strides = array<i32>} : memref<768xf32, #tpu.memory_space<vmem>>, vector<16xf32>,
        %mul3A_279 = arith.mulf %get3A_278, %div3A : vector<16xf32>
        %swap3A_280 = arith.constant 704 : index
        %swap3A_281 = tpu.vector_load %arg11[%swap3A_280] {strides = array<i32>} : memref<768xf32, #tpu.memory_space<vmem>>, vector<16xf32>,
        tpu.vector_store %arg11[%swap3A_280], %mul3A_279 {strides = array<i32>} : memref<768xf32, #tpu.memory_space<vmem>>, vector<16xf32>,
        %get3A_282 = arith.constant 720 : index
        %get3A_283 = tpu.vector_load %arg10[%get3A_282] {strides = array<i32>} : memref<768xf32, #tpu.memory_space<vmem>>, vector<16xf32>,
        %mul3A_284 = arith.mulf %get3A_283, %div3A : vector<16xf32>
        %swap3A_285 = arith.constant 720 : index
        %swap3A_286 = tpu.vector_load %arg11[%swap3A_285] {strides = array<i32>} : memref<768xf32, #tpu.memory_space<vmem>>, vector<16xf32>,
        tpu.vector_store %arg11[%swap3A_285], %mul3A_284 {strides = array<i32>} : memref<768xf32, #tpu.memory_space<vmem>>, vector<16xf32>,
        %get3A_287 = arith.constant 736 : index
        %get3A_288 = tpu.vector_load %arg10[%get3A_287] {strides = array<i32>} : memref<768xf32, #tpu.memory_space<vmem>>, vector<16xf32>,
        %mul3A_289 = arith.mulf %get3A_288, %div3A : vector<16xf32>
        %swap3A_290 = arith.constant 736 : index
        %swap3A_291 = tpu.vector_load %arg11[%swap3A_290] {strides = array<i32>} : memref<768xf32, #tpu.memory_space<vmem>>, vector<16xf32>,
        tpu.vector_store %arg11[%swap3A_290], %mul3A_289 {strides = array<i32>} : memref<768xf32, #tpu.memory_space<vmem>>, vector<16xf32>,
        %get3A_292 = arith.constant 752 : index
        %get3A_293 = tpu.vector_load %arg10[%get3A_292] {strides = array<i32>} : memref<768xf32, #tpu.memory_space<vmem>>, vector<16xf32>,
        %mul3A_294 = arith.mulf %get3A_293, %div3A : vector<16xf32>
        %swap3A_295 = arith.constant 752 : index
        %swap3A_296 = tpu.vector_load %arg11[%swap3A_295] {strides = array<i32>} : memref<768xf32, #tpu.memory_space<vmem>>, vector<16xf32>,
        tpu.vector_store %arg11[%swap3A_295], %mul3A_294 {strides = array<i32>} : memref<768xf32, #tpu.memory_space<vmem>>, vector<16xf32>,
        "tpu.region"() ({
          %run_scoped3A = tpu.sem_alloc : memref<!tpu.dma_semaphore, #tpu.memory_space<semaphore_mem>>
          %dma_start3A = arith.constant 0 : i32
          %dma_start3A_297 = tpu.memref_slice %arg2[%scan3A_48#0, %dma_start3A] : memref<100000x768xf32, #tpu.memory_space<hbm>> -> memref<1x768xf32, #tpu.memory_space<hbm>>
          %dma_start3A_298 = tpu.memref_squeeze %dma_start3A_297 : memref<1x768xf32, #tpu.memory_space<hbm>> -> memref<768xf32, #tpu.memory_space<hbm>>
          %dma_start3A_299 = arith.constant 0 : i32
          %dma_start3A_300 = tpu.memref_slice %arg2[%scan3A_48#0, %dma_start3A_299] : memref<100000x768xf32, #tpu.memory_space<hbm>> -> memref<1x768xf32, #tpu.memory_space<hbm>>
          %dma_start3A_301 = tpu.memref_squeeze %dma_start3A_300 : memref<1x768xf32, #tpu.memory_space<hbm>> -> memref<768xf32, #tpu.memory_space<hbm>>
          tpu.enqueue_dma source(%arg11 : memref<768xf32, #tpu.memory_space<vmem>>) target(%dma_start3A_301 : memref<768xf32, #tpu.memory_space<hbm>>) target_semaphore(%run_scoped3A : memref<!tpu.dma_semaphore, #tpu.memory_space<semaphore_mem>>)
          %dma_wait3A = arith.constant 0 : i32
          %dma_wait3A_302 = tpu.memref_slice %arg2[%scan3A_48#0, %dma_wait3A] : memref<100000x768xf32, #tpu.memory_space<hbm>> -> memref<1x768xf32, #tpu.memory_space<hbm>>
          %dma_wait3A_303 = tpu.memref_squeeze %dma_wait3A_302 : memref<1x768xf32, #tpu.memory_space<hbm>> -> memref<768xf32, #tpu.memory_space<hbm>>
          %dma_wait3A_304 = arith.constant 0 : i32
          %dma_wait3A_305 = tpu.memref_slice %arg2[%scan3A_48#0, %dma_wait3A_304] : memref<100000x768xf32, #tpu.memory_space<hbm>> -> memref<1x768xf32, #tpu.memory_space<hbm>>
          %dma_wait3A_306 = tpu.memref_squeeze %dma_wait3A_305 : memref<1x768xf32, #tpu.memory_space<hbm>> -> memref<768xf32, #tpu.memory_space<hbm>>
          tpu.wait_dma2 semaphore(%run_scoped3A : memref<!tpu.dma_semaphore, #tpu.memory_space<semaphore_mem>>) src(%arg11 : memref<768xf32, #tpu.memory_space<vmem>>) dst(%dma_wait3A_306 : memref<768xf32, #tpu.memory_space<hbm>>)
          tpu.yield
        }) : () -> ()
        "tpu.region"() ({
          %run_scoped3A = tpu.sem_alloc : memref<!tpu.dma_semaphore, #tpu.memory_space<semaphore_mem>>
          %dma_start3A = arith.constant 0 : i32
          %dma_start3A_297 = tpu.memref_slice %arg3[%scan3A_48#0, %dma_start3A] : memref<100000x128xf32, #tpu.memory_space<hbm>> -> memref<1x128xf32, #tpu.memory_space<hbm>>
          %dma_start3A_298 = tpu.memref_squeeze %dma_start3A_297 : memref<1x128xf32, #tpu.memory_space<hbm>> -> memref<128xf32, #tpu.memory_space<hbm>>
          %dma_start3A_299 = arith.constant 0 : i32
          %dma_start3A_300 = tpu.memref_slice %arg3[%scan3A_48#0, %dma_start3A_299] : memref<100000x128xf32, #tpu.memory_space<hbm>> -> memref<1x128xf32, #tpu.memory_space<hbm>>
          %dma_start3A_301 = tpu.memref_squeeze %dma_start3A_300 : memref<1x128xf32, #tpu.memory_space<hbm>> -> memref<128xf32, #tpu.memory_space<hbm>>
          tpu.enqueue_dma source(%arg12 : memref<128xf32, #tpu.memory_space<vmem>>) target(%dma_start3A_301 : memref<128xf32, #tpu.memory_space<hbm>>) target_semaphore(%run_scoped3A : memref<!tpu.dma_semaphore, #tpu.memory_space<semaphore_mem>>)
          %dma_wait3A = arith.constant 0 : i32
          %dma_wait3A_302 = tpu.memref_slice %arg3[%scan3A_48#0, %dma_wait3A] : memref<100000x128xf32, #tpu.memory_space<hbm>> -> memref<1x128xf32, #tpu.memory_space<hbm>>
          %dma_wait3A_303 = tpu.memref_squeeze %dma_wait3A_302 : memref<1x128xf32, #tpu.memory_space<hbm>> -> memref<128xf32, #tpu.memory_space<hbm>>
          %dma_wait3A_304 = arith.constant 0 : i32
          %dma_wait3A_305 = tpu.memref_slice %arg3[%scan3A_48#0, %dma_wait3A_304] : memref<100000x128xf32, #tpu.memory_space<hbm>> -> memref<1x128xf32, #tpu.memory_space<hbm>>
          %dma_wait3A_306 = tpu.memref_squeeze %dma_wait3A_305 : memref<1x128xf32, #tpu.memory_space<hbm>> -> memref<128xf32, #tpu.memory_space<hbm>>
          tpu.wait_dma2 semaphore(%run_scoped3A : memref<!tpu.dma_semaphore, #tpu.memory_space<semaphore_mem>>) src(%arg12 : memref<128xf32, #tpu.memory_space<vmem>>) dst(%dma_wait3A_306 : memref<128xf32, #tpu.memory_space<hbm>>)
          tpu.yield
        }) : () -> ()
      } else {
      }
    } else {
    }
    %barrier3A = arith.constant 0 : index
    tpu.barrier barrier_id(%barrier3A)
    %mul3A_4 = arith.constant 1600 : i32
    %mul3A_5 = arith.muli %add3A, %mul3A_4 : i32
    %scan3A = arith.constant 0 : i32
    %scan3A_6 = arith.constant 0 : i32
    %scan3A_7 = arith.constant 25 : i32
    %scan3A_8 = arith.addi %scan3A_6, %scan3A_7 : i32
    %scan3A_9 = arith.constant 1 : i32
    scf.for %scan3A_11 = %scan3A_6 to %scan3A_8 step %scan3A_9  : i32 {
      %mul3A_12 = arith.constant 64 : i32
      %mul3A_13 = arith.muli %scan3A_11, %mul3A_12 : i32
      %add3A_14 = arith.addi %mul3A_5, %mul3A_13 : i32
      %multiple_of3A = tpu.assume_multiple %add3A_14, 64 : i32
      "tpu.region"() ({
        %run_scoped3A = tpu.sem_alloc : memref<!tpu.dma_semaphore, #tpu.memory_space<semaphore_mem>>
        %dma_start3A_31 = tpu.memref_slice %arg6[%multiple_of3A] : memref<51200xi32, #tpu.memory_space<hbm>> -> memref<64xi32, #tpu.memory_space<hbm>>
        %dma_start3A_32 = tpu.memref_slice %arg6[%multiple_of3A] : memref<51200xi32, #tpu.memory_space<hbm>> -> memref<64xi32, #tpu.memory_space<hbm>>
        tpu.enqueue_dma source(%dma_start3A_32 : memref<64xi32, #tpu.memory_space<hbm>>) target(%arg13 : memref<64xi32, #tpu.memory_space<vmem>>) target_semaphore(%run_scoped3A : memref<!tpu.dma_semaphore, #tpu.memory_space<semaphore_mem>>)
        %dma_wait3A_33 = tpu.memref_slice %arg6[%multiple_of3A] : memref<51200xi32, #tpu.memory_space<hbm>> -> memref<64xi32, #tpu.memory_space<hbm>>
        %dma_wait3A_34 = tpu.memref_slice %arg6[%multiple_of3A] : memref<51200xi32, #tpu.memory_space<hbm>> -> memref<64xi32, #tpu.memory_space<hbm>>
        tpu.wait_dma2 semaphore(%run_scoped3A : memref<!tpu.dma_semaphore, #tpu.memory_space<semaphore_mem>>) src(%dma_wait3A_34 : memref<64xi32, #tpu.memory_space<hbm>>) dst(%arg13 : memref<64xi32, #tpu.memory_space<vmem>>)
        tpu.yield
      }) : () -> ()
      %dma_start3A = arith.constant 0 : i32
      %dma_start3A_15 = arith.constant 0 : i32
      %dma_start3A_16 = tpu.memref_slice %arg2[%dma_start3A, %dma_start3A_15] : memref<100000x768xf32, #tpu.memory_space<hbm>> -> memref<100000x768xf32, #tpu.memory_space<hbm>>
      tpu.enqueue_indirect_dma source(%dma_start3A_16 : memref<100000x768xf32, #tpu.memory_space<hbm>>) target(%arg14 : memref<64x768xf32, #tpu.memory_space<vmem>>) offsets(%arg13 : memref<64xi32, #tpu.memory_space<vmem>>) semaphore(%arg16 : memref<!tpu.dma_semaphore, #tpu.memory_space<semaphore_mem>>)
      %dma_start3A_17 = arith.constant 0 : i32
      %dma_start3A_18 = arith.constant 0 : i32
      %dma_start3A_19 = tpu.memref_slice %arg3[%dma_start3A_17, %dma_start3A_18] : memref<100000x128xf32, #tpu.memory_space<hbm>> -> memref<100000x128xf32, #tpu.memory_space<hbm>>
      tpu.enqueue_indirect_dma source(%dma_start3A_19 : memref<100000x128xf32, #tpu.memory_space<hbm>>) target(%arg15 : memref<64x128xf32, #tpu.memory_space<vmem>>) offsets(%arg13 : memref<64xi32, #tpu.memory_space<vmem>>) semaphore(%arg17 : memref<!tpu.dma_semaphore, #tpu.memory_space<semaphore_mem>>)
      %dma_wait3A = arith.constant 0 : i32
      %dma_wait3A_20 = arith.constant 0 : i32
      %dma_wait3A_21 = tpu.memref_slice %arg2[%dma_wait3A, %dma_wait3A_20] : memref<100000x768xf32, #tpu.memory_space<hbm>> -> memref<100000x768xf32, #tpu.memory_space<hbm>>
      tpu.wait_indirect_dma semaphore(%arg16 : memref<!tpu.dma_semaphore, #tpu.memory_space<semaphore_mem>>) src(%dma_wait3A_21 : memref<100000x768xf32, #tpu.memory_space<hbm>>) dst(%arg14 : memref<64x768xf32, #tpu.memory_space<vmem>>)
      %dma_wait3A_22 = arith.constant 0 : i32
      %dma_wait3A_23 = arith.constant 0 : i32
      %dma_wait3A_24 = tpu.memref_slice %arg3[%dma_wait3A_22, %dma_wait3A_23] : memref<100000x128xf32, #tpu.memory_space<hbm>> -> memref<100000x128xf32, #tpu.memory_space<hbm>>
      tpu.wait_indirect_dma semaphore(%arg17 : memref<!tpu.dma_semaphore, #tpu.memory_space<semaphore_mem>>) src(%dma_wait3A_24 : memref<100000x128xf32, #tpu.memory_space<hbm>>) dst(%arg15 : memref<64x128xf32, #tpu.memory_space<vmem>>)
      %scan3A_25 = arith.constant 0 : i32
      %scan3A_26 = arith.constant 0 : i32
      %scan3A_27 = arith.constant 64 : i32
      %scan3A_28 = arith.addi %scan3A_26, %scan3A_27 : i32
      %scan3A_29 = arith.constant 1 : i32
      scf.for %scan3A_31 = %scan3A_26 to %scan3A_28 step %scan3A_29  : i32 {
        %broadcast_in_dim3A_32 = vector.broadcast %scan3A_31 : i32 to vector<16xi32>
        %broadcast_in_dim3A_33 = arith.constant 0 : i32
        %broadcast_in_dim3A_34 = vector.broadcast %broadcast_in_dim3A_33 : i32 to vector<16xi32>
        %gather3A = tpu.vector_load_idx %arg15[%broadcast_in_dim3A_32, %broadcast_in_dim3A_34] : memref<64x128xf32, #tpu.memory_space<vmem>>[vector<16xi32>, vector<16xi32>], vector<16xf32>,
        %slice3A = vector.extract_strided_slice %gather3A {offsets = [0], sizes = [1], strides = [1]} : vector<16xf32> to vector<1xf32>
        %squeeze3A = vector.extract %slice3A[0] : f32 from vector<1xf32>
        %eq3A_35 = arith.constant 0.000000e+00 : f32
        %eq3A_36 = arith.cmpf oeq, %squeeze3A, %eq3A_35 : f32
        %convert_element_type3A_37 = arith.extui %eq3A_36 : i1 to i32
        %cond3A_38 = arith.constant 0 : i32
        %cond3A_39 = arith.cmpi ne, %convert_element_type3A_37, %cond3A_38 : i32
        scf.if %cond3A_39 {
          %iota3A = tpu.iota {dimensions = array<i32: 0>} : vector<16xi32>
          %broadcast_in_dim3A_40 = vector.broadcast %scan3A_31 : i32 to vector<16xi32>
          %add3A_41 = arith.constant 0 : i32
          %add3A_42 = vector.broadcast %add3A_41 : i32 to vector<16xi32>
          %add3A_43 = arith.addi %add3A_42, %iota3A : vector<16xi32>
          tpu.vector_store_idx %arg14[%broadcast_in_dim3A_40, %add3A_43], %broadcast_in_dim3A_1 : memref<64x768xf32, #tpu.memory_space<vmem>>[vector<16xi32>, vector<16xi32>], vector<16xf32>,
          %iota3A_44 = tpu.iota {dimensions = array<i32: 0>} : vector<16xi32>
          %broadcast_in_dim3A_45 = vector.broadcast %scan3A_31 : i32 to vector<16xi32>
          %add3A_46 = arith.constant 16 : i32
          %add3A_47 = vector.broadcast %add3A_46 : i32 to vector<16xi32>
          %add3A_48 = arith.addi %add3A_47, %iota3A_44 : vector<16xi32>
          tpu.vector_store_idx %arg14[%broadcast_in_dim3A_45, %add3A_48], %broadcast_in_dim3A_1 : memref<64x768xf32, #tpu.memory_space<vmem>>[vector<16xi32>, vector<16xi32>], vector<16xf32>,
          %iota3A_49 = tpu.iota {dimensions = array<i32: 0>} : vector<16xi32>
          %broadcast_in_dim3A_50 = vector.broadcast %scan3A_31 : i32 to vector<16xi32>
          %add3A_51 = arith.constant 32 : i32
          %add3A_52 = vector.broadcast %add3A_51 : i32 to vector<16xi32>
          %add3A_53 = arith.addi %add3A_52, %iota3A_49 : vector<16xi32>
          tpu.vector_store_idx %arg14[%broadcast_in_dim3A_50, %add3A_53], %broadcast_in_dim3A_1 : memref<64x768xf32, #tpu.memory_space<vmem>>[vector<16xi32>, vector<16xi32>], vector<16xf32>,
          %iota3A_54 = tpu.iota {dimensions = array<i32: 0>} : vector<16xi32>
          %broadcast_in_dim3A_55 = vector.broadcast %scan3A_31 : i32 to vector<16xi32>
          %add3A_56 = arith.constant 48 : i32
          %add3A_57 = vector.broadcast %add3A_56 : i32 to vector<16xi32>
          %add3A_58 = arith.addi %add3A_57, %iota3A_54 : vector<16xi32>
          tpu.vector_store_idx %arg14[%broadcast_in_dim3A_55, %add3A_58], %broadcast_in_dim3A_1 : memref<64x768xf32, #tpu.memory_space<vmem>>[vector<16xi32>, vector<16xi32>], vector<16xf32>,
          %iota3A_59 = tpu.iota {dimensions = array<i32: 0>} : vector<16xi32>
          %broadcast_in_dim3A_60 = vector.broadcast %scan3A_31 : i32 to vector<16xi32>
          %add3A_61 = arith.constant 64 : i32
          %add3A_62 = vector.broadcast %add3A_61 : i32 to vector<16xi32>
          %add3A_63 = arith.addi %add3A_62, %iota3A_59 : vector<16xi32>
          tpu.vector_store_idx %arg14[%broadcast_in_dim3A_60, %add3A_63], %broadcast_in_dim3A_1 : memref<64x768xf32, #tpu.memory_space<vmem>>[vector<16xi32>, vector<16xi32>], vector<16xf32>,
          %iota3A_64 = tpu.iota {dimensions = array<i32: 0>} : vector<16xi32>
          %broadcast_in_dim3A_65 = vector.broadcast %scan3A_31 : i32 to vector<16xi32>
          %add3A_66 = arith.constant 80 : i32
          %add3A_67 = vector.broadcast %add3A_66 : i32 to vector<16xi32>
          %add3A_68 = arith.addi %add3A_67, %iota3A_64 : vector<16xi32>
          tpu.vector_store_idx %arg14[%broadcast_in_dim3A_65, %add3A_68], %broadcast_in_dim3A_1 : memref<64x768xf32, #tpu.memory_space<vmem>>[vector<16xi32>, vector<16xi32>], vector<16xf32>,
          %iota3A_69 = tpu.iota {dimensions = array<i32: 0>} : vector<16xi32>
          %broadcast_in_dim3A_70 = vector.broadcast %scan3A_31 : i32 to vector<16xi32>
          %add3A_71 = arith.constant 96 : i32
          %add3A_72 = vector.broadcast %add3A_71 : i32 to vector<16xi32>
          %add3A_73 = arith.addi %add3A_72, %iota3A_69 : vector<16xi32>
          tpu.vector_store_idx %arg14[%broadcast_in_dim3A_70, %add3A_73], %broadcast_in_dim3A_1 : memref<64x768xf32, #tpu.memory_space<vmem>>[vector<16xi32>, vector<16xi32>], vector<16xf32>,
          %iota3A_74 = tpu.iota {dimensions = array<i32: 0>} : vector<16xi32>
          %broadcast_in_dim3A_75 = vector.broadcast %scan3A_31 : i32 to vector<16xi32>
          %add3A_76 = arith.constant 112 : i32
          %add3A_77 = vector.broadcast %add3A_76 : i32 to vector<16xi32>
          %add3A_78 = arith.addi %add3A_77, %iota3A_74 : vector<16xi32>
          tpu.vector_store_idx %arg14[%broadcast_in_dim3A_75, %add3A_78], %broadcast_in_dim3A_1 : memref<64x768xf32, #tpu.memory_space<vmem>>[vector<16xi32>, vector<16xi32>], vector<16xf32>,
          %iota3A_79 = tpu.iota {dimensions = array<i32: 0>} : vector<16xi32>
          %broadcast_in_dim3A_80 = vector.broadcast %scan3A_31 : i32 to vector<16xi32>
          %add3A_81 = arith.constant 128 : i32
          %add3A_82 = vector.broadcast %add3A_81 : i32 to vector<16xi32>
          %add3A_83 = arith.addi %add3A_82, %iota3A_79 : vector<16xi32>
          tpu.vector_store_idx %arg14[%broadcast_in_dim3A_80, %add3A_83], %broadcast_in_dim3A_1 : memref<64x768xf32, #tpu.memory_space<vmem>>[vector<16xi32>, vector<16xi32>], vector<16xf32>,
          %iota3A_84 = tpu.iota {dimensions = array<i32: 0>} : vector<16xi32>
          %broadcast_in_dim3A_85 = vector.broadcast %scan3A_31 : i32 to vector<16xi32>
          %add3A_86 = arith.constant 144 : i32
          %add3A_87 = vector.broadcast %add3A_86 : i32 to vector<16xi32>
          %add3A_88 = arith.addi %add3A_87, %iota3A_84 : vector<16xi32>
          tpu.vector_store_idx %arg14[%broadcast_in_dim3A_85, %add3A_88], %broadcast_in_dim3A_1 : memref<64x768xf32, #tpu.memory_space<vmem>>[vector<16xi32>, vector<16xi32>], vector<16xf32>,
          %iota3A_89 = tpu.iota {dimensions = array<i32: 0>} : vector<16xi32>
          %broadcast_in_dim3A_90 = vector.broadcast %scan3A_31 : i32 to vector<16xi32>
          %add3A_91 = arith.constant 160 : i32
          %add3A_92 = vector.broadcast %add3A_91 : i32 to vector<16xi32>
          %add3A_93 = arith.addi %add3A_92, %iota3A_89 : vector<16xi32>
          tpu.vector_store_idx %arg14[%broadcast_in_dim3A_90, %add3A_93], %broadcast_in_dim3A_1 : memref<64x768xf32, #tpu.memory_space<vmem>>[vector<16xi32>, vector<16xi32>], vector<16xf32>,
          %iota3A_94 = tpu.iota {dimensions = array<i32: 0>} : vector<16xi32>
          %broadcast_in_dim3A_95 = vector.broadcast %scan3A_31 : i32 to vector<16xi32>
          %add3A_96 = arith.constant 176 : i32
          %add3A_97 = vector.broadcast %add3A_96 : i32 to vector<16xi32>
          %add3A_98 = arith.addi %add3A_97, %iota3A_94 : vector<16xi32>
          tpu.vector_store_idx %arg14[%broadcast_in_dim3A_95, %add3A_98], %broadcast_in_dim3A_1 : memref<64x768xf32, #tpu.memory_space<vmem>>[vector<16xi32>, vector<16xi32>], vector<16xf32>,
          %iota3A_99 = tpu.iota {dimensions = array<i32: 0>} : vector<16xi32>
          %broadcast_in_dim3A_100 = vector.broadcast %scan3A_31 : i32 to vector<16xi32>
          %add3A_101 = arith.constant 192 : i32
          %add3A_102 = vector.broadcast %add3A_101 : i32 to vector<16xi32>
          %add3A_103 = arith.addi %add3A_102, %iota3A_99 : vector<16xi32>
          tpu.vector_store_idx %arg14[%broadcast_in_dim3A_100, %add3A_103], %broadcast_in_dim3A_1 : memref<64x768xf32, #tpu.memory_space<vmem>>[vector<16xi32>, vector<16xi32>], vector<16xf32>,
          %iota3A_104 = tpu.iota {dimensions = array<i32: 0>} : vector<16xi32>
          %broadcast_in_dim3A_105 = vector.broadcast %scan3A_31 : i32 to vector<16xi32>
          %add3A_106 = arith.constant 208 : i32
          %add3A_107 = vector.broadcast %add3A_106 : i32 to vector<16xi32>
          %add3A_108 = arith.addi %add3A_107, %iota3A_104 : vector<16xi32>
          tpu.vector_store_idx %arg14[%broadcast_in_dim3A_105, %add3A_108], %broadcast_in_dim3A_1 : memref<64x768xf32, #tpu.memory_space<vmem>>[vector<16xi32>, vector<16xi32>], vector<16xf32>,
          %iota3A_109 = tpu.iota {dimensions = array<i32: 0>} : vector<16xi32>
          %broadcast_in_dim3A_110 = vector.broadcast %scan3A_31 : i32 to vector<16xi32>
          %add3A_111 = arith.constant 224 : i32
          %add3A_112 = vector.broadcast %add3A_111 : i32 to vector<16xi32>
          %add3A_113 = arith.addi %add3A_112, %iota3A_109 : vector<16xi32>
          tpu.vector_store_idx %arg14[%broadcast_in_dim3A_110, %add3A_113], %broadcast_in_dim3A_1 : memref<64x768xf32, #tpu.memory_space<vmem>>[vector<16xi32>, vector<16xi32>], vector<16xf32>,
          %iota3A_114 = tpu.iota {dimensions = array<i32: 0>} : vector<16xi32>
          %broadcast_in_dim3A_115 = vector.broadcast %scan3A_31 : i32 to vector<16xi32>
          %add3A_116 = arith.constant 240 : i32
          %add3A_117 = vector.broadcast %add3A_116 : i32 to vector<16xi32>
          %add3A_118 = arith.addi %add3A_117, %iota3A_114 : vector<16xi32>
          tpu.vector_store_idx %arg14[%broadcast_in_dim3A_115, %add3A_118], %broadcast_in_dim3A_1 : memref<64x768xf32, #tpu.memory_space<vmem>>[vector<16xi32>, vector<16xi32>], vector<16xf32>,
          %iota3A_119 = tpu.iota {dimensions = array<i32: 0>} : vector<16xi32>
          %broadcast_in_dim3A_120 = vector.broadcast %scan3A_31 : i32 to vector<16xi32>
          %add3A_121 = arith.constant 256 : i32
          %add3A_122 = vector.broadcast %add3A_121 : i32 to vector<16xi32>
          %add3A_123 = arith.addi %add3A_122, %iota3A_119 : vector<16xi32>
          tpu.vector_store_idx %arg14[%broadcast_in_dim3A_120, %add3A_123], %broadcast_in_dim3A_1 : memref<64x768xf32, #tpu.memory_space<vmem>>[vector<16xi32>, vector<16xi32>], vector<16xf32>,
          %iota3A_124 = tpu.iota {dimensions = array<i32: 0>} : vector<16xi32>
          %broadcast_in_dim3A_125 = vector.broadcast %scan3A_31 : i32 to vector<16xi32>
          %add3A_126 = arith.constant 272 : i32
          %add3A_127 = vector.broadcast %add3A_126 : i32 to vector<16xi32>
          %add3A_128 = arith.addi %add3A_127, %iota3A_124 : vector<16xi32>
          tpu.vector_store_idx %arg14[%broadcast_in_dim3A_125, %add3A_128], %broadcast_in_dim3A_1 : memref<64x768xf32, #tpu.memory_space<vmem>>[vector<16xi32>, vector<16xi32>], vector<16xf32>,
          %iota3A_129 = tpu.iota {dimensions = array<i32: 0>} : vector<16xi32>
          %broadcast_in_dim3A_130 = vector.broadcast %scan3A_31 : i32 to vector<16xi32>
          %add3A_131 = arith.constant 288 : i32
          %add3A_132 = vector.broadcast %add3A_131 : i32 to vector<16xi32>
          %add3A_133 = arith.addi %add3A_132, %iota3A_129 : vector<16xi32>
          tpu.vector_store_idx %arg14[%broadcast_in_dim3A_130, %add3A_133], %broadcast_in_dim3A_1 : memref<64x768xf32, #tpu.memory_space<vmem>>[vector<16xi32>, vector<16xi32>], vector<16xf32>,
          %iota3A_134 = tpu.iota {dimensions = array<i32: 0>} : vector<16xi32>
          %broadcast_in_dim3A_135 = vector.broadcast %scan3A_31 : i32 to vector<16xi32>
          %add3A_136 = arith.constant 304 : i32
          %add3A_137 = vector.broadcast %add3A_136 : i32 to vector<16xi32>
          %add3A_138 = arith.addi %add3A_137, %iota3A_134 : vector<16xi32>
          tpu.vector_store_idx %arg14[%broadcast_in_dim3A_135, %add3A_138], %broadcast_in_dim3A_1 : memref<64x768xf32, #tpu.memory_space<vmem>>[vector<16xi32>, vector<16xi32>], vector<16xf32>,
          %iota3A_139 = tpu.iota {dimensions = array<i32: 0>} : vector<16xi32>
          %broadcast_in_dim3A_140 = vector.broadcast %scan3A_31 : i32 to vector<16xi32>
          %add3A_141 = arith.constant 320 : i32
          %add3A_142 = vector.broadcast %add3A_141 : i32 to vector<16xi32>
          %add3A_143 = arith.addi %add3A_142, %iota3A_139 : vector<16xi32>
          tpu.vector_store_idx %arg14[%broadcast_in_dim3A_140, %add3A_143], %broadcast_in_dim3A_1 : memref<64x768xf32, #tpu.memory_space<vmem>>[vector<16xi32>, vector<16xi32>], vector<16xf32>,
          %iota3A_144 = tpu.iota {dimensions = array<i32: 0>} : vector<16xi32>
          %broadcast_in_dim3A_145 = vector.broadcast %scan3A_31 : i32 to vector<16xi32>
          %add3A_146 = arith.constant 336 : i32
          %add3A_147 = vector.broadcast %add3A_146 : i32 to vector<16xi32>
          %add3A_148 = arith.addi %add3A_147, %iota3A_144 : vector<16xi32>
          tpu.vector_store_idx %arg14[%broadcast_in_dim3A_145, %add3A_148], %broadcast_in_dim3A_1 : memref<64x768xf32, #tpu.memory_space<vmem>>[vector<16xi32>, vector<16xi32>], vector<16xf32>,
          %iota3A_149 = tpu.iota {dimensions = array<i32: 0>} : vector<16xi32>
          %broadcast_in_dim3A_150 = vector.broadcast %scan3A_31 : i32 to vector<16xi32>
          %add3A_151 = arith.constant 352 : i32
          %add3A_152 = vector.broadcast %add3A_151 : i32 to vector<16xi32>
          %add3A_153 = arith.addi %add3A_152, %iota3A_149 : vector<16xi32>
          tpu.vector_store_idx %arg14[%broadcast_in_dim3A_150, %add3A_153], %broadcast_in_dim3A_1 : memref<64x768xf32, #tpu.memory_space<vmem>>[vector<16xi32>, vector<16xi32>], vector<16xf32>,
          %iota3A_154 = tpu.iota {dimensions = array<i32: 0>} : vector<16xi32>
          %broadcast_in_dim3A_155 = vector.broadcast %scan3A_31 : i32 to vector<16xi32>
          %add3A_156 = arith.constant 368 : i32
          %add3A_157 = vector.broadcast %add3A_156 : i32 to vector<16xi32>
          %add3A_158 = arith.addi %add3A_157, %iota3A_154 : vector<16xi32>
          tpu.vector_store_idx %arg14[%broadcast_in_dim3A_155, %add3A_158], %broadcast_in_dim3A_1 : memref<64x768xf32, #tpu.memory_space<vmem>>[vector<16xi32>, vector<16xi32>], vector<16xf32>,
          %iota3A_159 = tpu.iota {dimensions = array<i32: 0>} : vector<16xi32>
          %broadcast_in_dim3A_160 = vector.broadcast %scan3A_31 : i32 to vector<16xi32>
          %add3A_161 = arith.constant 384 : i32
          %add3A_162 = vector.broadcast %add3A_161 : i32 to vector<16xi32>
          %add3A_163 = arith.addi %add3A_162, %iota3A_159 : vector<16xi32>
          tpu.vector_store_idx %arg14[%broadcast_in_dim3A_160, %add3A_163], %broadcast_in_dim3A_1 : memref<64x768xf32, #tpu.memory_space<vmem>>[vector<16xi32>, vector<16xi32>], vector<16xf32>,
          %iota3A_164 = tpu.iota {dimensions = array<i32: 0>} : vector<16xi32>
          %broadcast_in_dim3A_165 = vector.broadcast %scan3A_31 : i32 to vector<16xi32>
          %add3A_166 = arith.constant 400 : i32
          %add3A_167 = vector.broadcast %add3A_166 : i32 to vector<16xi32>
          %add3A_168 = arith.addi %add3A_167, %iota3A_164 : vector<16xi32>
          tpu.vector_store_idx %arg14[%broadcast_in_dim3A_165, %add3A_168], %broadcast_in_dim3A_1 : memref<64x768xf32, #tpu.memory_space<vmem>>[vector<16xi32>, vector<16xi32>], vector<16xf32>,
          %iota3A_169 = tpu.iota {dimensions = array<i32: 0>} : vector<16xi32>
          %broadcast_in_dim3A_170 = vector.broadcast %scan3A_31 : i32 to vector<16xi32>
          %add3A_171 = arith.constant 416 : i32
          %add3A_172 = vector.broadcast %add3A_171 : i32 to vector<16xi32>
          %add3A_173 = arith.addi %add3A_172, %iota3A_169 : vector<16xi32>
          tpu.vector_store_idx %arg14[%broadcast_in_dim3A_170, %add3A_173], %broadcast_in_dim3A_1 : memref<64x768xf32, #tpu.memory_space<vmem>>[vector<16xi32>, vector<16xi32>], vector<16xf32>,
          %iota3A_174 = tpu.iota {dimensions = array<i32: 0>} : vector<16xi32>
          %broadcast_in_dim3A_175 = vector.broadcast %scan3A_31 : i32 to vector<16xi32>
          %add3A_176 = arith.constant 432 : i32
          %add3A_177 = vector.broadcast %add3A_176 : i32 to vector<16xi32>
          %add3A_178 = arith.addi %add3A_177, %iota3A_174 : vector<16xi32>
          tpu.vector_store_idx %arg14[%broadcast_in_dim3A_175, %add3A_178], %broadcast_in_dim3A_1 : memref<64x768xf32, #tpu.memory_space<vmem>>[vector<16xi32>, vector<16xi32>], vector<16xf32>,
          %iota3A_179 = tpu.iota {dimensions = array<i32: 0>} : vector<16xi32>
          %broadcast_in_dim3A_180 = vector.broadcast %scan3A_31 : i32 to vector<16xi32>
          %add3A_181 = arith.constant 448 : i32
          %add3A_182 = vector.broadcast %add3A_181 : i32 to vector<16xi32>
          %add3A_183 = arith.addi %add3A_182, %iota3A_179 : vector<16xi32>
          tpu.vector_store_idx %arg14[%broadcast_in_dim3A_180, %add3A_183], %broadcast_in_dim3A_1 : memref<64x768xf32, #tpu.memory_space<vmem>>[vector<16xi32>, vector<16xi32>], vector<16xf32>,
          %iota3A_184 = tpu.iota {dimensions = array<i32: 0>} : vector<16xi32>
          %broadcast_in_dim3A_185 = vector.broadcast %scan3A_31 : i32 to vector<16xi32>
          %add3A_186 = arith.constant 464 : i32
          %add3A_187 = vector.broadcast %add3A_186 : i32 to vector<16xi32>
          %add3A_188 = arith.addi %add3A_187, %iota3A_184 : vector<16xi32>
          tpu.vector_store_idx %arg14[%broadcast_in_dim3A_185, %add3A_188], %broadcast_in_dim3A_1 : memref<64x768xf32, #tpu.memory_space<vmem>>[vector<16xi32>, vector<16xi32>], vector<16xf32>,
          %iota3A_189 = tpu.iota {dimensions = array<i32: 0>} : vector<16xi32>
          %broadcast_in_dim3A_190 = vector.broadcast %scan3A_31 : i32 to vector<16xi32>
          %add3A_191 = arith.constant 480 : i32
          %add3A_192 = vector.broadcast %add3A_191 : i32 to vector<16xi32>
          %add3A_193 = arith.addi %add3A_192, %iota3A_189 : vector<16xi32>
          tpu.vector_store_idx %arg14[%broadcast_in_dim3A_190, %add3A_193], %broadcast_in_dim3A_1 : memref<64x768xf32, #tpu.memory_space<vmem>>[vector<16xi32>, vector<16xi32>], vector<16xf32>,
          %iota3A_194 = tpu.iota {dimensions = array<i32: 0>} : vector<16xi32>
          %broadcast_in_dim3A_195 = vector.broadcast %scan3A_31 : i32 to vector<16xi32>
          %add3A_196 = arith.constant 496 : i32
          %add3A_197 = vector.broadcast %add3A_196 : i32 to vector<16xi32>
          %add3A_198 = arith.addi %add3A_197, %iota3A_194 : vector<16xi32>
          tpu.vector_store_idx %arg14[%broadcast_in_dim3A_195, %add3A_198], %broadcast_in_dim3A_1 : memref<64x768xf32, #tpu.memory_space<vmem>>[vector<16xi32>, vector<16xi32>], vector<16xf32>,
          %iota3A_199 = tpu.iota {dimensions = array<i32: 0>} : vector<16xi32>
          %broadcast_in_dim3A_200 = vector.broadcast %scan3A_31 : i32 to vector<16xi32>
          %add3A_201 = arith.constant 512 : i32
          %add3A_202 = vector.broadcast %add3A_201 : i32 to vector<16xi32>
          %add3A_203 = arith.addi %add3A_202, %iota3A_199 : vector<16xi32>
          tpu.vector_store_idx %arg14[%broadcast_in_dim3A_200, %add3A_203], %broadcast_in_dim3A_1 : memref<64x768xf32, #tpu.memory_space<vmem>>[vector<16xi32>, vector<16xi32>], vector<16xf32>,
          %iota3A_204 = tpu.iota {dimensions = array<i32: 0>} : vector<16xi32>
          %broadcast_in_dim3A_205 = vector.broadcast %scan3A_31 : i32 to vector<16xi32>
          %add3A_206 = arith.constant 528 : i32
          %add3A_207 = vector.broadcast %add3A_206 : i32 to vector<16xi32>
          %add3A_208 = arith.addi %add3A_207, %iota3A_204 : vector<16xi32>
          tpu.vector_store_idx %arg14[%broadcast_in_dim3A_205, %add3A_208], %broadcast_in_dim3A_1 : memref<64x768xf32, #tpu.memory_space<vmem>>[vector<16xi32>, vector<16xi32>], vector<16xf32>,
          %iota3A_209 = tpu.iota {dimensions = array<i32: 0>} : vector<16xi32>
          %broadcast_in_dim3A_210 = vector.broadcast %scan3A_31 : i32 to vector<16xi32>
          %add3A_211 = arith.constant 544 : i32
          %add3A_212 = vector.broadcast %add3A_211 : i32 to vector<16xi32>
          %add3A_213 = arith.addi %add3A_212, %iota3A_209 : vector<16xi32>
          tpu.vector_store_idx %arg14[%broadcast_in_dim3A_210, %add3A_213], %broadcast_in_dim3A_1 : memref<64x768xf32, #tpu.memory_space<vmem>>[vector<16xi32>, vector<16xi32>], vector<16xf32>,
          %iota3A_214 = tpu.iota {dimensions = array<i32: 0>} : vector<16xi32>
          %broadcast_in_dim3A_215 = vector.broadcast %scan3A_31 : i32 to vector<16xi32>
          %add3A_216 = arith.constant 560 : i32
          %add3A_217 = vector.broadcast %add3A_216 : i32 to vector<16xi32>
          %add3A_218 = arith.addi %add3A_217, %iota3A_214 : vector<16xi32>
          tpu.vector_store_idx %arg14[%broadcast_in_dim3A_215, %add3A_218], %broadcast_in_dim3A_1 : memref<64x768xf32, #tpu.memory_space<vmem>>[vector<16xi32>, vector<16xi32>], vector<16xf32>,
          %iota3A_219 = tpu.iota {dimensions = array<i32: 0>} : vector<16xi32>
          %broadcast_in_dim3A_220 = vector.broadcast %scan3A_31 : i32 to vector<16xi32>
          %add3A_221 = arith.constant 576 : i32
          %add3A_222 = vector.broadcast %add3A_221 : i32 to vector<16xi32>
          %add3A_223 = arith.addi %add3A_222, %iota3A_219 : vector<16xi32>
          tpu.vector_store_idx %arg14[%broadcast_in_dim3A_220, %add3A_223], %broadcast_in_dim3A_1 : memref<64x768xf32, #tpu.memory_space<vmem>>[vector<16xi32>, vector<16xi32>], vector<16xf32>,
          %iota3A_224 = tpu.iota {dimensions = array<i32: 0>} : vector<16xi32>
          %broadcast_in_dim3A_225 = vector.broadcast %scan3A_31 : i32 to vector<16xi32>
          %add3A_226 = arith.constant 592 : i32
          %add3A_227 = vector.broadcast %add3A_226 : i32 to vector<16xi32>
          %add3A_228 = arith.addi %add3A_227, %iota3A_224 : vector<16xi32>
          tpu.vector_store_idx %arg14[%broadcast_in_dim3A_225, %add3A_228], %broadcast_in_dim3A_1 : memref<64x768xf32, #tpu.memory_space<vmem>>[vector<16xi32>, vector<16xi32>], vector<16xf32>,
          %iota3A_229 = tpu.iota {dimensions = array<i32: 0>} : vector<16xi32>
          %broadcast_in_dim3A_230 = vector.broadcast %scan3A_31 : i32 to vector<16xi32>
          %add3A_231 = arith.constant 608 : i32
          %add3A_232 = vector.broadcast %add3A_231 : i32 to vector<16xi32>
          %add3A_233 = arith.addi %add3A_232, %iota3A_229 : vector<16xi32>
          tpu.vector_store_idx %arg14[%broadcast_in_dim3A_230, %add3A_233], %broadcast_in_dim3A_1 : memref<64x768xf32, #tpu.memory_space<vmem>>[vector<16xi32>, vector<16xi32>], vector<16xf32>,
          %iota3A_234 = tpu.iota {dimensions = array<i32: 0>} : vector<16xi32>
          %broadcast_in_dim3A_235 = vector.broadcast %scan3A_31 : i32 to vector<16xi32>
          %add3A_236 = arith.constant 624 : i32
          %add3A_237 = vector.broadcast %add3A_236 : i32 to vector<16xi32>
          %add3A_238 = arith.addi %add3A_237, %iota3A_234 : vector<16xi32>
          tpu.vector_store_idx %arg14[%broadcast_in_dim3A_235, %add3A_238], %broadcast_in_dim3A_1 : memref<64x768xf32, #tpu.memory_space<vmem>>[vector<16xi32>, vector<16xi32>], vector<16xf32>,
          %iota3A_239 = tpu.iota {dimensions = array<i32: 0>} : vector<16xi32>
          %broadcast_in_dim3A_240 = vector.broadcast %scan3A_31 : i32 to vector<16xi32>
          %add3A_241 = arith.constant 640 : i32
          %add3A_242 = vector.broadcast %add3A_241 : i32 to vector<16xi32>
          %add3A_243 = arith.addi %add3A_242, %iota3A_239 : vector<16xi32>
          tpu.vector_store_idx %arg14[%broadcast_in_dim3A_240, %add3A_243], %broadcast_in_dim3A_1 : memref<64x768xf32, #tpu.memory_space<vmem>>[vector<16xi32>, vector<16xi32>], vector<16xf32>,
          %iota3A_244 = tpu.iota {dimensions = array<i32: 0>} : vector<16xi32>
          %broadcast_in_dim3A_245 = vector.broadcast %scan3A_31 : i32 to vector<16xi32>
          %add3A_246 = arith.constant 656 : i32
          %add3A_247 = vector.broadcast %add3A_246 : i32 to vector<16xi32>
          %add3A_248 = arith.addi %add3A_247, %iota3A_244 : vector<16xi32>
          tpu.vector_store_idx %arg14[%broadcast_in_dim3A_245, %add3A_248], %broadcast_in_dim3A_1 : memref<64x768xf32, #tpu.memory_space<vmem>>[vector<16xi32>, vector<16xi32>], vector<16xf32>,
          %iota3A_249 = tpu.iota {dimensions = array<i32: 0>} : vector<16xi32>
          %broadcast_in_dim3A_250 = vector.broadcast %scan3A_31 : i32 to vector<16xi32>
          %add3A_251 = arith.constant 672 : i32
          %add3A_252 = vector.broadcast %add3A_251 : i32 to vector<16xi32>
          %add3A_253 = arith.addi %add3A_252, %iota3A_249 : vector<16xi32>
          tpu.vector_store_idx %arg14[%broadcast_in_dim3A_250, %add3A_253], %broadcast_in_dim3A_1 : memref<64x768xf32, #tpu.memory_space<vmem>>[vector<16xi32>, vector<16xi32>], vector<16xf32>,
          %iota3A_254 = tpu.iota {dimensions = array<i32: 0>} : vector<16xi32>
          %broadcast_in_dim3A_255 = vector.broadcast %scan3A_31 : i32 to vector<16xi32>
          %add3A_256 = arith.constant 688 : i32
          %add3A_257 = vector.broadcast %add3A_256 : i32 to vector<16xi32>
          %add3A_258 = arith.addi %add3A_257, %iota3A_254 : vector<16xi32>
          tpu.vector_store_idx %arg14[%broadcast_in_dim3A_255, %add3A_258], %broadcast_in_dim3A_1 : memref<64x768xf32, #tpu.memory_space<vmem>>[vector<16xi32>, vector<16xi32>], vector<16xf32>,
          %iota3A_259 = tpu.iota {dimensions = array<i32: 0>} : vector<16xi32>
          %broadcast_in_dim3A_260 = vector.broadcast %scan3A_31 : i32 to vector<16xi32>
          %add3A_261 = arith.constant 704 : i32
          %add3A_262 = vector.broadcast %add3A_261 : i32 to vector<16xi32>
          %add3A_263 = arith.addi %add3A_262, %iota3A_259 : vector<16xi32>
          tpu.vector_store_idx %arg14[%broadcast_in_dim3A_260, %add3A_263], %broadcast_in_dim3A_1 : memref<64x768xf32, #tpu.memory_space<vmem>>[vector<16xi32>, vector<16xi32>], vector<16xf32>,
          %iota3A_264 = tpu.iota {dimensions = array<i32: 0>} : vector<16xi32>
          %broadcast_in_dim3A_265 = vector.broadcast %scan3A_31 : i32 to vector<16xi32>
          %add3A_266 = arith.constant 720 : i32
          %add3A_267 = vector.broadcast %add3A_266 : i32 to vector<16xi32>
          %add3A_268 = arith.addi %add3A_267, %iota3A_264 : vector<16xi32>
          tpu.vector_store_idx %arg14[%broadcast_in_dim3A_265, %add3A_268], %broadcast_in_dim3A_1 : memref<64x768xf32, #tpu.memory_space<vmem>>[vector<16xi32>, vector<16xi32>], vector<16xf32>,
          %iota3A_269 = tpu.iota {dimensions = array<i32: 0>} : vector<16xi32>
          %broadcast_in_dim3A_270 = vector.broadcast %scan3A_31 : i32 to vector<16xi32>
          %add3A_271 = arith.constant 736 : i32
          %add3A_272 = vector.broadcast %add3A_271 : i32 to vector<16xi32>
          %add3A_273 = arith.addi %add3A_272, %iota3A_269 : vector<16xi32>
          tpu.vector_store_idx %arg14[%broadcast_in_dim3A_270, %add3A_273], %broadcast_in_dim3A_1 : memref<64x768xf32, #tpu.memory_space<vmem>>[vector<16xi32>, vector<16xi32>], vector<16xf32>,
          %iota3A_274 = tpu.iota {dimensions = array<i32: 0>} : vector<16xi32>
          %broadcast_in_dim3A_275 = vector.broadcast %scan3A_31 : i32 to vector<16xi32>
          %add3A_276 = arith.constant 752 : i32
          %add3A_277 = vector.broadcast %add3A_276 : i32 to vector<16xi32>
          %add3A_278 = arith.addi %add3A_277, %iota3A_274 : vector<16xi32>
          tpu.vector_store_idx %arg14[%broadcast_in_dim3A_275, %add3A_278], %broadcast_in_dim3A_1 : memref<64x768xf32, #tpu.memory_space<vmem>>[vector<16xi32>, vector<16xi32>], vector<16xf32>,
        } else {
        }
      }
      %scan3A_30 = arith.constant 64 : i32
      "tpu.region"() ({
        %run_scoped3A = tpu.sem_alloc : memref<!tpu.dma_semaphore, #tpu.memory_space<semaphore_mem>>
        %dma_start3A_31 = arith.constant 0 : i32
        %dma_start3A_32 = tpu.memref_slice %arg7[%multiple_of3A, %dma_start3A_31] : memref<51200x768xf32, #tpu.memory_space<hbm>> -> memref<64x768xf32, #tpu.memory_space<hbm>>
        %dma_start3A_33 = arith.constant 0 : i32
        %dma_start3A_34 = tpu.memref_slice %arg7[%multiple_of3A, %dma_start3A_33] : memref<51200x768xf32, #tpu.memory_space<hbm>> -> memref<64x768xf32, #tpu.memory_space<hbm>>
        tpu.enqueue_dma source(%arg14 : memref<64x768xf32, #tpu.memory_space<vmem>>) target(%dma_start3A_34 : memref<64x768xf32, #tpu.memory_space<hbm>>) target_semaphore(%run_scoped3A : memref<!tpu.dma_semaphore, #tpu.memory_space<semaphore_mem>>)
        %dma_wait3A_35 = arith.constant 0 : i32
        %dma_wait3A_36 = tpu.memref_slice %arg7[%multiple_of3A, %dma_wait3A_35] : memref<51200x768xf32, #tpu.memory_space<hbm>> -> memref<64x768xf32, #tpu.memory_space<hbm>>
        %dma_wait3A_37 = arith.constant 0 : i32
        %dma_wait3A_38 = tpu.memref_slice %arg7[%multiple_of3A, %dma_wait3A_37] : memref<51200x768xf32, #tpu.memory_space<hbm>> -> memref<64x768xf32, #tpu.memory_space<hbm>>
        tpu.wait_dma2 semaphore(%run_scoped3A : memref<!tpu.dma_semaphore, #tpu.memory_space<semaphore_mem>>) src(%arg14 : memref<64x768xf32, #tpu.memory_space<vmem>>) dst(%dma_wait3A_38 : memref<64x768xf32, #tpu.memory_space<hbm>>)
        tpu.yield
      }) : () -> ()
    }
    %scan3A_10 = arith.constant 25 : i32
    return
  }
}

#map = affine_map<(d0, d1) -> (0, 0)>
#map1 = affine_map<(d0, d1) -> (0)>
module attributes {stable_mosaic.version = 14 : i64} {
  func.func @build(%arg0: i32, %arg1: i32, %arg2: memref<50265x768xf32, #tpu.memory_space<hbm>>, %arg3: memref<300000xi32, #tpu.memory_space<hbm>>, %arg4: memref<300000xi32, #tpu.memory_space<hbm>>, %arg5: memref<100000x128xf32, #tpu.memory_space<hbm>>, %arg6: memref<100000x768xf32, #tpu.memory_space<hbm>>, %arg7: memref<64x768xf32, #tpu.memory_space<hbm>>, %arg8: memref<64x16xi32, #tpu.memory_space<hbm>>, %arg9: memref<960xi32, #tpu.memory_space<vmem>>, %arg10: memref<960xi32, #tpu.memory_space<vmem>>, %arg11: memref<2x16x768xf32, #tpu.memory_space<vmem>>, %arg12: memref<4x768xf32, #tpu.memory_space<vmem>>, %arg13: memref<768xf32, #tpu.memory_space<vmem>>, %arg14: memref<128xf32, #tpu.memory_space<vmem>>, %arg15: memref<16xi32, #tpu.memory_space<vmem>>, %arg16: memref<2x!tpu.dma_semaphore, #tpu.memory_space<semaphore_mem>>, %arg17: memref<4x!tpu.dma_semaphore, #tpu.memory_space<semaphore_mem>>) attributes {dimension_semantics = [#tpu.dimension_semantics<core_parallel>, #tpu.dimension_semantics<subcore_parallel>], iteration_bounds = array<i64: 2, 16>, scalar_prefetch = 0 : i64, scratch_operands = 9 : i64, tpu.core_type = #tpu.core_type<sc_vector_subcore>, window_params = [{transform_indices = #map}, {transform_indices = #map1}, {transform_indices = #map1}, {transform_indices = #map}, {transform_indices = #map}, {transform_indices = #map}, {transform_indices = #map}]} {
    %mul3A = arith.constant 2 : i32
    %mul3A_0 = arith.muli %arg1, %mul3A : i32
    %add3A = arith.addi %mul3A_0, %arg0 : i32
    %mul3A_1 = arith.constant 9376 : i32
    %mul3A_2 = arith.muli %add3A, %mul3A_1 : i32
    %multiple_of3A = tpu.assume_multiple %mul3A_2, 16 : i32
    %add3A_3 = arith.constant 9376 : i32
    %add3A_4 = arith.addi %multiple_of3A, %add3A_3 : i32
    %min3A = arith.constant 300000 : i32
    %min3A_5 = arith.minsi %add3A_4, %min3A : i32
    %iota3A = tpu.iota {dimensions = array<i32: 0>} : vector<16xi32>
    %broadcast_in_dim3A = arith.constant 1.000000e+00 : f32
    %broadcast_in_dim3A_6 = vector.broadcast %broadcast_in_dim3A : f32 to vector<16xf32>
    %swap3A = arith.constant 0 : index
    %swap3A_7 = tpu.vector_load %arg14[%swap3A] {strides = array<i32>} : memref<128xf32, #tpu.memory_space<vmem>>, vector<16xf32>,
    tpu.vector_store %arg14[%swap3A], %broadcast_in_dim3A_6 {strides = array<i32>} : memref<128xf32, #tpu.memory_space<vmem>>, vector<16xf32>,
    %broadcast_in_dim3A_8 = arith.constant 1.000000e+00 : f32
    %broadcast_in_dim3A_9 = vector.broadcast %broadcast_in_dim3A_8 : f32 to vector<16xf32>
    %swap3A_10 = arith.constant 16 : index
    %swap3A_11 = tpu.vector_load %arg14[%swap3A_10] {strides = array<i32>} : memref<128xf32, #tpu.memory_space<vmem>>, vector<16xf32>,
    tpu.vector_store %arg14[%swap3A_10], %broadcast_in_dim3A_9 {strides = array<i32>} : memref<128xf32, #tpu.memory_space<vmem>>, vector<16xf32>,
    %broadcast_in_dim3A_12 = arith.constant 1.000000e+00 : f32
    %broadcast_in_dim3A_13 = vector.broadcast %broadcast_in_dim3A_12 : f32 to vector<16xf32>
    %swap3A_14 = arith.constant 32 : index
    %swap3A_15 = tpu.vector_load %arg14[%swap3A_14] {strides = array<i32>} : memref<128xf32, #tpu.memory_space<vmem>>, vector<16xf32>,
    tpu.vector_store %arg14[%swap3A_14], %broadcast_in_dim3A_13 {strides = array<i32>} : memref<128xf32, #tpu.memory_space<vmem>>, vector<16xf32>,
    %broadcast_in_dim3A_16 = arith.constant 1.000000e+00 : f32
    %broadcast_in_dim3A_17 = vector.broadcast %broadcast_in_dim3A_16 : f32 to vector<16xf32>
    %swap3A_18 = arith.constant 48 : index
    %swap3A_19 = tpu.vector_load %arg14[%swap3A_18] {strides = array<i32>} : memref<128xf32, #tpu.memory_space<vmem>>, vector<16xf32>,
    tpu.vector_store %arg14[%swap3A_18], %broadcast_in_dim3A_17 {strides = array<i32>} : memref<128xf32, #tpu.memory_space<vmem>>, vector<16xf32>,
    %broadcast_in_dim3A_20 = arith.constant 1.000000e+00 : f32
    %broadcast_in_dim3A_21 = vector.broadcast %broadcast_in_dim3A_20 : f32 to vector<16xf32>
    %swap3A_22 = arith.constant 64 : index
    %swap3A_23 = tpu.vector_load %arg14[%swap3A_22] {strides = array<i32>} : memref<128xf32, #tpu.memory_space<vmem>>, vector<16xf32>,
    tpu.vector_store %arg14[%swap3A_22], %broadcast_in_dim3A_21 {strides = array<i32>} : memref<128xf32, #tpu.memory_space<vmem>>, vector<16xf32>,
    %broadcast_in_dim3A_24 = arith.constant 1.000000e+00 : f32
    %broadcast_in_dim3A_25 = vector.broadcast %broadcast_in_dim3A_24 : f32 to vector<16xf32>
    %swap3A_26 = arith.constant 80 : index
    %swap3A_27 = tpu.vector_load %arg14[%swap3A_26] {strides = array<i32>} : memref<128xf32, #tpu.memory_space<vmem>>, vector<16xf32>,
    tpu.vector_store %arg14[%swap3A_26], %broadcast_in_dim3A_25 {strides = array<i32>} : memref<128xf32, #tpu.memory_space<vmem>>, vector<16xf32>,
    %broadcast_in_dim3A_28 = arith.constant 1.000000e+00 : f32
    %broadcast_in_dim3A_29 = vector.broadcast %broadcast_in_dim3A_28 : f32 to vector<16xf32>
    %swap3A_30 = arith.constant 96 : index
    %swap3A_31 = tpu.vector_load %arg14[%swap3A_30] {strides = array<i32>} : memref<128xf32, #tpu.memory_space<vmem>>, vector<16xf32>,
    tpu.vector_store %arg14[%swap3A_30], %broadcast_in_dim3A_29 {strides = array<i32>} : memref<128xf32, #tpu.memory_space<vmem>>, vector<16xf32>,
    %broadcast_in_dim3A_32 = arith.constant 1.000000e+00 : f32
    %broadcast_in_dim3A_33 = vector.broadcast %broadcast_in_dim3A_32 : f32 to vector<16xf32>
    %swap3A_34 = arith.constant 112 : index
    %swap3A_35 = tpu.vector_load %arg14[%swap3A_34] {strides = array<i32>} : memref<128xf32, #tpu.memory_space<vmem>>, vector<16xf32>,
    tpu.vector_store %arg14[%swap3A_34], %broadcast_in_dim3A_33 {strides = array<i32>} : memref<128xf32, #tpu.memory_space<vmem>>, vector<16xf32>,
    %jit3A = arith.constant 480 : i32
    %div3A = arith.divsi %multiple_of3A, %jit3A : i32
    %sign3A = arith.constant 0 : i32
    %sign3A_36 = arith.cmpi sgt, %multiple_of3A, %sign3A : i32
    %sign3A_37 = arith.extui %sign3A_36 : i1 to i32
    %sign3A_38 = arith.constant 0 : i32
    %sign3A_39 = arith.cmpi slt, %multiple_of3A, %sign3A_38 : i32
    %sign3A_40 = arith.extui %sign3A_39 : i1 to i32
    %sign3A_41 = arith.subi %sign3A_37, %sign3A_40 : i32
    %sign3A_42 = arith.constant 0 : i32
    %sign3A_43 = arith.cmpi sgt, %jit3A, %sign3A_42 : i32
    %sign3A_44 = arith.extui %sign3A_43 : i1 to i32
    %sign3A_45 = arith.constant 0 : i32
    %sign3A_46 = arith.cmpi slt, %jit3A, %sign3A_45 : i32
    %sign3A_47 = arith.extui %sign3A_46 : i1 to i32
    %sign3A_48 = arith.subi %sign3A_44, %sign3A_47 : i32
    %ne3A = arith.cmpi ne, %sign3A_41, %sign3A_48 : i32
    %rem3A = arith.remsi %multiple_of3A, %jit3A : i32
    %ne3A_49 = arith.constant 0 : i32
    %ne3A_50 = arith.cmpi ne, %rem3A, %ne3A_49 : i32
    %and3A = arith.andi %ne3A, %ne3A_50 : i1
    %sub3A = arith.constant 1 : i32
    %sub3A_51 = arith.subi %div3A, %sub3A : i32
    %select_n3A = arith.select %and3A, %sub3A_51, %div3A : i32
    %mul3A_52 = arith.constant 480 : i32
    %mul3A_53 = arith.muli %select_n3A, %mul3A_52 : i32
    %multiple_of3A_54 = tpu.assume_multiple %mul3A_53, 480 : i32
    %jit3A_55 = arith.constant 480 : i32
    %div3A_56 = arith.divsi %multiple_of3A, %jit3A_55 : i32
    %sign3A_57 = arith.constant 0 : i32
    %sign3A_58 = arith.cmpi sgt, %multiple_of3A, %sign3A_57 : i32
    %sign3A_59 = arith.extui %sign3A_58 : i1 to i32
    %sign3A_60 = arith.constant 0 : i32
    %sign3A_61 = arith.cmpi slt, %multiple_of3A, %sign3A_60 : i32
    %sign3A_62 = arith.extui %sign3A_61 : i1 to i32
    %sign3A_63 = arith.subi %sign3A_59, %sign3A_62 : i32
    %sign3A_64 = arith.constant 0 : i32
    %sign3A_65 = arith.cmpi sgt, %jit3A_55, %sign3A_64 : i32
    %sign3A_66 = arith.extui %sign3A_65 : i1 to i32
    %sign3A_67 = arith.constant 0 : i32
    %sign3A_68 = arith.cmpi slt, %jit3A_55, %sign3A_67 : i32
    %sign3A_69 = arith.extui %sign3A_68 : i1 to i32
    %sign3A_70 = arith.subi %sign3A_66, %sign3A_69 : i32
    %ne3A_71 = arith.cmpi ne, %sign3A_63, %sign3A_70 : i32
    %rem3A_72 = arith.remsi %multiple_of3A, %jit3A_55 : i32
    %ne3A_73 = arith.constant 0 : i32
    %ne3A_74 = arith.cmpi ne, %rem3A_72, %ne3A_73 : i32
    %and3A_75 = arith.andi %ne3A_71, %ne3A_74 : i1
    %sub3A_76 = arith.constant 1 : i32
    %sub3A_77 = arith.subi %div3A_56, %sub3A_76 : i32
    %select_n3A_78 = arith.select %and3A_75, %sub3A_77, %div3A_56 : i32
    %jit3A_79 = arith.constant 2 : i32
    %eq3A = arith.constant 0 : i32
    %eq3A_80 = arith.cmpi eq, %jit3A_79, %eq3A : i32
    %jit3A_81 = arith.constant 1 : i32
    %select_n3A_82 = arith.select %eq3A_80, %jit3A_81, %jit3A_79 : i32
    %rem3A_83 = arith.remsi %select_n3A_78, %select_n3A_82 : i32
    %ne3A_84 = arith.constant 0 : i32
    %ne3A_85 = arith.cmpi ne, %rem3A_83, %ne3A_84 : i32
    %lt3A = arith.constant 0 : i32
    %lt3A_86 = arith.cmpi slt, %rem3A_83, %lt3A : i32
    %lt3A_87 = arith.constant 0 : i32
    %lt3A_88 = arith.cmpi slt, %select_n3A_82, %lt3A_87 : i32
    %ne3A_89 = arith.xori %lt3A_86, %lt3A_88 : i1
    %and3A_90 = arith.andi %ne3A_89, %ne3A_85 : i1
    %add3A_91 = arith.addi %rem3A_83, %select_n3A_82 : i32
    %select_n3A_92 = arith.select %and3A_90, %add3A_91, %rem3A_83 : i32
    %mul3A_93 = arith.constant 480 : i32
    %mul3A_94 = arith.muli %select_n3A_92, %mul3A_93 : i32
    %multiple_of3A_95 = tpu.assume_multiple %mul3A_94, 8 : i32
    "tpu.region"() ({
      %run_scoped3A = tpu.sem_alloc : memref<!tpu.dma_semaphore, #tpu.memory_space<semaphore_mem>>
      %dma_start3A_190 = tpu.memref_slice %arg9[%multiple_of3A_95] : memref<960xi32, #tpu.memory_space<vmem>> -> memref<480xi32, #tpu.memory_space<vmem>>
      %dma_start3A_191 = tpu.memref_slice %arg4[%multiple_of3A_54] : memref<300000xi32, #tpu.memory_space<hbm>> -> memref<480xi32, #tpu.memory_space<hbm>>
      %dma_start3A_192 = tpu.memref_slice %arg9[%multiple_of3A_95] : memref<960xi32, #tpu.memory_space<vmem>> -> memref<480xi32, #tpu.memory_space<vmem>>
      %dma_start3A_193 = tpu.memref_slice %arg4[%multiple_of3A_54] : memref<300000xi32, #tpu.memory_space<hbm>> -> memref<480xi32, #tpu.memory_space<hbm>>
      tpu.enqueue_dma source(%dma_start3A_193 : memref<480xi32, #tpu.memory_space<hbm>>) target(%dma_start3A_192 : memref<480xi32, #tpu.memory_space<vmem>>) target_semaphore(%run_scoped3A : memref<!tpu.dma_semaphore, #tpu.memory_space<semaphore_mem>>)
      %dma_wait3A = tpu.memref_slice %arg9[%multiple_of3A_95] : memref<960xi32, #tpu.memory_space<vmem>> -> memref<480xi32, #tpu.memory_space<vmem>>
      %dma_wait3A_194 = tpu.memref_slice %arg4[%multiple_of3A_54] : memref<300000xi32, #tpu.memory_space<hbm>> -> memref<480xi32, #tpu.memory_space<hbm>>
      %dma_wait3A_195 = tpu.memref_slice %arg9[%multiple_of3A_95] : memref<960xi32, #tpu.memory_space<vmem>> -> memref<480xi32, #tpu.memory_space<vmem>>
      %dma_wait3A_196 = tpu.memref_slice %arg4[%multiple_of3A_54] : memref<300000xi32, #tpu.memory_space<hbm>> -> memref<480xi32, #tpu.memory_space<hbm>>
      tpu.wait_dma2 semaphore(%run_scoped3A : memref<!tpu.dma_semaphore, #tpu.memory_space<semaphore_mem>>) src(%dma_wait3A_196 : memref<480xi32, #tpu.memory_space<hbm>>) dst(%dma_wait3A_195 : memref<480xi32, #tpu.memory_space<vmem>>)
      tpu.yield
    }) : () -> ()
    "tpu.region"() ({
      %run_scoped3A = tpu.sem_alloc : memref<!tpu.dma_semaphore, #tpu.memory_space<semaphore_mem>>
      %dma_start3A_190 = tpu.memref_slice %arg10[%multiple_of3A_95] : memref<960xi32, #tpu.memory_space<vmem>> -> memref<480xi32, #tpu.memory_space<vmem>>
      %dma_start3A_191 = tpu.memref_slice %arg3[%multiple_of3A_54] : memref<300000xi32, #tpu.memory_space<hbm>> -> memref<480xi32, #tpu.memory_space<hbm>>
      %dma_start3A_192 = tpu.memref_slice %arg10[%multiple_of3A_95] : memref<960xi32, #tpu.memory_space<vmem>> -> memref<480xi32, #tpu.memory_space<vmem>>
      %dma_start3A_193 = tpu.memref_slice %arg3[%multiple_of3A_54] : memref<300000xi32, #tpu.memory_space<hbm>> -> memref<480xi32, #tpu.memory_space<hbm>>
      tpu.enqueue_dma source(%dma_start3A_193 : memref<480xi32, #tpu.memory_space<hbm>>) target(%dma_start3A_192 : memref<480xi32, #tpu.memory_space<vmem>>) target_semaphore(%run_scoped3A : memref<!tpu.dma_semaphore, #tpu.memory_space<semaphore_mem>>)
      %dma_wait3A = tpu.memref_slice %arg10[%multiple_of3A_95] : memref<960xi32, #tpu.memory_space<vmem>> -> memref<480xi32, #tpu.memory_space<vmem>>
      %dma_wait3A_194 = tpu.memref_slice %arg3[%multiple_of3A_54] : memref<300000xi32, #tpu.memory_space<hbm>> -> memref<480xi32, #tpu.memory_space<hbm>>
      %dma_wait3A_195 = tpu.memref_slice %arg10[%multiple_of3A_95] : memref<960xi32, #tpu.memory_space<vmem>> -> memref<480xi32, #tpu.memory_space<vmem>>
      %dma_wait3A_196 = tpu.memref_slice %arg3[%multiple_of3A_54] : memref<300000xi32, #tpu.memory_space<hbm>> -> memref<480xi32, #tpu.memory_space<hbm>>
      tpu.wait_dma2 semaphore(%run_scoped3A : memref<!tpu.dma_semaphore, #tpu.memory_space<semaphore_mem>>) src(%dma_wait3A_196 : memref<480xi32, #tpu.memory_space<hbm>>) dst(%dma_wait3A_195 : memref<480xi32, #tpu.memory_space<vmem>>)
      tpu.yield
    }) : () -> ()
    %sub3A_96 = arith.subi %multiple_of3A, %multiple_of3A_54 : i32
    %mul3A_97 = arith.constant 480 : i32
    %mul3A_98 = arith.muli %select_n3A_92, %mul3A_97 : i32
    %add3A_99 = arith.addi %sub3A_96, %mul3A_98 : i32
    %broadcast_in_dim3A_100 = vector.broadcast %add3A_99 : i32 to vector<16xi32>
    %gather3A = tpu.vector_load_idx %arg9[%broadcast_in_dim3A_100] : memref<960xi32, #tpu.memory_space<vmem>>[vector<16xi32>], vector<16xi32>,
    %slice3A = vector.extract_strided_slice %gather3A {offsets = [0], sizes = [1], strides = [1]} : vector<16xi32> to vector<1xi32>
    %squeeze3A = vector.extract %slice3A[0] : i32 from vector<1xi32>
    %sub3A_101 = arith.subi %multiple_of3A, %multiple_of3A_54 : i32
    %mul3A_102 = arith.constant 480 : i32
    %mul3A_103 = arith.muli %select_n3A_92, %mul3A_102 : i32
    %add3A_104 = arith.addi %sub3A_101, %mul3A_103 : i32
    %multiple_of3A_105 = tpu.assume_multiple %add3A_104, 16 : i32
    %jit3A_106 = arith.constant 16 : i32
    %div3A_107 = arith.divsi %multiple_of3A, %jit3A_106 : i32
    %sign3A_108 = arith.constant 0 : i32
    %sign3A_109 = arith.cmpi sgt, %multiple_of3A, %sign3A_108 : i32
    %sign3A_110 = arith.extui %sign3A_109 : i1 to i32
    %sign3A_111 = arith.constant 0 : i32
    %sign3A_112 = arith.cmpi slt, %multiple_of3A, %sign3A_111 : i32
    %sign3A_113 = arith.extui %sign3A_112 : i1 to i32
    %sign3A_114 = arith.subi %sign3A_110, %sign3A_113 : i32
    %sign3A_115 = arith.constant 0 : i32
    %sign3A_116 = arith.cmpi sgt, %jit3A_106, %sign3A_115 : i32
    %sign3A_117 = arith.extui %sign3A_116 : i1 to i32
    %sign3A_118 = arith.constant 0 : i32
    %sign3A_119 = arith.cmpi slt, %jit3A_106, %sign3A_118 : i32
    %sign3A_120 = arith.extui %sign3A_119 : i1 to i32
    %sign3A_121 = arith.subi %sign3A_117, %sign3A_120 : i32
    %ne3A_122 = arith.cmpi ne, %sign3A_114, %sign3A_121 : i32
    %rem3A_123 = arith.remsi %multiple_of3A, %jit3A_106 : i32
    %ne3A_124 = arith.constant 0 : i32
    %ne3A_125 = arith.cmpi ne, %rem3A_123, %ne3A_124 : i32
    %and3A_126 = arith.andi %ne3A_122, %ne3A_125 : i1
    %sub3A_127 = arith.constant 1 : i32
    %sub3A_128 = arith.subi %div3A_107, %sub3A_127 : i32
    %select_n3A_129 = arith.select %and3A_126, %sub3A_128, %div3A_107 : i32
    %jit3A_130 = arith.constant 2 : i32
    %eq3A_131 = arith.constant 0 : i32
    %eq3A_132 = arith.cmpi eq, %jit3A_130, %eq3A_131 : i32
    %jit3A_133 = arith.constant 1 : i32
    %select_n3A_134 = arith.select %eq3A_132, %jit3A_133, %jit3A_130 : i32
    %rem3A_135 = arith.remsi %select_n3A_129, %select_n3A_134 : i32
    %ne3A_136 = arith.constant 0 : i32
    %ne3A_137 = arith.cmpi ne, %rem3A_135, %ne3A_136 : i32
    %lt3A_138 = arith.constant 0 : i32
    %lt3A_139 = arith.cmpi slt, %rem3A_135, %lt3A_138 : i32
    %lt3A_140 = arith.constant 0 : i32
    %lt3A_141 = arith.cmpi slt, %select_n3A_134, %lt3A_140 : i32
    %ne3A_142 = arith.xori %lt3A_139, %lt3A_141 : i1
    %and3A_143 = arith.andi %ne3A_142, %ne3A_137 : i1
    %add3A_144 = arith.addi %rem3A_135, %select_n3A_134 : i32
    %select_n3A_145 = arith.select %and3A_143, %add3A_144, %rem3A_135 : i32
    %dma_start3A = arith.constant 0 : i32
    %dma_start3A_146 = arith.constant 0 : i32
    %dma_start3A_147 = tpu.memref_slice %arg11[%select_n3A_145, %dma_start3A, %dma_start3A_146] : memref<2x16x768xf32, #tpu.memory_space<vmem>> -> memref<1x16x768xf32, #tpu.memory_space<vmem>>
    %dma_start3A_148 = tpu.memref_squeeze %dma_start3A_147 : memref<1x16x768xf32, #tpu.memory_space<vmem>> -> memref<16x768xf32, #tpu.memory_space<vmem>>
    %dma_start3A_149 = tpu.memref_slice %arg10[%multiple_of3A_105] : memref<960xi32, #tpu.memory_space<vmem>> -> memref<16xi32, #tpu.memory_space<vmem>>
    %dma_start3A_150 = arith.constant 0 : i32
    %dma_start3A_151 = arith.constant 0 : i32
    %dma_start3A_152 = tpu.memref_slice %arg2[%dma_start3A_150, %dma_start3A_151] : memref<50265x768xf32, #tpu.memory_space<hbm>> -> memref<50265x768xf32, #tpu.memory_space<hbm>>
    %dma_start3A_153 = tpu.memref_slice %arg16[%select_n3A_145] : memref<2x!tpu.dma_semaphore, #tpu.memory_space<semaphore_mem>> -> memref<1x!tpu.dma_semaphore, #tpu.memory_space<semaphore_mem>>
    %dma_start3A_154 = tpu.memref_squeeze %dma_start3A_153 : memref<1x!tpu.dma_semaphore, #tpu.memory_space<semaphore_mem>> -> memref<!tpu.dma_semaphore, #tpu.memory_space<semaphore_mem>>
    tpu.enqueue_indirect_dma source(%dma_start3A_152 : memref<50265x768xf32, #tpu.memory_space<hbm>>) target(%dma_start3A_148 : memref<16x768xf32, #tpu.memory_space<vmem>>) offsets(%dma_start3A_149 : memref<16xi32, #tpu.memory_space<vmem>>) semaphore(%dma_start3A_154 : memref<!tpu.dma_semaphore, #tpu.memory_space<semaphore_mem>>)
    %scan3A = arith.constant 0 : i32
    %scan3A_155 = arith.constant 1 : i32
    %scan3A_156 = arith.constant 0 : i32
    %scan3A_157 = arith.constant 0 : i32
    %scan3A_158 = arith.constant 9376 : i32
    %scan3A_159 = arith.addi %scan3A_157, %scan3A_158 : i32
    %scan3A_160 = arith.constant 1 : i32
    %scan3A_161:4 = scf.for %scan3A_190 = %scan3A_157 to %scan3A_159 step %scan3A_160 iter_args(%scan3A_191 = %squeeze3A, %scan3A_192 = %scan3A, %scan3A_193 = %scan3A_155, %scan3A_194 = %scan3A_156) -> (i32, i32, i32, i32)  : i32 {
      %add3A_195 = arith.addi %multiple_of3A, %scan3A_190 : i32
      %lt3A_196 = arith.cmpi slt, %add3A_195, %min3A_5 : i32
      %jit3A_197 = arith.constant 16 : i32
      %div3A_198 = arith.divsi %add3A_195, %jit3A_197 : i32
      %sign3A_199 = arith.constant 0 : i32
      %sign3A_200 = arith.cmpi sgt, %add3A_195, %sign3A_199 : i32
      %sign3A_201 = arith.extui %sign3A_200 : i1 to i32
      %sign3A_202 = arith.constant 0 : i32
      %sign3A_203 = arith.cmpi slt, %add3A_195, %sign3A_202 : i32
      %sign3A_204 = arith.extui %sign3A_203 : i1 to i32
      %sign3A_205 = arith.subi %sign3A_201, %sign3A_204 : i32
      %sign3A_206 = arith.constant 0 : i32
      %sign3A_207 = arith.cmpi sgt, %jit3A_197, %sign3A_206 : i32
      %sign3A_208 = arith.extui %sign3A_207 : i1 to i32
      %sign3A_209 = arith.constant 0 : i32
      %sign3A_210 = arith.cmpi slt, %jit3A_197, %sign3A_209 : i32
      %sign3A_211 = arith.extui %sign3A_210 : i1 to i32
      %sign3A_212 = arith.subi %sign3A_208, %sign3A_211 : i32
      %ne3A_213 = arith.cmpi ne, %sign3A_205, %sign3A_212 : i32
      %rem3A_214 = arith.remsi %add3A_195, %jit3A_197 : i32
      %ne3A_215 = arith.constant 0 : i32
      %ne3A_216 = arith.cmpi ne, %rem3A_214, %ne3A_215 : i32
      %and3A_217 = arith.andi %ne3A_213, %ne3A_216 : i1
      %sub3A_218 = arith.constant 1 : i32
      %sub3A_219 = arith.subi %div3A_198, %sub3A_218 : i32
      %select_n3A_220 = arith.select %and3A_217, %sub3A_219, %div3A_198 : i32
      %jit3A_221 = arith.constant 2 : i32
      %eq3A_222 = arith.constant 0 : i32
      %eq3A_223 = arith.cmpi eq, %jit3A_221, %eq3A_222 : i32
      %jit3A_224 = arith.constant 1 : i32
      %select_n3A_225 = arith.select %eq3A_223, %jit3A_224, %jit3A_221 : i32
      %rem3A_226 = arith.remsi %select_n3A_220, %select_n3A_225 : i32
      %ne3A_227 = arith.constant 0 : i32
      %ne3A_228 = arith.cmpi ne, %rem3A_226, %ne3A_227 : i32
      %lt3A_229 = arith.constant 0 : i32
      %lt3A_230 = arith.cmpi slt, %rem3A_226, %lt3A_229 : i32
      %lt3A_231 = arith.constant 0 : i32
      %lt3A_232 = arith.cmpi slt, %select_n3A_225, %lt3A_231 : i32
      %ne3A_233 = arith.xori %lt3A_230, %lt3A_232 : i1
      %and3A_234 = arith.andi %ne3A_233, %ne3A_228 : i1
      %add3A_235 = arith.addi %rem3A_226, %select_n3A_225 : i32
      %select_n3A_236 = arith.select %and3A_234, %add3A_235, %rem3A_226 : i32
      %jit3A_237 = arith.constant 16 : i32
      %eq3A_238 = arith.constant 0 : i32
      %eq3A_239 = arith.cmpi eq, %jit3A_237, %eq3A_238 : i32
      %jit3A_240 = arith.constant 1 : i32
      %select_n3A_241 = arith.select %eq3A_239, %jit3A_240, %jit3A_237 : i32
      %rem3A_242 = arith.remsi %add3A_195, %select_n3A_241 : i32
      %ne3A_243 = arith.constant 0 : i32
      %ne3A_244 = arith.cmpi ne, %rem3A_242, %ne3A_243 : i32
      %lt3A_245 = arith.constant 0 : i32
      %lt3A_246 = arith.cmpi slt, %rem3A_242, %lt3A_245 : i32
      %lt3A_247 = arith.constant 0 : i32
      %lt3A_248 = arith.cmpi slt, %select_n3A_241, %lt3A_247 : i32
      %ne3A_249 = arith.xori %lt3A_246, %lt3A_248 : i1
      %and3A_250 = arith.andi %ne3A_249, %ne3A_244 : i1
      %add3A_251 = arith.addi %rem3A_242, %select_n3A_241 : i32
      %select_n3A_252 = arith.select %and3A_250, %add3A_251, %rem3A_242 : i32
      %eq3A_253 = arith.constant 0 : i32
      %eq3A_254 = arith.cmpi eq, %select_n3A_252, %eq3A_253 : i32
      %and3A_255 = arith.andi %eq3A_254, %lt3A_196 : i1
      %convert_element_type3A_256 = arith.extui %and3A_255 : i1 to i32
      %cond3A_257 = arith.constant 0 : i32
      %cond3A_258 = arith.cmpi ne, %convert_element_type3A_256, %cond3A_257 : i32
      scf.if %cond3A_258 {
        %add3A_364 = arith.constant 16 : i32
        %add3A_365 = arith.addi %add3A_195, %add3A_364 : i32
        %jit3A_366 = arith.constant 480 : i32
        %eq3A_367 = arith.constant 0 : i32
        %eq3A_368 = arith.cmpi eq, %jit3A_366, %eq3A_367 : i32
        %jit3A_369 = arith.constant 1 : i32
        %select_n3A_370 = arith.select %eq3A_368, %jit3A_369, %jit3A_366 : i32
        %rem3A_371 = arith.remsi %add3A_365, %select_n3A_370 : i32
        %ne3A_372 = arith.constant 0 : i32
        %ne3A_373 = arith.cmpi ne, %rem3A_371, %ne3A_372 : i32
        %lt3A_374 = arith.constant 0 : i32
        %lt3A_375 = arith.cmpi slt, %rem3A_371, %lt3A_374 : i32
        %lt3A_376 = arith.constant 0 : i32
        %lt3A_377 = arith.cmpi slt, %select_n3A_370, %lt3A_376 : i32
        %ne3A_378 = arith.xori %lt3A_375, %lt3A_377 : i1
        %and3A_379 = arith.andi %ne3A_378, %ne3A_373 : i1
        %add3A_380 = arith.addi %rem3A_371, %select_n3A_370 : i32
        %select_n3A_381 = arith.select %and3A_379, %add3A_380, %rem3A_371 : i32
        %eq3A_382 = arith.constant 0 : i32
        %eq3A_383 = arith.cmpi eq, %select_n3A_381, %eq3A_382 : i32
        %lt3A_384 = arith.cmpi slt, %add3A_365, %min3A_5 : i32
        %and3A_385 = arith.andi %eq3A_383, %lt3A_384 : i1
        %convert_element_type3A_386 = arith.extui %and3A_385 : i1 to i32
        %cond3A_387 = arith.constant 0 : i32
        %cond3A_388 = arith.cmpi ne, %convert_element_type3A_386, %cond3A_387 : i32
        scf.if %cond3A_388 {
          %multiple_of3A_408 = tpu.assume_multiple %add3A_365, 480 : i32
          %jit3A_409 = arith.constant 480 : i32
          %div3A_410 = arith.divsi %add3A_365, %jit3A_409 : i32
          %sign3A_411 = arith.constant 0 : i32
          %sign3A_412 = arith.cmpi sgt, %add3A_365, %sign3A_411 : i32
          %sign3A_413 = arith.extui %sign3A_412 : i1 to i32
          %sign3A_414 = arith.constant 0 : i32
          %sign3A_415 = arith.cmpi slt, %add3A_365, %sign3A_414 : i32
          %sign3A_416 = arith.extui %sign3A_415 : i1 to i32
          %sign3A_417 = arith.subi %sign3A_413, %sign3A_416 : i32
          %sign3A_418 = arith.constant 0 : i32
          %sign3A_419 = arith.cmpi sgt, %jit3A_409, %sign3A_418 : i32
          %sign3A_420 = arith.extui %sign3A_419 : i1 to i32
          %sign3A_421 = arith.constant 0 : i32
          %sign3A_422 = arith.cmpi slt, %jit3A_409, %sign3A_421 : i32
          %sign3A_423 = arith.extui %sign3A_422 : i1 to i32
          %sign3A_424 = arith.subi %sign3A_420, %sign3A_423 : i32
          %ne3A_425 = arith.cmpi ne, %sign3A_417, %sign3A_424 : i32
          %rem3A_426 = arith.remsi %add3A_365, %jit3A_409 : i32
          %ne3A_427 = arith.constant 0 : i32
          %ne3A_428 = arith.cmpi ne, %rem3A_426, %ne3A_427 : i32
          %and3A_429 = arith.andi %ne3A_425, %ne3A_428 : i1
          %sub3A_430 = arith.constant 1 : i32
          %sub3A_431 = arith.subi %div3A_410, %sub3A_430 : i32
          %select_n3A_432 = arith.select %and3A_429, %sub3A_431, %div3A_410 : i32
          %jit3A_433 = arith.constant 2 : i32
          %eq3A_434 = arith.constant 0 : i32
          %eq3A_435 = arith.cmpi eq, %jit3A_433, %eq3A_434 : i32
          %jit3A_436 = arith.constant 1 : i32
          %select_n3A_437 = arith.select %eq3A_435, %jit3A_436, %jit3A_433 : i32
          %rem3A_438 = arith.remsi %select_n3A_432, %select_n3A_437 : i32
          %ne3A_439 = arith.constant 0 : i32
          %ne3A_440 = arith.cmpi ne, %rem3A_438, %ne3A_439 : i32
          %lt3A_441 = arith.constant 0 : i32
          %lt3A_442 = arith.cmpi slt, %rem3A_438, %lt3A_441 : i32
          %lt3A_443 = arith.constant 0 : i32
          %lt3A_444 = arith.cmpi slt, %select_n3A_437, %lt3A_443 : i32
          %ne3A_445 = arith.xori %lt3A_442, %lt3A_444 : i1
          %and3A_446 = arith.andi %ne3A_445, %ne3A_440 : i1
          %add3A_447 = arith.addi %rem3A_438, %select_n3A_437 : i32
          %select_n3A_448 = arith.select %and3A_446, %add3A_447, %rem3A_438 : i32
          %mul3A_449 = arith.constant 480 : i32
          %mul3A_450 = arith.muli %select_n3A_448, %mul3A_449 : i32
          %multiple_of3A_451 = tpu.assume_multiple %mul3A_450, 8 : i32
          "tpu.region"() ({
            %run_scoped3A = tpu.sem_alloc : memref<!tpu.dma_semaphore, #tpu.memory_space<semaphore_mem>>
            %dma_start3A_452 = tpu.memref_slice %arg9[%multiple_of3A_451] : memref<960xi32, #tpu.memory_space<vmem>> -> memref<480xi32, #tpu.memory_space<vmem>>
            %dma_start3A_453 = tpu.memref_slice %arg4[%multiple_of3A_408] : memref<300000xi32, #tpu.memory_space<hbm>> -> memref<480xi32, #tpu.memory_space<hbm>>
            %dma_start3A_454 = tpu.memref_slice %arg9[%multiple_of3A_451] : memref<960xi32, #tpu.memory_space<vmem>> -> memref<480xi32, #tpu.memory_space<vmem>>
            %dma_start3A_455 = tpu.memref_slice %arg4[%multiple_of3A_408] : memref<300000xi32, #tpu.memory_space<hbm>> -> memref<480xi32, #tpu.memory_space<hbm>>
            tpu.enqueue_dma source(%dma_start3A_455 : memref<480xi32, #tpu.memory_space<hbm>>) target(%dma_start3A_454 : memref<480xi32, #tpu.memory_space<vmem>>) target_semaphore(%run_scoped3A : memref<!tpu.dma_semaphore, #tpu.memory_space<semaphore_mem>>)
            %dma_wait3A_456 = tpu.memref_slice %arg9[%multiple_of3A_451] : memref<960xi32, #tpu.memory_space<vmem>> -> memref<480xi32, #tpu.memory_space<vmem>>
            %dma_wait3A_457 = tpu.memref_slice %arg4[%multiple_of3A_408] : memref<300000xi32, #tpu.memory_space<hbm>> -> memref<480xi32, #tpu.memory_space<hbm>>
            %dma_wait3A_458 = tpu.memref_slice %arg9[%multiple_of3A_451] : memref<960xi32, #tpu.memory_space<vmem>> -> memref<480xi32, #tpu.memory_space<vmem>>
            %dma_wait3A_459 = tpu.memref_slice %arg4[%multiple_of3A_408] : memref<300000xi32, #tpu.memory_space<hbm>> -> memref<480xi32, #tpu.memory_space<hbm>>
            tpu.wait_dma2 semaphore(%run_scoped3A : memref<!tpu.dma_semaphore, #tpu.memory_space<semaphore_mem>>) src(%dma_wait3A_459 : memref<480xi32, #tpu.memory_space<hbm>>) dst(%dma_wait3A_458 : memref<480xi32, #tpu.memory_space<vmem>>)
            tpu.yield
          }) : () -> ()
          "tpu.region"() ({
            %run_scoped3A = tpu.sem_alloc : memref<!tpu.dma_semaphore, #tpu.memory_space<semaphore_mem>>
            %dma_start3A_452 = tpu.memref_slice %arg10[%multiple_of3A_451] : memref<960xi32, #tpu.memory_space<vmem>> -> memref<480xi32, #tpu.memory_space<vmem>>
            %dma_start3A_453 = tpu.memref_slice %arg3[%multiple_of3A_408] : memref<300000xi32, #tpu.memory_space<hbm>> -> memref<480xi32, #tpu.memory_space<hbm>>
            %dma_start3A_454 = tpu.memref_slice %arg10[%multiple_of3A_451] : memref<960xi32, #tpu.memory_space<vmem>> -> memref<480xi32, #tpu.memory_space<vmem>>
            %dma_start3A_455 = tpu.memref_slice %arg3[%multiple_of3A_408] : memref<300000xi32, #tpu.memory_space<hbm>> -> memref<480xi32, #tpu.memory_space<hbm>>
            tpu.enqueue_dma source(%dma_start3A_455 : memref<480xi32, #tpu.memory_space<hbm>>) target(%dma_start3A_454 : memref<480xi32, #tpu.memory_space<vmem>>) target_semaphore(%run_scoped3A : memref<!tpu.dma_semaphore, #tpu.memory_space<semaphore_mem>>)
            %dma_wait3A_456 = tpu.memref_slice %arg10[%multiple_of3A_451] : memref<960xi32, #tpu.memory_space<vmem>> -> memref<480xi32, #tpu.memory_space<vmem>>
            %dma_wait3A_457 = tpu.memref_slice %arg3[%multiple_of3A_408] : memref<300000xi32, #tpu.memory_space<hbm>> -> memref<480xi32, #tpu.memory_space<hbm>>
            %dma_wait3A_458 = tpu.memref_slice %arg10[%multiple_of3A_451] : memref<960xi32, #tpu.memory_space<vmem>> -> memref<480xi32, #tpu.memory_space<vmem>>
            %dma_wait3A_459 = tpu.memref_slice %arg3[%multiple_of3A_408] : memref<300000xi32, #tpu.memory_space<hbm>> -> memref<480xi32, #tpu.memory_space<hbm>>
            tpu.wait_dma2 semaphore(%run_scoped3A : memref<!tpu.dma_semaphore, #tpu.memory_space<semaphore_mem>>) src(%dma_wait3A_459 : memref<480xi32, #tpu.memory_space<hbm>>) dst(%dma_wait3A_458 : memref<480xi32, #tpu.memory_space<vmem>>)
            tpu.yield
          }) : () -> ()
        } else {
        }
        %dma_wait3A = arith.constant 0 : i32
        %dma_wait3A_389 = arith.constant 0 : i32
        %dma_wait3A_390 = tpu.memref_slice %arg11[%select_n3A_236, %dma_wait3A, %dma_wait3A_389] : memref<2x16x768xf32, #tpu.memory_space<vmem>> -> memref<1x16x768xf32, #tpu.memory_space<vmem>>
        %dma_wait3A_391 = tpu.memref_squeeze %dma_wait3A_390 : memref<1x16x768xf32, #tpu.memory_space<vmem>> -> memref<16x768xf32, #tpu.memory_space<vmem>>
        %dma_wait3A_392 = arith.constant 0 : i32
        %dma_wait3A_393 = arith.constant 0 : i32
        %dma_wait3A_394 = tpu.memref_slice %arg2[%dma_wait3A_392, %dma_wait3A_393] : memref<50265x768xf32, #tpu.memory_space<hbm>> -> memref<16x768xf32, #tpu.memory_space<hbm>>
        %dma_wait3A_395 = tpu.memref_slice %arg16[%select_n3A_236] : memref<2x!tpu.dma_semaphore, #tpu.memory_space<semaphore_mem>> -> memref<1x!tpu.dma_semaphore, #tpu.memory_space<semaphore_mem>>
        %dma_wait3A_396 = tpu.memref_squeeze %dma_wait3A_395 : memref<1x!tpu.dma_semaphore, #tpu.memory_space<semaphore_mem>> -> memref<!tpu.dma_semaphore, #tpu.memory_space<semaphore_mem>>
        %dma_wait3A_397 = arith.constant 0 : i32
        %dma_wait3A_398 = arith.constant 0 : i32
        %dma_wait3A_399 = tpu.memref_slice %arg11[%select_n3A_236, %dma_wait3A_397, %dma_wait3A_398] : memref<2x16x768xf32, #tpu.memory_space<vmem>> -> memref<1x16x768xf32, #tpu.memory_space<vmem>>
        %dma_wait3A_400 = tpu.memref_squeeze %dma_wait3A_399 : memref<1x16x768xf32, #tpu.memory_space<vmem>> -> memref<16x768xf32, #tpu.memory_space<vmem>>
        %dma_wait3A_401 = arith.constant 0 : i32
        %dma_wait3A_402 = arith.constant 0 : i32
        %dma_wait3A_403 = tpu.memref_slice %arg2[%dma_wait3A_401, %dma_wait3A_402] : memref<50265x768xf32, #tpu.memory_space<hbm>> -> memref<16x768xf32, #tpu.memory_space<hbm>>
        tpu.wait_dma2 semaphore(%dma_wait3A_396 : memref<!tpu.dma_semaphore, #tpu.memory_space<semaphore_mem>>) src(%dma_wait3A_403 : memref<16x768xf32, #tpu.memory_space<hbm>>) dst(%dma_wait3A_400 : memref<16x768xf32, #tpu.memory_space<vmem>>)
        %lt3A_404 = arith.cmpi slt, %add3A_365, %min3A_5 : i32
        %convert_element_type3A_405 = arith.extui %lt3A_404 : i1 to i32
        %cond3A_406 = arith.constant 0 : i32
        %cond3A_407 = arith.cmpi ne, %convert_element_type3A_405, %cond3A_406 : i32
        scf.if %cond3A_407 {
          %jit3A_408 = arith.constant 480 : i32
          %div3A_409 = arith.divsi %add3A_365, %jit3A_408 : i32
          %sign3A_410 = arith.constant 0 : i32
          %sign3A_411 = arith.cmpi sgt, %add3A_365, %sign3A_410 : i32
          %sign3A_412 = arith.extui %sign3A_411 : i1 to i32
          %sign3A_413 = arith.constant 0 : i32
          %sign3A_414 = arith.cmpi slt, %add3A_365, %sign3A_413 : i32
          %sign3A_415 = arith.extui %sign3A_414 : i1 to i32
          %sign3A_416 = arith.subi %sign3A_412, %sign3A_415 : i32
          %sign3A_417 = arith.constant 0 : i32
          %sign3A_418 = arith.cmpi sgt, %jit3A_408, %sign3A_417 : i32
          %sign3A_419 = arith.extui %sign3A_418 : i1 to i32
          %sign3A_420 = arith.constant 0 : i32
          %sign3A_421 = arith.cmpi slt, %jit3A_408, %sign3A_420 : i32
          %sign3A_422 = arith.extui %sign3A_421 : i1 to i32
          %sign3A_423 = arith.subi %sign3A_419, %sign3A_422 : i32
          %ne3A_424 = arith.cmpi ne, %sign3A_416, %sign3A_423 : i32
          %rem3A_425 = arith.remsi %add3A_365, %jit3A_408 : i32
          %ne3A_426 = arith.constant 0 : i32
          %ne3A_427 = arith.cmpi ne, %rem3A_425, %ne3A_426 : i32
          %and3A_428 = arith.andi %ne3A_424, %ne3A_427 : i1
          %sub3A_429 = arith.constant 1 : i32
          %sub3A_430 = arith.subi %div3A_409, %sub3A_429 : i32
          %select_n3A_431 = arith.select %and3A_428, %sub3A_430, %div3A_409 : i32
          %mul3A_432 = arith.constant 480 : i32
          %mul3A_433 = arith.muli %select_n3A_431, %mul3A_432 : i32
          %sub3A_434 = arith.subi %add3A_365, %mul3A_433 : i32
          %jit3A_435 = arith.constant 480 : i32
          %div3A_436 = arith.divsi %add3A_365, %jit3A_435 : i32
          %sign3A_437 = arith.constant 0 : i32
          %sign3A_438 = arith.cmpi sgt, %add3A_365, %sign3A_437 : i32
          %sign3A_439 = arith.extui %sign3A_438 : i1 to i32
          %sign3A_440 = arith.constant 0 : i32
          %sign3A_441 = arith.cmpi slt, %add3A_365, %sign3A_440 : i32
          %sign3A_442 = arith.extui %sign3A_441 : i1 to i32
          %sign3A_443 = arith.subi %sign3A_439, %sign3A_442 : i32
          %sign3A_444 = arith.constant 0 : i32
          %sign3A_445 = arith.cmpi sgt, %jit3A_435, %sign3A_444 : i32
          %sign3A_446 = arith.extui %sign3A_445 : i1 to i32
          %sign3A_447 = arith.constant 0 : i32
          %sign3A_448 = arith.cmpi slt, %jit3A_435, %sign3A_447 : i32
          %sign3A_449 = arith.extui %sign3A_448 : i1 to i32
          %sign3A_450 = arith.subi %sign3A_446, %sign3A_449 : i32
          %ne3A_451 = arith.cmpi ne, %sign3A_443, %sign3A_450 : i32
          %rem3A_452 = arith.remsi %add3A_365, %jit3A_435 : i32
          %ne3A_453 = arith.constant 0 : i32
          %ne3A_454 = arith.cmpi ne, %rem3A_452, %ne3A_453 : i32
          %and3A_455 = arith.andi %ne3A_451, %ne3A_454 : i1
          %sub3A_456 = arith.constant 1 : i32
          %sub3A_457 = arith.subi %div3A_436, %sub3A_456 : i32
          %select_n3A_458 = arith.select %and3A_455, %sub3A_457, %div3A_436 : i32
          %jit3A_459 = arith.constant 2 : i32
          %eq3A_460 = arith.constant 0 : i32
          %eq3A_461 = arith.cmpi eq, %jit3A_459, %eq3A_460 : i32
          %jit3A_462 = arith.constant 1 : i32
          %select_n3A_463 = arith.select %eq3A_461, %jit3A_462, %jit3A_459 : i32
          %rem3A_464 = arith.remsi %select_n3A_458, %select_n3A_463 : i32
          %ne3A_465 = arith.constant 0 : i32
          %ne3A_466 = arith.cmpi ne, %rem3A_464, %ne3A_465 : i32
          %lt3A_467 = arith.constant 0 : i32
          %lt3A_468 = arith.cmpi slt, %rem3A_464, %lt3A_467 : i32
          %lt3A_469 = arith.constant 0 : i32
          %lt3A_470 = arith.cmpi slt, %select_n3A_463, %lt3A_469 : i32
          %ne3A_471 = arith.xori %lt3A_468, %lt3A_470 : i1
          %and3A_472 = arith.andi %ne3A_471, %ne3A_466 : i1
          %add3A_473 = arith.addi %rem3A_464, %select_n3A_463 : i32
          %select_n3A_474 = arith.select %and3A_472, %add3A_473, %rem3A_464 : i32
          %mul3A_475 = arith.constant 480 : i32
          %mul3A_476 = arith.muli %select_n3A_474, %mul3A_475 : i32
          %add3A_477 = arith.addi %sub3A_434, %mul3A_476 : i32
          %multiple_of3A_478 = tpu.assume_multiple %add3A_477, 16 : i32
          %sub3A_479 = arith.constant 1 : i32
          %sub3A_480 = arith.subi %sub3A_479, %select_n3A_236 : i32
          %sub3A_481 = arith.constant 1 : i32
          %sub3A_482 = arith.subi %sub3A_481, %select_n3A_236 : i32
          %dma_start3A_483 = arith.constant 0 : i32
          %dma_start3A_484 = arith.constant 0 : i32
          %dma_start3A_485 = tpu.memref_slice %arg11[%sub3A_480, %dma_start3A_483, %dma_start3A_484] : memref<2x16x768xf32, #tpu.memory_space<vmem>> -> memref<1x16x768xf32, #tpu.memory_space<vmem>>
          %dma_start3A_486 = tpu.memref_squeeze %dma_start3A_485 : memref<1x16x768xf32, #tpu.memory_space<vmem>> -> memref<16x768xf32, #tpu.memory_space<vmem>>
          %dma_start3A_487 = tpu.memref_slice %arg10[%multiple_of3A_478] : memref<960xi32, #tpu.memory_space<vmem>> -> memref<16xi32, #tpu.memory_space<vmem>>
          %dma_start3A_488 = arith.constant 0 : i32
          %dma_start3A_489 = arith.constant 0 : i32
          %dma_start3A_490 = tpu.memref_slice %arg2[%dma_start3A_488, %dma_start3A_489] : memref<50265x768xf32, #tpu.memory_space<hbm>> -> memref<50265x768xf32, #tpu.memory_space<hbm>>
          %dma_start3A_491 = tpu.memref_slice %arg16[%sub3A_482] : memref<2x!tpu.dma_semaphore, #tpu.memory_space<semaphore_mem>> -> memref<1x!tpu.dma_semaphore, #tpu.memory_space<semaphore_mem>>
          %dma_start3A_492 = tpu.memref_squeeze %dma_start3A_491 : memref<1x!tpu.dma_semaphore, #tpu.memory_space<semaphore_mem>> -> memref<!tpu.dma_semaphore, #tpu.memory_space<semaphore_mem>>
          tpu.enqueue_indirect_dma source(%dma_start3A_490 : memref<50265x768xf32, #tpu.memory_space<hbm>>) target(%dma_start3A_486 : memref<16x768xf32, #tpu.memory_space<vmem>>) offsets(%dma_start3A_487 : memref<16xi32, #tpu.memory_space<vmem>>) semaphore(%dma_start3A_492 : memref<!tpu.dma_semaphore, #tpu.memory_space<semaphore_mem>>)
        } else {
        }
      } else {
      }
      %jit3A_259 = arith.constant 480 : i32
      %div3A_260 = arith.divsi %add3A_195, %jit3A_259 : i32
      %sign3A_261 = arith.constant 0 : i32
      %sign3A_262 = arith.cmpi sgt, %add3A_195, %sign3A_261 : i32
      %sign3A_263 = arith.extui %sign3A_262 : i1 to i32
      %sign3A_264 = arith.constant 0 : i32
      %sign3A_265 = arith.cmpi slt, %add3A_195, %sign3A_264 : i32
      %sign3A_266 = arith.extui %sign3A_265 : i1 to i32
      %sign3A_267 = arith.subi %sign3A_263, %sign3A_266 : i32
      %sign3A_268 = arith.constant 0 : i32
      %sign3A_269 = arith.cmpi sgt, %jit3A_259, %sign3A_268 : i32
      %sign3A_270 = arith.extui %sign3A_269 : i1 to i32
      %sign3A_271 = arith.constant 0 : i32
      %sign3A_272 = arith.cmpi slt, %jit3A_259, %sign3A_271 : i32
      %sign3A_273 = arith.extui %sign3A_272 : i1 to i32
      %sign3A_274 = arith.subi %sign3A_270, %sign3A_273 : i32
      %ne3A_275 = arith.cmpi ne, %sign3A_267, %sign3A_274 : i32
      %rem3A_276 = arith.remsi %add3A_195, %jit3A_259 : i32
      %ne3A_277 = arith.constant 0 : i32
      %ne3A_278 = arith.cmpi ne, %rem3A_276, %ne3A_277 : i32
      %and3A_279 = arith.andi %ne3A_275, %ne3A_278 : i1
      %sub3A_280 = arith.constant 1 : i32
      %sub3A_281 = arith.subi %div3A_260, %sub3A_280 : i32
      %select_n3A_282 = arith.select %and3A_279, %sub3A_281, %div3A_260 : i32
      %mul3A_283 = arith.constant 480 : i32
      %mul3A_284 = arith.muli %select_n3A_282, %mul3A_283 : i32
      %sub3A_285 = arith.subi %add3A_195, %mul3A_284 : i32
      %jit3A_286 = arith.constant 480 : i32
      %div3A_287 = arith.divsi %add3A_195, %jit3A_286 : i32
      %sign3A_288 = arith.constant 0 : i32
      %sign3A_289 = arith.cmpi sgt, %add3A_195, %sign3A_288 : i32
      %sign3A_290 = arith.extui %sign3A_289 : i1 to i32
      %sign3A_291 = arith.constant 0 : i32
      %sign3A_292 = arith.cmpi slt, %add3A_195, %sign3A_291 : i32
      %sign3A_293 = arith.extui %sign3A_292 : i1 to i32
      %sign3A_294 = arith.subi %sign3A_290, %sign3A_293 : i32
      %sign3A_295 = arith.constant 0 : i32
      %sign3A_296 = arith.cmpi sgt, %jit3A_286, %sign3A_295 : i32
      %sign3A_297 = arith.extui %sign3A_296 : i1 to i32
      %sign3A_298 = arith.constant 0 : i32
      %sign3A_299 = arith.cmpi slt, %jit3A_286, %sign3A_298 : i32
      %sign3A_300 = arith.extui %sign3A_299 : i1 to i32
      %sign3A_301 = arith.subi %sign3A_297, %sign3A_300 : i32
      %ne3A_302 = arith.cmpi ne, %sign3A_294, %sign3A_301 : i32
      %rem3A_303 = arith.remsi %add3A_195, %jit3A_286 : i32
      %ne3A_304 = arith.constant 0 : i32
      %ne3A_305 = arith.cmpi ne, %rem3A_303, %ne3A_304 : i32
      %and3A_306 = arith.andi %ne3A_302, %ne3A_305 : i1
      %sub3A_307 = arith.constant 1 : i32
      %sub3A_308 = arith.subi %div3A_287, %sub3A_307 : i32
      %select_n3A_309 = arith.select %and3A_306, %sub3A_308, %div3A_287 : i32
      %jit3A_310 = arith.constant 2 : i32
      %eq3A_311 = arith.constant 0 : i32
      %eq3A_312 = arith.cmpi eq, %jit3A_310, %eq3A_311 : i32
      %jit3A_313 = arith.constant 1 : i32
      %select_n3A_314 = arith.select %eq3A_312, %jit3A_313, %jit3A_310 : i32
      %rem3A_315 = arith.remsi %select_n3A_309, %select_n3A_314 : i32
      %ne3A_316 = arith.constant 0 : i32
      %ne3A_317 = arith.cmpi ne, %rem3A_315, %ne3A_316 : i32
      %lt3A_318 = arith.constant 0 : i32
      %lt3A_319 = arith.cmpi slt, %rem3A_315, %lt3A_318 : i32
      %lt3A_320 = arith.constant 0 : i32
      %lt3A_321 = arith.cmpi slt, %select_n3A_314, %lt3A_320 : i32
      %ne3A_322 = arith.xori %lt3A_319, %lt3A_321 : i1
      %and3A_323 = arith.andi %ne3A_322, %ne3A_317 : i1
      %add3A_324 = arith.addi %rem3A_315, %select_n3A_314 : i32
      %select_n3A_325 = arith.select %and3A_323, %add3A_324, %rem3A_315 : i32
      %mul3A_326 = arith.constant 480 : i32
      %mul3A_327 = arith.muli %select_n3A_325, %mul3A_326 : i32
      %add3A_328 = arith.addi %sub3A_285, %mul3A_327 : i32
      %broadcast_in_dim3A_329 = vector.broadcast %add3A_328 : i32 to vector<16xi32>
      %gather3A_330 = tpu.vector_load_idx %arg9[%broadcast_in_dim3A_329] : memref<960xi32, #tpu.memory_space<vmem>>[vector<16xi32>], vector<16xi32>,
      %slice3A_331 = vector.extract_strided_slice %gather3A_330 {offsets = [0], sizes = [1], strides = [1]} : vector<16xi32> to vector<1xi32>
      %squeeze3A_332 = vector.extract %slice3A_331[0] : i32 from vector<1xi32>
      %ne3A_333 = arith.cmpi ne, %squeeze3A_332, %scan3A_191 : i32
      %and3A_334 = arith.andi %lt3A_196, %ne3A_333 : i1
      %eq3A_335 = arith.constant 0 : i32
      %eq3A_336 = arith.cmpi eq, %scan3A_193, %eq3A_335 : i32
      %and3A_337 = arith.andi %and3A_334, %eq3A_336 : i1
      %eq3A_338 = arith.constant 1 : i32
      %eq3A_339 = arith.cmpi eq, %scan3A_193, %eq3A_338 : i32
      %and3A_340 = arith.andi %and3A_334, %eq3A_339 : i1
      %convert_element_type3A_341 = arith.extui %and3A_337 : i1 to i32
      %cond3A_342 = arith.constant 0 : i32
      %cond3A_343 = arith.cmpi ne, %convert_element_type3A_341, %cond3A_342 : i32
      scf.if %cond3A_343 {
        %jit3A_364 = arith.constant 4 : i32
        %eq3A_365 = arith.constant 0 : i32
        %eq3A_366 = arith.cmpi eq, %jit3A_364, %eq3A_365 : i32
        %jit3A_367 = arith.constant 1 : i32
        %select_n3A_368 = arith.select %eq3A_366, %jit3A_367, %jit3A_364 : i32
        %rem3A_369 = arith.remsi %scan3A_194, %select_n3A_368 : i32
        %ne3A_370 = arith.constant 0 : i32
        %ne3A_371 = arith.cmpi ne, %rem3A_369, %ne3A_370 : i32
        %lt3A_372 = arith.constant 0 : i32
        %lt3A_373 = arith.cmpi slt, %rem3A_369, %lt3A_372 : i32
        %lt3A_374 = arith.constant 0 : i32
        %lt3A_375 = arith.cmpi slt, %select_n3A_368, %lt3A_374 : i32
        %ne3A_376 = arith.xori %lt3A_373, %lt3A_375 : i1
        %and3A_377 = arith.andi %ne3A_376, %ne3A_371 : i1
        %add3A_378 = arith.addi %rem3A_369, %select_n3A_368 : i32
        %select_n3A_379 = arith.select %and3A_377, %add3A_378, %rem3A_369 : i32
        %ge3A = arith.constant 4 : i32
        %ge3A_380 = arith.cmpi sge, %scan3A_194, %ge3A : i32
        %convert_element_type3A_381 = arith.extui %ge3A_380 : i1 to i32
        %cond3A_382 = arith.constant 0 : i32
        %cond3A_383 = arith.cmpi ne, %convert_element_type3A_381, %cond3A_382 : i32
        scf.if %cond3A_383 {
          %dma_wait3A = arith.constant 0 : i32
          %dma_wait3A_413 = arith.constant 0 : i32
          %dma_wait3A_414 = tpu.memref_slice %arg12[%select_n3A_379, %dma_wait3A_413] : memref<4x768xf32, #tpu.memory_space<vmem>> -> memref<1x768xf32, #tpu.memory_space<vmem>>
          %dma_wait3A_415 = tpu.memref_squeeze %dma_wait3A_414 : memref<1x768xf32, #tpu.memory_space<vmem>> -> memref<768xf32, #tpu.memory_space<vmem>>
          %dma_wait3A_416 = arith.constant 0 : i32
          %dma_wait3A_417 = tpu.memref_slice %arg6[%dma_wait3A, %dma_wait3A_416] : memref<100000x768xf32, #tpu.memory_space<hbm>> -> memref<1x768xf32, #tpu.memory_space<hbm>>
          %dma_wait3A_418 = tpu.memref_squeeze %dma_wait3A_417 : memref<1x768xf32, #tpu.memory_space<hbm>> -> memref<768xf32, #tpu.memory_space<hbm>>
          %dma_wait3A_419 = tpu.memref_slice %arg17[%select_n3A_379] : memref<4x!tpu.dma_semaphore, #tpu.memory_space<semaphore_mem>> -> memref<1x!tpu.dma_semaphore, #tpu.memory_space<semaphore_mem>>
          %dma_wait3A_420 = tpu.memref_squeeze %dma_wait3A_419 : memref<1x!tpu.dma_semaphore, #tpu.memory_space<semaphore_mem>> -> memref<!tpu.dma_semaphore, #tpu.memory_space<semaphore_mem>>
          %dma_wait3A_421 = arith.constant 0 : i32
          %dma_wait3A_422 = tpu.memref_slice %arg12[%select_n3A_379, %dma_wait3A_421] : memref<4x768xf32, #tpu.memory_space<vmem>> -> memref<1x768xf32, #tpu.memory_space<vmem>>
          %dma_wait3A_423 = tpu.memref_squeeze %dma_wait3A_422 : memref<1x768xf32, #tpu.memory_space<vmem>> -> memref<768xf32, #tpu.memory_space<vmem>>
          %dma_wait3A_424 = arith.constant 0 : i32
          %dma_wait3A_425 = tpu.memref_slice %arg6[%dma_wait3A, %dma_wait3A_424] : memref<100000x768xf32, #tpu.memory_space<hbm>> -> memref<1x768xf32, #tpu.memory_space<hbm>>
          %dma_wait3A_426 = tpu.memref_squeeze %dma_wait3A_425 : memref<1x768xf32, #tpu.memory_space<hbm>> -> memref<768xf32, #tpu.memory_space<hbm>>
          tpu.wait_dma2 semaphore(%dma_wait3A_420 : memref<!tpu.dma_semaphore, #tpu.memory_space<semaphore_mem>>) src(%dma_wait3A_426 : memref<768xf32, #tpu.memory_space<hbm>>) dst(%dma_wait3A_423 : memref<768xf32, #tpu.memory_space<vmem>>)
          %dma_wait3A_427 = arith.constant 0 : i32
          %dma_wait3A_428 = arith.constant 0 : i32
          %dma_wait3A_429 = tpu.memref_slice %arg5[%dma_wait3A_427, %dma_wait3A_428] : memref<100000x128xf32, #tpu.memory_space<hbm>> -> memref<1x128xf32, #tpu.memory_space<hbm>>
          %dma_wait3A_430 = tpu.memref_squeeze %dma_wait3A_429 : memref<1x128xf32, #tpu.memory_space<hbm>> -> memref<128xf32, #tpu.memory_space<hbm>>
          %dma_wait3A_431 = tpu.memref_slice %arg17[%select_n3A_379] : memref<4x!tpu.dma_semaphore, #tpu.memory_space<semaphore_mem>> -> memref<1x!tpu.dma_semaphore, #tpu.memory_space<semaphore_mem>>
          %dma_wait3A_432 = tpu.memref_squeeze %dma_wait3A_431 : memref<1x!tpu.dma_semaphore, #tpu.memory_space<semaphore_mem>> -> memref<!tpu.dma_semaphore, #tpu.memory_space<semaphore_mem>>
          %dma_wait3A_433 = arith.constant 0 : i32
          %dma_wait3A_434 = tpu.memref_slice %arg5[%dma_wait3A_427, %dma_wait3A_433] : memref<100000x128xf32, #tpu.memory_space<hbm>> -> memref<1x128xf32, #tpu.memory_space<hbm>>
          %dma_wait3A_435 = tpu.memref_squeeze %dma_wait3A_434 : memref<1x128xf32, #tpu.memory_space<hbm>> -> memref<128xf32, #tpu.memory_space<hbm>>
          tpu.wait_dma2 semaphore(%dma_wait3A_432 : memref<!tpu.dma_semaphore, #tpu.memory_space<semaphore_mem>>) src(%dma_wait3A_435 : memref<128xf32, #tpu.memory_space<hbm>>) dst(%arg14 : memref<128xf32, #tpu.memory_space<vmem>>)
        } else {
        }
        %convert_element_type3A_384 = arith.sitofp %scan3A_192 : i32 to f32
        %broadcast_in_dim3A_385 = vector.broadcast %convert_element_type3A_384 : f32 to vector<16xf32>
        %broadcast_in_dim3A_386 = arith.constant 1.000000e+00 : f32
        %broadcast_in_dim3A_387 = vector.broadcast %broadcast_in_dim3A_386 : f32 to vector<16xf32>
        %div3A_388 = arith.divf %broadcast_in_dim3A_387, %broadcast_in_dim3A_385 : vector<16xf32>
        %parallel_loop3A = arith.constant 0 : i32
        %parallel_loop3A_389 = arith.constant 768 : i32
        %parallel_loop3A_390 = arith.constant 16 : i32
        scf.for %parallel_loop3A_413 = %parallel_loop3A to %parallel_loop3A_389 step %parallel_loop3A_390  : i32 {
          %parallel_loop3A_414 = tpu.assume_multiple %parallel_loop3A_413, 16 : i32
          %parallel_loop3A_415 = arith.index_cast %parallel_loop3A_414 : i32 to index
          %parallel_loop3A_416 = tpu.vector_load %arg13[%parallel_loop3A_415] {strides = array<i32>} : memref<768xf32, #tpu.memory_space<vmem>>, vector<16xf32>,
          %parallel_loop3A_417 = arith.mulf %parallel_loop3A_416, %div3A_388 : vector<16xf32>
          %parallel_loop3A_418 = arith.index_cast %select_n3A_379 : i32 to index
          %parallel_loop3A_419 = arith.index_cast %parallel_loop3A_414 : i32 to index
          %parallel_loop3A_420 = tpu.vector_load %arg12[%parallel_loop3A_418, %parallel_loop3A_419] {strides = array<i32>} : memref<4x768xf32, #tpu.memory_space<vmem>>, vector<16xf32>,
          tpu.vector_store %arg12[%parallel_loop3A_418, %parallel_loop3A_419], %parallel_loop3A_417 {strides = array<i32>} : memref<4x768xf32, #tpu.memory_space<vmem>>, vector<16xf32>,
        } {sc.loop_unroll_factor = 8 : i64, sc.parallel_access}
        %dma_start3A_391 = arith.constant 0 : i32
        %dma_start3A_392 = tpu.memref_slice %arg12[%select_n3A_379, %dma_start3A_391] : memref<4x768xf32, #tpu.memory_space<vmem>> -> memref<1x768xf32, #tpu.memory_space<vmem>>
        %dma_start3A_393 = tpu.memref_squeeze %dma_start3A_392 : memref<1x768xf32, #tpu.memory_space<vmem>> -> memref<768xf32, #tpu.memory_space<vmem>>
        %dma_start3A_394 = arith.constant 0 : i32
        %dma_start3A_395 = tpu.memref_slice %arg6[%scan3A_191, %dma_start3A_394] : memref<100000x768xf32, #tpu.memory_space<hbm>> -> memref<1x768xf32, #tpu.memory_space<hbm>>
        %dma_start3A_396 = tpu.memref_squeeze %dma_start3A_395 : memref<1x768xf32, #tpu.memory_space<hbm>> -> memref<768xf32, #tpu.memory_space<hbm>>
        %dma_start3A_397 = tpu.memref_slice %arg17[%select_n3A_379] : memref<4x!tpu.dma_semaphore, #tpu.memory_space<semaphore_mem>> -> memref<1x!tpu.dma_semaphore, #tpu.memory_space<semaphore_mem>>
        %dma_start3A_398 = tpu.memref_squeeze %dma_start3A_397 : memref<1x!tpu.dma_semaphore, #tpu.memory_space<semaphore_mem>> -> memref<!tpu.dma_semaphore, #tpu.memory_space<semaphore_mem>>
        %dma_start3A_399 = arith.constant 0 : i32
        %dma_start3A_400 = tpu.memref_slice %arg6[%scan3A_191, %dma_start3A_399] : memref<100000x768xf32, #tpu.memory_space<hbm>> -> memref<1x768xf32, #tpu.memory_space<hbm>>
        %dma_start3A_401 = tpu.memref_squeeze %dma_start3A_400 : memref<1x768xf32, #tpu.memory_space<hbm>> -> memref<768xf32, #tpu.memory_space<hbm>>
        %dma_start3A_402 = arith.constant 0 : i32
        %dma_start3A_403 = tpu.memref_slice %arg12[%select_n3A_379, %dma_start3A_402] : memref<4x768xf32, #tpu.memory_space<vmem>> -> memref<1x768xf32, #tpu.memory_space<vmem>>
        %dma_start3A_404 = tpu.memref_squeeze %dma_start3A_403 : memref<1x768xf32, #tpu.memory_space<vmem>> -> memref<768xf32, #tpu.memory_space<vmem>>
        tpu.enqueue_dma source(%dma_start3A_404 : memref<768xf32, #tpu.memory_space<vmem>>) target(%dma_start3A_401 : memref<768xf32, #tpu.memory_space<hbm>>) target_semaphore(%dma_start3A_398 : memref<!tpu.dma_semaphore, #tpu.memory_space<semaphore_mem>>)
        %dma_start3A_405 = arith.constant 0 : i32
        %dma_start3A_406 = tpu.memref_slice %arg5[%scan3A_191, %dma_start3A_405] : memref<100000x128xf32, #tpu.memory_space<hbm>> -> memref<1x128xf32, #tpu.memory_space<hbm>>
        %dma_start3A_407 = tpu.memref_squeeze %dma_start3A_406 : memref<1x128xf32, #tpu.memory_space<hbm>> -> memref<128xf32, #tpu.memory_space<hbm>>
        %dma_start3A_408 = tpu.memref_slice %arg17[%select_n3A_379] : memref<4x!tpu.dma_semaphore, #tpu.memory_space<semaphore_mem>> -> memref<1x!tpu.dma_semaphore, #tpu.memory_space<semaphore_mem>>
        %dma_start3A_409 = tpu.memref_squeeze %dma_start3A_408 : memref<1x!tpu.dma_semaphore, #tpu.memory_space<semaphore_mem>> -> memref<!tpu.dma_semaphore, #tpu.memory_space<semaphore_mem>>
        %dma_start3A_410 = arith.constant 0 : i32
        %dma_start3A_411 = tpu.memref_slice %arg5[%scan3A_191, %dma_start3A_410] : memref<100000x128xf32, #tpu.memory_space<hbm>> -> memref<1x128xf32, #tpu.memory_space<hbm>>
        %dma_start3A_412 = tpu.memref_squeeze %dma_start3A_411 : memref<1x128xf32, #tpu.memory_space<hbm>> -> memref<128xf32, #tpu.memory_space<hbm>>
        tpu.enqueue_dma source(%arg14 : memref<128xf32, #tpu.memory_space<vmem>>) target(%dma_start3A_412 : memref<128xf32, #tpu.memory_space<hbm>>) target_semaphore(%dma_start3A_409 : memref<!tpu.dma_semaphore, #tpu.memory_space<semaphore_mem>>)
      } else {
      }
      %convert_element_type3A_344 = arith.extui %and3A_340 : i1 to i32
      %cond3A_345 = arith.constant 0 : i32
      %cond3A_346 = arith.cmpi ne, %convert_element_type3A_344, %cond3A_345 : i32
      scf.if %cond3A_346 {
        %mul3A_364 = arith.constant 2 : i32
        %mul3A_365 = arith.muli %mul3A_364, %add3A : i32
        "tpu.region"() ({
          %run_scoped3A = tpu.sem_alloc : memref<!tpu.dma_semaphore, #tpu.memory_space<semaphore_mem>>
          %dma_start3A_380 = arith.constant 0 : i32
          %dma_start3A_381 = tpu.memref_slice %arg7[%mul3A_365, %dma_start3A_380] : memref<64x768xf32, #tpu.memory_space<hbm>> -> memref<1x768xf32, #tpu.memory_space<hbm>>
          %dma_start3A_382 = tpu.memref_squeeze %dma_start3A_381 : memref<1x768xf32, #tpu.memory_space<hbm>> -> memref<768xf32, #tpu.memory_space<hbm>>
          %dma_start3A_383 = arith.constant 0 : i32
          %dma_start3A_384 = tpu.memref_slice %arg7[%mul3A_365, %dma_start3A_383] : memref<64x768xf32, #tpu.memory_space<hbm>> -> memref<1x768xf32, #tpu.memory_space<hbm>>
          %dma_start3A_385 = tpu.memref_squeeze %dma_start3A_384 : memref<1x768xf32, #tpu.memory_space<hbm>> -> memref<768xf32, #tpu.memory_space<hbm>>
          tpu.enqueue_dma source(%arg13 : memref<768xf32, #tpu.memory_space<vmem>>) target(%dma_start3A_385 : memref<768xf32, #tpu.memory_space<hbm>>) target_semaphore(%run_scoped3A : memref<!tpu.dma_semaphore, #tpu.memory_space<semaphore_mem>>)
          %dma_wait3A = arith.constant 0 : i32
          %dma_wait3A_386 = tpu.memref_slice %arg7[%mul3A_365, %dma_wait3A] : memref<64x768xf32, #tpu.memory_space<hbm>> -> memref<1x768xf32, #tpu.memory_space<hbm>>
          %dma_wait3A_387 = tpu.memref_squeeze %dma_wait3A_386 : memref<1x768xf32, #tpu.memory_space<hbm>> -> memref<768xf32, #tpu.memory_space<hbm>>
          %dma_wait3A_388 = arith.constant 0 : i32
          %dma_wait3A_389 = tpu.memref_slice %arg7[%mul3A_365, %dma_wait3A_388] : memref<64x768xf32, #tpu.memory_space<hbm>> -> memref<1x768xf32, #tpu.memory_space<hbm>>
          %dma_wait3A_390 = tpu.memref_squeeze %dma_wait3A_389 : memref<1x768xf32, #tpu.memory_space<hbm>> -> memref<768xf32, #tpu.memory_space<hbm>>
          tpu.wait_dma2 semaphore(%run_scoped3A : memref<!tpu.dma_semaphore, #tpu.memory_space<semaphore_mem>>) src(%arg13 : memref<768xf32, #tpu.memory_space<vmem>>) dst(%dma_wait3A_390 : memref<768xf32, #tpu.memory_space<hbm>>)
          tpu.yield
        }) : () -> ()
        %eq3A_366 = arith.constant 0 : i32
        %eq3A_367 = vector.broadcast %eq3A_366 : i32 to vector<16xi32>
        %eq3A_368 = arith.cmpi eq, %iota3A, %eq3A_367 : vector<16xi32>
        %eq3A_369 = arith.constant 1 : i32
        %eq3A_370 = vector.broadcast %eq3A_369 : i32 to vector<16xi32>
        %eq3A_371 = arith.cmpi eq, %iota3A, %eq3A_370 : vector<16xi32>
        %jit3A_372 = arith.constant 0 : i32
        %broadcast_in_dim3A_373 = vector.broadcast %scan3A_192 : i32 to vector<16xi32>
        %broadcast_in_dim3A_374 = vector.broadcast %jit3A_372 : i32 to vector<16xi32>
        %select_n3A_375 = arith.select %eq3A_371, %broadcast_in_dim3A_373, %broadcast_in_dim3A_374 : vector<16xi1>, vector<16xi32>
        %broadcast_in_dim3A_376 = vector.broadcast %scan3A_191 : i32 to vector<16xi32>
        %select_n3A_377 = arith.select %eq3A_368, %broadcast_in_dim3A_376, %select_n3A_375 : vector<16xi1>, vector<16xi32>
        %swap3A_378 = arith.constant 0 : index
        %swap3A_379 = tpu.vector_load %arg15[%swap3A_378] {strides = array<i32>} : memref<16xi32, #tpu.memory_space<vmem>>, vector<16xi32>,
        tpu.vector_store %arg15[%swap3A_378], %select_n3A_377 {strides = array<i32>} : memref<16xi32, #tpu.memory_space<vmem>>, vector<16xi32>,
        "tpu.region"() ({
          %run_scoped3A = tpu.sem_alloc : memref<!tpu.dma_semaphore, #tpu.memory_space<semaphore_mem>>
          %dma_start3A_380 = arith.constant 0 : i32
          %dma_start3A_381 = tpu.memref_slice %arg8[%mul3A_365, %dma_start3A_380] : memref<64x16xi32, #tpu.memory_space<hbm>> -> memref<1x16xi32, #tpu.memory_space<hbm>>
          %dma_start3A_382 = tpu.memref_squeeze %dma_start3A_381 : memref<1x16xi32, #tpu.memory_space<hbm>> -> memref<16xi32, #tpu.memory_space<hbm>>
          %dma_start3A_383 = arith.constant 0 : i32
          %dma_start3A_384 = tpu.memref_slice %arg8[%mul3A_365, %dma_start3A_383] : memref<64x16xi32, #tpu.memory_space<hbm>> -> memref<1x16xi32, #tpu.memory_space<hbm>>
          %dma_start3A_385 = tpu.memref_squeeze %dma_start3A_384 : memref<1x16xi32, #tpu.memory_space<hbm>> -> memref<16xi32, #tpu.memory_space<hbm>>
          tpu.enqueue_dma source(%arg15 : memref<16xi32, #tpu.memory_space<vmem>>) target(%dma_start3A_385 : memref<16xi32, #tpu.memory_space<hbm>>) target_semaphore(%run_scoped3A : memref<!tpu.dma_semaphore, #tpu.memory_space<semaphore_mem>>)
          %dma_wait3A = arith.constant 0 : i32
          %dma_wait3A_386 = tpu.memref_slice %arg8[%mul3A_365, %dma_wait3A] : memref<64x16xi32, #tpu.memory_space<hbm>> -> memref<1x16xi32, #tpu.memory_space<hbm>>
          %dma_wait3A_387 = tpu.memref_squeeze %dma_wait3A_386 : memref<1x16xi32, #tpu.memory_space<hbm>> -> memref<16xi32, #tpu.memory_space<hbm>>
          %dma_wait3A_388 = arith.constant 0 : i32
          %dma_wait3A_389 = tpu.memref_slice %arg8[%mul3A_365, %dma_wait3A_388] : memref<64x16xi32, #tpu.memory_space<hbm>> -> memref<1x16xi32, #tpu.memory_space<hbm>>
          %dma_wait3A_390 = tpu.memref_squeeze %dma_wait3A_389 : memref<1x16xi32, #tpu.memory_space<hbm>> -> memref<16xi32, #tpu.memory_space<hbm>>
          tpu.wait_dma2 semaphore(%run_scoped3A : memref<!tpu.dma_semaphore, #tpu.memory_space<semaphore_mem>>) src(%arg15 : memref<16xi32, #tpu.memory_space<vmem>>) dst(%dma_wait3A_390 : memref<16xi32, #tpu.memory_space<hbm>>)
          tpu.yield
        }) : () -> ()
      } else {
      }
      %mul3A_347 = arith.constant 16 : i32
      %mul3A_348 = arith.muli %select_n3A_220, %mul3A_347 : i32
      %sub3A_349 = arith.subi %add3A_195, %mul3A_348 : i32
      %convert_element_type3A_350 = arith.extui %lt3A_196 : i1 to i32
      %cond3A_351 = arith.constant 0 : i32
      %cond3A_352 = arith.cmpi ne, %convert_element_type3A_350, %cond3A_351 : i32
      scf.if %cond3A_352 {
        %parallel_loop3A = arith.constant 0 : i32
        %parallel_loop3A_364 = arith.constant 768 : i32
        %parallel_loop3A_365 = arith.constant 16 : i32
        scf.for %parallel_loop3A_366 = %parallel_loop3A to %parallel_loop3A_364 step %parallel_loop3A_365  : i32 {
          %parallel_loop3A_367 = tpu.assume_multiple %parallel_loop3A_366, 16 : i32
          %parallel_loop3A_368 = arith.index_cast %select_n3A_236 : i32 to index
          %parallel_loop3A_369 = arith.index_cast %sub3A_349 : i32 to index
          %parallel_loop3A_370 = arith.index_cast %parallel_loop3A_367 : i32 to index
          %parallel_loop3A_371 = tpu.vector_load %arg11[%parallel_loop3A_368, %parallel_loop3A_369, %parallel_loop3A_370] {strides = array<i32>} : memref<2x16x768xf32, #tpu.memory_space<vmem>>, vector<16xf32>,
          %parallel_loop3A_372 = arith.index_cast %parallel_loop3A_367 : i32 to index
          %parallel_loop3A_373 = tpu.vector_load %arg13[%parallel_loop3A_372] {strides = array<i32>} : memref<768xf32, #tpu.memory_space<vmem>>, vector<16xf32>,
          %parallel_loop3A_374 = arith.addf %parallel_loop3A_373, %parallel_loop3A_371 : vector<16xf32>
          %parallel_loop3A_375 = arith.select %and3A_334, %parallel_loop3A_371, %parallel_loop3A_374 : vector<16xf32>
          %parallel_loop3A_376 = arith.index_cast %parallel_loop3A_367 : i32 to index
          %parallel_loop3A_377 = tpu.vector_load %arg13[%parallel_loop3A_376] {strides = array<i32>} : memref<768xf32, #tpu.memory_space<vmem>>, vector<16xf32>,
          tpu.vector_store %arg13[%parallel_loop3A_376], %parallel_loop3A_375 {strides = array<i32>} : memref<768xf32, #tpu.memory_space<vmem>>, vector<16xf32>,
        } {sc.loop_unroll_factor = 8 : i64, sc.parallel_access}
      } else {
      }
      %add3A_353 = arith.constant 1 : i32
      %add3A_354 = arith.addi %scan3A_192, %add3A_353 : i32
      %select_n3A_355 = arith.select %lt3A_196, %add3A_354, %scan3A_192 : i32
      %jit3A_356 = arith.constant 1 : i32
      %select_n3A_357 = arith.select %and3A_334, %jit3A_356, %select_n3A_355 : i32
      %select_n3A_358 = arith.select %and3A_334, %squeeze3A_332, %scan3A_191 : i32
      %add3A_359 = arith.constant 1 : i32
      %add3A_360 = arith.addi %scan3A_194, %add3A_359 : i32
      %select_n3A_361 = arith.select %and3A_337, %add3A_360, %scan3A_194 : i32
      %jit3A_362 = arith.constant 0 : i32
      %select_n3A_363 = arith.select %and3A_334, %jit3A_362, %scan3A_193 : i32
      scf.yield %select_n3A_358, %select_n3A_357, %select_n3A_363, %select_n3A_361 : i32, i32, i32, i32
    }
    %scan3A_162 = arith.constant 9376 : i32
    %eq3A_163 = arith.constant 1 : i32
    %eq3A_164 = arith.cmpi eq, %scan3A_161#2, %eq3A_163 : i32
    %convert_element_type3A = arith.extui %eq3A_164 : i1 to i32
    %cond3A = arith.constant 0 : i32
    %cond3A_165 = arith.cmpi ne, %convert_element_type3A, %cond3A : i32
    scf.if %cond3A_165 {
      %mul3A_190 = arith.constant 2 : i32
      %mul3A_191 = arith.muli %mul3A_190, %add3A : i32
      "tpu.region"() ({
        %run_scoped3A = tpu.sem_alloc : memref<!tpu.dma_semaphore, #tpu.memory_space<semaphore_mem>>
        %dma_start3A_220 = arith.constant 0 : i32
        %dma_start3A_221 = tpu.memref_slice %arg7[%mul3A_191, %dma_start3A_220] : memref<64x768xf32, #tpu.memory_space<hbm>> -> memref<1x768xf32, #tpu.memory_space<hbm>>
        %dma_start3A_222 = tpu.memref_squeeze %dma_start3A_221 : memref<1x768xf32, #tpu.memory_space<hbm>> -> memref<768xf32, #tpu.memory_space<hbm>>
        %dma_start3A_223 = arith.constant 0 : i32
        %dma_start3A_224 = tpu.memref_slice %arg7[%mul3A_191, %dma_start3A_223] : memref<64x768xf32, #tpu.memory_space<hbm>> -> memref<1x768xf32, #tpu.memory_space<hbm>>
        %dma_start3A_225 = tpu.memref_squeeze %dma_start3A_224 : memref<1x768xf32, #tpu.memory_space<hbm>> -> memref<768xf32, #tpu.memory_space<hbm>>
        tpu.enqueue_dma source(%arg13 : memref<768xf32, #tpu.memory_space<vmem>>) target(%dma_start3A_225 : memref<768xf32, #tpu.memory_space<hbm>>) target_semaphore(%run_scoped3A : memref<!tpu.dma_semaphore, #tpu.memory_space<semaphore_mem>>)
        %dma_wait3A = arith.constant 0 : i32
        %dma_wait3A_226 = tpu.memref_slice %arg7[%mul3A_191, %dma_wait3A] : memref<64x768xf32, #tpu.memory_space<hbm>> -> memref<1x768xf32, #tpu.memory_space<hbm>>
        %dma_wait3A_227 = tpu.memref_squeeze %dma_wait3A_226 : memref<1x768xf32, #tpu.memory_space<hbm>> -> memref<768xf32, #tpu.memory_space<hbm>>
        %dma_wait3A_228 = arith.constant 0 : i32
        %dma_wait3A_229 = tpu.memref_slice %arg7[%mul3A_191, %dma_wait3A_228] : memref<64x768xf32, #tpu.memory_space<hbm>> -> memref<1x768xf32, #tpu.memory_space<hbm>>
        %dma_wait3A_230 = tpu.memref_squeeze %dma_wait3A_229 : memref<1x768xf32, #tpu.memory_space<hbm>> -> memref<768xf32, #tpu.memory_space<hbm>>
        tpu.wait_dma2 semaphore(%run_scoped3A : memref<!tpu.dma_semaphore, #tpu.memory_space<semaphore_mem>>) src(%arg13 : memref<768xf32, #tpu.memory_space<vmem>>) dst(%dma_wait3A_230 : memref<768xf32, #tpu.memory_space<hbm>>)
        tpu.yield
      }) : () -> ()
      %eq3A_192 = arith.constant 0 : i32
      %eq3A_193 = vector.broadcast %eq3A_192 : i32 to vector<16xi32>
      %eq3A_194 = arith.cmpi eq, %iota3A, %eq3A_193 : vector<16xi32>
      %eq3A_195 = arith.constant 1 : i32
      %eq3A_196 = vector.broadcast %eq3A_195 : i32 to vector<16xi32>
      %eq3A_197 = arith.cmpi eq, %iota3A, %eq3A_196 : vector<16xi32>
      %jit3A_198 = arith.constant 0 : i32
      %broadcast_in_dim3A_199 = vector.broadcast %scan3A_161#1 : i32 to vector<16xi32>
      %broadcast_in_dim3A_200 = vector.broadcast %jit3A_198 : i32 to vector<16xi32>
      %select_n3A_201 = arith.select %eq3A_197, %broadcast_in_dim3A_199, %broadcast_in_dim3A_200 : vector<16xi1>, vector<16xi32>
      %broadcast_in_dim3A_202 = vector.broadcast %scan3A_161#0 : i32 to vector<16xi32>
      %select_n3A_203 = arith.select %eq3A_194, %broadcast_in_dim3A_202, %select_n3A_201 : vector<16xi1>, vector<16xi32>
      %swap3A_204 = arith.constant 0 : index
      %swap3A_205 = tpu.vector_load %arg15[%swap3A_204] {strides = array<i32>} : memref<16xi32, #tpu.memory_space<vmem>>, vector<16xi32>,
      tpu.vector_store %arg15[%swap3A_204], %select_n3A_203 {strides = array<i32>} : memref<16xi32, #tpu.memory_space<vmem>>, vector<16xi32>,
      "tpu.region"() ({
        %run_scoped3A = tpu.sem_alloc : memref<!tpu.dma_semaphore, #tpu.memory_space<semaphore_mem>>
        %dma_start3A_220 = arith.constant 0 : i32
        %dma_start3A_221 = tpu.memref_slice %arg8[%mul3A_191, %dma_start3A_220] : memref<64x16xi32, #tpu.memory_space<hbm>> -> memref<1x16xi32, #tpu.memory_space<hbm>>
        %dma_start3A_222 = tpu.memref_squeeze %dma_start3A_221 : memref<1x16xi32, #tpu.memory_space<hbm>> -> memref<16xi32, #tpu.memory_space<hbm>>
        %dma_start3A_223 = arith.constant 0 : i32
        %dma_start3A_224 = tpu.memref_slice %arg8[%mul3A_191, %dma_start3A_223] : memref<64x16xi32, #tpu.memory_space<hbm>> -> memref<1x16xi32, #tpu.memory_space<hbm>>
        %dma_start3A_225 = tpu.memref_squeeze %dma_start3A_224 : memref<1x16xi32, #tpu.memory_space<hbm>> -> memref<16xi32, #tpu.memory_space<hbm>>
        tpu.enqueue_dma source(%arg15 : memref<16xi32, #tpu.memory_space<vmem>>) target(%dma_start3A_225 : memref<16xi32, #tpu.memory_space<hbm>>) target_semaphore(%run_scoped3A : memref<!tpu.dma_semaphore, #tpu.memory_space<semaphore_mem>>)
        %dma_wait3A = arith.constant 0 : i32
        %dma_wait3A_226 = tpu.memref_slice %arg8[%mul3A_191, %dma_wait3A] : memref<64x16xi32, #tpu.memory_space<hbm>> -> memref<1x16xi32, #tpu.memory_space<hbm>>
        %dma_wait3A_227 = tpu.memref_squeeze %dma_wait3A_226 : memref<1x16xi32, #tpu.memory_space<hbm>> -> memref<16xi32, #tpu.memory_space<hbm>>
        %dma_wait3A_228 = arith.constant 0 : i32
        %dma_wait3A_229 = tpu.memref_slice %arg8[%mul3A_191, %dma_wait3A_228] : memref<64x16xi32, #tpu.memory_space<hbm>> -> memref<1x16xi32, #tpu.memory_space<hbm>>
        %dma_wait3A_230 = tpu.memref_squeeze %dma_wait3A_229 : memref<1x16xi32, #tpu.memory_space<hbm>> -> memref<16xi32, #tpu.memory_space<hbm>>
        tpu.wait_dma2 semaphore(%run_scoped3A : memref<!tpu.dma_semaphore, #tpu.memory_space<semaphore_mem>>) src(%arg15 : memref<16xi32, #tpu.memory_space<vmem>>) dst(%dma_wait3A_230 : memref<16xi32, #tpu.memory_space<hbm>>)
        tpu.yield
      }) : () -> ()
      %eq3A_206 = arith.constant 0 : i32
      %eq3A_207 = vector.broadcast %eq3A_206 : i32 to vector<16xi32>
      %eq3A_208 = arith.cmpi eq, %iota3A, %eq3A_207 : vector<16xi32>
      %jit3A_209 = arith.constant -1 : i32
      %jit3A_210 = arith.constant 0 : i32
      %broadcast_in_dim3A_211 = vector.broadcast %jit3A_209 : i32 to vector<16xi32>
      %broadcast_in_dim3A_212 = vector.broadcast %jit3A_210 : i32 to vector<16xi32>
      %select_n3A_213 = arith.select %eq3A_208, %broadcast_in_dim3A_211, %broadcast_in_dim3A_212 : vector<16xi1>, vector<16xi32>
      %swap3A_214 = arith.constant 0 : index
      %swap3A_215 = tpu.vector_load %arg15[%swap3A_214] {strides = array<i32>} : memref<16xi32, #tpu.memory_space<vmem>>, vector<16xi32>,
      tpu.vector_store %arg15[%swap3A_214], %select_n3A_213 {strides = array<i32>} : memref<16xi32, #tpu.memory_space<vmem>>, vector<16xi32>,
      %mul3A_216 = arith.constant 2 : i32
      %mul3A_217 = arith.muli %mul3A_216, %add3A : i32
      %add3A_218 = arith.constant 1 : i32
      %add3A_219 = arith.addi %mul3A_217, %add3A_218 : i32
      "tpu.region"() ({
        %run_scoped3A = tpu.sem_alloc : memref<!tpu.dma_semaphore, #tpu.memory_space<semaphore_mem>>
        %dma_start3A_220 = arith.constant 0 : i32
        %dma_start3A_221 = tpu.memref_slice %arg8[%add3A_219, %dma_start3A_220] : memref<64x16xi32, #tpu.memory_space<hbm>> -> memref<1x16xi32, #tpu.memory_space<hbm>>
        %dma_start3A_222 = tpu.memref_squeeze %dma_start3A_221 : memref<1x16xi32, #tpu.memory_space<hbm>> -> memref<16xi32, #tpu.memory_space<hbm>>
        %dma_start3A_223 = arith.constant 0 : i32
        %dma_start3A_224 = tpu.memref_slice %arg8[%add3A_219, %dma_start3A_223] : memref<64x16xi32, #tpu.memory_space<hbm>> -> memref<1x16xi32, #tpu.memory_space<hbm>>
        %dma_start3A_225 = tpu.memref_squeeze %dma_start3A_224 : memref<1x16xi32, #tpu.memory_space<hbm>> -> memref<16xi32, #tpu.memory_space<hbm>>
        tpu.enqueue_dma source(%arg15 : memref<16xi32, #tpu.memory_space<vmem>>) target(%dma_start3A_225 : memref<16xi32, #tpu.memory_space<hbm>>) target_semaphore(%run_scoped3A : memref<!tpu.dma_semaphore, #tpu.memory_space<semaphore_mem>>)
        %dma_wait3A = arith.constant 0 : i32
        %dma_wait3A_226 = tpu.memref_slice %arg8[%add3A_219, %dma_wait3A] : memref<64x16xi32, #tpu.memory_space<hbm>> -> memref<1x16xi32, #tpu.memory_space<hbm>>
        %dma_wait3A_227 = tpu.memref_squeeze %dma_wait3A_226 : memref<1x16xi32, #tpu.memory_space<hbm>> -> memref<16xi32, #tpu.memory_space<hbm>>
        %dma_wait3A_228 = arith.constant 0 : i32
        %dma_wait3A_229 = tpu.memref_slice %arg8[%add3A_219, %dma_wait3A_228] : memref<64x16xi32, #tpu.memory_space<hbm>> -> memref<1x16xi32, #tpu.memory_space<hbm>>
        %dma_wait3A_230 = tpu.memref_squeeze %dma_wait3A_229 : memref<1x16xi32, #tpu.memory_space<hbm>> -> memref<16xi32, #tpu.memory_space<hbm>>
        tpu.wait_dma2 semaphore(%run_scoped3A : memref<!tpu.dma_semaphore, #tpu.memory_space<semaphore_mem>>) src(%arg15 : memref<16xi32, #tpu.memory_space<vmem>>) dst(%dma_wait3A_230 : memref<16xi32, #tpu.memory_space<hbm>>)
        tpu.yield
      }) : () -> ()
    } else {
    }
    %eq3A_166 = arith.constant 0 : i32
    %eq3A_167 = arith.cmpi eq, %scan3A_161#2, %eq3A_166 : i32
    %convert_element_type3A_168 = arith.extui %eq3A_167 : i1 to i32
    %cond3A_169 = arith.constant 0 : i32
    %cond3A_170 = arith.cmpi ne, %convert_element_type3A_168, %cond3A_169 : i32
    scf.if %cond3A_170 {
      %mul3A_190 = arith.constant 2 : i32
      %mul3A_191 = arith.muli %mul3A_190, %add3A : i32
      %add3A_192 = arith.constant 1 : i32
      %add3A_193 = arith.addi %mul3A_191, %add3A_192 : i32
      "tpu.region"() ({
        %run_scoped3A = tpu.sem_alloc : memref<!tpu.dma_semaphore, #tpu.memory_space<semaphore_mem>>
        %dma_start3A_208 = arith.constant 0 : i32
        %dma_start3A_209 = tpu.memref_slice %arg7[%add3A_193, %dma_start3A_208] : memref<64x768xf32, #tpu.memory_space<hbm>> -> memref<1x768xf32, #tpu.memory_space<hbm>>
        %dma_start3A_210 = tpu.memref_squeeze %dma_start3A_209 : memref<1x768xf32, #tpu.memory_space<hbm>> -> memref<768xf32, #tpu.memory_space<hbm>>
        %dma_start3A_211 = arith.constant 0 : i32
        %dma_start3A_212 = tpu.memref_slice %arg7[%add3A_193, %dma_start3A_211] : memref<64x768xf32, #tpu.memory_space<hbm>> -> memref<1x768xf32, #tpu.memory_space<hbm>>
        %dma_start3A_213 = tpu.memref_squeeze %dma_start3A_212 : memref<1x768xf32, #tpu.memory_space<hbm>> -> memref<768xf32, #tpu.memory_space<hbm>>
        tpu.enqueue_dma source(%arg13 : memref<768xf32, #tpu.memory_space<vmem>>) target(%dma_start3A_213 : memref<768xf32, #tpu.memory_space<hbm>>) target_semaphore(%run_scoped3A : memref<!tpu.dma_semaphore, #tpu.memory_space<semaphore_mem>>)
        %dma_wait3A = arith.constant 0 : i32
        %dma_wait3A_214 = tpu.memref_slice %arg7[%add3A_193, %dma_wait3A] : memref<64x768xf32, #tpu.memory_space<hbm>> -> memref<1x768xf32, #tpu.memory_space<hbm>>
        %dma_wait3A_215 = tpu.memref_squeeze %dma_wait3A_214 : memref<1x768xf32, #tpu.memory_space<hbm>> -> memref<768xf32, #tpu.memory_space<hbm>>
        %dma_wait3A_216 = arith.constant 0 : i32
        %dma_wait3A_217 = tpu.memref_slice %arg7[%add3A_193, %dma_wait3A_216] : memref<64x768xf32, #tpu.memory_space<hbm>> -> memref<1x768xf32, #tpu.memory_space<hbm>>
        %dma_wait3A_218 = tpu.memref_squeeze %dma_wait3A_217 : memref<1x768xf32, #tpu.memory_space<hbm>> -> memref<768xf32, #tpu.memory_space<hbm>>
        tpu.wait_dma2 semaphore(%run_scoped3A : memref<!tpu.dma_semaphore, #tpu.memory_space<semaphore_mem>>) src(%arg13 : memref<768xf32, #tpu.memory_space<vmem>>) dst(%dma_wait3A_218 : memref<768xf32, #tpu.memory_space<hbm>>)
        tpu.yield
      }) : () -> ()
      %eq3A_194 = arith.constant 0 : i32
      %eq3A_195 = vector.broadcast %eq3A_194 : i32 to vector<16xi32>
      %eq3A_196 = arith.cmpi eq, %iota3A, %eq3A_195 : vector<16xi32>
      %eq3A_197 = arith.constant 1 : i32
      %eq3A_198 = vector.broadcast %eq3A_197 : i32 to vector<16xi32>
      %eq3A_199 = arith.cmpi eq, %iota3A, %eq3A_198 : vector<16xi32>
      %jit3A_200 = arith.constant 0 : i32
      %broadcast_in_dim3A_201 = vector.broadcast %scan3A_161#1 : i32 to vector<16xi32>
      %broadcast_in_dim3A_202 = vector.broadcast %jit3A_200 : i32 to vector<16xi32>
      %select_n3A_203 = arith.select %eq3A_199, %broadcast_in_dim3A_201, %broadcast_in_dim3A_202 : vector<16xi1>, vector<16xi32>
      %broadcast_in_dim3A_204 = vector.broadcast %scan3A_161#0 : i32 to vector<16xi32>
      %select_n3A_205 = arith.select %eq3A_196, %broadcast_in_dim3A_204, %select_n3A_203 : vector<16xi1>, vector<16xi32>
      %swap3A_206 = arith.constant 0 : index
      %swap3A_207 = tpu.vector_load %arg15[%swap3A_206] {strides = array<i32>} : memref<16xi32, #tpu.memory_space<vmem>>, vector<16xi32>,
      tpu.vector_store %arg15[%swap3A_206], %select_n3A_205 {strides = array<i32>} : memref<16xi32, #tpu.memory_space<vmem>>, vector<16xi32>,
      "tpu.region"() ({
        %run_scoped3A = tpu.sem_alloc : memref<!tpu.dma_semaphore, #tpu.memory_space<semaphore_mem>>
        %dma_start3A_208 = arith.constant 0 : i32
        %dma_start3A_209 = tpu.memref_slice %arg8[%add3A_193, %dma_start3A_208] : memref<64x16xi32, #tpu.memory_space<hbm>> -> memref<1x16xi32, #tpu.memory_space<hbm>>
        %dma_start3A_210 = tpu.memref_squeeze %dma_start3A_209 : memref<1x16xi32, #tpu.memory_space<hbm>> -> memref<16xi32, #tpu.memory_space<hbm>>
        %dma_start3A_211 = arith.constant 0 : i32
        %dma_start3A_212 = tpu.memref_slice %arg8[%add3A_193, %dma_start3A_211] : memref<64x16xi32, #tpu.memory_space<hbm>> -> memref<1x16xi32, #tpu.memory_space<hbm>>
        %dma_start3A_213 = tpu.memref_squeeze %dma_start3A_212 : memref<1x16xi32, #tpu.memory_space<hbm>> -> memref<16xi32, #tpu.memory_space<hbm>>
        tpu.enqueue_dma source(%arg15 : memref<16xi32, #tpu.memory_space<vmem>>) target(%dma_start3A_213 : memref<16xi32, #tpu.memory_space<hbm>>) target_semaphore(%run_scoped3A : memref<!tpu.dma_semaphore, #tpu.memory_space<semaphore_mem>>)
        %dma_wait3A = arith.constant 0 : i32
        %dma_wait3A_214 = tpu.memref_slice %arg8[%add3A_193, %dma_wait3A] : memref<64x16xi32, #tpu.memory_space<hbm>> -> memref<1x16xi32, #tpu.memory_space<hbm>>
        %dma_wait3A_215 = tpu.memref_squeeze %dma_wait3A_214 : memref<1x16xi32, #tpu.memory_space<hbm>> -> memref<16xi32, #tpu.memory_space<hbm>>
        %dma_wait3A_216 = arith.constant 0 : i32
        %dma_wait3A_217 = tpu.memref_slice %arg8[%add3A_193, %dma_wait3A_216] : memref<64x16xi32, #tpu.memory_space<hbm>> -> memref<1x16xi32, #tpu.memory_space<hbm>>
        %dma_wait3A_218 = tpu.memref_squeeze %dma_wait3A_217 : memref<1x16xi32, #tpu.memory_space<hbm>> -> memref<16xi32, #tpu.memory_space<hbm>>
        tpu.wait_dma2 semaphore(%run_scoped3A : memref<!tpu.dma_semaphore, #tpu.memory_space<semaphore_mem>>) src(%arg15 : memref<16xi32, #tpu.memory_space<vmem>>) dst(%dma_wait3A_218 : memref<16xi32, #tpu.memory_space<hbm>>)
        tpu.yield
      }) : () -> ()
    } else {
    }
    %gt3A = arith.constant 0 : i32
    %gt3A_171 = arith.cmpi sgt, %scan3A_161#3, %gt3A : i32
    %convert_element_type3A_172 = arith.extui %gt3A_171 : i1 to i32
    %cond3A_173 = arith.constant 0 : i32
    %cond3A_174 = arith.cmpi ne, %convert_element_type3A_172, %cond3A_173 : i32
    scf.if %cond3A_174 {
      %dma_wait3A = arith.constant 0 : i32
      %dma_wait3A_190 = arith.constant 0 : i32
      %dma_wait3A_191 = arith.constant 0 : i32
      %dma_wait3A_192 = arith.constant 0 : i32
      %dma_wait3A_193 = tpu.memref_slice %arg12[%dma_wait3A_190, %dma_wait3A_192] : memref<4x768xf32, #tpu.memory_space<vmem>> -> memref<1x768xf32, #tpu.memory_space<vmem>>
      %dma_wait3A_194 = tpu.memref_squeeze %dma_wait3A_193 : memref<1x768xf32, #tpu.memory_space<vmem>> -> memref<768xf32, #tpu.memory_space<vmem>>
      %dma_wait3A_195 = arith.constant 0 : i32
      %dma_wait3A_196 = tpu.memref_slice %arg6[%dma_wait3A, %dma_wait3A_195] : memref<100000x768xf32, #tpu.memory_space<hbm>> -> memref<1x768xf32, #tpu.memory_space<hbm>>
      %dma_wait3A_197 = tpu.memref_squeeze %dma_wait3A_196 : memref<1x768xf32, #tpu.memory_space<hbm>> -> memref<768xf32, #tpu.memory_space<hbm>>
      %dma_wait3A_198 = tpu.memref_slice %arg17[%dma_wait3A_191] : memref<4x!tpu.dma_semaphore, #tpu.memory_space<semaphore_mem>> -> memref<1x!tpu.dma_semaphore, #tpu.memory_space<semaphore_mem>>
      %dma_wait3A_199 = tpu.memref_squeeze %dma_wait3A_198 : memref<1x!tpu.dma_semaphore, #tpu.memory_space<semaphore_mem>> -> memref<!tpu.dma_semaphore, #tpu.memory_space<semaphore_mem>>
      %dma_wait3A_200 = arith.constant 0 : i32
      %dma_wait3A_201 = tpu.memref_slice %arg12[%dma_wait3A_190, %dma_wait3A_200] : memref<4x768xf32, #tpu.memory_space<vmem>> -> memref<1x768xf32, #tpu.memory_space<vmem>>
      %dma_wait3A_202 = tpu.memref_squeeze %dma_wait3A_201 : memref<1x768xf32, #tpu.memory_space<vmem>> -> memref<768xf32, #tpu.memory_space<vmem>>
      %dma_wait3A_203 = arith.constant 0 : i32
      %dma_wait3A_204 = tpu.memref_slice %arg6[%dma_wait3A, %dma_wait3A_203] : memref<100000x768xf32, #tpu.memory_space<hbm>> -> memref<1x768xf32, #tpu.memory_space<hbm>>
      %dma_wait3A_205 = tpu.memref_squeeze %dma_wait3A_204 : memref<1x768xf32, #tpu.memory_space<hbm>> -> memref<768xf32, #tpu.memory_space<hbm>>
      tpu.wait_dma2 semaphore(%dma_wait3A_199 : memref<!tpu.dma_semaphore, #tpu.memory_space<semaphore_mem>>) src(%dma_wait3A_205 : memref<768xf32, #tpu.memory_space<hbm>>) dst(%dma_wait3A_202 : memref<768xf32, #tpu.memory_space<vmem>>)
      %dma_wait3A_206 = arith.constant 0 : i32
      %dma_wait3A_207 = arith.constant 0 : i32
      %dma_wait3A_208 = arith.constant 0 : i32
      %dma_wait3A_209 = tpu.memref_slice %arg5[%dma_wait3A_206, %dma_wait3A_208] : memref<100000x128xf32, #tpu.memory_space<hbm>> -> memref<1x128xf32, #tpu.memory_space<hbm>>
      %dma_wait3A_210 = tpu.memref_squeeze %dma_wait3A_209 : memref<1x128xf32, #tpu.memory_space<hbm>> -> memref<128xf32, #tpu.memory_space<hbm>>
      %dma_wait3A_211 = tpu.memref_slice %arg17[%dma_wait3A_207] : memref<4x!tpu.dma_semaphore, #tpu.memory_space<semaphore_mem>> -> memref<1x!tpu.dma_semaphore, #tpu.memory_space<semaphore_mem>>
      %dma_wait3A_212 = tpu.memref_squeeze %dma_wait3A_211 : memref<1x!tpu.dma_semaphore, #tpu.memory_space<semaphore_mem>> -> memref<!tpu.dma_semaphore, #tpu.memory_space<semaphore_mem>>
      %dma_wait3A_213 = arith.constant 0 : i32
      %dma_wait3A_214 = tpu.memref_slice %arg5[%dma_wait3A_206, %dma_wait3A_213] : memref<100000x128xf32, #tpu.memory_space<hbm>> -> memref<1x128xf32, #tpu.memory_space<hbm>>
      %dma_wait3A_215 = tpu.memref_squeeze %dma_wait3A_214 : memref<1x128xf32, #tpu.memory_space<hbm>> -> memref<128xf32, #tpu.memory_space<hbm>>
      tpu.wait_dma2 semaphore(%dma_wait3A_212 : memref<!tpu.dma_semaphore, #tpu.memory_space<semaphore_mem>>) src(%dma_wait3A_215 : memref<128xf32, #tpu.memory_space<hbm>>) dst(%arg14 : memref<128xf32, #tpu.memory_space<vmem>>)
    } else {
    }
    %gt3A_175 = arith.constant 1 : i32
    %gt3A_176 = arith.cmpi sgt, %scan3A_161#3, %gt3A_175 : i32
    %convert_element_type3A_177 = arith.extui %gt3A_176 : i1 to i32
    %cond3A_178 = arith.constant 0 : i32
    %cond3A_179 = arith.cmpi ne, %convert_element_type3A_177, %cond3A_178 : i32
    scf.if %cond3A_179 {
      %dma_wait3A = arith.constant 0 : i32
      %dma_wait3A_190 = arith.constant 1 : i32
      %dma_wait3A_191 = arith.constant 1 : i32
      %dma_wait3A_192 = arith.constant 0 : i32
      %dma_wait3A_193 = tpu.memref_slice %arg12[%dma_wait3A_190, %dma_wait3A_192] : memref<4x768xf32, #tpu.memory_space<vmem>> -> memref<1x768xf32, #tpu.memory_space<vmem>>
      %dma_wait3A_194 = tpu.memref_squeeze %dma_wait3A_193 : memref<1x768xf32, #tpu.memory_space<vmem>> -> memref<768xf32, #tpu.memory_space<vmem>>
      %dma_wait3A_195 = arith.constant 0 : i32
      %dma_wait3A_196 = tpu.memref_slice %arg6[%dma_wait3A, %dma_wait3A_195] : memref<100000x768xf32, #tpu.memory_space<hbm>> -> memref<1x768xf32, #tpu.memory_space<hbm>>
      %dma_wait3A_197 = tpu.memref_squeeze %dma_wait3A_196 : memref<1x768xf32, #tpu.memory_space<hbm>> -> memref<768xf32, #tpu.memory_space<hbm>>
      %dma_wait3A_198 = tpu.memref_slice %arg17[%dma_wait3A_191] : memref<4x!tpu.dma_semaphore, #tpu.memory_space<semaphore_mem>> -> memref<1x!tpu.dma_semaphore, #tpu.memory_space<semaphore_mem>>
      %dma_wait3A_199 = tpu.memref_squeeze %dma_wait3A_198 : memref<1x!tpu.dma_semaphore, #tpu.memory_space<semaphore_mem>> -> memref<!tpu.dma_semaphore, #tpu.memory_space<semaphore_mem>>
      %dma_wait3A_200 = arith.constant 0 : i32
      %dma_wait3A_201 = tpu.memref_slice %arg12[%dma_wait3A_190, %dma_wait3A_200] : memref<4x768xf32, #tpu.memory_space<vmem>> -> memref<1x768xf32, #tpu.memory_space<vmem>>
      %dma_wait3A_202 = tpu.memref_squeeze %dma_wait3A_201 : memref<1x768xf32, #tpu.memory_space<vmem>> -> memref<768xf32, #tpu.memory_space<vmem>>
      %dma_wait3A_203 = arith.constant 0 : i32
      %dma_wait3A_204 = tpu.memref_slice %arg6[%dma_wait3A, %dma_wait3A_203] : memref<100000x768xf32, #tpu.memory_space<hbm>> -> memref<1x768xf32, #tpu.memory_space<hbm>>
      %dma_wait3A_205 = tpu.memref_squeeze %dma_wait3A_204 : memref<1x768xf32, #tpu.memory_space<hbm>> -> memref<768xf32, #tpu.memory_space<hbm>>
      tpu.wait_dma2 semaphore(%dma_wait3A_199 : memref<!tpu.dma_semaphore, #tpu.memory_space<semaphore_mem>>) src(%dma_wait3A_205 : memref<768xf32, #tpu.memory_space<hbm>>) dst(%dma_wait3A_202 : memref<768xf32, #tpu.memory_space<vmem>>)
      %dma_wait3A_206 = arith.constant 0 : i32
      %dma_wait3A_207 = arith.constant 1 : i32
      %dma_wait3A_208 = arith.constant 0 : i32
      %dma_wait3A_209 = tpu.memref_slice %arg5[%dma_wait3A_206, %dma_wait3A_208] : memref<100000x128xf32, #tpu.memory_space<hbm>> -> memref<1x128xf32, #tpu.memory_space<hbm>>
      %dma_wait3A_210 = tpu.memref_squeeze %dma_wait3A_209 : memref<1x128xf32, #tpu.memory_space<hbm>> -> memref<128xf32, #tpu.memory_space<hbm>>
      %dma_wait3A_211 = tpu.memref_slice %arg17[%dma_wait3A_207] : memref<4x!tpu.dma_semaphore, #tpu.memory_space<semaphore_mem>> -> memref<1x!tpu.dma_semaphore, #tpu.memory_space<semaphore_mem>>
      %dma_wait3A_212 = tpu.memref_squeeze %dma_wait3A_211 : memref<1x!tpu.dma_semaphore, #tpu.memory_space<semaphore_mem>> -> memref<!tpu.dma_semaphore, #tpu.memory_space<semaphore_mem>>
      %dma_wait3A_213 = arith.constant 0 : i32
      %dma_wait3A_214 = tpu.memref_slice %arg5[%dma_wait3A_206, %dma_wait3A_213] : memref<100000x128xf32, #tpu.memory_space<hbm>> -> memref<1x128xf32, #tpu.memory_space<hbm>>
      %dma_wait3A_215 = tpu.memref_squeeze %dma_wait3A_214 : memref<1x128xf32, #tpu.memory_space<hbm>> -> memref<128xf32, #tpu.memory_space<hbm>>
      tpu.wait_dma2 semaphore(%dma_wait3A_212 : memref<!tpu.dma_semaphore, #tpu.memory_space<semaphore_mem>>) src(%dma_wait3A_215 : memref<128xf32, #tpu.memory_space<hbm>>) dst(%arg14 : memref<128xf32, #tpu.memory_space<vmem>>)
    } else {
    }
    %gt3A_180 = arith.constant 2 : i32
    %gt3A_181 = arith.cmpi sgt, %scan3A_161#3, %gt3A_180 : i32
    %convert_element_type3A_182 = arith.extui %gt3A_181 : i1 to i32
    %cond3A_183 = arith.constant 0 : i32
    %cond3A_184 = arith.cmpi ne, %convert_element_type3A_182, %cond3A_183 : i32
    scf.if %cond3A_184 {
      %dma_wait3A = arith.constant 0 : i32
      %dma_wait3A_190 = arith.constant 2 : i32
      %dma_wait3A_191 = arith.constant 2 : i32
      %dma_wait3A_192 = arith.constant 0 : i32
      %dma_wait3A_193 = tpu.memref_slice %arg12[%dma_wait3A_190, %dma_wait3A_192] : memref<4x768xf32, #tpu.memory_space<vmem>> -> memref<1x768xf32, #tpu.memory_space<vmem>>
      %dma_wait3A_194 = tpu.memref_squeeze %dma_wait3A_193 : memref<1x768xf32, #tpu.memory_space<vmem>> -> memref<768xf32, #tpu.memory_space<vmem>>
      %dma_wait3A_195 = arith.constant 0 : i32
      %dma_wait3A_196 = tpu.memref_slice %arg6[%dma_wait3A, %dma_wait3A_195] : memref<100000x768xf32, #tpu.memory_space<hbm>> -> memref<1x768xf32, #tpu.memory_space<hbm>>
      %dma_wait3A_197 = tpu.memref_squeeze %dma_wait3A_196 : memref<1x768xf32, #tpu.memory_space<hbm>> -> memref<768xf32, #tpu.memory_space<hbm>>
      %dma_wait3A_198 = tpu.memref_slice %arg17[%dma_wait3A_191] : memref<4x!tpu.dma_semaphore, #tpu.memory_space<semaphore_mem>> -> memref<1x!tpu.dma_semaphore, #tpu.memory_space<semaphore_mem>>
      %dma_wait3A_199 = tpu.memref_squeeze %dma_wait3A_198 : memref<1x!tpu.dma_semaphore, #tpu.memory_space<semaphore_mem>> -> memref<!tpu.dma_semaphore, #tpu.memory_space<semaphore_mem>>
      %dma_wait3A_200 = arith.constant 0 : i32
      %dma_wait3A_201 = tpu.memref_slice %arg12[%dma_wait3A_190, %dma_wait3A_200] : memref<4x768xf32, #tpu.memory_space<vmem>> -> memref<1x768xf32, #tpu.memory_space<vmem>>
      %dma_wait3A_202 = tpu.memref_squeeze %dma_wait3A_201 : memref<1x768xf32, #tpu.memory_space<vmem>> -> memref<768xf32, #tpu.memory_space<vmem>>
      %dma_wait3A_203 = arith.constant 0 : i32
      %dma_wait3A_204 = tpu.memref_slice %arg6[%dma_wait3A, %dma_wait3A_203] : memref<100000x768xf32, #tpu.memory_space<hbm>> -> memref<1x768xf32, #tpu.memory_space<hbm>>
      %dma_wait3A_205 = tpu.memref_squeeze %dma_wait3A_204 : memref<1x768xf32, #tpu.memory_space<hbm>> -> memref<768xf32, #tpu.memory_space<hbm>>
      tpu.wait_dma2 semaphore(%dma_wait3A_199 : memref<!tpu.dma_semaphore, #tpu.memory_space<semaphore_mem>>) src(%dma_wait3A_205 : memref<768xf32, #tpu.memory_space<hbm>>) dst(%dma_wait3A_202 : memref<768xf32, #tpu.memory_space<vmem>>)
      %dma_wait3A_206 = arith.constant 0 : i32
      %dma_wait3A_207 = arith.constant 2 : i32
      %dma_wait3A_208 = arith.constant 0 : i32
      %dma_wait3A_209 = tpu.memref_slice %arg5[%dma_wait3A_206, %dma_wait3A_208] : memref<100000x128xf32, #tpu.memory_space<hbm>> -> memref<1x128xf32, #tpu.memory_space<hbm>>
      %dma_wait3A_210 = tpu.memref_squeeze %dma_wait3A_209 : memref<1x128xf32, #tpu.memory_space<hbm>> -> memref<128xf32, #tpu.memory_space<hbm>>
      %dma_wait3A_211 = tpu.memref_slice %arg17[%dma_wait3A_207] : memref<4x!tpu.dma_semaphore, #tpu.memory_space<semaphore_mem>> -> memref<1x!tpu.dma_semaphore, #tpu.memory_space<semaphore_mem>>
      %dma_wait3A_212 = tpu.memref_squeeze %dma_wait3A_211 : memref<1x!tpu.dma_semaphore, #tpu.memory_space<semaphore_mem>> -> memref<!tpu.dma_semaphore, #tpu.memory_space<semaphore_mem>>
      %dma_wait3A_213 = arith.constant 0 : i32
      %dma_wait3A_214 = tpu.memref_slice %arg5[%dma_wait3A_206, %dma_wait3A_213] : memref<100000x128xf32, #tpu.memory_space<hbm>> -> memref<1x128xf32, #tpu.memory_space<hbm>>
      %dma_wait3A_215 = tpu.memref_squeeze %dma_wait3A_214 : memref<1x128xf32, #tpu.memory_space<hbm>> -> memref<128xf32, #tpu.memory_space<hbm>>
      tpu.wait_dma2 semaphore(%dma_wait3A_212 : memref<!tpu.dma_semaphore, #tpu.memory_space<semaphore_mem>>) src(%dma_wait3A_215 : memref<128xf32, #tpu.memory_space<hbm>>) dst(%arg14 : memref<128xf32, #tpu.memory_space<vmem>>)
    } else {
    }
    %gt3A_185 = arith.constant 3 : i32
    %gt3A_186 = arith.cmpi sgt, %scan3A_161#3, %gt3A_185 : i32
    %convert_element_type3A_187 = arith.extui %gt3A_186 : i1 to i32
    %cond3A_188 = arith.constant 0 : i32
    %cond3A_189 = arith.cmpi ne, %convert_element_type3A_187, %cond3A_188 : i32
    scf.if %cond3A_189 {
      %dma_wait3A = arith.constant 0 : i32
      %dma_wait3A_190 = arith.constant 3 : i32
      %dma_wait3A_191 = arith.constant 3 : i32
      %dma_wait3A_192 = arith.constant 0 : i32
      %dma_wait3A_193 = tpu.memref_slice %arg12[%dma_wait3A_190, %dma_wait3A_192] : memref<4x768xf32, #tpu.memory_space<vmem>> -> memref<1x768xf32, #tpu.memory_space<vmem>>
      %dma_wait3A_194 = tpu.memref_squeeze %dma_wait3A_193 : memref<1x768xf32, #tpu.memory_space<vmem>> -> memref<768xf32, #tpu.memory_space<vmem>>
      %dma_wait3A_195 = arith.constant 0 : i32
      %dma_wait3A_196 = tpu.memref_slice %arg6[%dma_wait3A, %dma_wait3A_195] : memref<100000x768xf32, #tpu.memory_space<hbm>> -> memref<1x768xf32, #tpu.memory_space<hbm>>
      %dma_wait3A_197 = tpu.memref_squeeze %dma_wait3A_196 : memref<1x768xf32, #tpu.memory_space<hbm>> -> memref<768xf32, #tpu.memory_space<hbm>>
      %dma_wait3A_198 = tpu.memref_slice %arg17[%dma_wait3A_191] : memref<4x!tpu.dma_semaphore, #tpu.memory_space<semaphore_mem>> -> memref<1x!tpu.dma_semaphore, #tpu.memory_space<semaphore_mem>>
      %dma_wait3A_199 = tpu.memref_squeeze %dma_wait3A_198 : memref<1x!tpu.dma_semaphore, #tpu.memory_space<semaphore_mem>> -> memref<!tpu.dma_semaphore, #tpu.memory_space<semaphore_mem>>
      %dma_wait3A_200 = arith.constant 0 : i32
      %dma_wait3A_201 = tpu.memref_slice %arg12[%dma_wait3A_190, %dma_wait3A_200] : memref<4x768xf32, #tpu.memory_space<vmem>> -> memref<1x768xf32, #tpu.memory_space<vmem>>
      %dma_wait3A_202 = tpu.memref_squeeze %dma_wait3A_201 : memref<1x768xf32, #tpu.memory_space<vmem>> -> memref<768xf32, #tpu.memory_space<vmem>>
      %dma_wait3A_203 = arith.constant 0 : i32
      %dma_wait3A_204 = tpu.memref_slice %arg6[%dma_wait3A, %dma_wait3A_203] : memref<100000x768xf32, #tpu.memory_space<hbm>> -> memref<1x768xf32, #tpu.memory_space<hbm>>
      %dma_wait3A_205 = tpu.memref_squeeze %dma_wait3A_204 : memref<1x768xf32, #tpu.memory_space<hbm>> -> memref<768xf32, #tpu.memory_space<hbm>>
      tpu.wait_dma2 semaphore(%dma_wait3A_199 : memref<!tpu.dma_semaphore, #tpu.memory_space<semaphore_mem>>) src(%dma_wait3A_205 : memref<768xf32, #tpu.memory_space<hbm>>) dst(%dma_wait3A_202 : memref<768xf32, #tpu.memory_space<vmem>>)
      %dma_wait3A_206 = arith.constant 0 : i32
      %dma_wait3A_207 = arith.constant 3 : i32
      %dma_wait3A_208 = arith.constant 0 : i32
      %dma_wait3A_209 = tpu.memref_slice %arg5[%dma_wait3A_206, %dma_wait3A_208] : memref<100000x128xf32, #tpu.memory_space<hbm>> -> memref<1x128xf32, #tpu.memory_space<hbm>>
      %dma_wait3A_210 = tpu.memref_squeeze %dma_wait3A_209 : memref<1x128xf32, #tpu.memory_space<hbm>> -> memref<128xf32, #tpu.memory_space<hbm>>
      %dma_wait3A_211 = tpu.memref_slice %arg17[%dma_wait3A_207] : memref<4x!tpu.dma_semaphore, #tpu.memory_space<semaphore_mem>> -> memref<1x!tpu.dma_semaphore, #tpu.memory_space<semaphore_mem>>
      %dma_wait3A_212 = tpu.memref_squeeze %dma_wait3A_211 : memref<1x!tpu.dma_semaphore, #tpu.memory_space<semaphore_mem>> -> memref<!tpu.dma_semaphore, #tpu.memory_space<semaphore_mem>>
      %dma_wait3A_213 = arith.constant 0 : i32
      %dma_wait3A_214 = tpu.memref_slice %arg5[%dma_wait3A_206, %dma_wait3A_213] : memref<100000x128xf32, #tpu.memory_space<hbm>> -> memref<1x128xf32, #tpu.memory_space<hbm>>
      %dma_wait3A_215 = tpu.memref_squeeze %dma_wait3A_214 : memref<1x128xf32, #tpu.memory_space<hbm>> -> memref<128xf32, #tpu.memory_space<hbm>>
      tpu.wait_dma2 semaphore(%dma_wait3A_212 : memref<!tpu.dma_semaphore, #tpu.memory_space<semaphore_mem>>) src(%dma_wait3A_215 : memref<128xf32, #tpu.memory_space<hbm>>) dst(%arg14 : memref<128xf32, #tpu.memory_space<vmem>>)
    } else {
    }
    return
  }
}

</mosaic_0001>

<sc_bundles>
// kernel: kernel.4.cloned.1.call-start
scs
__scs_entry_jumppad:
0x0: {  	(pc) =	sbr.rel $0x88, $3  }
0x1: {  	(tag) =	ssettag $0x0;
	lr =	simm.s32 $0x1  }
0x2: {  	[smem:$0x3F9D] =	sst lr;
	_ =	strace $0xD0000000  }
0x3: {  	_ = 	snop  }
0x4: {  	_ = 	snop  }
0x5: {  	_ = 	snop  }
0x6: {  	_ = 	snop  }
0x7: {  	_ = 	snop  }
__scs_overlays_trampoline_lowered:
0x8: {  	[smem:$0x3FAC] =	sst s0  }
0x9: {  	[smem:$0x3FAD] =	sst s1  }
0xa: {  	[smem:$0x3FAE] =	sst s2  }
0xb: {  	[smem:$0x3FAF] =	sst s3  }
0xc: {  	[smem:$0x3FB0] =	sst s4  }
0xd: {  	[smem:$0x3FB1] =	sst s5  }
0xe: {  	[smem:$0x3FB2] =	sst s6  }
0xf: {  	[smem:$0x3FB3] =	sst s7  }
0x10: {  	[smem:$0x3FB4] =	sst s8  }
0x11: {  	[smem:$0x3FB5] =	sst s9;
	s0 =	simm.s32 @!p0 $0x0  }
0x12: {  	s1 =	sld [smem:$0x3F9B];
	s0 =	simm.s32 @p0 $0x1  }
0x13: {  	[smem:$0x3FB6] =	sst s0;
	s0 =	simm.s32 @!p1 $0x0  }
0x14: {  	s2 =	sld [smem:$0x3F9A];
	s0 =	simm.s32 @p1 $0x1  }
0x15: {  	[smem:$0x3FB7] =	sst s0;
	s0 =	simm.s32 @!p2 $0x0  }
0x16: {  	s3 =	sld [smem:$0x3FDB];
	s0 =	simm.s32 @p2 $0x1  }
0x17: {  	s4 =	simm.s32 $0x1BF5;
	[smem:$0x3FB9] =	sst s0  }
0x18: {  	s0 =	sld [smem:$0x3F9C];
	_ =	swait.ge [sflag:s4], $0x0  }
0x19: {  	s7 =	sld [smem:$0x3F9D]  }
0x1a: {  	s8 =	sadd.s32 $0xFFFFE003, lr  }
0x1b: {  	s9 =	sadd.s32 $0xFFFFFEF7, lr;
	s5 =	simm.s32 $0xFFFFFFFF;
	p2 =	slt.u32 s8, $0xFFFFF086  }
0x1c: {  	p1 =	slt.u32 s9, $0xF7A;
	s5 =	simm.s32 @!p2 $0x0  }
0x1d: {  	s5 =	simm.s32 @p1 $0x1;
	p0 =	seq.s32 s7, s2  }
0x1e: {  	s7 =	smul.u32 @!p0 $0xF7A, s2;
	p2 =	seq.s32 @!p0 s5, $0x0  }
0x1f: {  	s9 =	smul.u32 $0xF7A, s1;
	s8 =	simm.s32 @!p0 $0x1BF5;
	p2 =	por !p2, p0  }
0x20: {  	[sflag:s8] =	ssyncset.s32 @!p0 $0xFFFFF086;
	s6 =	sadd.s32 @!p0 s3, s7;
	s7 =	simm.s32 @!p0 $0x108  }
0x21: {  	s3 =	sadd.s32 s3, s9;
	s6 =	sadd.s32 @!p0 $0x88, s6;
	s7 =	simm.s32 @p2 $0x1082  }
0x22: {  	[simem:s7], [sflag:s8] =	dma.local @!p0 [hbm:s6], $0xF7A  }
0x23: {  	s9 =	sor.u32 $0xD0000000, s2;
	s6 =	simm.s32 $0x108;
	_ =	swait.ge @!p0 [sflag:s8], $0x0  }
0x24: {  	s3 =	sadd.s32 $0x88, s3;
	s6 =	simm.s32 @!p1 $0x1082;
	[sflag:s4] =	ssyncset.s32 $0xFFFFF086  }
0x25: {  	[simem:s6], [sflag:s4] =	dma.local [hbm:s3], $0xF7A  }
0x26: {  	[smem:$0x3F9D] =	sst s1;
	(tag) =	ssettag s2;
	_ =	strace s9  }
0x27: {  	s1 =	sld [smem:$0x3FAD]  }
0x28: {  	s2 =	sld [smem:$0x3FAE]  }
0x29: {  	s4 =	sld [smem:$0x3FB0]  }
0x2a: {  	p0 =	seq.s32 s5, $0x0;
	s5 =	sld [smem:$0x3FB1]  }
0x2b: {  	s6 =	sld [smem:$0x3FB2]  }
0x2c: {  	s7 =	sld [smem:$0x3FB3]  }
0x2d: {  	s3 =	simm.s32 $0x108;
	s8 =	sld [smem:$0x3FB4]  }
0x2e: {  	s3 =	simm.s32 @!p0 $0x1082;
	s9 =	sld [smem:$0x3FB5]  }
0x2f: {  	lr =	sadd.s32 s0, s3;
	s0 =	sld [smem:$0x3FAC]  }
0x30: {  	s3 =	sld [smem:$0x3FAF]  }
0x31: {  	[smem:$0x3FB8] =	sst s10  }
0x32: {  	s10 =	sld [smem:$0x3FB6];
	_ =	sdelay $0x3  }
0x33: {  	p0 =	seq.s32 s10, $0x1;
	s10 =	sld [smem:$0x3FB8];
	_ =	sdelay $0x3  }
0x34: {  	[smem:$0x3FB8] =	sst s10  }
0x35: {  	s10 =	sld [smem:$0x3FB7];
	_ =	sdelay $0x3  }
0x36: {  	p1 =	seq.s32 s10, $0x1;
	s10 =	sld [smem:$0x3FB8];
	_ =	sdelay $0x3  }
0x37: {  	[smem:$0x3FB8] =	sst s10  }
0x38: {  	s10 =	sld [smem:$0x3FB9]  }
0x39: {  	_ = 	snop;
	(pc) =	sbr.ind lr, $3  }
0x3a: {  	_ = 	snop  }
0x3b: {  	_ = 	snop  }
0x3c: {  	p2 =	seq.s32 s10, $0x1;
	s10 =	sld [smem:$0x3FB8]  }
0x3d: {  	_ =	shalt  }
0x3e: {  	_ =	shalt  }
0x3f: {  	_ =	shalt  }
0x40: {  	_ =	shalt  }
0x41: {  	_ =	shalt  }
0x42: {  	_ =	shalt  }
0x43: {  	_ =	shalt  }
0x44: {  	_ =	shalt  }
0x45: {  	_ =	shalt  }
0x46: {  	_ =	shalt  }
0x47: {  	_ =	shalt  }
0x48: {  	_ =	shalt  }
0x49: {  	_ =	shalt  }
0x4a: {  	_ =	shalt  }
0x4b: {  	_ =	shalt  }
0x4c: {  	_ =	shalt  }
0x4d: {  	_ =	shalt  }
0x4e: {  	_ =	shalt  }
0x4f: {  	_ =	shalt  }
0x50: {  	_ =	shalt  }
0x51: {  	_ =	shalt  }
0x52: {  	_ =	shalt  }
0x53: {  	_ =	shalt  }
0x54: {  	_ =	shalt  }
0x55: {  	_ =	shalt  }
0x56: {  	_ =	shalt  }
0x57: {  	_ =	shalt  }
0x58: {  	_ =	shalt  }
0x59: {  	_ =	shalt  }
0x5a: {  	_ =	shalt  }
0x5b: {  	_ =	shalt  }
0x5c: {  	_ =	shalt  }
0x5d: {  	_ =	shalt  }
0x5e: {  	_ =	shalt  }
0x5f: {  	_ =	shalt  }
0x60: {  	_ =	shalt  }
0x61: {  	_ =	shalt  }
0x62: {  	_ =	shalt  }
0x63: {  	_ =	shalt  }
0x64: {  	_ =	shalt  }
0x65: {  	_ =	shalt  }
0x66: {  	_ =	shalt  }
0x67: {  	_ =	shalt  }
0x68: {  	_ =	shalt  }
0x69: {  	_ =	shalt  }
0x6a: {  	_ =	shalt  }
0x6b: {  	_ =	shalt  }
0x6c: {  	_ =	shalt  }
0x6d: {  	_ =	shalt  }
0x6e: {  	_ =	shalt  }
0x6f: {  	_ =	shalt  }
0x70: {  	_ =	shalt  }
0x71: {  	_ =	shalt  }
0x72: {  	_ =	shalt  }
0x73: {  	_ =	shalt  }
0x74: {  	_ =	shalt  }
0x75: {  	_ =	shalt  }
0x76: {  	_ =	shalt  }
0x77: {  	_ =	shalt  }
0x78: {  	_ =	shalt  }
0x79: {  	_ =	shalt  }
0x7a: {  	_ =	shalt  }
0x7b: {  	_ =	shalt  }
0x7c: {  	_ =	shalt  }
0x7d: {  	_ =	shalt  }
0x7e: {  	_ =	shalt  }
0x7f: {  	_ =	shalt  }
0x80: {  	_ =	shalt  }
0x81: {  	_ =	shalt  }
0x82: {  	_ =	shalt  }
0x83: {  	_ =	shalt  }
0x84: {  	_ =	shalt  }
0x85: {  	_ =	shalt  }
0x86: {  	_ =	shalt  }
0x87: {  	_ =	shalt  }
.Lfunc_end0:
.L_simem_size_0:
called_computation.1_lowered:
.L_overlay_start_0:
0x88: {  	s2 =	sld [smem:$0x3FD9]  }
0x89: {  	s3 =	sld [smem:$0x3FFE];
	_ =	sdelay $0x1  }
0x8a: {  	s1 =	srdreg.scid  }
0x8b: {  	s0 =	sand.u32 $0x1, s1  }
0x8c: {  	s17 =	sshll.u32 s0, $0xA;
	s2 =	sadd.s32 s3, s2  }
0x8d: {  	s2 =	sadd.s32 s2, s17  }
0x8e: {  	[smem:$0x3FC4] =	sst s2  }
0x8f: {  	_ = 	snop  }
0x90: {  	s2 =	sld [smem:$0x3FC9]  }
0x91: {  	s18 =	sld [smem:$0x3FC8]  }
0x92: {  	s4 =	sld [smem:$0x3FC7];
	(tm) =	ssettm $0x1  }
0x93: {  	s5 =	sld [smem:$0x3FFB];
	_ =	sdelay $0x3  }
0x94: {  	_ =	strace s5  }
0x95: {  	s5 =	sld [smem:$0x3FFC];
	_ =	sdelay $0x3  }
0x96: {  	_ =	strace s5  }
0x97: {  	s5 =	sld [smem:$0x3FFD];
	_ =	sdelay $0x3  }
0x98: {  	_ =	strace s5  }
0x99: {  	_ =	strace $0x8FFFFFFF  }
0x9a: {  	s19 =	sld [smem:$0x3FDB];
	_ =	sdelay $0x1  }
0x9b: {  	s6 =	simm.s32 $_scs_section_size  }
0x9c: {  	s7 =	simm.s32 $_size__tile_overlayer_lowered;
	s8 =	simm.s32 $_tile_overlayer_lowered  }
0x9d: {  	s22 =	simm.s32 $0x1BFF;
	s21 =	sshll.u32 s8, $0x1;
	s5 =	sadd.s32 s6, s19  }
0x9e: {  	s9 =	simm.s32 $0x0;
	s20 =	sshll.u32 s7, $0x1;
	s7 =	sadd.s32 s21, s5  }
0x9f: {  	[timem:s9], [sflag:s22] =	dma.local [hbm:s7], s20  }
0xa0: {  	_ =	swait.ge [sflag:s22], s20  }
0xa1: {  	s6 =	ssub.s32 $0x0, s20;
	[sflag:s22] =	ssyncset.done $0x0  }
0xa2: {  	[sflag:s22] =	ssyncadd.s32 s6;
	_ =	sdelay $0x1  }
0xa3: {  	s23 =	simm.s32 $0x1B8B  }
0xa4: {  	_ =	swait.ge [sflag:s23], $0x1  }
0xa5: {  	[sflag:s23] =	ssyncset.done $0x0  }
0xa6: {  	s25 =	simm.s32 $0x1B8E;
	s24 =	sld [smem:$0x3FFE];
	[sflag:s23] =	ssyncadd.s32 $0xFFFFFFFF  }
0xa7: {  	s26 =	simm.s32 $execute0_lowered;
	[smem:$0x3FD2] =	sst s25  }
0xa8: {  	s7 =	sshll.u32 s26, $0x1;
	_ =	strace $0x80000046;
	[dreg:$0x1] =	wrdreg $0xFFFFFFFF  }
0xa9: {  	s28 =	simm.s32 $_size_execute0_lowered;
	s5 =	sadd.s32 s5, s7;
	[dreg:$0x0] =	wrdreg $0x0  }
0xaa: {  	s7 =	sshll.u32 s28, $0x1;
	[dreg:$0x2] =	wrdreg s5  }
0xab: {  	[dreg:$0x3] =	wrdreg s7  }
0xac: {  	[dreg:$0x4] =	wrdreg $0xC0  }
0xad: {  	_ =	task [dreg:s9], $0x5FFFF  }
0xae: {  	[dreg:$0x1] =	wrdreg $0xFFFFFFFF  }
0xaf: {  	[dreg:$0x0] =	wrdreg $0x60  }
0xb0: {  	[dreg:$0x2] =	wrdreg s2  }
0xb1: {  	[dreg:$0x3] =	wrdreg s18  }
0xb2: {  	[dreg:$0x4] =	wrdreg s4  }
0xb3: {  	[dreg:$0x5] =	wrdreg s24  }
0xb4: {  	[dreg:$0x6] =	wrdreg $0x9  }
0xb5: {  	_ =	task.clear_ibuf [dreg:s9], $0x7FFFF;
	_ =	strace $0x90000046  }
0xb6: {  	s29 =	simm.s32 $0x9;
	_ =	strace $0x80000048  }
0xb7: {  	_ =	swait.ge [sflag:s29], $0x1  }
0xb8: {  	[sflag:s29] =	ssyncadd.s32 $0xFFFFFFFF  }
0xb9: {  	_ =	strace $0x90000048  }
0xba: {  	_ =	sfence  }
0xbb: {  	s30 =	sld [smem:$0x0];
	_ =	sdelay $0x2  }
0xbc: {  	s31 =	sshll.u32 s1, $0xD;
	s1 =	sshrl.u32 s1, $0x2  }
0xbd: {  	s3 =	sand.u32 $0x4000, s31;
	s1 =	sadd.s32 s1, s30  }
0xbe: {  	s0 =	sor.u32 s3, s0;
	s1 =	sshll.u32 s1, $0x11  }
0xbf: {  	s0 =	sor.u32 s1, s0  }
0xc0: {  	s0 =	sadd.s32 $0x8F2B, s0  }
0xc1: {  	[sflag:s0] =	ssyncadd.remote.s32 $0x1  }
0xc2: {  	_ =	sfence.sel $0xFFFF  }
0xc3: {  	[dreg:$0x0] =	wrdreg $0xFFFFFFFF;
	(pc) =	sbr.abs _section_cstart, $3  }
0xc4: {  	[dreg:$0x1] =	wrdreg $0xFFFFFFFF  }
0xc5: {  	_ =	task.clear_ibuf [dreg:s9], $0x2FFFF;
	_ =	strace $0x9FFFFFFF  }
0xc6: {  	(tm) =	ssettm $0x7FFFFFFF  }
0xc7: {  	_ =	shalt  }
tec
execute0_lowered:
.L_overlay_start_1:
0x0: {  	(tag) =	ssettag $0x1  }
0x1: {  	s1 =	rddreg [dreg:$0x0]  }
0x2: {  	s2 =	rddreg [dreg:$0x1]  }
0x3: {  	s4 =	rddreg [dreg:$0x2]  }
0x4: {  	s0 =	rddreg [dreg:$0x3];
	s3 =	srdreg.scid  }
0x5: {  	s20 =	stileid.u32;
	s5 =	simm.s32 $0x0;
	s28 =	simm.s32 $0x0  }
0x6: {  	s3 =	sand.u32 $0x1, s3;
	[smem:$0x7FF] =	sst s5;
	s7 =	sadd.s32 $0x1200, s0  }
0x7: {  	s6 =	sshll.u32 s20, $0x1;
	s8 =	sadd.s32 $0x187C00, s0;
	s12 =	sadd.s32 $0xAAF800, s0  }
0x8: {  	s21 =	sadd.s32 $0xAB1000, s0;
	s15 =	sshrl.u32 s20, $0x1;
	s30 =	smul.u32 $0x4940, s20  }
0x9: {  	s9 =	sor.u32 s3, s6;
	_ =	strace $0x80000047;
	s19 =	smul.u32 $0x1800, s15  }
0xa: {  	s10 =	ssub.s32 $0x2, s3;
	s26 =	sshll.u32 s15, $0xA;
	s3 =	smul.u32 $0x24A0, s3  }
0xb: {  	[dreg:$0x5] =	wrdreg s21;
	s6 =	smul.u32 $0x24A0, s9;
	s17 =	sshrl.u32 s10, $0x1  }
0xc: {  	s0 =	ssub.s32 s10, s17;
	s17 =	sshll.u32 s9, $0x8;
	s9 =	sshll.u32 s9, $0x5  }
0xd: {  	s31 =	sadd.s32 s3, s30;
	s3 =	simm.s32 $0x7700;
	s13 =	smulhi.u32 $0x888889, s6  }
0xe: {  	s11 =	smin.u32 s6, $0x46F40;
	s22 =	sand.u32 $0x300, s17;
	s9 =	sor.u32 $0x10, s9  }
0xf: {  	s0 =	smax.u32 s0, $0x1;
	[dreg:$0xf] =	wrdreg s31;
	s10 =	sadd.s32 $0x24A0, s11  }
0x10: {  	s11 =	simm.s32 $0x1E0;
	s17 =	sor.u32 s19, s22;
	s23 =	sor.u32 $0x80, s22  }
0x11: {  	s29 =	sor.u32 s26, s22;
	[dreg:$0xd] =	wrdreg s9;
	s14 =	smul.u32 $0x3C, s13  }
0x12: {  	[dreg:$0xe] =	wrdreg s0;
	s18 =	sand.u32 $0x1, s13;
	s13 =	smul.u32 $0x1E0, s13  }
0x13: {  	s24 =	sshrl.u32 s17, $0x3;
	s19 =	sor.u32 s19, s23;
	p0 =	seq.s32 s18, $0x1  }
0x14: {  	s17 =	sadd.s32 s12, s24;
	s25 =	sshrl.u32 s19, $0x3;
	s16 =	sadd.s32 s4, s14  }
0x15: {  	s19 =	sadd.s32 $0x200, s1;
	s14 =	sadd.s32 s2, s14;
	[dreg:$0x7] =	wrdreg s16  }
0x16: {  	s11 =	simm.s32 @!p0 $0x0;
	s13 =	ssub.s32 s6, s13;
	[dreg:$0x9] =	wrdreg s14  }
.Ltmp0:
0x17: {  	s12 =	sadd.s32 s12, s25;
	[dreg:$0x6] =	wrdreg s11;
	(pc) =	sbr.rel .LBB2_1-.Ltmp0, $4  }
0x18: {  	v4 =	vlaneseq.u32;
	v1 =	vimm.f32 $1.000000000e+00;
	s25 =	simm.s32 $0x7;
	s18 =	sor.u32 $0x400, s11;
	[dreg:$0xb] =	wrdreg s12  }
0x19: {  	vm0 =	vmmov $0xffff;
	vm1 =	vcmask $0x300;
	vm2 =	vcmask $0x704;
	s11 =	sadd.s32 s11, s13;
	s12 =	sor.u32 s26, s23;
	[dreg:$0x8] =	wrdreg s18  }
0x1a: {  	v3 =	vshrl.u32 v4, $0x3;
	v2 =	vand.u32 $0x7, v4;
	s13 =	sshrl.u32 s29, $0x3;
	s12 =	sshrl.u32 s12, $0x3;
	[dreg:$0xa] =	wrdreg s11;
	v0 =	vmov s11  }
0x1b: {  	v4 =	vor.u32 $0x8, v4;
	v3 =	vmul.u32 $0x8, v3;
	s16 =	sadd.s32 $0x100, s1;
	s20 =	sadd.s32 s21, s13;
	[dreg:$0xc] =	wrdreg s12;
	v0 =	vbroadcast v0, $0x0  }
.LBB2_13:
0x1c: {  	p0 =	sne.s32 s0, $0x1;
	s12 =	rddreg [dreg:$0xb]  }
0x1d: {  	s0 =	simm.s32 @p0 $0x80;
	s9 =	simm.s32 @p0 $0x400;
	s11 =	simm.s32 @p0 $0x7400  }
0x1e: {  	[hbm4b:s12+s0] =	stream.strided.scatter @p0 [tilespmem:s11], [sflag:$0x7], $0x300, s9, s0, $0x38;
	[tilespmem:$0x7800] =	vst v63  }
0x1f: {  	s0 =	simm.s32 @p0 $0x7  }
0x20: {  	_ =	swait.ge @p0 [sflag:s0], $0x300  }
0x21: {  	s9 =	simm.s32 @!p0 $0x400;
	[sflag:s0] =	ssyncset.done @p0 $0x0  }
0x22: {  	s11 =	simm.s32 @!p0 $0x7400;
	[sflag:s0] =	ssyncadd.s32 @p0 $0xFFFFFD00;
	s0 =	simm.s32 @!p0 $0x80  }
0x23: {  	[hbm4b:s17+s0] =	stream.strided.scatter @!p0 [tilespmem:s11], [sflag:$0x7], $0x300, s9, s0, $0x38;
	[tilespmem:$0x7800] =	vst v63  }
0x24: {  	s0 =	simm.s32 @!p0 $0x7  }
0x25: {  	v5 =	vmov s13;
	_ =	swait.ge @!p0 [sflag:s0], $0x300  }
0x26: {  	v5 =	vnsel vm1, $0x0, v5;
	[sflag:s0] =	ssyncset.done @!p0 $0x0  }
0x27: {  	v5 =	vsel vm2, s30, v5;
	[sflag:s0] =	ssyncadd.s32 @!p0 $0xFFFFFD00  }
0x28: {  	s9 =	simm.s32 @!p0 $0x0;
	s11 =	simm.s32 @!p0 $0x7780;
	[tilespmem:$0x7780] =	vst @!p0 v5  }
0x29: {  	[hbm4b:s20+s9] =	stream.linear.scatter @!p0 [tilespmem:s11], [sflag:$0x7], $0x80, $0x38;
	[tilespmem:$0x7800] =	vst v63  }
0x2a: {  	_ =	swait.ge @!p0 [sflag:s0], $0x80  }
0x2b: {  	v6 =	vimm.s32 @!p0 $0x0;
	vm3 =	vcmask @!p0 $0x300;
	[sflag:s0] =	ssyncset.done @!p0 $0x0;
	s9 =	rddreg [dreg:$0xd]  }
0x2c: {  	v6 =	vsel @!p0 vm3, $0xFFFFFFFF, v6;
	[sflag:s0] =	ssyncadd.s32 @!p0 $0xFFFFFF80;
	s0 =	rddreg [dreg:$0xc]  }
0x2d: {  	v5 =	vpsel p0, v5, v6;
	s26 =	rddreg [dreg:$0x5];
	s9 =	smov.u32 @p0 s0  }
0x2e: {  	s30 =	simm.s32 $0x7780;
	[tilespmem:$0x7780] =	vst v5;
	s0 =	sadd.s32 s26, s9  }
0x2f: {  	[hbm4b:s0+s5] =	stream.linear.scatter [tilespmem:s30], [sflag:$0x7], $0x80, $0x38;
	[tilespmem:$0x7800] =	vst v63  }
0x30: {  	_ =	swait.ge [sflag:s25], $0x80  }
0x31: {  	p0 =	slt.s32 s29, $0x1;
	[sflag:s25] =	ssyncset.done $0x0  }
0x32: {  	s0 =	simm.s32 @!p0 $0x3;
	[sflag:s25] =	ssyncadd.s32 $0xFFFFFF80  }
0x33: {  	_ =	swait.ge @!p0 [sflag:s0], $0x300  }
0x34: {  	[sflag:s0] =	ssyncset.done @!p0 $0x0  }
0x35: {  	[sflag:s0] =	ssyncadd.s32 @!p0 $0xFFFFFD00  }
0x36: {  	p1 =	seq.s32 @!p0 s29, $0x1;
	_ =	swait.ge @!p0 [sflag:s0], $0x80  }
0x37: {  	p2 =	por p1, p0;
	[sflag:s0] =	ssyncset.done @!p0 $0x0  }
0x38: {  	[sflag:s0] =	ssyncadd.s32 @!p0 $0xFFFFFF80;
	s0 =	simm.s32 @!p2 $0x4  }
0x39: {  	_ =	swait.ge @!p2 [sflag:s0], $0x300  }
0x3a: {  	[sflag:s0] =	ssyncset.done @!p2 $0x0  }
0x3b: {  	p3 =	slt.u32 @!p2 s29, $0x3;
	[sflag:s0] =	ssyncadd.s32 @!p2 $0xFFFFFD00  }
0x3c: {  	p4 =	por @!p0 p3, p1;
	_ =	swait.ge @!p2 [sflag:s0], $0x80  }
0x3d: {  	p4 =	por p4, p0;
	[sflag:s0] =	ssyncset.done @!p2 $0x0  }
0x3e: {  	[sflag:s0] =	ssyncadd.s32 @!p2 $0xFFFFFF80;
	s0 =	simm.s32 @!p4 $0x5  }
0x3f: {  	_ =	swait.ge @!p4 [sflag:s0], $0x300  }
0x40: {  	p5 =	seq.s32 @!p4 s29, $0x3;
	[sflag:s0] =	ssyncset.done @!p4 $0x0  }
0x41: {  	p2 =	por @!p2 p5, p3;
	[sflag:s0] =	ssyncadd.s32 @!p4 $0xFFFFFD00  }
0x42: {  	p1 =	por @!p0 p2, p1;
	_ =	swait.ge @!p4 [sflag:s0], $0x80  }
0x43: {  	p0 =	por p1, p0;
	[sflag:s0] =	ssyncset.done @!p4 $0x0  }
0x44: {  	[sflag:s0] =	ssyncadd.s32 @!p4 $0xFFFFFF80;
	s0 =	simm.s32 @!p0 $0x6  }
0x45: {  	_ =	swait.ge @!p0 [sflag:s0], $0x300  }
0x46: {  	[sflag:s0] =	ssyncset.done @!p0 $0x0  }
0x47: {  	[sflag:s0] =	ssyncadd.s32 @!p0 $0xFFFFFD00  }
0x48: {  	_ =	swait.ge @!p0 [sflag:s0], $0x80  }
0x49: {  	s28 =	sadd.s32 $0x1, s28;
	s31 =	rddreg [dreg:$0xe]  }
0x4a: {  	p1 =	sne.s32 s28, s31  }
.Ltmp1:
0x4b: {  	_ = 	snop;
	(pc) =	sbr.rel @!p1 .LBB2_14-.Ltmp1, $3  }
0x4c: {  	_ =	sdelay $0x1  }
0x4d: {  	[sflag:s0] =	ssyncset.done @!p0 $0x0  }
0x4e: {  	[sflag:s0] =	ssyncadd.s32 @!p0 $0xFFFFFF80  }
.LBB2_1:
0x4f: {  	[tilespmem:$0x7700] =	vst v1  }
0x50: {  	[tilespmem:$0x7710] =	vst v1  }
0x51: {  	[tilespmem:$0x7720] =	vst v1  }
0x52: {  	[tilespmem:$0x7730] =	vst v1  }
0x53: {  	[tilespmem:$0x7740] =	vst v1  }
0x54: {  	[tilespmem:$0x7750] =	vst v1  }
0x55: {  	[tilespmem:$0x7760] =	vst v1;
	s0 =	rddreg [dreg:$0x6]  }
0x56: {  	[tilespmem:$0x7770] =	vst v1;
	s9 =	rddreg [dreg:$0x7]  }
0x57: {  	[tilespmem:s0], [sflag:$0x7] =	stream.linear.gather [hbm4b:s9+s5], $0x1E0, $0x38;
	[tilespmem:$0x7800] =	vst v63  }
0x58: {  	_ =	swait.ge [sflag:s25], $0x1E0  }
0x59: {  	[sflag:s25] =	ssyncset.done $0x0;
	s13 =	rddreg [dreg:$0x8]  }
0x5a: {  	s14 =	rddreg [dreg:$0x9];
	[sflag:s25] =	ssyncadd.s32 $0xFFFFFE20  }
0x5b: {  	[tilespmem:s13], [sflag:$0x7] =	stream.linear.gather [hbm4b:s14+s5], $0x1E0, $0x38;
	[tilespmem:$0x7800] =	vst v63  }
0x5c: {  	_ =	swait.ge [sflag:s25], $0x1E0  }
0x5d: {  	[sflag:s25] =	ssyncset.done $0x0  }
0x5e: {  	s15 =	rddreg [dreg:$0xa];
	[sflag:s25] =	ssyncadd.s32 $0xFFFFFE20  }
0x5f: {  	v5 =	vld [tilespmem:s15+$0x400];
	_ =	sdelay $0x4  }
0x60: {  	v6 =	vshrl.u32 v5, $0x3  }
0x61: {  	v7 =	vld.idx.msk [tilespmem:v0+s5+$0x0], $0xffff;
	v6 =	vmul.u32 $0x30, v6  }
0x62: {  	v5 =	vand.u32 $0x7, v5  }
0x63: {  	v5 =	vor.u32 v5, v6  }
0x64: {  	v6 =	vperm.xlane v5, v2;
	_ =	sdelay $0x1  }
0x65: {  	(v2sf) =	vpush v7, $0x0;
	v6 =	vadd.s32 v3, v6;
	_ =	sdelay $0x3  }
0x66: {  	s18 =	simm.s32 $0x800;
	v5 =	vperm.xlane v5, v4  }
0x67: {  	[tilespmem:s18], [sflag:$0x1] =	stream.indirect_vreg.gather [hbm4b:s1+s5], $0x80, v6, vm0, $0xb8;
	[tilespmem:$0x7800] =	vst v63  }
0x68: {  	s21 =	simm.s32 $0x1000;
	v5 =	vadd.s32 v3, v5  }
0x69: {  	[tilespmem:s21], [sflag:$0x1] =	stream.indirect_vreg.gather [hbm4b:s16+s5], $0x80, v6, vm0, $0xb8;
	[tilespmem:$0x7800] =	vst v63  }
0x6a: {  	s22 =	simm.s32 $0x1800  }
0x6b: {  	[tilespmem:s22], [sflag:$0x1] =	stream.indirect_vreg.gather [hbm4b:s19+s5], $0x80, v6, vm0, $0xb8;
	[tilespmem:$0x7800] =	vst v63  }
0x6c: {  	s23 =	simm.s32 $0x2000;
	s24 =	simm.s32 $0x2800  }
0x6d: {  	[tilespmem:s23], [sflag:$0x1] =	stream.indirect_vreg.gather [hbm4b:s1+s5], $0x80, v5, vm0, $0xb8;
	[tilespmem:$0x7800] =	vst v63  }
.Ltmp2:
0x6e: {  	s26 =	simm.s32 $0x3000;
	s31 =	simm.s32 $0x0;
	(pc) =	sbr.rel .LBB2_2-.Ltmp2, $4  }
0x6f: {  	s29 =	simm.s32 $0x0;
	s30 =	simm.s32 $0x0;
	s12 =	simm.s32 $0x0  }
0x70: {  	[tilespmem:s24], [sflag:$0x1] =	stream.indirect_vreg.gather [hbm4b:s16+s5], $0x80, v5, vm0, $0xb8;
	[tilespmem:$0x7800] =	vst v63  }
0x71: {  	s0 =	simm.s32 $0x1;
	s13 =	spop (v2sf);
	s24 =	rddreg [dreg:$0xf]  }
0x72: {  	[tilespmem:s26], [sflag:$0x1] =	stream.indirect_vreg.gather [hbm4b:s19+s5], $0x80, v5, vm0, $0xb8;
	[tilespmem:$0x7800] =	vst v63  }
.LBB2_12:
0x73: {  	s9 =	simm.s32 $0x1;
	s12 =	sadd.s32 $0x1, s12  }
0x74: {  	s9 =	simm.s32 @!p1 $0x0;
	p1 =	sne.s32 s12, $0x24A0  }
.Ltmp3:
0x75: {  	_ = 	snop;
	(pc) =	sbr.rel @!p1 .LBB2_13-.Ltmp3, $4  }
0x76: {  	_ = 	snop  }
0x77: {  	s11 =	simm.s32 $0x1;
	s0 =	simm.s32 @p0 $0x0  }
0x78: {  	s24 =	sadd.s32 $0x1, s24;
	s11 =	simm.s32 @!p2 $0x0;
	s30 =	sadd.s32 s9, s30  }
0x79: {  	s31 =	sadd.s32 $0x1, s31;
	s29 =	sadd.s32 s11, s29;
	s30 =	simm.s32 @p0 $0x1  }
.LBB2_2:
0x7a: {  	s14 =	sand.u32 $0xF, s12  }
0x7b: {  	s9 =	sadd.s32 s6, s12;
	p0 =	sne.s32 s14, $0x0  }
0x7c: {  	p1 =	seq.s32 s9, $0x0;
	p2 =	sge.u32 @!p0 s9, s10  }
0x7d: {  	p1 =	por !p1, !p0;
	p0 =	por p0, p2  }
.Ltmp4:
0x7e: {  	_ = 	snop;
	(pc) =	sbr.rel @p0 .LBB2_4-.Ltmp4, $2  }
0x7f: {  	_ =	sdelay $0x2  }
0x80: {  	p3 =	por !p1, !p1  }
0x81: {  	s14 =	sadd.s32 $0x10, s9  }
0x82: {  	s15 =	smulhi.u32 $0x88888889, s14;
	_ =	sdelay $0x1  }
0x83: {  	s15 =	sshrl.u32 s15, $0x8  }
0x84: {  	s18 =	smul.u32 $0x1E0, s15;
	_ =	sdelay $0x1  }
0x85: {  	p0 =	sge.u32 s14, s10;
	s18 =	ssub.s32 s14, s18  }
0x86: {  	p2 =	sne.s32 @!p0 s18, $0x0  }
0x87: {  	p1 =	por p2, p0  }
0x88: {  	s18 =	sand.u32 @!p1 $0x1, s15  }
0x89: {  	p4 =	seq.s32 @!p1 s18, $0x1  }
0x8a: {  	p2 =	por @!p0 !p4, p2  }
0x8b: {  	s21 =	sshrl.u32 @!p1 s14, $0x3;
	s18 =	simm.s32 @!p1 $0x1E0;
	p2 =	por !p2, p0  }
0x8c: {  	s23 =	simm.s32 @!p1 $0x0;
	s22 =	sadd.s32 @!p1 s4, s21;
	s18 =	simm.s32 @!p2 $0x0  }
0x8d: {  	[tilespmem:s18], [sflag:$0x7] =	stream.linear.gather @!p1 [hbm4b:s22+s23], $0x1E0, $0x38;
	[tilespmem:$0x7800] =	vst v63  }
0x8e: {  	s22 =	simm.s32 @!p1 $0x7  }
0x8f: {  	_ =	swait.ge @!p1 [sflag:s22], $0x1E0  }
0x90: {  	s26 =	simm.s32 $0x1;
	[sflag:s22] =	ssyncset.done @!p1 $0x0  }
0x91: {  	s21 =	sadd.s32 @!p1 s2, s21;
	s18 =	sor.u32 @!p1 $0x400, s18;
	[sflag:s22] =	ssyncadd.s32 @!p1 $0xFFFFFE20  }
0x92: {  	[tilespmem:s18], [sflag:$0x7] =	stream.linear.gather @!p1 [hbm4b:s21+s23], $0x1E0, $0x38;
	[tilespmem:$0x7800] =	vst v63  }
0x93: {  	s26 =	simm.s32 @!p3 $0x0;
	s23 =	sshrl.u32 s9, $0x4;
	_ =	swait.ge @!p1 [sflag:s22], $0x1E0  }
0x94: {  	s18 =	ssub.s32 s23, s26;
	[sflag:s22] =	ssyncset.done @!p1 $0x0  }
0x95: {  	s18 =	sand.u32 $0x1, s18;
	[sflag:s22] =	ssyncadd.s32 @!p1 $0xFFFFFE20  }
0x96: {  	s26 =	sadd.s32 $0x1, s18;
	s22 =	sand.u32 @!p0 $0x1, s15;
	s15 =	smul.u32 @!p0 $0xFFFFF880, s15  }
0x97: {  	_ =	swait.ge [sflag:s26], $0x3000;
	p1 =	seq.s32 @!p0 s22, $0x1  }
0x98: {  	s22 =	simm.s32 @!p0 $0x1E0;
	p1 =	por !p1, p0;
	s15 =	sshra.s32 @!p0 s15, $0x2  }
0x99: {  	[sflag:s26] =	ssyncset.done $0x0;
	s22 =	simm.s32 @p1 $0x0;
	s14 =	sadd.s32 @!p0 s14, s15  }
0x9a: {  	[sflag:s26] =	ssyncadd.s32 $0xFFFFD000;
	s14 =	sadd.s32 @!p0 s22, s14  }
0x9b: {  	v5 =	vld @!p0 [tilespmem:s14+$0x400];
	_ =	sdelay $0x4  }
0x9c: {  	v6 =	vshrl.u32 @!p0 v5, $0x3  }
0x9d: {  	v6 =	vmul.u32 @!p0 $0x30, v6  }
0x9e: {  	v7 =	vlaneseq.u32 @!p0;
	v5 =	vand.u32 @!p0 $0x7, v5  }
0x9f: {  	v8 =	vshrl.u32 @!p0 v7, $0x3;
	v5 =	vor.u32 @!p0 v5, v6;
	v6 =	vand.u32 @!p0 $0x7, v7  }
0xa0: {  	v8 =	vmul.u32 @!p0 $0x8, v8;
	v6 =	vperm.xlane @!p0 v5, v6;
	_ =	sdelay $0x1  }
0xa1: {  	s14 =	sxor.u32 @!p0 $0x1, s18;
	v6 =	vadd.s32 @!p0 v8, v6  }
0xa2: {  	s15 =	smul.u32 @!p0 $0xC000, s14;
	_ =	sdelay $0x1  }
0xa3: {  	s15 =	sshrl.u32 @!p0 s15, $0x2;
	v7 =	vor.u32 @!p0 $0x8, v7  }
0xa4: {  	vm3 =	vmmov @!p0 $0xffff;
	s21 =	simm.s32 @!p0 $0x0;
	s14 =	sadd.s32 @!p0 $0x1, s14;
	s18 =	sor.u32 @!p0 $0x800, s15;
	v5 =	vperm.xlane @!p0 v5, v7  }
0xa5: {  	[tilespmem:s18], [sflag:s14] =	stream.indirect_vreg.gather @!p0 [hbm4b:s1+s21], $0x80, v6, vm3, $0xb8;
	[tilespmem:$0x7800] =	vst v63  }
0xa6: {  	v5 =	vadd.s32 @!p0 v8, v5;
	s18 =	sadd.s32 @!p0 $0x1000, s15  }
0xa7: {  	[tilespmem:s18], [sflag:s14] =	stream.indirect_vreg.gather @!p0 [hbm4b:s16+s21], $0x80, v6, vm3, $0xb8;
	[tilespmem:$0x7800] =	vst v63  }
0xa8: {  	s18 =	sadd.s32 @!p0 $0x1800, s15  }
0xa9: {  	[tilespmem:s18], [sflag:s14] =	stream.indirect_vreg.gather @!p0 [hbm4b:s19+s21], $0x80, v6, vm3, $0xb8;
	[tilespmem:$0x7800] =	vst v63  }
0xaa: {  	s18 =	sadd.s32 @!p0 $0x2000, s15  }
0xab: {  	[tilespmem:s18], [sflag:s14] =	stream.indirect_vreg.gather @!p0 [hbm4b:s1+s21], $0x80, v5, vm3, $0xb8;
	[tilespmem:$0x7800] =	vst v63  }
0xac: {  	s18 =	sadd.s32 @!p0 $0x2800, s15  }
0xad: {  	[tilespmem:s18], [sflag:s14] =	stream.indirect_vreg.gather @!p0 [hbm4b:s16+s21], $0x80, v5, vm3, $0xb8;
	[tilespmem:$0x7800] =	vst v63  }
0xae: {  	s15 =	sadd.s32 @!p0 $0x3000, s15  }
0xaf: {  	[tilespmem:s15], [sflag:s14] =	stream.indirect_vreg.gather @!p0 [hbm4b:s19+s21], $0x80, v5, vm3, $0xb8;
	[tilespmem:$0x7800] =	vst v63  }
.LBB2_4:
0xb0: {  	s14 =	smulhi.u32 $0x88888889, s9;
	_ =	sdelay $0x1  }
0xb1: {  	s14 =	sshrl.u32 s14, $0x8  }
0xb2: {  	s15 =	smul.u32 $0xFFFFFE20, s14;
	s14 =	sand.u32 $0x1, s14  }
0xb3: {  	p0 =	seq.s32 s14, $0x1;
	s14 =	simm.s32 $0x1E0  }
0xb4: {  	s15 =	sadd.s32 s9, s15;
	s14 =	simm.s32 @!p0 $0x0  }
0xb5: {  	s14 =	sadd.s32 s14, s15  }
0xb6: {  	v5 =	vmov s14;
	_ =	sdelay $0x4  }
0xb7: {  	v5 =	vld.idx.msk [tilespmem:v5+s5+$0x0], $0xffff;
	_ =	sdelay $0x4  }
0xb8: {  	(v2sf) =	vpush v5, $0x0;
	_ =	sdelay $0xe  }
0xb9: {  	s14 =	spop (v2sf)  }
0xba: {  	p1 =	slt.u32 s9, s10;
	p6 =	sne.s32 s14, s13  }
0xbb: {  	p0 =	por !p1, !p6  }
0xbc: {  	p2 =	seq.s32 s0, $0x0;
	p0 =	por !p0, !p0  }
0xbd: {  	p2 =	por !p2, !p0  }
0xbe: {  	p2 =	por !p2, !p2  }
.Ltmp5:
0xbf: {  	_ = 	snop;
	(pc) =	sbr.rel @!p2 .LBB2_8-.Ltmp5, $1  }
0xc0: {  	_ =	sdelay $0x3  }
0xc1: {  	s18 =	sand.u32 $0x3, s29;
	p4 =	slt.s32 s29, $0x4  }
0xc2: {  	s15 =	sadd.s32 @!p4 $0x3, s18  }
0xc3: {  	_ =	swait.ge @!p4 [sflag:s15], $0x300  }
0xc4: {  	s21 =	scvt.s32.f32 s30;
	[sflag:s15] =	ssyncset.done @!p4 $0x0  }
0xc5: {  	[sflag:s15] =	ssyncadd.s32 @!p4 $0xFFFFFD00  }
0xc6: {  	v5 =	vmov s21;
	_ =	swait.ge @!p4 [sflag:s15], $0x80  }
0xc7: {  	(erf) = vrcp.f32 v5;
	_ =	sdelay $0x2  }
0xc8: {  	[sflag:s15] =	ssyncset.done @!p4 $0x0  }
0xc9: {  	s26 =	simm.s32 $0x7440;
	[sflag:s15] =	ssyncadd.s32 @!p4 $0xFFFFFF80  }
0xca: {  	v7 =	vld [tilespmem:s26+$0x30]  }
0xcb: {  	v10 =	vld [tilespmem:s26+$0xFFFFFFD0]  }
0xcc: {  	v12 =	vld [tilespmem:s26+$0xFFFFFFE0]  }
0xcd: {  	v9 =	vld [tilespmem:s26+$0xFFFFFFF0]  }
0xce: {  	v8 =	vld [tilespmem:s26+$0x0];
	v5 =	vpop (erf)  }
0xcf: {  	s21 =	sshll.u32 s18, $0x7;
	v6 =	vld [tilespmem:s26+$0x10];
	v13 =	vmul.f32 v7, v5  }
0xd0: {  	s23 =	sor.u32 $0x6840, s21;
	v7 =	vld [tilespmem:s26+$0x20];
	v11 =	vmul.f32 v10, v5  }
0xd1: {  	s22 =	simm.s32 $0x0;
	s15 =	sor.u32 $0x6800, s21;
	v10 =	vld [tilespmem:s26+$0xFFFFFFC0];
	v12 =	vmul.f32 v12, v5;
	s26 =	simm.s32 $0x74C0;
	[tilespmem:s23+$0x30] =	vst v13  }
.LBB2_6:
0xd2: {  	v13 =	vld [tilespmem:s26+$0x30];
	s22 =	sadd.s32 $0x80, s22;
	[tilespmem:s23+$0xFFFFFFD0] =	vst v11;
	v9 =	vmul.f32 v9, v5  }
0xd3: {  	v11 =	vld [tilespmem:s26+$0xFFFFFFD0];
	p4 =	slt.u32 s22, $0x280;
	[tilespmem:s23+$0xFFFFFFE0] =	vst v12;
	v8 =	vmul.f32 v8, v5  }
0xd4: {  	v12 =	vld [tilespmem:s26+$0xFFFFFFE0];
	[tilespmem:s23+$0xFFFFFFF0] =	vst v9;
	v6 =	vmul.f32 v6, v5  }
.Ltmp6:
0xd5: {  	v9 =	vld [tilespmem:s26+$0xFFFFFFF0];
	[tilespmem:s23+$0x0] =	vst v8;
	v7 =	vmul.f32 v7, v5;
	(pc) =	sbr.rel @p4 .LBB2_6-.Ltmp6, $4  }
0xd6: {  	v8 =	vld [tilespmem:s26+$0x0];
	v10 =	vmul.f32 v10, v5;
	[tilespmem:s23+$0x10] =	vst v6  }
0xd7: {  	v6 =	vld [tilespmem:s26+$0x10];
	v13 =	vmul.f32 v13, v5;
	[tilespmem:s23+$0x20] =	vst v7  }
0xd8: {  	v11 =	vmul.f32 v11, v5;
	v7 =	vld [tilespmem:s26+$0x20];
	[tilespmem:s23+$0xFFFFFFC0] =	vst v10;
	s23 =	sadd.s32 $0x200, s23  }
0xd9: {  	v10 =	vld [tilespmem:s26+$0xFFFFFFC0];
	v12 =	vmul.f32 v12, v5;
	[tilespmem:s23+$0x30] =	vst v13;
	s26 =	sadd.s32 $0x80, s26  }
0xda: {  	[tilespmem:s23+$0xFFFFFFD0] =	vst v11;
	v9 =	vmul.f32 v9, v5  }
0xdb: {  	s22 =	sshrl.u32 s13, $0x3;
	[tilespmem:s23+$0xFFFFFFE0] =	vst v12;
	v8 =	vmul.f32 v8, v5  }
0xdc: {  	s26 =	sshll.u32 s13, $0x7;
	s11 =	smul.u32 $0x1800, s22;
	[tilespmem:s23+$0xFFFFFFF0] =	vst v9;
	v6 =	vmul.f32 v6, v5  }
0xdd: {  	s26 =	sand.u32 $0x380, s26;
	[tilespmem:s23+$0x0] =	vst v8;
	v7 =	vmul.f32 v7, v5  }
0xde: {  	s11 =	sor.u32 s26, s11;
	v5 =	vmul.f32 v10, v5;
	[tilespmem:s23+$0x10] =	vst v6  }
0xdf: {  	s11 =	sshrl.u32 s11, $0x3;
	[tilespmem:s23+$0x20] =	vst v7  }
0xe0: {  	s18 =	sadd.s32 $0x3, s18;
	s11 =	sadd.s32 s8, s11;
	[tilespmem:s23+$0xFFFFFFC0] =	vst v5  }
0xe1: {  	[hbm4b:s11+s5] =	stream.linear.scatter [tilespmem:s15], [sflag:s18], $0x80, $0x38;
	[tilespmem:$0x7800] =	vst v63  }
0xe2: {  	s23 =	sadd.s32 $0x80, s11;
	s15 =	sor.u32 $0x6A00, s21  }
0xe3: {  	[hbm4b:s23+s5] =	stream.linear.scatter [tilespmem:s15], [sflag:s18], $0x80, $0x38;
	[tilespmem:$0x7800] =	vst v63  }
0xe4: {  	s15 =	sor.u32 $0x6C00, s21;
	s23 =	sadd.s32 $0x100, s11  }
0xe5: {  	[hbm4b:s23+s5] =	stream.linear.scatter [tilespmem:s15], [sflag:s18], $0x80, $0x38;
	[tilespmem:$0x7800] =	vst v63  }
0xe6: {  	s15 =	sor.u32 $0x6E00, s21;
	s23 =	sadd.s32 $0x180, s11  }
0xe7: {  	[hbm4b:s23+s5] =	stream.linear.scatter [tilespmem:s15], [sflag:s18], $0x80, $0x38;
	[tilespmem:$0x7800] =	vst v63  }
0xe8: {  	s15 =	sor.u32 $0x7000, s21;
	s23 =	sadd.s32 $0x200, s11  }
0xe9: {  	[hbm4b:s23+s5] =	stream.linear.scatter [tilespmem:s15], [sflag:s18], $0x80, $0x38;
	[tilespmem:$0x7800] =	vst v63  }
0xea: {  	s21 =	sor.u32 $0x7200, s21;
	s11 =	sadd.s32 $0x280, s11;
	s23 =	sshll.u32 s22, $0xA  }
0xeb: {  	[hbm4b:s11+s5] =	stream.linear.scatter [tilespmem:s21], [sflag:s18], $0x80, $0x38;
	[tilespmem:$0x7800] =	vst v63  }
0xec: {  	s11 =	sor.u32 s26, s23  }
0xed: {  	s11 =	sshrl.u32 s11, $0x3  }
0xee: {  	s11 =	sadd.s32 s7, s11  }
0xef: {  	[hbm4b:s11+s5] =	stream.linear.scatter [tilespmem:s3], [sflag:s18], $0x80, $0x38;
	[tilespmem:$0x7800] =	vst v63  }
.LBB2_8:
0xf0: {  	p4 =	sne.s32 s0, $0x0  }
0xf1: {  	p4 =	por !p4, !p0  }
0xf2: {  	p4 =	por !p4, !p4  }
0xf3: {  	s11 =	simm.s32 @p4 $0x80;
	s15 =	simm.s32 @p4 $0x400;
	s18 =	simm.s32 @p4 $0x7400  }
0xf4: {  	[hbm4b:s17+s11] =	stream.strided.scatter @p4 [tilespmem:s18], [sflag:$0x7], $0x300, s15, s11, $0x38;
	[tilespmem:$0x7800] =	vst v63  }
0xf5: {  	s11 =	simm.s32 @p4 $0x7  }
0xf6: {  	v5 =	vmov @p4 s13;
	vm3 =	vcmask @p4 $0x300;
	_ =	swait.ge @p4 [sflag:s11], $0x300  }
0xf7: {  	v5 =	vnsel @p4 vm3, $0x0, v5;
	vm3 =	vcmask @p4 $0x704;
	[sflag:s11] =	ssyncset.done @p4 $0x0  }
0xf8: {  	p5 =	sge.u32 s9, s10;
	v5 =	vsel @p4 vm3, s30, v5;
	[sflag:s11] =	ssyncadd.s32 @p4 $0xFFFFFD00  }
.Ltmp7:
0xf9: {  	s15 =	simm.s32 @p4 $0x0;
	s18 =	simm.s32 @p4 $0x7780;
	[tilespmem:$0x7780] =	vst @p4 v5;
	(pc) =	sbr.rel @p5 .LBB2_12-.Ltmp7, $4  }
0xfa: {  	[hbm4b:s20+s15] =	stream.linear.scatter @p4 [tilespmem:s18], [sflag:$0x7], $0x80, $0x38;
	[tilespmem:$0x7800] =	vst v63  }
0xfb: {  	_ =	swait.ge @p4 [sflag:s11], $0x80  }
0xfc: {  	[sflag:s11] =	ssyncset.done @p4 $0x0  }
0xfd: {  	[sflag:s11] =	ssyncadd.s32 @p4 $0xFFFFFF80  }
0xfe: {  	s9 =	sshrl.u32 s24, $0x4  }
0xff: {  	s13 =	simm.s32 $0xFFFFFFFF;
	s11 =	sand.u32 $0x1, s9  }
0x100: {  	s13 =	simm.s32 @!p3 $0x0;
	p4 =	seq.s32 s11, $0x1  }
0x101: {  	s9 =	sadd.s32 s13, s9;
	p5 =	por !p4, !p4  }
0x102: {  	s11 =	simm.s32 $0x1;
	s9 =	sshll.u32 s9, $0x4;
	p5 =	por @!p3 p4, p4  }
0x103: {  	s9 =	ssub.s32 s24, s9;
	s11 =	simm.s32 @!p5 $0x0  }
0x104: {  	s9 =	sshrl.u32 s9, $0x3;
	s11 =	smul.u32 $0xC000, s11  }
0x105: {  	s9 =	smul.u32 $0x6000, s9  }
0x106: {  	s23 =	sand.u32 $0x7, s31  }
0x107: {  	s13 =	sshll.u32 s23, $0x9;
	s9 =	sadd.s32 s9, s11  }
0x108: {  	s9 =	sor.u32 s13, s9  }
0x109: {  	s9 =	sshra.s32 s9, $0x2  }
0x10a: {  	s26 =	sadd.s32 $0x840, s9  }
0x10b: {  	s9 =	simm.s32 $0x7440;
	v8 =	vld [tilespmem:s26+$0x30]  }
0x10c: {  	v7 =	vld [tilespmem:s9+$0x30]  }
0x10d: {  	v5 =	vld [tilespmem:s9+$0xFFFFFFC0]  }
0x10e: {  	v9 =	vld [tilespmem:s26+$0xFFFFFFD0]  }
0x10f: {  	v10 =	vld [tilespmem:s9+$0xFFFFFFD0]  }
0x110: {  	v11 =	vld [tilespmem:s26+$0xFFFFFFE0]  }
0x111: {  	v12 =	vld [tilespmem:s9+$0xFFFFFFE0]  }
0x112: {  	v13 =	vld [tilespmem:s26+$0xFFFFFFF0]  }
0x113: {  	v14 =	vld [tilespmem:s9+$0xFFFFFFF0]  }
0x114: {  	v6 =	vld [tilespmem:s26+$0x0]  }
0x115: {  	v16 =	vld [tilespmem:s9+$0x0];
	v15 =	vadd.f32 v7, v8  }
0x116: {  	v17 =	vadd.f32 v10, v9;
	v7 =	vld [tilespmem:s26+$0x10]  }
0x117: {  	v12 =	vadd.f32 v12, v11;
	v10 =	vld [tilespmem:s9+$0x10];
	v8 =	vpsel p0, v8, v15  }
0x118: {  	v14 =	vadd.f32 v14, v13;
	v9 =	vpsel p0, v9, v17;
	[tilespmem:s9+$0x30] =	vst v8;
	v8 =	vld [tilespmem:s26+$0x20]  }
0x119: {  	[tilespmem:s9+$0xFFFFFFD0] =	vst v9;
	v9 =	vpsel p0, v11, v12;
	v11 =	vld [tilespmem:s9+$0x20]  }
0x11a: {  	s18 =	simm.s32 $0x7440;
	s13 =	simm.s32 $0x0;
	s15 =	sadd.s32 $0x400, s26;
	v13 =	vpsel p0, v13, v14;
	v12 =	vadd.f32 v16, v6;
	[tilespmem:s9+$0xFFFFFFE0] =	vst v9;
	v9 =	vld [tilespmem:s26+$0xFFFFFFC0]  }
.LBB2_10:
0x11b: {  	v14 =	vld [tilespmem:s15+$0x30];
	[tilespmem:s9+$0xFFFFFFF0] =	vst v13;
	s18 =	sadd.s32 $0x80, s18  }
0x11c: {  	s13 =	sadd.s32 $0x80, s13;
	v13 =	vld [tilespmem:s18+$0x30];
	v6 =	vpsel p0, v6, v12;
	v10 =	vadd.f32 v10, v7  }
0x11d: {  	p3 =	slt.u32 s13, $0x280;
	v12 =	vld [tilespmem:s18+$0xFFFFFFC0];
	[tilespmem:s9+$0x0] =	vst v6  }
0x11e: {  	v15 =	vld [tilespmem:s15+$0xFFFFFFD0];
	v6 =	vpsel p0, v7, v10;
	v7 =	vadd.f32 v11, v8  }
0x11f: {  	v10 =	vld [tilespmem:s18+$0xFFFFFFD0];
	v16 =	vadd.f32 v5, v9;
	[tilespmem:s9+$0x10] =	vst v6  }
0x120: {  	v11 =	vld [tilespmem:s15+$0xFFFFFFE0];
	v6 =	vpsel p0, v8, v7  }
0x121: {  	v7 =	vld [tilespmem:s18+$0xFFFFFFE0];
	v8 =	vadd.f32 v13, v14;
	v9 =	vpsel p0, v9, v16;
	[tilespmem:s9+$0x20] =	vst v6  }
0x122: {  	v13 =	vld [tilespmem:s15+$0xFFFFFFF0];
	[tilespmem:s9+$0xFFFFFFC0] =	vst v9;
	v5 =	vmov v12;
	s9 =	smov.u32 s18  }
0x123: {  	v9 =	vld [tilespmem:s18+$0xFFFFFFF0];
	v8 =	vpsel p0, v14, v8  }
0x124: {  	v10 =	vadd.f32 v10, v15;
	v6 =	vld [tilespmem:s15+$0x0];
	[tilespmem:s18+$0x30] =	vst v8  }
0x125: {  	v12 =	vld [tilespmem:s18+$0x0]  }
.Ltmp8:
0x126: {  	v8 =	vpsel p0, v15, v10;
	v14 =	vadd.f32 v7, v11;
	v7 =	vld [tilespmem:s15+$0x10];
	(pc) =	sbr.rel @p3 .LBB2_10-.Ltmp8, $4  }
0x127: {  	[tilespmem:s18+$0xFFFFFFD0] =	vst v8;
	v10 =	vld [tilespmem:s18+$0x10]  }
0x128: {  	v11 =	vpsel p0, v11, v14;
	v14 =	vadd.f32 v9, v13;
	v8 =	vld [tilespmem:s15+$0x20]  }
0x129: {  	[tilespmem:s18+$0xFFFFFFE0] =	vst v11;
	v11 =	vld [tilespmem:s18+$0x20]  }
0x12a: {  	v9 =	vld [tilespmem:s15+$0xFFFFFFC0];
	v13 =	vpsel p0, v13, v14;
	v12 =	vadd.f32 v12, v6;
	s15 =	sadd.s32 $0x400, s15  }
0x12b: {  	_ =	sdelay $0x1  }
0x12c: {  	v10 =	vadd.f32 v10, v7  }
.Ltmp9:
0x12d: {  	[tilespmem:s9+$0xFFFFFFF0] =	vst v13;
	v6 =	vpsel p0, v6, v12;
	v11 =	vadd.f32 v11, v8;
	(pc) =	sbr.rel .LBB2_12-.Ltmp9, $4  }
0x12e: {  	[tilespmem:s9+$0x0] =	vst v6;
	v6 =	vpsel p0, v7, v10;
	v5 =	vadd.f32 v5, v9  }
0x12f: {  	[tilespmem:s9+$0x10] =	vst v6;
	v6 =	vpsel p0, v8, v11  }
0x130: {  	v5 =	vpsel p0, v9, v5;
	[tilespmem:s9+$0x20] =	vst v6  }
0x131: {  	s13 =	smov.u32 s14;
	[tilespmem:s9+$0xFFFFFFC0] =	vst v5  }
.LBB2_14:
0x132: {  	_ =	sfence.sel $0x180000  }
0x133: {  	[bflag:$0x0] =	sbarrier.arrive $0xFFFF  }
0x134: {  	_ =	strace $0x90000047  }
0x135: {  	s0 =	stileid.u32;
	[bflag:$0x2] =	sbarrier.arrive $0xFFFF  }
0x136: {  	p0 =	sne.s32 s0, $0x0;
	s0 =	rddreg [dreg:$0x4]  }
0x137: {  	s0 =	sadd.s32 @!p0 $0x100000, s0  }
0x138: {  	[sflag:s0] =	ssyncadd.tile.s32 @!p0 $0x1;
	_ =	shalt  }
.Lfunc_end2:
_tile_overlayer_lowered:
.L_overlay_start_2:
0x139: {  	(tag) =	ssettag $0x2  }
0x13a: {  	s0 =	rddreg [dreg:$0x0];
	s2 =	stileid.u32  }
0x13b: {  	s1 =	rddreg [dreg:$0x1];
	p0 =	sne.s32 s2, $0x0  }
0x13c: {  	s3 =	rddreg [dreg:$0x2];
	[bflag:$0x3] =	sbarrier.arrive $0xFFFF;
	s2 =	simm.s32 @!p0 $0x1C07  }
0x13d: {  	[timem:s3], [sflag:s2] =	dma.local @!p0 [hbm:s0], s1  }
0x13e: {  	s0 =	simm.s32 @!p0 $0x7  }
0x13f: {  	_ =	swait.ge @!p0 [sflag:s0], s1  }
0x140: {  	s1 =	ssub.s32 @!p0 $0x0, s1;
	[sflag:s0] =	ssyncset.done @!p0 $0x0  }
0x141: {  	[sflag:s0] =	ssyncadd.s32 @!p0 s1  }
0x142: {  	[bflag:$0x3] =	sbarrier.arrive $0xFFFF  }
0x143: {  	_ =	shalt  }

// kernel: kernel.7.cloned.1.call-start
scs
__scs_entry_jumppad:
0x0: {  	(pc) =	sbr.rel $0x88, $3  }
0x1: {  	(tag) =	ssettag $0x0;
	lr =	simm.s32 $0x1  }
0x2: {  	[smem:$0x3F9D] =	sst lr;
	_ =	strace $0xD0000000  }
0x3: {  	_ = 	snop  }
0x4: {  	_ = 	snop  }
0x5: {  	_ = 	snop  }
0x6: {  	_ = 	snop  }
0x7: {  	_ = 	snop  }
__scs_overlays_trampoline_lowered:
0x8: {  	[smem:$0x3FAC] =	sst s0  }
0x9: {  	[smem:$0x3FAD] =	sst s1  }
0xa: {  	[smem:$0x3FAE] =	sst s2  }
0xb: {  	[smem:$0x3FAF] =	sst s3  }
0xc: {  	[smem:$0x3FB0] =	sst s4  }
0xd: {  	[smem:$0x3FB1] =	sst s5  }
0xe: {  	[smem:$0x3FB2] =	sst s6  }
0xf: {  	[smem:$0x3FB3] =	sst s7  }
0x10: {  	[smem:$0x3FB4] =	sst s8  }
0x11: {  	[smem:$0x3FB5] =	sst s9;
	s0 =	simm.s32 @!p0 $0x0  }
0x12: {  	s1 =	sld [smem:$0x3F9B];
	s0 =	simm.s32 @p0 $0x1  }
0x13: {  	[smem:$0x3FB6] =	sst s0;
	s0 =	simm.s32 @!p1 $0x0  }
0x14: {  	s2 =	sld [smem:$0x3F9A];
	s0 =	simm.s32 @p1 $0x1  }
0x15: {  	[smem:$0x3FB7] =	sst s0;
	s0 =	simm.s32 @!p2 $0x0  }
0x16: {  	s3 =	sld [smem:$0x3FDB];
	s0 =	simm.s32 @p2 $0x1  }
0x17: {  	s4 =	simm.s32 $0x1BF5;
	[smem:$0x3FB9] =	sst s0  }
0x18: {  	s0 =	sld [smem:$0x3F9C];
	_ =	swait.ge [sflag:s4], $0x0  }
0x19: {  	s7 =	sld [smem:$0x3F9D]  }
0x1a: {  	s8 =	sadd.s32 $0xFFFFE003, lr  }
0x1b: {  	s9 =	sadd.s32 $0xFFFFFEF7, lr;
	s5 =	simm.s32 $0xFFFFFFFF;
	p2 =	slt.u32 s8, $0xFFFFF086  }
0x1c: {  	p1 =	slt.u32 s9, $0xF7A;
	s5 =	simm.s32 @!p2 $0x0  }
0x1d: {  	s5 =	simm.s32 @p1 $0x1;
	p0 =	seq.s32 s7, s2  }
0x1e: {  	s7 =	smul.u32 @!p0 $0xF7A, s2;
	p2 =	seq.s32 @!p0 s5, $0x0  }
0x1f: {  	s9 =	smul.u32 $0xF7A, s1;
	s8 =	simm.s32 @!p0 $0x1BF5;
	p2 =	por !p2, p0  }
0x20: {  	[sflag:s8] =	ssyncset.s32 @!p0 $0xFFFFF086;
	s6 =	sadd.s32 @!p0 s3, s7;
	s7 =	simm.s32 @!p0 $0x108  }
0x21: {  	s3 =	sadd.s32 s3, s9;
	s6 =	sadd.s32 @!p0 $0x88, s6;
	s7 =	simm.s32 @p2 $0x1082  }
0x22: {  	[simem:s7], [sflag:s8] =	dma.local @!p0 [hbm:s6], $0xF7A  }
0x23: {  	s9 =	sor.u32 $0xD0000000, s2;
	s6 =	simm.s32 $0x108;
	_ =	swait.ge @!p0 [sflag:s8], $0x0  }
0x24: {  	s3 =	sadd.s32 $0x88, s3;
	s6 =	simm.s32 @!p1 $0x1082;
	[sflag:s4] =	ssyncset.s32 $0xFFFFF086  }
0x25: {  	[simem:s6], [sflag:s4] =	dma.local [hbm:s3], $0xF7A  }
0x26: {  	[smem:$0x3F9D] =	sst s1;
	(tag) =	ssettag s2;
	_ =	strace s9  }
0x27: {  	s1 =	sld [smem:$0x3FAD]  }
0x28: {  	s2 =	sld [smem:$0x3FAE]  }
0x29: {  	s4 =	sld [smem:$0x3FB0]  }
0x2a: {  	p0 =	seq.s32 s5, $0x0;
	s5 =	sld [smem:$0x3FB1]  }
0x2b: {  	s6 =	sld [smem:$0x3FB2]  }
0x2c: {  	s7 =	sld [smem:$0x3FB3]  }
0x2d: {  	s3 =	simm.s32 $0x108;
	s8 =	sld [smem:$0x3FB4]  }
0x2e: {  	s3 =	simm.s32 @!p0 $0x1082;
	s9 =	sld [smem:$0x3FB5]  }
0x2f: {  	lr =	sadd.s32 s0, s3;
	s0 =	sld [smem:$0x3FAC]  }
0x30: {  	s3 =	sld [smem:$0x3FAF]  }
0x31: {  	[smem:$0x3FB8] =	sst s10  }
0x32: {  	s10 =	sld [smem:$0x3FB6];
	_ =	sdelay $0x3  }
0x33: {  	p0 =	seq.s32 s10, $0x1;
	s10 =	sld [smem:$0x3FB8];
	_ =	sdelay $0x3  }
0x34: {  	[smem:$0x3FB8] =	sst s10  }
0x35: {  	s10 =	sld [smem:$0x3FB7];
	_ =	sdelay $0x3  }
0x36: {  	p1 =	seq.s32 s10, $0x1;
	s10 =	sld [smem:$0x3FB8];
	_ =	sdelay $0x3  }
0x37: {  	[smem:$0x3FB8] =	sst s10  }
0x38: {  	s10 =	sld [smem:$0x3FB9]  }
0x39: {  	_ = 	snop;
	(pc) =	sbr.ind lr, $3  }
0x3a: {  	_ = 	snop  }
0x3b: {  	_ = 	snop  }
0x3c: {  	p2 =	seq.s32 s10, $0x1;
	s10 =	sld [smem:$0x3FB8]  }
0x3d: {  	_ =	shalt  }
0x3e: {  	_ =	shalt  }
0x3f: {  	_ =	shalt  }
0x40: {  	_ =	shalt  }
0x41: {  	_ =	shalt  }
0x42: {  	_ =	shalt  }
0x43: {  	_ =	shalt  }
0x44: {  	_ =	shalt  }
0x45: {  	_ =	shalt  }
0x46: {  	_ =	shalt  }
0x47: {  	_ =	shalt  }
0x48: {  	_ =	shalt  }
0x49: {  	_ =	shalt  }
0x4a: {  	_ =	shalt  }
0x4b: {  	_ =	shalt  }
0x4c: {  	_ =	shalt  }
0x4d: {  	_ =	shalt  }
0x4e: {  	_ =	shalt  }
0x4f: {  	_ =	shalt  }
0x50: {  	_ =	shalt  }
0x51: {  	_ =	shalt  }
0x52: {  	_ =	shalt  }
0x53: {  	_ =	shalt  }
0x54: {  	_ =	shalt  }
0x55: {  	_ =	shalt  }
0x56: {  	_ =	shalt  }
0x57: {  	_ =	shalt  }
0x58: {  	_ =	shalt  }
0x59: {  	_ =	shalt  }
0x5a: {  	_ =	shalt  }
0x5b: {  	_ =	shalt  }
0x5c: {  	_ =	shalt  }
0x5d: {  	_ =	shalt  }
0x5e: {  	_ =	shalt  }
0x5f: {  	_ =	shalt  }
0x60: {  	_ =	shalt  }
0x61: {  	_ =	shalt  }
0x62: {  	_ =	shalt  }
0x63: {  	_ =	shalt  }
0x64: {  	_ =	shalt  }
0x65: {  	_ =	shalt  }
0x66: {  	_ =	shalt  }
0x67: {  	_ =	shalt  }
0x68: {  	_ =	shalt  }
0x69: {  	_ =	shalt  }
0x6a: {  	_ =	shalt  }
0x6b: {  	_ =	shalt  }
0x6c: {  	_ =	shalt  }
0x6d: {  	_ =	shalt  }
0x6e: {  	_ =	shalt  }
0x6f: {  	_ =	shalt  }
0x70: {  	_ =	shalt  }
0x71: {  	_ =	shalt  }
0x72: {  	_ =	shalt  }
0x73: {  	_ =	shalt  }
0x74: {  	_ =	shalt  }
0x75: {  	_ =	shalt  }
0x76: {  	_ =	shalt  }
0x77: {  	_ =	shalt  }
0x78: {  	_ =	shalt  }
0x79: {  	_ =	shalt  }
0x7a: {  	_ =	shalt  }
0x7b: {  	_ =	shalt  }
0x7c: {  	_ =	shalt  }
0x7d: {  	_ =	shalt  }
0x7e: {  	_ =	shalt  }
0x7f: {  	_ =	shalt  }
0x80: {  	_ =	shalt  }
0x81: {  	_ =	shalt  }
0x82: {  	_ =	shalt  }
0x83: {  	_ =	shalt  }
0x84: {  	_ =	shalt  }
0x85: {  	_ =	shalt  }
0x86: {  	_ =	shalt  }
0x87: {  	_ =	shalt  }
.Lfunc_end0:
.L_simem_size_0:
called_computation.2_lowered:
.L_overlay_start_0:
0x88: {  	s2 =	sld [smem:$0x3FD9]  }
0x89: {  	s3 =	sld [smem:$0x3FFE];
	_ =	sdelay $0x1  }
0x8a: {  	s1 =	srdreg.scid  }
0x8b: {  	s0 =	sand.u32 $0x1, s1  }
0x8c: {  	s17 =	sshll.u32 s0, $0xA;
	s2 =	sadd.s32 s3, s2  }
0x8d: {  	s2 =	sadd.s32 s2, s17  }
0x8e: {  	[smem:$0x3FC4] =	sst s2  }
0x8f: {  	_ = 	snop  }
0x90: {  	s2 =	sld [smem:$0x3FD0];
	(tm) =	ssettm $0x1  }
0x91: {  	s18 =	sld [smem:$0x3FFB];
	_ =	sdelay $0x3  }
0x92: {  	_ =	strace s18  }
0x93: {  	s3 =	sld [smem:$0x3FFC];
	_ =	sdelay $0x3  }
0x94: {  	_ =	strace s3  }
0x95: {  	s3 =	sld [smem:$0x3FFD];
	_ =	sdelay $0x3  }
0x96: {  	_ =	strace s3  }
0x97: {  	_ =	strace $0x8FFFFFFF  }
0x98: {  	s19 =	sld [smem:$0x3FDB];
	_ =	sdelay $0x1  }
0x99: {  	s4 =	simm.s32 $_scs_section_size  }
0x9a: {  	s5 =	simm.s32 $_size__tile_overlayer_lowered;
	s6 =	simm.s32 $_tile_overlayer_lowered  }
0x9b: {  	s22 =	simm.s32 $0x1BFF;
	s21 =	sshll.u32 s6, $0x1;
	s3 =	sadd.s32 s4, s19  }
0x9c: {  	s7 =	simm.s32 $0x0;
	s20 =	sshll.u32 s5, $0x1;
	s5 =	sadd.s32 s21, s3  }
0x9d: {  	[timem:s7], [sflag:s22] =	dma.local [hbm:s5], s20  }
0x9e: {  	_ =	swait.ge [sflag:s22], s20  }
0x9f: {  	s4 =	ssub.s32 $0x0, s20;
	[sflag:s22] =	ssyncset.done $0x0  }
0xa0: {  	[sflag:s22] =	ssyncadd.s32 s4;
	_ =	sdelay $0x1  }
0xa1: {  	s23 =	simm.s32 $0x1B8B  }
0xa2: {  	_ =	swait.ge [sflag:s23], $0x1  }
0xa3: {  	[sflag:s23] =	ssyncset.done $0x0  }
0xa4: {  	s25 =	simm.s32 $0x1B8E;
	s24 =	sld [smem:$0x3FFE];
	[sflag:s23] =	ssyncadd.s32 $0xFFFFFFFF  }
0xa5: {  	s26 =	simm.s32 $execute0_lowered;
	[smem:$0x3FD2] =	sst s25  }
0xa6: {  	s5 =	sshll.u32 s26, $0x1;
	_ =	strace $0x80000049;
	[dreg:$0x1] =	wrdreg $0xFFFFFFFF  }
0xa7: {  	s28 =	simm.s32 $_size_execute0_lowered;
	s3 =	sadd.s32 s3, s5;
	[dreg:$0x0] =	wrdreg $0x0  }
0xa8: {  	s5 =	sshll.u32 s28, $0x1;
	[dreg:$0x2] =	wrdreg s3  }
0xa9: {  	[dreg:$0x3] =	wrdreg s5  }
0xaa: {  	[dreg:$0x4] =	wrdreg $0xC0  }
0xab: {  	_ =	task [dreg:s7], $0x5FFFF  }
0xac: {  	[dreg:$0x1] =	wrdreg $0xFFFFFFFF  }
0xad: {  	[dreg:$0x0] =	wrdreg $0x60  }
0xae: {  	[dreg:$0x2] =	wrdreg s24  }
0xaf: {  	[dreg:$0x3] =	wrdreg s2  }
0xb0: {  	[dreg:$0x4] =	wrdreg $0x9  }
0xb1: {  	_ =	task.clear_ibuf [dreg:s7], $0x5FFFF;
	_ =	strace $0x90000049  }
0xb2: {  	s29 =	simm.s32 $0x9;
	_ =	strace $0x8000004B  }
0xb3: {  	_ =	swait.ge [sflag:s29], $0x1  }
0xb4: {  	[sflag:s29] =	ssyncadd.s32 $0xFFFFFFFF  }
0xb5: {  	_ =	strace $0x9000004B  }
0xb6: {  	_ =	sfence  }
0xb7: {  	s30 =	sld [smem:$0x0];
	_ =	sdelay $0x2  }
0xb8: {  	s31 =	sshll.u32 s1, $0xD;
	s1 =	sshrl.u32 s1, $0x2  }
0xb9: {  	s3 =	sand.u32 $0x4000, s31;
	s1 =	sadd.s32 s1, s30  }
0xba: {  	s0 =	sor.u32 s3, s0;
	s1 =	sshll.u32 s1, $0x11  }
0xbb: {  	s0 =	sor.u32 s1, s0  }
0xbc: {  	s0 =	sadd.s32 $0x8F2B, s0  }
0xbd: {  	[sflag:s0] =	ssyncadd.remote.s32 $0x1  }
0xbe: {  	_ =	sfence.sel $0xFFFF  }
0xbf: {  	[dreg:$0x0] =	wrdreg $0xFFFFFFFF;
	(pc) =	sbr.abs _section_cstart, $3  }
0xc0: {  	[dreg:$0x1] =	wrdreg $0xFFFFFFFF  }
0xc1: {  	_ =	task.clear_ibuf [dreg:s7], $0x2FFFF;
	_ =	strace $0x9FFFFFFF  }
0xc2: {  	(tm) =	ssettm $0x7FFFFFFF  }
0xc3: {  	_ =	shalt  }
tec
execute0_lowered:
.L_overlay_start_1:
0x0: {  	(tag) =	ssettag $0x1  }
0x1: {  	v0 =	vlaneseq.u32  }
0x2: {  	v1 =	vimm.f32 $1.000000000e+00;
	vm0 =	vmmov $0xffff;
	v52 =	vimm.f32 $0.0e+00  }
0x3: {  	v2 =	vor.u32 $0x10, v0;
	v3 =	vor.u32 $0x20, v0;
	v4 =	vor.u32 $0x30, v0  }
0x4: {  	s0 =	rddreg [dreg:$0x0];
	v5 =	vor.u32 $0x40, v0;
	v6 =	vor.u32 $0x50, v0;
	v7 =	vor.u32 $0x60, v0  }
0x5: {  	s31 =	rddreg [dreg:$0x1];
	s2 =	simm.s32 $0x0;
	s1 =	srdreg.scid;
	v8 =	vor.u32 $0x70, v0;
	v9 =	vor.u32 $0x400, v0;
	v10 =	vor.u32 $0x410, v0  }
0x6: {  	s28 =	stileid.u32;
	s12 =	simm.s32 $0x3;
	s18 =	simm.s32 $0xE680;
	v11 =	vor.u32 $0x420, v0;
	v12 =	vor.u32 $0x430, v0;
	v13 =	vor.u32 $0x440, v0  }
0x7: {  	s19 =	simm.s32 $0xE700;
	s11 =	simm.s32 $0xFF00;
	s14 =	simm.s32 $0x10700;
	v14 =	vor.u32 $0x450, v0;
	v15 =	vor.u32 $0x460, v0;
	v16 =	vor.u32 $0x470, v0  }
0x8: {  	s15 =	simm.s32 $0x10F00;
	s16 =	simm.s32 $0x17700;
	s17 =	simm.s32 $0x17F00;
	v17 =	vor.u32 $0x800, v0;
	v18 =	vor.u32 $0x810, v0;
	v19 =	vor.u32 $0x820, v0  }
0x9: {  	s13 =	simm.s32 $0x18700;
	s20 =	simm.s32 $0x19700;
	s21 =	simm.s32 $0x19F00;
	v20 =	vor.u32 $0x830, v0;
	v21 =	vor.u32 $0x840, v0;
	v22 =	vor.u32 $0x850, v0  }
0xa: {  	s22 =	simm.s32 $0x40;
	s23 =	simm.s32 $0x1A700;
	s3 =	sadd.s32 $0x187C00, s0;
	v23 =	vor.u32 $0x860, v0;
	v24 =	vor.u32 $0x870, v0;
	v25 =	vor.u32 $0xC00, v0  }
0xb: {  	s24 =	simm.s32 $0x1;
	s25 =	simm.s32 $0x2;
	s5 =	sadd.s32 $0xAAF800, s0;
	v26 =	vor.u32 $0xC10, v0;
	v27 =	vor.u32 $0xC20, v0;
	v28 =	vor.u32 $0xC30, v0  }
0xc: {  	s26 =	simm.s32 $0x0;
	[smem:$0x7FF] =	sst s2;
	s7 =	sadd.s32 $0xAB1400, s0;
	v29 =	vor.u32 $0xC40, v0;
	v30 =	vor.u32 $0xC50, v0;
	v31 =	vor.u32 $0xC60, v0  }
0xd: {  	s4 =	sadd.s32 $0x1200, s0;
	s1 =	sand.u32 $0x1, s1;
	s10 =	sadd.s32 $0x187E00, s0;
	v32 =	vor.u32 $0xC70, v0;
	v33 =	vor.u32 $0x1000, v0;
	v34 =	vor.u32 $0x1010, v0  }
0xe: {  	s6 =	sadd.s32 $0xAB1000, s0;
	s8 =	sshll.u32 s28, $0x1;
	v35 =	vor.u32 $0x1020, v0;
	v36 =	vor.u32 $0x1030, v0;
	v37 =	vor.u32 $0x1040, v0;
	_ =	strace $0x8000004A  }
.Ltmp0:
0xf: {  	v38 =	vor.u32 $0x1050, v0;
	v39 =	vor.u32 $0x1060, v0;
	v40 =	vor.u32 $0x1070, v0;
	[dreg:$0x3] =	wrdreg s5;
	s29 =	ssub.s32 $0x2, s1;
	(pc) =	sbr.rel .LBB2_1-.Ltmp0, $4  }
0x10: {  	p0 =	sne.s32 s28, $0x0;
	v41 =	vor.u32 $0x1400, v0;
	v42 =	vor.u32 $0x1410, v0;
	v43 =	vor.u32 $0x1420, v0;
	[dreg:$0x4] =	wrdreg s6;
	s9 =	sshrl.u32 s29, $0x1  }
0x11: {  	v44 =	vor.u32 $0x1430, v0;
	v45 =	vor.u32 $0x1440, v0;
	v46 =	vor.u32 $0x1450, v0;
	s1 =	sor.u32 s1, s8;
	s5 =	simm.s32 $0xEF00;
	s6 =	ssub.s32 s29, s9  }
0x12: {  	v47 =	vor.u32 $0x1460, v0;
	v50 =	vshrl.u32 v0, $0x3;
	v48 =	vor.u32 $0x1470, v0;
	s8 =	smul.u32 $0x640, s1;
	s1 =	simm.s32 $0x18F00;
	s30 =	smax.u32 s6, $0x1  }
0x13: {  	v49 =	vand.u32 $0x7, v0;
	v51 =	vor.u32 $0x8, v0;
	v50 =	vmul.u32 $0x8, v50;
	s9 =	sadd.s32 $0x187D00, s0;
	s6 =	simm.s32 $0xF700;
	[dreg:$0x5] =	wrdreg s30  }
.LBB2_18:
0x14: {  	s26 =	rddreg [dreg:$0x6]  }
0x15: {  	s0 =	rddreg [dreg:$0x5];
	s26 =	sadd.s32 $0x1, s26  }
0x16: {  	p1 =	sne.s32 s26, s0  }
.Ltmp1:
0x17: {  	_ = 	snop;
	(pc) =	sbr.rel @!p1 .LBB2_19-.Ltmp1, $1  }
0x18: {  	_ =	sdelay $0x3  }
.LBB2_1:
.Ltmp2:
0x19: {  	(pc) =	sbr.rel @p0 .LBB2_12-.Ltmp2, $2  }
0x1a: {  	_ =	sdelay $0x2  }
0x1b: {  	[dreg:$0x6] =	wrdreg s26  }
0x1c: {  	[tilespmem:$0xE600] =	vst v1  }
0x1d: {  	[tilespmem:$0xE610] =	vst v1  }
0x1e: {  	[tilespmem:$0xE620] =	vst v1  }
0x1f: {  	[tilespmem:$0xE630] =	vst v1  }
0x20: {  	[tilespmem:$0xE640] =	vst v1  }
0x21: {  	[tilespmem:$0xE650] =	vst v1  }
0x22: {  	[tilespmem:$0xE660] =	vst v1  }
0x23: {  	[tilespmem:$0xE670] =	vst v1;
	s28 =	simm.s32 $0x0;
	s0 =	rddreg [dreg:$0x3]  }
0x24: {  	[tilespmem:s28], [sflag:$0x3] =	stream.linear.gather [hbm4b:s0+s28], $0xC000, $0x38;
	[tilespmem:$0x1C700] =	vst v63  }
0x25: {  	_ =	swait.ge [sflag:s12], $0xC000  }
0x26: {  	s5 =	simm.s32 $0xC000;
	[sflag:s12] =	ssyncset.done $0x0  }
.Ltmp3:
0x27: {  	s31 =	rddreg [dreg:$0x4];
	[sflag:s12] =	ssyncadd.s32 $0xFFFF4000;
	(pc) =	sbr.rel .LBB2_3-.Ltmp3, $4  }
0x28: {  	[tilespmem:s5], [sflag:$0x3] =	stream.linear.gather [hbm4b:s31+s28], $0x2000, $0x38;
	[tilespmem:$0x1C700] =	vst v63  }
0x29: {  	_ =	swait.ge [sflag:s12], $0x2000  }
0x2a: {  	[sflag:s12] =	ssyncset.done $0x0  }
0x2b: {  	s26 =	simm.s32 $0xFFFFFFFF;
	s29 =	simm.s32 $0x0;
	[sflag:s12] =	ssyncadd.s32 $0xFFFFE000  }
.LBB2_9:
0x2c: {  	s29 =	sadd.s32 $0x1, s29  }
0x2d: {  	p2 =	sne.s32 s29, $0x40  }
.Ltmp4:
0x2e: {  	_ = 	snop;
	(pc) =	sbr.rel @!p2 .LBB2_10-.Ltmp4, $3  }
0x2f: {  	_ =	sdelay $0x1  }
0x30: {  	s28 =	sadd.s32 s28, s31  }
0x31: {  	s26 =	smov.u32 @p1 s30;
	s28 =	smov.u32 @p1 s0  }
.LBB2_3:
0x32: {  	v53 =	vmov s29  }
0x33: {  	v54 =	vshll.u32 v53, $0x7  }
0x34: {  	v55 =	vor.u32 $0x1, v54;
	_ =	sdelay $0x2  }
0x35: {  	s0 =	simm.s32 $0xC000  }
0x36: {  	v56 =	vld.idx.msk [tilespmem:v54+s0+$0x0], $0xffff  }
0x37: {  	v55 =	vld.idx.msk [tilespmem:v55+s0+$0x0], $0xffff;
	_ =	sdelay $0x3  }
0x38: {  	(v2sf) =	vpush v56, $0x0  }
0x39: {  	(v2sf) =	vpush v55, $0x0;
	_ =	sdelay $0xd  }
0x3a: {  	s30 =	spop (v2sf)  }
0x3b: {  	s0 =	spop (v2sf)  }
0x3c: {  	p1 =	seq.s32 s30, s26;
	p3 =	sgt.s32 s0, $0x0  }
0x3d: {  	p1 =	por !p1, !p3  }
0x3e: {  	p2 =	por !p1, !p1  }
0x3f: {  	p1 =	por !p2, !p2  }
0x40: {  	p6 =	slt.s32 s26, $0x0;
	p1 =	por @!p3 p2, p2  }
0x41: {  	p3 =	por p6, !p1  }
.Ltmp5:
0x42: {  	_ = 	snop;
	(pc) =	sbr.rel @p3 .LBB2_5-.Ltmp5, $1  }
0x43: {  	_ =	sdelay $0x3  }
0x44: {  	s31 =	scvt.s32.f32 s28;
	_ =	sdelay $0x1  }
0x45: {  	v55 =	vmov s31  }
0x46: {  	(erf) = vrcp.f32 v55;
	_ =	sdelay $0x4  }
0x47: {  	v56 =	vld [tilespmem:$0xE000]  }
0x48: {  	v57 =	vld [tilespmem:$0xE010]  }
0x49: {  	v58 =	vld [tilespmem:$0xE020]  }
0x4a: {  	v59 =	vld [tilespmem:$0xE030]  }
0x4b: {  	v60 =	vld [tilespmem:$0xE040];
	v55 =	vpop (erf)  }
0x4c: {  	v61 =	vld [tilespmem:$0xE050];
	v56 =	vmul.f32 v56, v55  }
0x4d: {  	v62 =	vld [tilespmem:$0xE060];
	v57 =	vmul.f32 v57, v55  }
0x4e: {  	v63 =	vmul.f32 v58, v55;
	v58 =	vld [tilespmem:$0xE070];
	[tilespmem:$0xE300] =	vst v56  }
0x4f: {  	[tilespmem:$0xE310] =	vst v57;
	v57 =	vmul.f32 v59, v55;
	v59 =	vld [tilespmem:$0xE080]  }
0x50: {  	[tilespmem:$0xE320] =	vst v63;
	v56 =	vmul.f32 v60, v55;
	v60 =	vld [tilespmem:$0xE090]  }
0x51: {  	[tilespmem:$0xE330] =	vst v57;
	v57 =	vmul.f32 v61, v55;
	v61 =	vld [tilespmem:$0xE0A0]  }
0x52: {  	[tilespmem:$0xE340] =	vst v56;
	v56 =	vmul.f32 v62, v55;
	v62 =	vld [tilespmem:$0xE0B0]  }
0x53: {  	v63 =	vmul.f32 v58, v55;
	v58 =	vld [tilespmem:$0xE0C0];
	[tilespmem:$0xE350] =	vst v57  }
0x54: {  	[tilespmem:$0xE360] =	vst v56;
	v56 =	vmul.f32 v59, v55;
	v59 =	vld [tilespmem:$0xE0D0]  }
0x55: {  	[tilespmem:$0xE370] =	vst v63;
	v57 =	vmul.f32 v60, v55;
	v60 =	vld [tilespmem:$0xE0E0]  }
0x56: {  	[tilespmem:$0xE380] =	vst v56;
	v56 =	vmul.f32 v61, v55;
	v61 =	vld [tilespmem:$0xE0F0]  }
0x57: {  	[tilespmem:$0xE390] =	vst v57;
	v57 =	vmul.f32 v62, v55;
	v62 =	vld [tilespmem:$0xE100]  }
0x58: {  	v63 =	vmul.f32 v58, v55;
	v58 =	vld [tilespmem:$0xE110];
	[tilespmem:$0xE3A0] =	vst v56  }
0x59: {  	[tilespmem:$0xE3B0] =	vst v57;
	v57 =	vmul.f32 v59, v55;
	v59 =	vld [tilespmem:$0xE120]  }
0x5a: {  	[tilespmem:$0xE3C0] =	vst v63;
	v56 =	vmul.f32 v60, v55;
	v60 =	vld [tilespmem:$0xE130]  }
0x5b: {  	[tilespmem:$0xE3D0] =	vst v57;
	v57 =	vmul.f32 v61, v55;
	v61 =	vld [tilespmem:$0xE140]  }
0x5c: {  	[tilespmem:$0xE3E0] =	vst v56;
	v56 =	vmul.f32 v62, v55;
	v62 =	vld [tilespmem:$0xE150]  }
0x5d: {  	v63 =	vmul.f32 v58, v55;
	v58 =	vld [tilespmem:$0xE160];
	[tilespmem:$0xE3F0] =	vst v57  }
0x5e: {  	[tilespmem:$0xE400] =	vst v56;
	v56 =	vmul.f32 v59, v55;
	v59 =	vld [tilespmem:$0xE170]  }
0x5f: {  	[tilespmem:$0xE410] =	vst v63;
	v57 =	vmul.f32 v60, v55;
	v60 =	vld [tilespmem:$0xE180]  }
0x60: {  	[tilespmem:$0xE420] =	vst v56;
	v56 =	vmul.f32 v61, v55;
	v61 =	vld [tilespmem:$0xE190]  }
0x61: {  	[tilespmem:$0xE430] =	vst v57;
	v57 =	vmul.f32 v62, v55;
	v62 =	vld [tilespmem:$0xE1A0]  }
0x62: {  	v63 =	vmul.f32 v58, v55;
	v58 =	vld [tilespmem:$0xE1B0];
	[tilespmem:$0xE440] =	vst v56  }
0x63: {  	[tilespmem:$0xE450] =	vst v57;
	v57 =	vmul.f32 v59, v55;
	v59 =	vld [tilespmem:$0xE1C0]  }
0x64: {  	[tilespmem:$0xE460] =	vst v63;
	v56 =	vmul.f32 v60, v55;
	v60 =	vld [tilespmem:$0xE1D0]  }
0x65: {  	[tilespmem:$0xE470] =	vst v57;
	v57 =	vmul.f32 v61, v55;
	v61 =	vld [tilespmem:$0xE1E0]  }
0x66: {  	[tilespmem:$0xE480] =	vst v56;
	v56 =	vmul.f32 v62, v55;
	v62 =	vld [tilespmem:$0xE1F0]  }
0x67: {  	v63 =	vmul.f32 v58, v55;
	v58 =	vld [tilespmem:$0xE200];
	[tilespmem:$0xE490] =	vst v57  }
0x68: {  	[tilespmem:$0xE4A0] =	vst v56;
	v56 =	vmul.f32 v59, v55;
	v59 =	vld [tilespmem:$0xE210]  }
0x69: {  	[tilespmem:$0xE4B0] =	vst v63;
	v57 =	vmul.f32 v60, v55;
	v60 =	vld [tilespmem:$0xE220]  }
0x6a: {  	[tilespmem:$0xE4C0] =	vst v56;
	v56 =	vmul.f32 v61, v55;
	v61 =	vld [tilespmem:$0xE230]  }
0x6b: {  	[tilespmem:$0xE4D0] =	vst v57;
	v57 =	vmul.f32 v62, v55;
	v62 =	vld [tilespmem:$0xE240]  }
0x6c: {  	v63 =	vmul.f32 v58, v55;
	v58 =	vld [tilespmem:$0xE250];
	[tilespmem:$0xE4E0] =	vst v56  }
0x6d: {  	[tilespmem:$0xE4F0] =	vst v57;
	v57 =	vmul.f32 v59, v55;
	v59 =	vld [tilespmem:$0xE260]  }
0x6e: {  	[tilespmem:$0xE500] =	vst v63;
	v56 =	vmul.f32 v60, v55;
	v60 =	vld [tilespmem:$0xE270]  }
0x6f: {  	[tilespmem:$0xE510] =	vst v57;
	v57 =	vmul.f32 v61, v55;
	v61 =	vld [tilespmem:$0xE280]  }
0x70: {  	[tilespmem:$0xE520] =	vst v56;
	v56 =	vmul.f32 v62, v55;
	v62 =	vld [tilespmem:$0xE290]  }
0x71: {  	v63 =	vmul.f32 v58, v55;
	v58 =	vld [tilespmem:$0xE2A0];
	[tilespmem:$0xE530] =	vst v57  }
0x72: {  	[tilespmem:$0xE540] =	vst v56;
	v56 =	vmul.f32 v59, v55;
	v59 =	vld [tilespmem:$0xE2B0]  }
0x73: {  	[tilespmem:$0xE550] =	vst v63;
	v57 =	vmul.f32 v60, v55;
	v60 =	vld [tilespmem:$0xE2C0]  }
0x74: {  	[tilespmem:$0xE560] =	vst v56;
	v56 =	vmul.f32 v61, v55;
	v61 =	vld [tilespmem:$0xE2D0]  }
0x75: {  	[tilespmem:$0xE570] =	vst v57;
	v57 =	vmul.f32 v62, v55;
	v62 =	vld [tilespmem:$0xE2E0]  }
0x76: {  	[tilespmem:$0xE580] =	vst v56;
	v56 =	vmul.f32 v58, v55;
	v58 =	vld [tilespmem:$0xE2F0]  }
0x77: {  	[tilespmem:$0xE590] =	vst v57;
	v63 =	vmul.f32 v59, v55  }
0x78: {  	s31 =	sshrl.u32 s26, $0x3;
	v60 =	vmul.f32 v60, v55;
	[tilespmem:$0xE5A0] =	vst v56  }
0x79: {  	s6 =	sshll.u32 s26, $0x7;
	s5 =	smul.u32 $0x1800, s31;
	[tilespmem:$0xE5B0] =	vst v63;
	v61 =	vmul.f32 v61, v55  }
0x7a: {  	s6 =	sand.u32 $0x380, s6;
	[tilespmem:$0xE5C0] =	vst v60;
	v63 =	vmul.f32 v62, v55  }
0x7b: {  	s5 =	sor.u32 s6, s5;
	[tilespmem:$0xE5D0] =	vst v61;
	v55 =	vmul.f32 v58, v55  }
0x7c: {  	s11 =	simm.s32 $0x80;
	s14 =	simm.s32 $0x400;
	s5 =	sshrl.u32 s5, $0x3;
	[tilespmem:$0xE5E0] =	vst v63  }
0x7d: {  	s15 =	simm.s32 $0xE300;
	s31 =	sshll.u32 s31, $0xA;
	s5 =	sadd.s32 s3, s5;
	[tilespmem:$0xE5F0] =	vst v55  }
0x7e: {  	[hbm4b:s5+s11] =	stream.strided.scatter [tilespmem:s15], [sflag:$0x3], $0x300, s14, s11, $0x38;
	[tilespmem:$0x1C700] =	vst v63  }
0x7f: {  	s5 =	sor.u32 s6, s31;
	_ =	swait.ge [sflag:s12], $0x300  }
0x80: {  	s5 =	sshrl.u32 s5, $0x3;
	[sflag:s12] =	ssyncset.done $0x0  }
0x81: {  	s31 =	simm.s32 $0xE600;
	s5 =	sadd.s32 s4, s5;
	[sflag:s12] =	ssyncadd.s32 $0xFFFFFD00  }
0x82: {  	[hbm4b:s5+s2] =	stream.linear.scatter [tilespmem:s31], [sflag:$0x3], $0x80, $0x38;
	[tilespmem:$0x1C700] =	vst v63  }
0x83: {  	_ =	swait.ge [sflag:s12], $0x80  }
0x84: {  	s15 =	simm.s32 $0x10F00;
	s14 =	simm.s32 $0x10700;
	[sflag:s12] =	ssyncset.done $0x0  }
0x85: {  	s11 =	simm.s32 $0xFF00;
	s6 =	simm.s32 $0xF700;
	[sflag:s12] =	ssyncadd.s32 $0xFFFFFF80  }
.LBB2_5:
.Ltmp6:
0x86: {  	(pc) =	sbr.rel @!p1 .LBB2_7-.Ltmp6, $3  }
0x87: {  	_ =	sdelay $0x1  }
0x88: {  	v55 =	vshrl.u32 v53, $0x3  }
0x89: {  	v53 =	vand.u32 $0x380, v54;
	v54 =	vmul.u32 $0x1800, v55  }
0x8a: {  	_ = 	snop  }
0x8b: {  	v55 =	vor.u32 v53, v54  }
0x8c: {  	v56 =	vor.u32 v0, v55;
	_ =	sdelay $0x4  }
0x8d: {  	v56 =	vld.idx.msk [tilespmem:v56+s2+$0x0], $0xffff  }
0x8e: {  	v57 =	vor.u32 v2, v55;
	_ =	sdelay $0x3  }
0x8f: {  	[tilespmem:$0xE000] =	vst v56  }
0x90: {  	v56 =	vld.idx.msk [tilespmem:v57+s2+$0x0], $0xffff  }
0x91: {  	v63 =	vor.u32 v3, v55;
	_ =	sdelay $0x3  }
0x92: {  	[tilespmem:$0xE010] =	vst v56  }
0x93: {  	v56 =	vld.idx.msk [tilespmem:v63+s2+$0x0], $0xffff  }
0x94: {  	v60 =	vor.u32 v4, v55;
	_ =	sdelay $0x3  }
0x95: {  	[tilespmem:$0xE020] =	vst v56  }
0x96: {  	v56 =	vld.idx.msk [tilespmem:v60+s2+$0x0], $0xffff  }
0x97: {  	v61 =	vor.u32 v5, v55;
	_ =	sdelay $0x3  }
0x98: {  	[tilespmem:$0xE030] =	vst v56  }
0x99: {  	v56 =	vld.idx.msk [tilespmem:v61+s2+$0x0], $0xffff  }
0x9a: {  	v62 =	vor.u32 v6, v55;
	_ =	sdelay $0x3  }
0x9b: {  	[tilespmem:$0xE040] =	vst v56  }
0x9c: {  	v56 =	vld.idx.msk [tilespmem:v62+s2+$0x0], $0xffff  }
0x9d: {  	v63 =	vor.u32 v7, v55;
	_ =	sdelay $0x3  }
0x9e: {  	[tilespmem:$0xE050] =	vst v56  }
0x9f: {  	v56 =	vld.idx.msk [tilespmem:v63+s2+$0x0], $0xffff  }
0xa0: {  	v60 =	vor.u32 v8, v55;
	_ =	sdelay $0x3  }
0xa1: {  	[tilespmem:$0xE060] =	vst v56  }
0xa2: {  	v56 =	vld.idx.msk [tilespmem:v60+s2+$0x0], $0xffff  }
0xa3: {  	v61 =	vor.u32 v9, v55;
	_ =	sdelay $0x3  }
0xa4: {  	[tilespmem:$0xE070] =	vst v56  }
0xa5: {  	v56 =	vld.idx.msk [tilespmem:v61+s2+$0x0], $0xffff  }
0xa6: {  	v62 =	vor.u32 v10, v55;
	_ =	sdelay $0x3  }
0xa7: {  	[tilespmem:$0xE080] =	vst v56  }
0xa8: {  	v56 =	vld.idx.msk [tilespmem:v62+s2+$0x0], $0xffff  }
0xa9: {  	v63 =	vor.u32 v11, v55;
	_ =	sdelay $0x3  }
0xaa: {  	[tilespmem:$0xE090] =	vst v56  }
0xab: {  	v56 =	vld.idx.msk [tilespmem:v63+s2+$0x0], $0xffff  }
0xac: {  	v60 =	vor.u32 v12, v55;
	_ =	sdelay $0x3  }
0xad: {  	[tilespmem:$0xE0A0] =	vst v56  }
0xae: {  	v56 =	vld.idx.msk [tilespmem:v60+s2+$0x0], $0xffff  }
0xaf: {  	v61 =	vor.u32 v13, v55;
	_ =	sdelay $0x3  }
0xb0: {  	[tilespmem:$0xE0B0] =	vst v56  }
0xb1: {  	v56 =	vld.idx.msk [tilespmem:v61+s2+$0x0], $0xffff  }
0xb2: {  	v62 =	vor.u32 v14, v55;
	_ =	sdelay $0x3  }
0xb3: {  	[tilespmem:$0xE0C0] =	vst v56  }
0xb4: {  	v56 =	vld.idx.msk [tilespmem:v62+s2+$0x0], $0xffff  }
0xb5: {  	v63 =	vor.u32 v15, v55;
	_ =	sdelay $0x3  }
0xb6: {  	[tilespmem:$0xE0D0] =	vst v56  }
0xb7: {  	v56 =	vld.idx.msk [tilespmem:v63+s2+$0x0], $0xffff  }
0xb8: {  	v60 =	vor.u32 v16, v55;
	_ =	sdelay $0x3  }
0xb9: {  	[tilespmem:$0xE0E0] =	vst v56  }
0xba: {  	v56 =	vld.idx.msk [tilespmem:v60+s2+$0x0], $0xffff  }
0xbb: {  	v61 =	vadd.s32 v17, v55;
	_ =	sdelay $0x3  }
0xbc: {  	[tilespmem:$0xE0F0] =	vst v56  }
0xbd: {  	v56 =	vld.idx.msk [tilespmem:v61+s2+$0x0], $0xffff  }
0xbe: {  	v62 =	vadd.s32 v18, v55;
	_ =	sdelay $0x3  }
0xbf: {  	[tilespmem:$0xE100] =	vst v56  }
0xc0: {  	v56 =	vld.idx.msk [tilespmem:v62+s2+$0x0], $0xffff  }
0xc1: {  	v63 =	vadd.s32 v19, v55;
	_ =	sdelay $0x3  }
0xc2: {  	[tilespmem:$0xE110] =	vst v56  }
0xc3: {  	v56 =	vld.idx.msk [tilespmem:v63+s2+$0x0], $0xffff  }
0xc4: {  	v60 =	vadd.s32 v20, v55;
	_ =	sdelay $0x3  }
0xc5: {  	[tilespmem:$0xE120] =	vst v56  }
0xc6: {  	v56 =	vld.idx.msk [tilespmem:v60+s2+$0x0], $0xffff  }
0xc7: {  	v61 =	vadd.s32 v21, v55;
	_ =	sdelay $0x3  }
0xc8: {  	[tilespmem:$0xE130] =	vst v56  }
0xc9: {  	v56 =	vld.idx.msk [tilespmem:v61+s2+$0x0], $0xffff  }
0xca: {  	v62 =	vadd.s32 v22, v55;
	_ =	sdelay $0x3  }
0xcb: {  	[tilespmem:$0xE140] =	vst v56  }
0xcc: {  	v56 =	vld.idx.msk [tilespmem:v62+s2+$0x0], $0xffff  }
0xcd: {  	v63 =	vadd.s32 v23, v55;
	_ =	sdelay $0x3  }
0xce: {  	[tilespmem:$0xE150] =	vst v56  }
0xcf: {  	v56 =	vld.idx.msk [tilespmem:v63+s2+$0x0], $0xffff  }
0xd0: {  	v60 =	vadd.s32 v24, v55;
	_ =	sdelay $0x3  }
0xd1: {  	[tilespmem:$0xE160] =	vst v56  }
0xd2: {  	v56 =	vld.idx.msk [tilespmem:v60+s2+$0x0], $0xffff  }
0xd3: {  	v61 =	vadd.s32 v25, v55;
	_ =	sdelay $0x3  }
0xd4: {  	[tilespmem:$0xE170] =	vst v56  }
0xd5: {  	v56 =	vld.idx.msk [tilespmem:v61+s2+$0x0], $0xffff  }
0xd6: {  	v62 =	vadd.s32 v26, v55;
	_ =	sdelay $0x3  }
0xd7: {  	[tilespmem:$0xE180] =	vst v56  }
0xd8: {  	v56 =	vld.idx.msk [tilespmem:v62+s2+$0x0], $0xffff  }
0xd9: {  	v63 =	vadd.s32 v27, v55;
	_ =	sdelay $0x3  }
0xda: {  	[tilespmem:$0xE190] =	vst v56  }
0xdb: {  	v56 =	vld.idx.msk [tilespmem:v63+s2+$0x0], $0xffff  }
0xdc: {  	v60 =	vadd.s32 v28, v55;
	_ =	sdelay $0x3  }
0xdd: {  	[tilespmem:$0xE1A0] =	vst v56  }
0xde: {  	v56 =	vld.idx.msk [tilespmem:v60+s2+$0x0], $0xffff  }
0xdf: {  	v61 =	vadd.s32 v29, v55;
	_ =	sdelay $0x3  }
0xe0: {  	[tilespmem:$0xE1B0] =	vst v56  }
0xe1: {  	v56 =	vld.idx.msk [tilespmem:v61+s2+$0x0], $0xffff  }
0xe2: {  	v62 =	vadd.s32 v30, v55;
	_ =	sdelay $0x3  }
0xe3: {  	[tilespmem:$0xE1C0] =	vst v56  }
0xe4: {  	v56 =	vld.idx.msk [tilespmem:v62+s2+$0x0], $0xffff  }
0xe5: {  	v63 =	vadd.s32 v31, v55;
	_ =	sdelay $0x3  }
0xe6: {  	[tilespmem:$0xE1D0] =	vst v56  }
0xe7: {  	v56 =	vld.idx.msk [tilespmem:v63+s2+$0x0], $0xffff  }
0xe8: {  	v60 =	vadd.s32 v32, v55;
	_ =	sdelay $0x3  }
0xe9: {  	[tilespmem:$0xE1E0] =	vst v56  }
0xea: {  	v56 =	vld.idx.msk [tilespmem:v60+s2+$0x0], $0xffff  }
0xeb: {  	v61 =	vadd.s32 v33, v55;
	_ =	sdelay $0x3  }
0xec: {  	[tilespmem:$0xE1F0] =	vst v56  }
0xed: {  	v56 =	vld.idx.msk [tilespmem:v61+s2+$0x0], $0xffff  }
0xee: {  	v62 =	vadd.s32 v34, v55;
	_ =	sdelay $0x3  }
0xef: {  	[tilespmem:$0xE200] =	vst v56  }
0xf0: {  	v56 =	vld.idx.msk [tilespmem:v62+s2+$0x0], $0xffff  }
0xf1: {  	v63 =	vadd.s32 v35, v55;
	_ =	sdelay $0x3  }
0xf2: {  	[tilespmem:$0xE210] =	vst v56  }
0xf3: {  	v56 =	vld.idx.msk [tilespmem:v63+s2+$0x0], $0xffff  }
0xf4: {  	v60 =	vadd.s32 v36, v55;
	_ =	sdelay $0x3  }
0xf5: {  	[tilespmem:$0xE220] =	vst v56  }
0xf6: {  	v56 =	vld.idx.msk [tilespmem:v60+s2+$0x0], $0xffff  }
0xf7: {  	v61 =	vadd.s32 v37, v55;
	_ =	sdelay $0x3  }
0xf8: {  	[tilespmem:$0xE230] =	vst v56  }
0xf9: {  	v56 =	vld.idx.msk [tilespmem:v61+s2+$0x0], $0xffff  }
0xfa: {  	v62 =	vadd.s32 v38, v55;
	_ =	sdelay $0x3  }
0xfb: {  	[tilespmem:$0xE240] =	vst v56  }
0xfc: {  	v56 =	vld.idx.msk [tilespmem:v62+s2+$0x0], $0xffff  }
0xfd: {  	v63 =	vadd.s32 v39, v55;
	_ =	sdelay $0x3  }
0xfe: {  	[tilespmem:$0xE250] =	vst v56  }
0xff: {  	v56 =	vld.idx.msk [tilespmem:v63+s2+$0x0], $0xffff  }
0x100: {  	v60 =	vadd.s32 v40, v55;
	_ =	sdelay $0x3  }
0x101: {  	[tilespmem:$0xE260] =	vst v56  }
0x102: {  	v56 =	vld.idx.msk [tilespmem:v60+s2+$0x0], $0xffff  }
0x103: {  	v61 =	vadd.s32 v41, v55;
	_ =	sdelay $0x3  }
0x104: {  	[tilespmem:$0xE270] =	vst v56  }
0x105: {  	v56 =	vld.idx.msk [tilespmem:v61+s2+$0x0], $0xffff  }
0x106: {  	v62 =	vadd.s32 v42, v55;
	_ =	sdelay $0x3  }
0x107: {  	[tilespmem:$0xE280] =	vst v56  }
0x108: {  	v56 =	vld.idx.msk [tilespmem:v62+s2+$0x0], $0xffff  }
0x109: {  	v63 =	vadd.s32 v43, v55;
	_ =	sdelay $0x3  }
0x10a: {  	[tilespmem:$0xE290] =	vst v56  }
0x10b: {  	v56 =	vld.idx.msk [tilespmem:v63+s2+$0x0], $0xffff  }
0x10c: {  	v60 =	vadd.s32 v44, v55;
	_ =	sdelay $0x3  }
0x10d: {  	[tilespmem:$0xE2A0] =	vst v56  }
0x10e: {  	v56 =	vld.idx.msk [tilespmem:v60+s2+$0x0], $0xffff  }
0x10f: {  	v61 =	vadd.s32 v45, v55;
	_ =	sdelay $0x3  }
0x110: {  	[tilespmem:$0xE2B0] =	vst v56  }
0x111: {  	v56 =	vld.idx.msk [tilespmem:v61+s2+$0x0], $0xffff  }
0x112: {  	v62 =	vadd.s32 v46, v55;
	_ =	sdelay $0x3  }
0x113: {  	[tilespmem:$0xE2C0] =	vst v56  }
0x114: {  	v56 =	vld.idx.msk [tilespmem:v62+s2+$0x0], $0xffff  }
0x115: {  	v63 =	vadd.s32 v47, v55;
	_ =	sdelay $0x3  }
0x116: {  	[tilespmem:$0xE2D0] =	vst v56  }
0x117: {  	v56 =	vld.idx.msk [tilespmem:v63+s2+$0x0], $0xffff  }
0x118: {  	v55 =	vadd.s32 v48, v55;
	_ =	sdelay $0x3  }
0x119: {  	[tilespmem:$0xE2E0] =	vst v56  }
0x11a: {  	v55 =	vld.idx.msk [tilespmem:v55+s2+$0x0], $0xffff;
	_ =	sdelay $0x4  }
0x11b: {  	[tilespmem:$0xE2F0] =	vst v55  }
.LBB2_7:
.Ltmp7:
0x11c: {  	(pc) =	sbr.rel @!p2 .LBB2_9-.Ltmp7, $2  }
0x11d: {  	_ =	sdelay $0x2  }
0x11e: {  	s31 =	simm.s32 $0x0  }
0x11f: {  	v53 =	vor.u32 v53, v54  }
0x120: {  	v54 =	vor.u32 v0, v53;
	_ =	sdelay $0x3  }
0x121: {  	v55 =	vld [tilespmem:$0xE000]  }
0x122: {  	v54 =	vld.idx.msk [tilespmem:v54+s2+$0x0], $0xffff;
	_ =	sdelay $0x2  }
0x123: {  	v56 =	vor.u32 v2, v53;
	_ =	sdelay $0x1  }
0x124: {  	v54 =	vadd.f32 v54, v55;
	_ =	sdelay $0x1  }
0x125: {  	v62 =	vld [tilespmem:$0xE010];
	[tilespmem:$0xE000] =	vst v54  }
0x126: {  	v63 =	vld.idx.msk [tilespmem:v56+s2+$0x0], $0xffff;
	_ =	sdelay $0x2  }
0x127: {  	v60 =	vor.u32 v3, v53;
	_ =	sdelay $0x1  }
0x128: {  	v54 =	vadd.f32 v63, v62;
	_ =	sdelay $0x1  }
0x129: {  	v61 =	vld [tilespmem:$0xE020];
	[tilespmem:$0xE010] =	vst v54  }
0x12a: {  	v62 =	vld.idx.msk [tilespmem:v60+s2+$0x0], $0xffff;
	_ =	sdelay $0x2  }
0x12b: {  	v63 =	vor.u32 v4, v53;
	_ =	sdelay $0x1  }
0x12c: {  	v54 =	vadd.f32 v62, v61;
	_ =	sdelay $0x1  }
0x12d: {  	v60 =	vld [tilespmem:$0xE030];
	[tilespmem:$0xE020] =	vst v54  }
0x12e: {  	v61 =	vld.idx.msk [tilespmem:v63+s2+$0x0], $0xffff;
	_ =	sdelay $0x2  }
0x12f: {  	v62 =	vor.u32 v5, v53;
	_ =	sdelay $0x1  }
0x130: {  	v54 =	vadd.f32 v61, v60;
	_ =	sdelay $0x1  }
0x131: {  	v63 =	vld [tilespmem:$0xE040];
	[tilespmem:$0xE030] =	vst v54  }
0x132: {  	v60 =	vld.idx.msk [tilespmem:v62+s2+$0x0], $0xffff;
	_ =	sdelay $0x2  }
0x133: {  	v61 =	vor.u32 v6, v53;
	_ =	sdelay $0x1  }
0x134: {  	v54 =	vadd.f32 v60, v63;
	_ =	sdelay $0x1  }
0x135: {  	v62 =	vld [tilespmem:$0xE050];
	[tilespmem:$0xE040] =	vst v54  }
0x136: {  	v63 =	vld.idx.msk [tilespmem:v61+s2+$0x0], $0xffff;
	_ =	sdelay $0x2  }
0x137: {  	v60 =	vor.u32 v7, v53;
	_ =	sdelay $0x1  }
0x138: {  	v54 =	vadd.f32 v63, v62;
	_ =	sdelay $0x1  }
0x139: {  	v61 =	vld [tilespmem:$0xE060];
	[tilespmem:$0xE050] =	vst v54  }
0x13a: {  	v62 =	vld.idx.msk [tilespmem:v60+s2+$0x0], $0xffff;
	_ =	sdelay $0x2  }
0x13b: {  	v63 =	vor.u32 v8, v53;
	_ =	sdelay $0x1  }
0x13c: {  	v54 =	vadd.f32 v62, v61;
	_ =	sdelay $0x1  }
0x13d: {  	v60 =	vld [tilespmem:$0xE070];
	[tilespmem:$0xE060] =	vst v54  }
0x13e: {  	v61 =	vld.idx.msk [tilespmem:v63+s2+$0x0], $0xffff;
	_ =	sdelay $0x2  }
0x13f: {  	v62 =	vor.u32 v9, v53;
	_ =	sdelay $0x1  }
0x140: {  	v54 =	vadd.f32 v61, v60;
	_ =	sdelay $0x1  }
0x141: {  	v63 =	vld [tilespmem:$0xE080];
	[tilespmem:$0xE070] =	vst v54  }
0x142: {  	v60 =	vld.idx.msk [tilespmem:v62+s2+$0x0], $0xffff;
	_ =	sdelay $0x2  }
0x143: {  	v61 =	vor.u32 v10, v53;
	_ =	sdelay $0x1  }
0x144: {  	v54 =	vadd.f32 v60, v63;
	_ =	sdelay $0x1  }
0x145: {  	v62 =	vld [tilespmem:$0xE090];
	[tilespmem:$0xE080] =	vst v54  }
0x146: {  	v63 =	vld.idx.msk [tilespmem:v61+s2+$0x0], $0xffff;
	_ =	sdelay $0x2  }
0x147: {  	v60 =	vor.u32 v11, v53;
	_ =	sdelay $0x1  }
0x148: {  	v54 =	vadd.f32 v63, v62;
	_ =	sdelay $0x1  }
0x149: {  	v61 =	vld [tilespmem:$0xE0A0];
	[tilespmem:$0xE090] =	vst v54  }
0x14a: {  	v62 =	vld.idx.msk [tilespmem:v60+s2+$0x0], $0xffff;
	_ =	sdelay $0x2  }
0x14b: {  	v63 =	vor.u32 v12, v53;
	_ =	sdelay $0x1  }
0x14c: {  	v54 =	vadd.f32 v62, v61;
	_ =	sdelay $0x1  }
0x14d: {  	v60 =	vld [tilespmem:$0xE0B0];
	[tilespmem:$0xE0A0] =	vst v54  }
0x14e: {  	v61 =	vld.idx.msk [tilespmem:v63+s2+$0x0], $0xffff;
	_ =	sdelay $0x2  }
0x14f: {  	v62 =	vor.u32 v13, v53;
	_ =	sdelay $0x1  }
0x150: {  	v54 =	vadd.f32 v61, v60;
	_ =	sdelay $0x1  }
0x151: {  	v63 =	vld [tilespmem:$0xE0C0];
	[tilespmem:$0xE0B0] =	vst v54  }
0x152: {  	v60 =	vld.idx.msk [tilespmem:v62+s2+$0x0], $0xffff;
	_ =	sdelay $0x2  }
0x153: {  	v61 =	vor.u32 v14, v53;
	_ =	sdelay $0x1  }
0x154: {  	v54 =	vadd.f32 v60, v63;
	_ =	sdelay $0x1  }
0x155: {  	v62 =	vld [tilespmem:$0xE0D0];
	[tilespmem:$0xE0C0] =	vst v54  }
0x156: {  	v63 =	vld.idx.msk [tilespmem:v61+s2+$0x0], $0xffff;
	_ =	sdelay $0x2  }
0x157: {  	v60 =	vor.u32 v15, v53;
	_ =	sdelay $0x1  }
0x158: {  	v54 =	vadd.f32 v63, v62;
	_ =	sdelay $0x1  }
0x159: {  	v61 =	vld [tilespmem:$0xE0E0];
	[tilespmem:$0xE0D0] =	vst v54  }
0x15a: {  	v62 =	vld.idx.msk [tilespmem:v60+s2+$0x0], $0xffff;
	_ =	sdelay $0x2  }
0x15b: {  	v63 =	vor.u32 v16, v53;
	_ =	sdelay $0x1  }
0x15c: {  	v54 =	vadd.f32 v62, v61;
	_ =	sdelay $0x1  }
0x15d: {  	v60 =	vld [tilespmem:$0xE0F0];
	[tilespmem:$0xE0E0] =	vst v54  }
0x15e: {  	v61 =	vld.idx.msk [tilespmem:v63+s2+$0x0], $0xffff;
	_ =	sdelay $0x2  }
0x15f: {  	v62 =	vadd.s32 v17, v53;
	_ =	sdelay $0x1  }
0x160: {  	v54 =	vadd.f32 v61, v60;
	_ =	sdelay $0x1  }
0x161: {  	v63 =	vld [tilespmem:$0xE100];
	[tilespmem:$0xE0F0] =	vst v54  }
0x162: {  	v60 =	vld.idx.msk [tilespmem:v62+s2+$0x0], $0xffff;
	_ =	sdelay $0x2  }
0x163: {  	v61 =	vadd.s32 v18, v53;
	_ =	sdelay $0x1  }
0x164: {  	v54 =	vadd.f32 v60, v63;
	_ =	sdelay $0x1  }
0x165: {  	v62 =	vld [tilespmem:$0xE110];
	[tilespmem:$0xE100] =	vst v54  }
0x166: {  	v63 =	vld.idx.msk [tilespmem:v61+s2+$0x0], $0xffff;
	_ =	sdelay $0x2  }
0x167: {  	v60 =	vadd.s32 v19, v53;
	_ =	sdelay $0x1  }
0x168: {  	v54 =	vadd.f32 v63, v62;
	_ =	sdelay $0x1  }
0x169: {  	v61 =	vld [tilespmem:$0xE120];
	[tilespmem:$0xE110] =	vst v54  }
0x16a: {  	v62 =	vld.idx.msk [tilespmem:v60+s2+$0x0], $0xffff;
	_ =	sdelay $0x2  }
0x16b: {  	v63 =	vadd.s32 v20, v53;
	_ =	sdelay $0x1  }
0x16c: {  	v54 =	vadd.f32 v62, v61;
	_ =	sdelay $0x1  }
0x16d: {  	v60 =	vld [tilespmem:$0xE130];
	[tilespmem:$0xE120] =	vst v54  }
0x16e: {  	v61 =	vld.idx.msk [tilespmem:v63+s2+$0x0], $0xffff;
	_ =	sdelay $0x2  }
0x16f: {  	v62 =	vadd.s32 v21, v53;
	_ =	sdelay $0x1  }
0x170: {  	v54 =	vadd.f32 v61, v60;
	_ =	sdelay $0x1  }
0x171: {  	v63 =	vld [tilespmem:$0xE140];
	[tilespmem:$0xE130] =	vst v54  }
0x172: {  	v60 =	vld.idx.msk [tilespmem:v62+s2+$0x0], $0xffff;
	_ =	sdelay $0x2  }
0x173: {  	v61 =	vadd.s32 v22, v53;
	_ =	sdelay $0x1  }
0x174: {  	v54 =	vadd.f32 v60, v63;
	_ =	sdelay $0x1  }
0x175: {  	v62 =	vld [tilespmem:$0xE150];
	[tilespmem:$0xE140] =	vst v54  }
0x176: {  	v63 =	vld.idx.msk [tilespmem:v61+s2+$0x0], $0xffff;
	_ =	sdelay $0x2  }
0x177: {  	v60 =	vadd.s32 v23, v53;
	_ =	sdelay $0x1  }
0x178: {  	v54 =	vadd.f32 v63, v62;
	_ =	sdelay $0x1  }
0x179: {  	v61 =	vld [tilespmem:$0xE160];
	[tilespmem:$0xE150] =	vst v54  }
0x17a: {  	v62 =	vld.idx.msk [tilespmem:v60+s2+$0x0], $0xffff;
	_ =	sdelay $0x2  }
0x17b: {  	v63 =	vadd.s32 v24, v53;
	_ =	sdelay $0x1  }
0x17c: {  	v54 =	vadd.f32 v62, v61;
	_ =	sdelay $0x1  }
0x17d: {  	v60 =	vld [tilespmem:$0xE170];
	[tilespmem:$0xE160] =	vst v54  }
0x17e: {  	v61 =	vld.idx.msk [tilespmem:v63+s2+$0x0], $0xffff;
	_ =	sdelay $0x2  }
0x17f: {  	v62 =	vadd.s32 v25, v53;
	_ =	sdelay $0x1  }
0x180: {  	v54 =	vadd.f32 v61, v60;
	_ =	sdelay $0x1  }
0x181: {  	v63 =	vld [tilespmem:$0xE180];
	[tilespmem:$0xE170] =	vst v54  }
0x182: {  	v60 =	vld.idx.msk [tilespmem:v62+s2+$0x0], $0xffff;
	_ =	sdelay $0x2  }
0x183: {  	v61 =	vadd.s32 v26, v53;
	_ =	sdelay $0x1  }
0x184: {  	v54 =	vadd.f32 v60, v63;
	_ =	sdelay $0x1  }
0x185: {  	v62 =	vld [tilespmem:$0xE190];
	[tilespmem:$0xE180] =	vst v54  }
0x186: {  	v63 =	vld.idx.msk [tilespmem:v61+s2+$0x0], $0xffff;
	_ =	sdelay $0x2  }
0x187: {  	v60 =	vadd.s32 v27, v53;
	_ =	sdelay $0x1  }
0x188: {  	v54 =	vadd.f32 v63, v62;
	_ =	sdelay $0x1  }
0x189: {  	v61 =	vld [tilespmem:$0xE1A0];
	[tilespmem:$0xE190] =	vst v54  }
0x18a: {  	v62 =	vld.idx.msk [tilespmem:v60+s2+$0x0], $0xffff;
	_ =	sdelay $0x2  }
0x18b: {  	v63 =	vadd.s32 v28, v53;
	_ =	sdelay $0x1  }
0x18c: {  	v54 =	vadd.f32 v62, v61;
	_ =	sdelay $0x1  }
0x18d: {  	v60 =	vld [tilespmem:$0xE1B0];
	[tilespmem:$0xE1A0] =	vst v54  }
0x18e: {  	v61 =	vld.idx.msk [tilespmem:v63+s2+$0x0], $0xffff;
	_ =	sdelay $0x2  }
0x18f: {  	v62 =	vadd.s32 v29, v53;
	_ =	sdelay $0x1  }
0x190: {  	v54 =	vadd.f32 v61, v60;
	_ =	sdelay $0x1  }
0x191: {  	v63 =	vld [tilespmem:$0xE1C0];
	[tilespmem:$0xE1B0] =	vst v54  }
0x192: {  	v60 =	vld.idx.msk [tilespmem:v62+s2+$0x0], $0xffff;
	_ =	sdelay $0x2  }
0x193: {  	v61 =	vadd.s32 v30, v53;
	_ =	sdelay $0x1  }
0x194: {  	v54 =	vadd.f32 v60, v63;
	_ =	sdelay $0x1  }
0x195: {  	v62 =	vld [tilespmem:$0xE1D0];
	[tilespmem:$0xE1C0] =	vst v54  }
0x196: {  	v63 =	vld.idx.msk [tilespmem:v61+s2+$0x0], $0xffff;
	_ =	sdelay $0x2  }
0x197: {  	v60 =	vadd.s32 v31, v53;
	_ =	sdelay $0x1  }
0x198: {  	v54 =	vadd.f32 v63, v62;
	_ =	sdelay $0x1  }
0x199: {  	v61 =	vld [tilespmem:$0xE1E0];
	[tilespmem:$0xE1D0] =	vst v54  }
0x19a: {  	v62 =	vld.idx.msk [tilespmem:v60+s2+$0x0], $0xffff;
	_ =	sdelay $0x2  }
0x19b: {  	v63 =	vadd.s32 v32, v53;
	_ =	sdelay $0x1  }
0x19c: {  	v54 =	vadd.f32 v62, v61;
	_ =	sdelay $0x1  }
0x19d: {  	v60 =	vld [tilespmem:$0xE1F0];
	[tilespmem:$0xE1E0] =	vst v54  }
0x19e: {  	v61 =	vld.idx.msk [tilespmem:v63+s2+$0x0], $0xffff;
	_ =	sdelay $0x2  }
0x19f: {  	v62 =	vadd.s32 v33, v53;
	_ =	sdelay $0x1  }
0x1a0: {  	v54 =	vadd.f32 v61, v60;
	_ =	sdelay $0x1  }
0x1a1: {  	v63 =	vld [tilespmem:$0xE200];
	[tilespmem:$0xE1F0] =	vst v54  }
0x1a2: {  	v60 =	vld.idx.msk [tilespmem:v62+s2+$0x0], $0xffff;
	_ =	sdelay $0x2  }
0x1a3: {  	v61 =	vadd.s32 v34, v53;
	_ =	sdelay $0x1  }
0x1a4: {  	v54 =	vadd.f32 v60, v63;
	_ =	sdelay $0x1  }
0x1a5: {  	v62 =	vld [tilespmem:$0xE210];
	[tilespmem:$0xE200] =	vst v54  }
0x1a6: {  	v63 =	vld.idx.msk [tilespmem:v61+s2+$0x0], $0xffff;
	_ =	sdelay $0x2  }
0x1a7: {  	v60 =	vadd.s32 v35, v53;
	_ =	sdelay $0x1  }
0x1a8: {  	v54 =	vadd.f32 v63, v62;
	_ =	sdelay $0x1  }
0x1a9: {  	v61 =	vld [tilespmem:$0xE220];
	[tilespmem:$0xE210] =	vst v54  }
0x1aa: {  	v62 =	vld.idx.msk [tilespmem:v60+s2+$0x0], $0xffff;
	_ =	sdelay $0x2  }
0x1ab: {  	v63 =	vadd.s32 v36, v53;
	_ =	sdelay $0x1  }
0x1ac: {  	v54 =	vadd.f32 v62, v61;
	_ =	sdelay $0x1  }
0x1ad: {  	v60 =	vld [tilespmem:$0xE230];
	[tilespmem:$0xE220] =	vst v54  }
0x1ae: {  	v61 =	vld.idx.msk [tilespmem:v63+s2+$0x0], $0xffff;
	_ =	sdelay $0x2  }
0x1af: {  	v62 =	vadd.s32 v37, v53;
	_ =	sdelay $0x1  }
0x1b0: {  	v54 =	vadd.f32 v61, v60;
	_ =	sdelay $0x1  }
0x1b1: {  	v63 =	vld [tilespmem:$0xE240];
	[tilespmem:$0xE230] =	vst v54  }
0x1b2: {  	v60 =	vld.idx.msk [tilespmem:v62+s2+$0x0], $0xffff;
	_ =	sdelay $0x2  }
0x1b3: {  	v61 =	vadd.s32 v38, v53;
	_ =	sdelay $0x1  }
0x1b4: {  	v54 =	vadd.f32 v60, v63;
	_ =	sdelay $0x1  }
0x1b5: {  	v62 =	vld [tilespmem:$0xE250];
	[tilespmem:$0xE240] =	vst v54  }
0x1b6: {  	v63 =	vld.idx.msk [tilespmem:v61+s2+$0x0], $0xffff;
	_ =	sdelay $0x2  }
0x1b7: {  	v60 =	vadd.s32 v39, v53;
	_ =	sdelay $0x1  }
0x1b8: {  	v54 =	vadd.f32 v63, v62;
	_ =	sdelay $0x1  }
0x1b9: {  	v61 =	vld [tilespmem:$0xE260];
	[tilespmem:$0xE250] =	vst v54  }
0x1ba: {  	v62 =	vld.idx.msk [tilespmem:v60+s2+$0x0], $0xffff;
	_ =	sdelay $0x2  }
0x1bb: {  	v63 =	vadd.s32 v40, v53;
	_ =	sdelay $0x1  }
0x1bc: {  	v54 =	vadd.f32 v62, v61;
	_ =	sdelay $0x1  }
0x1bd: {  	v60 =	vld [tilespmem:$0xE270];
	[tilespmem:$0xE260] =	vst v54  }
0x1be: {  	v61 =	vld.idx.msk [tilespmem:v63+s2+$0x0], $0xffff;
	_ =	sdelay $0x2  }
0x1bf: {  	v62 =	vadd.s32 v41, v53;
	_ =	sdelay $0x1  }
0x1c0: {  	v54 =	vadd.f32 v61, v60;
	_ =	sdelay $0x1  }
0x1c1: {  	v63 =	vld [tilespmem:$0xE280];
	[tilespmem:$0xE270] =	vst v54  }
0x1c2: {  	v60 =	vld.idx.msk [tilespmem:v62+s2+$0x0], $0xffff;
	_ =	sdelay $0x2  }
0x1c3: {  	v61 =	vadd.s32 v42, v53;
	_ =	sdelay $0x1  }
0x1c4: {  	v54 =	vadd.f32 v60, v63;
	_ =	sdelay $0x1  }
0x1c5: {  	v62 =	vld [tilespmem:$0xE290];
	[tilespmem:$0xE280] =	vst v54  }
0x1c6: {  	v63 =	vld.idx.msk [tilespmem:v61+s2+$0x0], $0xffff;
	_ =	sdelay $0x2  }
0x1c7: {  	v60 =	vadd.s32 v43, v53;
	_ =	sdelay $0x1  }
0x1c8: {  	v54 =	vadd.f32 v63, v62;
	_ =	sdelay $0x1  }
0x1c9: {  	v61 =	vld [tilespmem:$0xE2A0];
	[tilespmem:$0xE290] =	vst v54  }
0x1ca: {  	v62 =	vld.idx.msk [tilespmem:v60+s2+$0x0], $0xffff;
	_ =	sdelay $0x2  }
0x1cb: {  	v63 =	vadd.s32 v44, v53;
	_ =	sdelay $0x1  }
0x1cc: {  	v54 =	vadd.f32 v62, v61;
	_ =	sdelay $0x1  }
0x1cd: {  	v60 =	vld [tilespmem:$0xE2B0];
	[tilespmem:$0xE2A0] =	vst v54  }
0x1ce: {  	v61 =	vld.idx.msk [tilespmem:v63+s2+$0x0], $0xffff;
	_ =	sdelay $0x2  }
0x1cf: {  	v62 =	vadd.s32 v45, v53;
	_ =	sdelay $0x1  }
0x1d0: {  	v54 =	vadd.f32 v61, v60;
	_ =	sdelay $0x1  }
0x1d1: {  	v63 =	vld [tilespmem:$0xE2C0];
	[tilespmem:$0xE2B0] =	vst v54  }
0x1d2: {  	v60 =	vld.idx.msk [tilespmem:v62+s2+$0x0], $0xffff;
	_ =	sdelay $0x2  }
0x1d3: {  	v61 =	vadd.s32 v46, v53;
	_ =	sdelay $0x1  }
0x1d4: {  	v54 =	vadd.f32 v60, v63;
	_ =	sdelay $0x1  }
0x1d5: {  	v62 =	vld [tilespmem:$0xE2D0];
	[tilespmem:$0xE2C0] =	vst v54  }
0x1d6: {  	v63 =	vld.idx.msk [tilespmem:v61+s2+$0x0], $0xffff;
	_ =	sdelay $0x2  }
0x1d7: {  	v60 =	vadd.s32 v47, v53;
	_ =	sdelay $0x1  }
0x1d8: {  	v54 =	vadd.f32 v63, v62;
	_ =	sdelay $0x1  }
0x1d9: {  	v61 =	vld [tilespmem:$0xE2E0];
	[tilespmem:$0xE2D0] =	vst v54  }
0x1da: {  	v62 =	vld.idx.msk [tilespmem:v60+s2+$0x0], $0xffff;
	_ =	sdelay $0x2  }
0x1db: {  	v53 =	vadd.s32 v48, v53;
	_ =	sdelay $0x1  }
0x1dc: {  	v54 =	vadd.f32 v62, v61;
	_ =	sdelay $0x1  }
0x1dd: {  	v63 =	vld [tilespmem:$0xE2F0];
	[tilespmem:$0xE2E0] =	vst v54  }
0x1de: {  	v53 =	vld.idx.msk [tilespmem:v53+s2+$0x0], $0xffff;
	_ =	sdelay $0x2  }
.Ltmp8:
0x1df: {  	_ = 	snop;
	(pc) =	sbr.rel .LBB2_9-.Ltmp8, $3  }
0x1e0: {  	_ = 	snop  }
0x1e1: {  	v53 =	vadd.f32 v53, v63;
	_ =	sdelay $0x1  }
0x1e2: {  	s31 =	smov.u32 s0;
	[tilespmem:$0xE2F0] =	vst v53  }
.LBB2_10:
0x1e3: {  	p1 =	slt.s32 s26, $0x0  }
.Ltmp9:
0x1e4: {  	_ = 	snop;
	(pc) =	sbr.rel @p1 .LBB2_12-.Ltmp9, $2  }
0x1e5: {  	_ =	sdelay $0x2  }
0x1e6: {  	s31 =	rddreg [dreg:$0x1];
	s5 =	simm.s32 $0xEF00  }
0x1e7: {  	s0 =	scvt.s32.f32 s28;
	_ =	sdelay $0x1  }
0x1e8: {  	v53 =	vmov s0  }
0x1e9: {  	(erf) = vrcp.f32 v53;
	_ =	sdelay $0x4  }
0x1ea: {  	v54 =	vld [tilespmem:$0xE000]  }
0x1eb: {  	v55 =	vld [tilespmem:$0xE010]  }
0x1ec: {  	v56 =	vld [tilespmem:$0xE020]  }
0x1ed: {  	v57 =	vld [tilespmem:$0xE030]  }
0x1ee: {  	v58 =	vld [tilespmem:$0xE040];
	v53 =	vpop (erf)  }
0x1ef: {  	v59 =	vld [tilespmem:$0xE050];
	v54 =	vmul.f32 v54, v53  }
0x1f0: {  	v60 =	vld [tilespmem:$0xE060];
	v55 =	vmul.f32 v55, v53  }
0x1f1: {  	v63 =	vmul.f32 v56, v53;
	v56 =	vld [tilespmem:$0xE070];
	[tilespmem:$0xE300] =	vst v54  }
0x1f2: {  	v61 =	vmul.f32 v57, v53;
	v57 =	vld [tilespmem:$0xE080];
	[tilespmem:$0xE310] =	vst v55  }
0x1f3: {  	v62 =	vmul.f32 v58, v53;
	v58 =	vld [tilespmem:$0xE090];
	[tilespmem:$0xE320] =	vst v63  }
0x1f4: {  	[tilespmem:$0xE330] =	vst v61;
	v55 =	vmul.f32 v59, v53;
	v59 =	vld [tilespmem:$0xE0A0]  }
0x1f5: {  	[tilespmem:$0xE340] =	vst v62;
	v54 =	vmul.f32 v60, v53;
	v60 =	vld [tilespmem:$0xE0B0]  }
0x1f6: {  	[tilespmem:$0xE350] =	vst v55;
	v63 =	vmul.f32 v56, v53;
	v56 =	vld [tilespmem:$0xE0C0]  }
0x1f7: {  	[tilespmem:$0xE360] =	vst v54;
	v61 =	vmul.f32 v57, v53;
	v57 =	vld [tilespmem:$0xE0D0]  }
0x1f8: {  	v62 =	vmul.f32 v58, v53;
	v58 =	vld [tilespmem:$0xE0E0];
	[tilespmem:$0xE370] =	vst v63  }
0x1f9: {  	[tilespmem:$0xE380] =	vst v61;
	v54 =	vmul.f32 v59, v53;
	v59 =	vld [tilespmem:$0xE0F0]  }
0x1fa: {  	[tilespmem:$0xE390] =	vst v62;
	v55 =	vmul.f32 v60, v53;
	v60 =	vld [tilespmem:$0xE100]  }
0x1fb: {  	[tilespmem:$0xE3A0] =	vst v54;
	v63 =	vmul.f32 v56, v53;
	v56 =	vld [tilespmem:$0xE110]  }
0x1fc: {  	[tilespmem:$0xE3B0] =	vst v55;
	v61 =	vmul.f32 v57, v53;
	v57 =	vld [tilespmem:$0xE120]  }
0x1fd: {  	v62 =	vmul.f32 v58, v53;
	v58 =	vld [tilespmem:$0xE130];
	[tilespmem:$0xE3C0] =	vst v63  }
0x1fe: {  	[tilespmem:$0xE3D0] =	vst v61;
	v55 =	vmul.f32 v59, v53;
	v59 =	vld [tilespmem:$0xE140]  }
0x1ff: {  	[tilespmem:$0xE3E0] =	vst v62;
	v54 =	vmul.f32 v60, v53;
	v60 =	vld [tilespmem:$0xE150]  }
0x200: {  	[tilespmem:$0xE3F0] =	vst v55;
	v63 =	vmul.f32 v56, v53;
	v56 =	vld [tilespmem:$0xE160]  }
0x201: {  	[tilespmem:$0xE400] =	vst v54;
	v61 =	vmul.f32 v57, v53;
	v57 =	vld [tilespmem:$0xE170]  }
0x202: {  	v62 =	vmul.f32 v58, v53;
	v58 =	vld [tilespmem:$0xE180];
	[tilespmem:$0xE410] =	vst v63  }
0x203: {  	[tilespmem:$0xE420] =	vst v61;
	v54 =	vmul.f32 v59, v53;
	v59 =	vld [tilespmem:$0xE190]  }
0x204: {  	[tilespmem:$0xE430] =	vst v62;
	v55 =	vmul.f32 v60, v53;
	v60 =	vld [tilespmem:$0xE1A0]  }
0x205: {  	[tilespmem:$0xE440] =	vst v54;
	v63 =	vmul.f32 v56, v53;
	v56 =	vld [tilespmem:$0xE1B0]  }
0x206: {  	[tilespmem:$0xE450] =	vst v55;
	v61 =	vmul.f32 v57, v53;
	v57 =	vld [tilespmem:$0xE1C0]  }
0x207: {  	v62 =	vmul.f32 v58, v53;
	v58 =	vld [tilespmem:$0xE1D0];
	[tilespmem:$0xE460] =	vst v63  }
0x208: {  	[tilespmem:$0xE470] =	vst v61;
	v55 =	vmul.f32 v59, v53;
	v59 =	vld [tilespmem:$0xE1E0]  }
0x209: {  	[tilespmem:$0xE480] =	vst v62;
	v54 =	vmul.f32 v60, v53;
	v60 =	vld [tilespmem:$0xE1F0]  }
0x20a: {  	[tilespmem:$0xE490] =	vst v55;
	v63 =	vmul.f32 v56, v53;
	v56 =	vld [tilespmem:$0xE200]  }
0x20b: {  	[tilespmem:$0xE4A0] =	vst v54;
	v61 =	vmul.f32 v57, v53;
	v57 =	vld [tilespmem:$0xE210]  }
0x20c: {  	v62 =	vmul.f32 v58, v53;
	v58 =	vld [tilespmem:$0xE220];
	[tilespmem:$0xE4B0] =	vst v63  }
0x20d: {  	[tilespmem:$0xE4C0] =	vst v61;
	v54 =	vmul.f32 v59, v53;
	v59 =	vld [tilespmem:$0xE230]  }
0x20e: {  	[tilespmem:$0xE4D0] =	vst v62;
	v55 =	vmul.f32 v60, v53;
	v60 =	vld [tilespmem:$0xE240]  }
0x20f: {  	[tilespmem:$0xE4E0] =	vst v54;
	v63 =	vmul.f32 v56, v53;
	v56 =	vld [tilespmem:$0xE250]  }
0x210: {  	[tilespmem:$0xE4F0] =	vst v55;
	v61 =	vmul.f32 v57, v53;
	v57 =	vld [tilespmem:$0xE260]  }
0x211: {  	v62 =	vmul.f32 v58, v53;
	v58 =	vld [tilespmem:$0xE270];
	[tilespmem:$0xE500] =	vst v63  }
0x212: {  	[tilespmem:$0xE510] =	vst v61;
	v55 =	vmul.f32 v59, v53;
	v59 =	vld [tilespmem:$0xE280]  }
0x213: {  	[tilespmem:$0xE520] =	vst v62;
	v54 =	vmul.f32 v60, v53;
	v60 =	vld [tilespmem:$0xE290]  }
0x214: {  	[tilespmem:$0xE530] =	vst v55;
	v63 =	vmul.f32 v56, v53;
	v56 =	vld [tilespmem:$0xE2A0]  }
0x215: {  	[tilespmem:$0xE540] =	vst v54;
	v61 =	vmul.f32 v57, v53;
	v57 =	vld [tilespmem:$0xE2B0]  }
0x216: {  	v62 =	vmul.f32 v58, v53;
	v58 =	vld [tilespmem:$0xE2C0];
	[tilespmem:$0xE550] =	vst v63  }
0x217: {  	[tilespmem:$0xE560] =	vst v61;
	v54 =	vmul.f32 v59, v53;
	v59 =	vld [tilespmem:$0xE2D0]  }
0x218: {  	[tilespmem:$0xE570] =	vst v62;
	v55 =	vmul.f32 v60, v53;
	v60 =	vld [tilespmem:$0xE2E0]  }
0x219: {  	[tilespmem:$0xE580] =	vst v54;
	v63 =	vmul.f32 v56, v53;
	v56 =	vld [tilespmem:$0xE2F0]  }
0x21a: {  	[tilespmem:$0xE590] =	vst v55;
	v57 =	vmul.f32 v57, v53  }
0x21b: {  	s29 =	sshrl.u32 s26, $0x3;
	v61 =	vmul.f32 v58, v53;
	[tilespmem:$0xE5A0] =	vst v63  }
0x21c: {  	s6 =	sshll.u32 s26, $0x7;
	s5 =	smul.u32 $0x1800, s29;
	[tilespmem:$0xE5B0] =	vst v57;
	v62 =	vmul.f32 v59, v53  }
0x21d: {  	s6 =	sand.u32 $0x380, s6;
	[tilespmem:$0xE5C0] =	vst v61;
	v63 =	vmul.f32 v60, v53  }
0x21e: {  	s5 =	sor.u32 s6, s5;
	[tilespmem:$0xE5D0] =	vst v62;
	v53 =	vmul.f32 v56, v53  }
0x21f: {  	s11 =	simm.s32 $0x80;
	s14 =	simm.s32 $0x400;
	s5 =	sshrl.u32 s5, $0x3;
	[tilespmem:$0xE5E0] =	vst v63  }
0x220: {  	s15 =	simm.s32 $0xE300;
	s0 =	sshll.u32 s29, $0xA;
	s5 =	sadd.s32 s3, s5;
	[tilespmem:$0xE5F0] =	vst v53  }
0x221: {  	[hbm4b:s5+s11] =	stream.strided.scatter [tilespmem:s15], [sflag:$0x3], $0x300, s14, s11, $0x38;
	[tilespmem:$0x1C700] =	vst v63  }
0x222: {  	s0 =	sor.u32 s6, s0;
	_ =	swait.ge [sflag:s12], $0x300  }
0x223: {  	s0 =	sshrl.u32 s0, $0x3;
	[sflag:s12] =	ssyncset.done $0x0  }
0x224: {  	s30 =	simm.s32 $0xE600;
	s0 =	sadd.s32 s4, s0;
	[sflag:s12] =	ssyncadd.s32 $0xFFFFFD00  }
0x225: {  	[hbm4b:s0+s2] =	stream.linear.scatter [tilespmem:s30], [sflag:$0x3], $0x80, $0x38;
	[tilespmem:$0x1C700] =	vst v63  }
0x226: {  	s6 =	simm.s32 $0xF700;
	_ =	swait.ge [sflag:s12], $0x80  }
0x227: {  	s15 =	simm.s32 $0x10F00;
	s14 =	simm.s32 $0x10700;
	[sflag:s12] =	ssyncset.done $0x0  }
0x228: {  	s11 =	simm.s32 $0xFF00;
	s5 =	simm.s32 $0xEF00;
	[sflag:s12] =	ssyncadd.s32 $0xFFFFFF80  }
.LBB2_12:
.Ltmp10:
0x229: {  	(pc) =	sbr.rel .LBB2_13-.Ltmp10, $3  }
0x22a: {  	_ =	sdelay $0x1  }
0x22b: {  	[bflag:$0x0] =	sbarrier.arrive $0xFFFF  }
0x22c: {  	s26 =	simm.s32 $0x0;
	s28 =	simm.s32 $0x0  }
.LBB2_17:
0x22d: {  	s0 =	smul.u32 $0x300, s29;
	s28 =	sadd.s32 $0x1, s28  }
0x22e: {  	p1 =	sne.s32 s28, $0x19  }
.Ltmp11:
0x22f: {  	s0 =	sadd.s32 s31, s0;
	(pc) =	sbr.rel @!p1 .LBB2_18-.Ltmp11, $4  }
0x230: {  	[hbm4b:s0+s2] =	stream.linear.scatter [tilespmem:s19], [sflag:$0x3], $0xC000, $0x38;
	[tilespmem:$0x1C700] =	vst v63  }
0x231: {  	_ =	swait.ge [sflag:s12], $0xC000  }
0x232: {  	[sflag:s12] =	ssyncset.done $0x0  }
0x233: {  	[sflag:s12] =	ssyncadd.s32 $0xFFFF4000  }
.LBB2_13:
0x234: {  	s0 =	sshll.u32 s28, $0x6  }
0x235: {  	s0 =	sadd.s32 s8, s0  }
0x236: {  	s29 =	sshrl.u32 s0, $0x3  }
0x237: {  	s0 =	sadd.s32 s7, s29  }
0x238: {  	[tilespmem:s18], [sflag:$0x3] =	stream.linear.gather [hbm4b:s0+s26], $0x40, $0x38;
	[tilespmem:$0x1C700] =	vst v63  }
0x239: {  	_ =	swait.ge [sflag:s12], $0x40  }
0x23a: {  	[sflag:s12] =	ssyncset.done $0x0  }
0x23b: {  	[sflag:s12] =	ssyncadd.s32 $0xFFFFFFC0  }
0x23c: {  	v53 =	vld [tilespmem:$0xE680];
	_ =	sdelay $0x4  }
0x23d: {  	v54 =	vshrl.u32 v53, $0x3  }
0x23e: {  	v54 =	vmul.u32 $0x30, v54  }
0x23f: {  	v53 =	vand.u32 $0x7, v53  }
0x240: {  	v53 =	vor.u32 v53, v54  }
0x241: {  	v54 =	vperm.xlane v53, v49;
	_ =	sdelay $0x1  }
0x242: {  	v54 =	vadd.s32 v50, v54;
	_ =	sdelay $0x3  }
0x243: {  	v53 =	vperm.xlane v53, v51  }
0x244: {  	[tilespmem:s19], [sflag:$0x1] =	stream.indirect_vreg.gather [hbm4b:s3+s26], $0x80, v54, vm0, $0xb8;
	[tilespmem:$0x1C700] =	vst v63  }
0x245: {  	v53 =	vadd.s32 v50, v53  }
0x246: {  	[tilespmem:s5], [sflag:$0x1] =	stream.indirect_vreg.gather [hbm4b:s9+s26], $0x80, v54, vm0, $0xb8;
	[tilespmem:$0x1C700] =	vst v63  }
0x247: {  	_ = 	snop  }
0x248: {  	[tilespmem:s6], [sflag:$0x1] =	stream.indirect_vreg.gather [hbm4b:s10+s26], $0x80, v54, vm0, $0xb8;
	[tilespmem:$0x1C700] =	vst v63  }
0x249: {  	_ = 	snop  }
0x24a: {  	[tilespmem:s11], [sflag:$0x1] =	stream.indirect_vreg.gather [hbm4b:s3+s26], $0x80, v53, vm0, $0xb8;
	[tilespmem:$0x1C700] =	vst v63  }
0x24b: {  	_ = 	snop  }
0x24c: {  	[tilespmem:s14], [sflag:$0x1] =	stream.indirect_vreg.gather [hbm4b:s9+s26], $0x80, v53, vm0, $0xb8;
	[tilespmem:$0x1C700] =	vst v63  }
0x24d: {  	_ = 	snop  }
0x24e: {  	[tilespmem:s15], [sflag:$0x1] =	stream.indirect_vreg.gather [hbm4b:s10+s26], $0x80, v53, vm0, $0xb8;
	[tilespmem:$0x1C700] =	vst v63  }
0x24f: {  	v53 =	vld [tilespmem:$0xE690];
	_ =	sdelay $0x4  }
0x250: {  	v61 =	vshrl.u32 v53, $0x3  }
0x251: {  	v54 =	vmul.u32 $0x30, v61  }
0x252: {  	v53 =	vand.u32 $0x7, v53  }
0x253: {  	v53 =	vor.u32 v53, v54  }
0x254: {  	v54 =	vperm.xlane v53, v49;
	_ =	sdelay $0x1  }
0x255: {  	v54 =	vadd.s32 v50, v54;
	_ =	sdelay $0x3  }
0x256: {  	s0 =	simm.s32 $0x11700;
	v53 =	vperm.xlane v53, v51  }
0x257: {  	[tilespmem:s0], [sflag:$0x1] =	stream.indirect_vreg.gather [hbm4b:s3+s26], $0x80, v54, vm0, $0xb8;
	[tilespmem:$0x1C700] =	vst v63  }
0x258: {  	v53 =	vadd.s32 v50, v53;
	s0 =	simm.s32 $0x11F00  }
0x259: {  	[tilespmem:s0], [sflag:$0x1] =	stream.indirect_vreg.gather [hbm4b:s9+s26], $0x80, v54, vm0, $0xb8;
	[tilespmem:$0x1C700] =	vst v63  }
0x25a: {  	s0 =	simm.s32 $0x12700  }
0x25b: {  	[tilespmem:s0], [sflag:$0x1] =	stream.indirect_vreg.gather [hbm4b:s10+s26], $0x80, v54, vm0, $0xb8;
	[tilespmem:$0x1C700] =	vst v63  }
0x25c: {  	s0 =	simm.s32 $0x12F00  }
0x25d: {  	[tilespmem:s0], [sflag:$0x1] =	stream.indirect_vreg.gather [hbm4b:s3+s26], $0x80, v53, vm0, $0xb8;
	[tilespmem:$0x1C700] =	vst v63  }
0x25e: {  	s0 =	simm.s32 $0x13700  }
0x25f: {  	[tilespmem:s0], [sflag:$0x1] =	stream.indirect_vreg.gather [hbm4b:s9+s26], $0x80, v53, vm0, $0xb8;
	[tilespmem:$0x1C700] =	vst v63  }
0x260: {  	s0 =	simm.s32 $0x13F00  }
0x261: {  	[tilespmem:s0], [sflag:$0x1] =	stream.indirect_vreg.gather [hbm4b:s10+s26], $0x80, v53, vm0, $0xb8;
	[tilespmem:$0x1C700] =	vst v63  }
0x262: {  	v53 =	vld [tilespmem:$0xE6A0];
	_ =	sdelay $0x4  }
0x263: {  	v62 =	vshrl.u32 v53, $0x3  }
0x264: {  	v54 =	vmul.u32 $0x30, v62  }
0x265: {  	v53 =	vand.u32 $0x7, v53  }
0x266: {  	v53 =	vor.u32 v53, v54  }
0x267: {  	v54 =	vperm.xlane v53, v49;
	_ =	sdelay $0x1  }
0x268: {  	v54 =	vadd.s32 v50, v54;
	_ =	sdelay $0x3  }
0x269: {  	s0 =	simm.s32 $0x14700;
	v53 =	vperm.xlane v53, v51  }
0x26a: {  	[tilespmem:s0], [sflag:$0x1] =	stream.indirect_vreg.gather [hbm4b:s3+s26], $0x80, v54, vm0, $0xb8;
	[tilespmem:$0x1C700] =	vst v63  }
0x26b: {  	v53 =	vadd.s32 v50, v53;
	s0 =	simm.s32 $0x14F00  }
0x26c: {  	[tilespmem:s0], [sflag:$0x1] =	stream.indirect_vreg.gather [hbm4b:s9+s26], $0x80, v54, vm0, $0xb8;
	[tilespmem:$0x1C700] =	vst v63  }
0x26d: {  	s0 =	simm.s32 $0x15700  }
0x26e: {  	[tilespmem:s0], [sflag:$0x1] =	stream.indirect_vreg.gather [hbm4b:s10+s26], $0x80, v54, vm0, $0xb8;
	[tilespmem:$0x1C700] =	vst v63  }
0x26f: {  	s0 =	simm.s32 $0x15F00  }
0x270: {  	[tilespmem:s0], [sflag:$0x1] =	stream.indirect_vreg.gather [hbm4b:s3+s26], $0x80, v53, vm0, $0xb8;
	[tilespmem:$0x1C700] =	vst v63  }
0x271: {  	s0 =	simm.s32 $0x16700  }
0x272: {  	[tilespmem:s0], [sflag:$0x1] =	stream.indirect_vreg.gather [hbm4b:s9+s26], $0x80, v53, vm0, $0xb8;
	[tilespmem:$0x1C700] =	vst v63  }
0x273: {  	s0 =	simm.s32 $0x16F00  }
0x274: {  	[tilespmem:s0], [sflag:$0x1] =	stream.indirect_vreg.gather [hbm4b:s10+s26], $0x80, v53, vm0, $0xb8;
	[tilespmem:$0x1C700] =	vst v63  }
0x275: {  	v53 =	vld [tilespmem:$0xE6B0];
	_ =	sdelay $0x4  }
0x276: {  	v63 =	vshrl.u32 v53, $0x3  }
0x277: {  	v54 =	vmul.u32 $0x30, v63  }
0x278: {  	v53 =	vand.u32 $0x7, v53  }
0x279: {  	v53 =	vor.u32 v53, v54  }
0x27a: {  	v54 =	vperm.xlane v53, v49;
	_ =	sdelay $0x1  }
0x27b: {  	v54 =	vadd.s32 v50, v54;
	_ =	sdelay $0x3  }
0x27c: {  	v53 =	vperm.xlane v53, v51  }
0x27d: {  	[tilespmem:s16], [sflag:$0x1] =	stream.indirect_vreg.gather [hbm4b:s3+s26], $0x80, v54, vm0, $0xb8;
	[tilespmem:$0x1C700] =	vst v63  }
0x27e: {  	v53 =	vadd.s32 v50, v53  }
0x27f: {  	[tilespmem:s17], [sflag:$0x1] =	stream.indirect_vreg.gather [hbm4b:s9+s26], $0x80, v54, vm0, $0xb8;
	[tilespmem:$0x1C700] =	vst v63  }
0x280: {  	_ = 	snop  }
0x281: {  	[tilespmem:s13], [sflag:$0x1] =	stream.indirect_vreg.gather [hbm4b:s10+s26], $0x80, v54, vm0, $0xb8;
	[tilespmem:$0x1C700] =	vst v63  }
0x282: {  	_ = 	snop  }
0x283: {  	[tilespmem:s1], [sflag:$0x1] =	stream.indirect_vreg.gather [hbm4b:s3+s26], $0x80, v53, vm0, $0xb8;
	[tilespmem:$0x1C700] =	vst v63  }
0x284: {  	_ = 	snop  }
0x285: {  	[tilespmem:s20], [sflag:$0x1] =	stream.indirect_vreg.gather [hbm4b:s9+s26], $0x80, v53, vm0, $0xb8;
	[tilespmem:$0x1C700] =	vst v63  }
0x286: {  	_ = 	snop  }
0x287: {  	[tilespmem:s21], [sflag:$0x1] =	stream.indirect_vreg.gather [hbm4b:s10+s26], $0x80, v53, vm0, $0xb8;
	[tilespmem:$0x1C700] =	vst v63  }
0x288: {  	_ = 	snop  }
0x289: {  	[tilespmem:s23], [sflag:$0x2] =	stream.indirect.gather [hbm4b:s4+s22], $0x80, s18, s22, $0xb8;
	[tilespmem:$0x1C700] =	vst v63  }
0x28a: {  	_ =	swait.ge [sflag:s24], $0xC000  }
.Ltmp12:
0x28b: {  	[sflag:s24] =	ssyncset.done $0x0;
	(pc) =	sbr.rel .LBB2_14-.Ltmp12, $4  }
0x28c: {  	[sflag:s24] =	ssyncadd.s32 $0xFFFF4000  }
0x28d: {  	_ =	swait.ge [sflag:s25], $0x2000  }
0x28e: {  	[sflag:s25] =	ssyncset.done $0x0  }
0x28f: {  	s30 =	simm.s32 $0x0;
	[sflag:s25] =	ssyncadd.s32 $0xFFFFE000  }
.LBB2_16:
0x290: {  	s30 =	sadd.s32 $0x1, s30  }
0x291: {  	p1 =	sne.s32 s30, $0x40  }
.Ltmp13:
0x292: {  	_ = 	snop;
	(pc) =	sbr.rel @!p1 .LBB2_17-.Ltmp13, $1  }
0x293: {  	_ =	sdelay $0x3  }
.LBB2_14:
0x294: {  	v54 =	vmov s30  }
0x295: {  	v53 =	vshll.u32 v54, $0x7;
	_ =	sdelay $0x4  }
0x296: {  	v55 =	vld.idx.msk [tilespmem:v53+s23+$0x0], $0xffff;
	_ =	sdelay $0x4  }
0x297: {  	(v2sf) =	vpush v55, $0x0;
	_ =	sdelay $0xe  }
0x298: {  	s0 =	spop (v2sf)  }
0x299: {  	p1 =	sne.f32 s0, $0.0e+00  }
.Ltmp14:
0x29a: {  	_ = 	snop;
	(pc) =	sbr.rel @p1 .LBB2_16-.Ltmp14, $1  }
0x29b: {  	_ =	sdelay $0x3  }
0x29c: {  	v54 =	vshrl.u32 v54, $0x3  }
0x29d: {  	v54 =	vmul.u32 $0x1800, v54  }
0x29e: {  	v53 =	vand.u32 $0x380, v53  }
0x29f: {  	v53 =	vor.u32 v53, v54  }
0x2a0: {  	v54 =	vor.u32 v0, v53  }
0x2a1: {  	v55 =	vor.u32 v2, v53  }
0x2a2: {  	v56 =	vor.u32 v3, v53  }
0x2a3: {  	v57 =	vor.u32 v4, v53  }
0x2a4: {  	v58 =	vor.u32 v5, v53  }
0x2a5: {  	v62 =	vor.u32 v6, v53;
	[tilespmem:v54+s19+$0x0] =	vst.idx.msk $0xffff, v52  }
0x2a6: {  	v63 =	vor.u32 v7, v53;
	[tilespmem:v55+s19+$0x0] =	vst.idx.msk $0xffff, v52  }
0x2a7: {  	[tilespmem:v56+s19+$0x0] =	vst.idx.msk $0xffff, v52;
	v56 =	vor.u32 v8, v53  }
0x2a8: {  	v60 =	vor.u32 v9, v53;
	[tilespmem:v57+s19+$0x0] =	vst.idx.msk $0xffff, v52  }
0x2a9: {  	v61 =	vor.u32 v10, v53;
	[tilespmem:v58+s19+$0x0] =	vst.idx.msk $0xffff, v52  }
0x2aa: {  	[tilespmem:v62+s19+$0x0] =	vst.idx.msk $0xffff, v52;
	v62 =	vor.u32 v11, v53  }
0x2ab: {  	[tilespmem:v63+s19+$0x0] =	vst.idx.msk $0xffff, v52;
	v63 =	vor.u32 v12, v53  }
0x2ac: {  	[tilespmem:v56+s19+$0x0] =	vst.idx.msk $0xffff, v52;
	v56 =	vor.u32 v13, v53  }
0x2ad: {  	[tilespmem:v60+s19+$0x0] =	vst.idx.msk $0xffff, v52;
	v60 =	vor.u32 v14, v53  }
0x2ae: {  	[tilespmem:v61+s19+$0x0] =	vst.idx.msk $0xffff, v52;
	v61 =	vor.u32 v15, v53  }
0x2af: {  	[tilespmem:v62+s19+$0x0] =	vst.idx.msk $0xffff, v52;
	v62 =	vor.u32 v16, v53  }
0x2b0: {  	[tilespmem:v63+s19+$0x0] =	vst.idx.msk $0xffff, v52;
	v63 =	vadd.s32 v17, v53  }
0x2b1: {  	[tilespmem:v56+s19+$0x0] =	vst.idx.msk $0xffff, v52;
	v56 =	vadd.s32 v18, v53  }
0x2b2: {  	[tilespmem:v60+s19+$0x0] =	vst.idx.msk $0xffff, v52;
	v60 =	vadd.s32 v19, v53  }
0x2b3: {  	[tilespmem:v61+s19+$0x0] =	vst.idx.msk $0xffff, v52;
	v61 =	vadd.s32 v20, v53  }
0x2b4: {  	[tilespmem:v62+s19+$0x0] =	vst.idx.msk $0xffff, v52;
	v62 =	vadd.s32 v21, v53  }
0x2b5: {  	[tilespmem:v63+s19+$0x0] =	vst.idx.msk $0xffff, v52;
	v63 =	vadd.s32 v22, v53  }
0x2b6: {  	[tilespmem:v56+s19+$0x0] =	vst.idx.msk $0xffff, v52;
	v56 =	vadd.s32 v23, v53  }
0x2b7: {  	[tilespmem:v60+s19+$0x0] =	vst.idx.msk $0xffff, v52;
	v60 =	vadd.s32 v24, v53  }
0x2b8: {  	[tilespmem:v61+s19+$0x0] =	vst.idx.msk $0xffff, v52;
	v61 =	vadd.s32 v25, v53  }
0x2b9: {  	[tilespmem:v62+s19+$0x0] =	vst.idx.msk $0xffff, v52;
	v62 =	vadd.s32 v26, v53  }
0x2ba: {  	[tilespmem:v63+s19+$0x0] =	vst.idx.msk $0xffff, v52;
	v63 =	vadd.s32 v27, v53  }
0x2bb: {  	[tilespmem:v56+s19+$0x0] =	vst.idx.msk $0xffff, v52;
	v56 =	vadd.s32 v28, v53  }
0x2bc: {  	[tilespmem:v60+s19+$0x0] =	vst.idx.msk $0xffff, v52;
	v60 =	vadd.s32 v29, v53  }
0x2bd: {  	[tilespmem:v61+s19+$0x0] =	vst.idx.msk $0xffff, v52;
	v61 =	vadd.s32 v30, v53  }
0x2be: {  	[tilespmem:v62+s19+$0x0] =	vst.idx.msk $0xffff, v52;
	v62 =	vadd.s32 v31, v53  }
0x2bf: {  	[tilespmem:v63+s19+$0x0] =	vst.idx.msk $0xffff, v52;
	v63 =	vadd.s32 v32, v53  }
0x2c0: {  	[tilespmem:v56+s19+$0x0] =	vst.idx.msk $0xffff, v52;
	v56 =	vadd.s32 v33, v53  }
0x2c1: {  	[tilespmem:v60+s19+$0x0] =	vst.idx.msk $0xffff, v52;
	v60 =	vadd.s32 v34, v53  }
0x2c2: {  	[tilespmem:v61+s19+$0x0] =	vst.idx.msk $0xffff, v52;
	v61 =	vadd.s32 v35, v53  }
0x2c3: {  	[tilespmem:v62+s19+$0x0] =	vst.idx.msk $0xffff, v52;
	v62 =	vadd.s32 v36, v53  }
0x2c4: {  	[tilespmem:v63+s19+$0x0] =	vst.idx.msk $0xffff, v52;
	v63 =	vadd.s32 v37, v53  }
0x2c5: {  	[tilespmem:v56+s19+$0x0] =	vst.idx.msk $0xffff, v52;
	v56 =	vadd.s32 v38, v53  }
0x2c6: {  	[tilespmem:v60+s19+$0x0] =	vst.idx.msk $0xffff, v52;
	v60 =	vadd.s32 v39, v53  }
0x2c7: {  	[tilespmem:v61+s19+$0x0] =	vst.idx.msk $0xffff, v52;
	v61 =	vadd.s32 v40, v53  }
0x2c8: {  	[tilespmem:v62+s19+$0x0] =	vst.idx.msk $0xffff, v52;
	v62 =	vadd.s32 v41, v53  }
0x2c9: {  	[tilespmem:v63+s19+$0x0] =	vst.idx.msk $0xffff, v52;
	v63 =	vadd.s32 v42, v53  }
0x2ca: {  	[tilespmem:v56+s19+$0x0] =	vst.idx.msk $0xffff, v52;
	v56 =	vadd.s32 v43, v53  }
0x2cb: {  	[tilespmem:v60+s19+$0x0] =	vst.idx.msk $0xffff, v52;
	v60 =	vadd.s32 v44, v53  }
0x2cc: {  	[tilespmem:v61+s19+$0x0] =	vst.idx.msk $0xffff, v52;
	v61 =	vadd.s32 v45, v53  }
0x2cd: {  	[tilespmem:v62+s19+$0x0] =	vst.idx.msk $0xffff, v52;
	v62 =	vadd.s32 v46, v53  }
0x2ce: {  	[tilespmem:v63+s19+$0x0] =	vst.idx.msk $0xffff, v52;
	v63 =	vadd.s32 v47, v53  }
0x2cf: {  	v53 =	vadd.s32 v48, v53;
	[tilespmem:v56+s19+$0x0] =	vst.idx.msk $0xffff, v52  }
.Ltmp15:
0x2d0: {  	[tilespmem:v60+s19+$0x0] =	vst.idx.msk $0xffff, v52;
	(pc) =	sbr.rel .LBB2_16-.Ltmp15, $4  }
0x2d1: {  	[tilespmem:v61+s19+$0x0] =	vst.idx.msk $0xffff, v52  }
0x2d2: {  	[tilespmem:v62+s19+$0x0] =	vst.idx.msk $0xffff, v52  }
0x2d3: {  	[tilespmem:v63+s19+$0x0] =	vst.idx.msk $0xffff, v52  }
0x2d4: {  	[tilespmem:v53+s19+$0x0] =	vst.idx.msk $0xffff, v52  }
.LBB2_19:
0x2d5: {  	_ =	sfence.sel $0x180000  }
0x2d6: {  	[bflag:$0x0] =	sbarrier.arrive $0xFFFF  }
0x2d7: {  	_ =	strace $0x9000004A  }
0x2d8: {  	[bflag:$0x2] =	sbarrier.arrive $0xFFFF  }
0x2d9: {  	s0 =	rddreg [dreg:$0x2]  }
0x2da: {  	s0 =	sadd.s32 @!p0 $0x100000, s0  }
0x2db: {  	[sflag:s0] =	ssyncadd.tile.s32 @!p0 $0x1;
	_ =	shalt  }
.Lfunc_end2:
_tile_overlayer_lowered:
.L_overlay_start_2:
0x2dc: {  	(tag) =	ssettag $0x2  }
0x2dd: {  	s0 =	rddreg [dreg:$0x0];
	s2 =	stileid.u32  }
0x2de: {  	s1 =	rddreg [dreg:$0x1];
	p0 =	sne.s32 s2, $0x0  }
0x2df: {  	s3 =	rddreg [dreg:$0x2];
	[bflag:$0x3] =	sbarrier.arrive $0xFFFF;
	s2 =	simm.s32 @!p0 $0x1C03  }
0x2e0: {  	[timem:s3], [sflag:s2] =	dma.local @!p0 [hbm:s0], s1  }
0x2e1: {  	s0 =	simm.s32 @!p0 $0x3  }
0x2e2: {  	_ =	swait.ge @!p0 [sflag:s0], s1  }
0x2e3: {  	s1 =	ssub.s32 @!p0 $0x0, s1;
	[sflag:s0] =	ssyncset.done @!p0 $0x0  }
0x2e4: {  	[sflag:s0] =	ssyncadd.s32 @!p0 s1  }
0x2e5: {  	[bflag:$0x3] =	sbarrier.arrive $0xFFFF  }
0x2e6: {  	_ =	shalt  }

// kernel: sparse-core-data-format-call.cloned.1.call-start
scs
called_computation_lowered:
.L_overlay_start_0:
0x0: {  	s2 =	sld [smem:$0x3FD9]  }
0x1: {  	s3 =	sld [smem:$0x3FFE];
	_ =	sdelay $0x1  }
0x2: {  	s1 =	srdreg.scid  }
0x3: {  	s0 =	sand.u32 $0x1, s1  }
0x4: {  	s18 =	sshll.u32 s0, $0xA;
	s2 =	sadd.s32 s3, s2  }
0x5: {  	s2 =	sadd.s32 s2, s18  }
0x6: {  	[smem:$0x3FC4] =	sst s2  }
0x7: {  	_ = 	snop  }
0x8: {  	s2 =	sld [smem:$0x3FD0];
	(tm) =	ssettm $0x1  }
0x9: {  	s19 =	sld [smem:$0x3FFB];
	_ =	sdelay $0x3  }
0xa: {  	_ =	strace s19  }
0xb: {  	s3 =	sld [smem:$0x3FFC];
	_ =	sdelay $0x3  }
0xc: {  	_ =	strace s3  }
0xd: {  	s3 =	sld [smem:$0x3FFD];
	_ =	sdelay $0x3  }
0xe: {  	_ =	strace s3  }
0xf: {  	_ =	strace $0x8FFFFFFF  }
0x10: {  	s20 =	sld [smem:$0x3FDB];
	_ =	sdelay $0x1  }
0x11: {  	s4 =	simm.s32 $_scs_section_size  }
0x12: {  	s5 =	simm.s32 $_size__tile_overlayer_lowered;
	s6 =	simm.s32 $_tile_overlayer_lowered  }
0x13: {  	s23 =	simm.s32 $0x1BFF;
	s22 =	sshll.u32 s6, $0x1;
	s3 =	sadd.s32 s4, s20  }
0x14: {  	s7 =	simm.s32 $0x0;
	s21 =	sshll.u32 s5, $0x1;
	s5 =	sadd.s32 s22, s3  }
0x15: {  	[timem:s7], [sflag:s23] =	dma.local [hbm:s5], s21  }
0x16: {  	_ =	swait.ge [sflag:s23], s21  }
0x17: {  	s4 =	ssub.s32 $0x0, s21;
	[sflag:s23] =	ssyncset.done $0x0  }
0x18: {  	[sflag:s23] =	ssyncadd.s32 s4;
	_ =	sdelay $0x1  }
0x19: {  	s24 =	simm.s32 $0x1B8B  }
0x1a: {  	_ =	swait.ge [sflag:s24], $0x1  }
0x1b: {  	[sflag:s24] =	ssyncset.done $0x0  }
0x1c: {  	s26 =	simm.s32 $0x1B8E;
	s25 =	sld [smem:$0x3FFE];
	[sflag:s24] =	ssyncadd.s32 $0xFFFFFFFF  }
0x1d: {  	s27 =	simm.s32 $execute0_lowered;
	[smem:$0x3FD2] =	sst s26  }
0x1e: {  	s5 =	sshll.u32 s27, $0x1;
	_ =	strace $0x8000004C;
	[dreg:$0x1] =	wrdreg $0xFFFFFFFF  }
0x1f: {  	s28 =	simm.s32 $_size_execute0_lowered;
	s3 =	sadd.s32 s3, s5;
	[dreg:$0x0] =	wrdreg $0x0  }
0x20: {  	s5 =	sshll.u32 s28, $0x1;
	[dreg:$0x2] =	wrdreg s3  }
0x21: {  	[dreg:$0x3] =	wrdreg s5  }
0x22: {  	[dreg:$0x4] =	wrdreg $0xC0  }
0x23: {  	_ =	task [dreg:s7], $0x5FFFF  }
0x24: {  	[dreg:$0x1] =	wrdreg $0xFFFFFFFF  }
0x25: {  	[dreg:$0x0] =	wrdreg $0x60  }
0x26: {  	[dreg:$0x2] =	wrdreg s25  }
0x27: {  	[dreg:$0x3] =	wrdreg s2  }
0x28: {  	[dreg:$0x4] =	wrdreg $0x9  }
0x29: {  	_ =	task.clear_ibuf [dreg:s7], $0x5FFFF;
	_ =	strace $0x9000004C  }
0x2a: {  	s29 =	simm.s32 $0x9;
	_ =	strace $0x8000004E  }
0x2b: {  	_ =	swait.ge [sflag:s29], $0x1  }
0x2c: {  	[sflag:s29] =	ssyncadd.s32 $0xFFFFFFFF  }
0x2d: {  	_ =	strace $0x9000004E  }
0x2e: {  	_ =	sfence  }
0x2f: {  	s30 =	sld [smem:$0x0];
	_ =	sdelay $0x2  }
0x30: {  	s31 =	sshll.u32 s1, $0xD;
	s1 =	sshrl.u32 s1, $0x2  }
0x31: {  	s3 =	sand.u32 $0x4000, s31;
	s1 =	sadd.s32 s1, s30  }
0x32: {  	s0 =	sor.u32 s3, s0;
	s1 =	sshll.u32 s1, $0x11  }
0x33: {  	s0 =	sor.u32 s1, s0  }
0x34: {  	s0 =	sadd.s32 $0x8F2B, s0  }
0x35: {  	[sflag:s0] =	ssyncadd.remote.s32 $0x1  }
0x36: {  	_ =	sfence.sel $0xFFFF  }
0x37: {  	[dreg:$0x0] =	wrdreg $0xFFFFFFFF;
	(pc) =	sbr.abs _section_cstart, $3  }
0x38: {  	[dreg:$0x1] =	wrdreg $0xFFFFFFFF  }
0x39: {  	_ =	task.clear_ibuf [dreg:s7], $0x2FFFF;
	_ =	strace $0x9FFFFFFF  }
0x3a: {  	(tm) =	ssettm $0x7FFFFFFF  }
0x3b: {  	_ =	shalt  }
tec
execute0_lowered:
.L_overlay_start_1:
0x0: {  	(tag) =	ssettag $0x1  }
0x1: {  	s0 =	stileid.u32  }
0x2: {  	s1 =	srdreg.scid;
	s2 =	sshll.u32 s0, $0x7  }
0x3: {  	s7 =	rddreg [dreg:$0x0];
	s3 =	sshll.u32 s1, $0x4;
	s1 =	sand.u32 $0x380, s2  }
0x4: {  	s8 =	simm.s32 $0x2;
	s30 =	sand.u32 $0x10, s3;
	s31 =	ssub.s32 $0x400, s1  }
0x5: {  	s16 =	simm.s32 $0x0;
	s2 =	sor.u32 s0, s30;
	s4 =	sand.u32 $0x380, s31  }
0x6: {  	s2 =	sshrl.u32 s2, $0x3;
	p0 =	sne.s32 s4, $0x0;
	s4 =	simm.s32 $0x1  }
0x7: {  	s3 =	sshrl.u32 s31, $0xA;
	s5 =	ssub.s32 $0x35, s2;
	s4 =	simm.s32 @!p0 $0x0  }
0x8: {  	s9 =	simm.s32 $0x1800;
	s5 =	sshrl.u32 s5, $0x2;
	s3 =	sadd.s32 s4, s3  }
0x9: {  	s10 =	simm.s32 $0x0;
	s15 =	simm.s32 $0x0;
	s6 =	smul.u32 s3, s5  }
.Ltmp0:
0xa: {  	s17 =	simm.s32 $0x0;
	s4 =	rddreg [dreg:$0x1];
	(pc) =	sbr.rel .LBB1_1-.Ltmp0, $4  }
0xb: {  	s11 =	simm.s32 $0x0;
	s14 =	simm.s32 $0x0;
	s3 =	rddreg [dreg:$0x2]  }
0xc: {  	_ =	strace $0x8000004D;
	s5 =	simm.s32 $0x1;
	s6 =	smul.u32 $0x6, s6  }
0xd: {  	s7 =	sadd.s32 $0x1200, s7;
	s13 =	smov.u32 s1;
	[sflag:s5] =	ssyncpa.u1 $0x0  }
0xe: {  	s12 =	smov.u32 s2;
	[sflag:s8] =	ssyncpa.u1 $0x0;
	s8 =	sor.u32 $0x1, s6  }
.LBB1_4:
0xf: {  	_ =	sdelay $0x2  }
0x10: {  	s21 =	sshrl.u32 s17, $0x3  }
0x11: {  	[tilespmem:v0+s20+$0xFFFFFFD0 ss:$0x1] =	vst.idx.msk $0xffff, v7;
	s22 =	sshll.u32 s16, $0x3;
	s21 =	smul.u32 $0x1800, s21  }
0x12: {  	v56 =	vld.idx.msk [tilespmem:v1+s19+$0x0 ss:$0x1], $0xffff;
	[tilespmem:v0+s20+$0xFFFFFFE0 ss:$0x1] =	vst.idx.msk $0xffff, v5;
	s27 =	sshll.u32 s17, $0x7;
	s22 =	sand.u32 $0xFFFFFC00, s22  }
0x13: {  	v57 =	vld.idx.msk [tilespmem:v1+s19+$0xFFFFFF90 ss:$0x1], $0xffff;
	[tilespmem:v0+s20+$0xFFFFFFF0 ss:$0x1] =	vst.idx.msk $0xffff, v4;
	s17 =	sand.u32 $0x380, s27;
	s21 =	sadd.s32 s21, s22  }
0x14: {  	v58 =	vld.idx.msk [tilespmem:v1+s19+$0xFFFFFFA0 ss:$0x1], $0xffff;
	[tilespmem:v0+s20+$0x0 ss:$0x1] =	vst.idx.msk $0xffff, v2;
	s28 =	sand.u32 $0x7F, s16;
	s17 =	sor.u32 s17, s21  }
0x15: {  	v59 =	vld.idx.msk [tilespmem:v1+s19+$0xFFFFFFB0 ss:$0x1], $0xffff;
	[tilespmem:v0+s20+$0x10 ss:$0x1] =	vst.idx.msk $0xffff, v3;
	s16 =	sor.u32 s28, s17  }
0x16: {  	v60 =	vld.idx.msk [tilespmem:v1+s19+$0xFFFFFFC0 ss:$0x1], $0xffff;
	[tilespmem:v0+s20+$0x20 ss:$0x1] =	vst.idx.msk $0xffff, v6;
	s29 =	smulhi.u32 $0xAAAAAAAB, s16  }
0x17: {  	v61 =	vld.idx.msk [tilespmem:v1+s19+$0xFFFFFFD0 ss:$0x1], $0xffff;
	[tilespmem:v0+s19+$0x30 ss:$0x1] =	vst.idx.msk $0xffff, v56;
	s17 =	smulhi.u32 $0xAAAAAAAB, s17  }
0x18: {  	v62 =	vld.idx.msk [tilespmem:v1+s19+$0xFFFFFFE0 ss:$0x1], $0xffff;
	[tilespmem:v0+s19+$0xFFFFFFC0 ss:$0x1] =	vst.idx.msk $0xffff, v57;
	s20 =	sshrl.u32 s29, $0x9  }
0x19: {  	v63 =	vld.idx.msk [tilespmem:v1+s19+$0xFFFFFFF0 ss:$0x1], $0xffff;
	[tilespmem:v0+s19+$0xFFFFFFD0 ss:$0x1] =	vst.idx.msk $0xffff, v58;
	s17 =	sshrl.u32 s17, $0x9;
	s20 =	smul.u32 $0x300, s20  }
0x1a: {  	s15 =	smul.u32 $0x18000, s15;
	[tilespmem:v0+s19+$0xFFFFFFE0 ss:$0x1] =	vst.idx.msk $0xffff, v59;
	s17 =	sand.u32 $0x3FF, s17  }
0x1b: {  	[tilespmem:v0+s19+$0xFFFFFFF0 ss:$0x1] =	vst.idx.msk $0xffff, v60;
	s17 =	smul.u32 $0x60, s17;
	s16 =	ssub.s32 s16, s20  }
0x1c: {  	s15 =	sadd.s32 s4, s15;
	[tilespmem:v0+s19+$0x0 ss:$0x1] =	vst.idx.msk $0xffff, v61;
	s20 =	sand.u32 $0x7, s16  }
0x1d: {  	[tilespmem:v0+s19+$0x10 ss:$0x1] =	vst.idx.msk $0xffff, v62;
	s15 =	sadd.s32 s17, s15;
	s16 =	sshrl.u32 s16, $0x3;
	s30 =	sshll.u32 s20, $0x12  }
0x1e: {  	[tilespmem:v0+s19+$0x20 ss:$0x1] =	vst.idx.msk $0xffff, v63;
	s15 =	sadd.s32 s16, s15;
	s31 =	sor.u32 $0x400, s30  }
0x1f: {  	[hbm4b:s15+s31] =	stream.strided.scatter [tilespmem:s18], [sflag:$0x2], $0x4000, s9, s31, $0x38;
	[tilespmem:$0x10000] =	vst v63  }
.LBB1_5:
0x20: {  	s18 =	sadd.s32 $0x80, s11  }
0x21: {  	s15 =	sadd.s32 $0x4, s12;
	s19 =	smov.u32 s12;
	p1 =	sgt.s32 s18, $0x2FF  }
0x22: {  	s19 =	smov.u32 @p1 s15  }
0x23: {  	s21 =	smov.u32 s13;
	s15 =	sadd.s32 $0x400, s13;
	p2 =	sgt.s32 s19, $0x31  }
0x24: {  	s21 =	smov.u32 @p2 s15  }
0x25: {  	s18 =	simm.s32 @p1 $0x0;
	p1 =	sgt.s32 s21, $0x3FF  }
0x26: {  	p0 =	slt.u32 s14, $0x2;
	s21 =	smov.u32 @p1 s1;
	p1 =	sne.s32 s14, s8  }
.Ltmp1:
0x27: {  	s20 =	simm.s32 @!p0 $0x2;
	(pc) =	sbr.rel @!p1 .LBB1_6-.Ltmp1, $4  }
0x28: {  	s16 =	smov.u32 s11;
	s17 =	smov.u32 s13;
	_ =	swait.ge @!p0 [sflag:s20], $0x4000  }
0x29: {  	s10 =	sadd.s32 $0x4000, s10;
	[sflag:s20] =	ssyncset.done @!p0 $0x0;
	s11 =	smov.u32 s18  }
0x2a: {  	s19 =	smov.u32 @p2 s2;
	s15 =	smov.u32 s12;
	[sflag:s20] =	ssyncadd.s32 @!p0 $0xFFFFC000  }
0x2b: {  	s12 =	smov.u32 s19;
	s14 =	sadd.s32 $0x1, s14;
	s13 =	smov.u32 s21  }
.LBB1_1:
0x2c: {  	p0 =	sge.u32 s14, s6  }
0x2d: {  	s18 =	sshrl.u32 @!p0 s12, $0x3  }
0x2e: {  	s19 =	sshll.u32 @!p0 s11, $0x3;
	s18 =	smul.u32 @!p0 $0x1800, s18  }
0x2f: {  	s20 =	sshll.u32 @!p0 s12, $0x7;
	s19 =	sand.u32 @!p0 $0xFFFFFC00, s19  }
0x30: {  	s18 =	sadd.s32 @!p0 s18, s19;
	s19 =	sand.u32 @!p0 $0x380, s20  }
0x31: {  	s18 =	sor.u32 @!p0 s19, s18  }
0x32: {  	s19 =	sand.u32 @!p0 $0x7F, s11;
	s20 =	smulhi.u32 @!p0 $0xAAAAAAAB, s18  }
0x33: {  	s18 =	sor.u32 @!p0 s19, s18  }
0x34: {  	s19 =	smulhi.u32 @!p0 $0xAAAAAAAB, s18;
	s20 =	sshrl.u32 @!p0 s20, $0x9  }
0x35: {  	s21 =	smulhi.u32 @!p0 $0x4924925, s20;
	_ =	sdelay $0x1  }
0x36: {  	s19 =	sshrl.u32 @!p0 s19, $0x9;
	s21 =	smul.u32 @!p0 $0x38, s21  }
0x37: {  	s31 =	sadd.s32 $0xFFFFFFFF, s14;
	s19 =	smul.u32 @!p0 $0x300, s19  }
0x38: {  	s22 =	sxor.u32 @!p0 $0xFFFFFFFF, s14;
	s20 =	ssub.s32 @!p0 s20, s21;
	s21 =	smul.u32 @!p0 $0x1500, s13  }
0x39: {  	s22 =	sshll.u32 @!p0 s22, $0xE;
	s18 =	ssub.s32 @!p0 s18, s19;
	s19 =	smul.u32 @!p0 $0x60, s20  }
0x3a: {  	s20 =	sand.u32 @!p0 $0x4000, s22;
	s22 =	sand.u32 @!p0 $0x7, s18;
	s21 =	sadd.s32 @!p0 s7, s21  }
0x3b: {  	s18 =	sshrl.u32 @!p0 s18, $0x3;
	s19 =	sadd.s32 @!p0 s19, s21;
	s21 =	sshll.u32 @!p0 s22, $0x12  }
0x3c: {  	s18 =	sadd.s32 @!p0 s18, s19;
	s19 =	sor.u32 @!p0 $0x80, s21;
	s21 =	simm.s32 @!p0 $0xA800  }
0x3d: {  	[tilespmem:s20], [sflag:$0x1] =	stream.strided.gather @!p0 [hbm4b:s18+s19], $0x4000, s21, s19, $0x38;
	[tilespmem:$0x10000] =	vst v63  }
0x3e: {  	p0 =	sge.u32 s31, s6  }
.Ltmp2:
0x3f: {  	_ = 	snop;
	(pc) =	sbr.rel @p0 .LBB1_5-.Ltmp2, $1  }
0x40: {  	_ =	sdelay $0x3  }
0x41: {  	s18 =	sand.u32 $0x4000, s10  }
0x42: {  	s19 =	sor.u32 $0x70, s18  }
0x43: {  	v1 =	vmov s19;
	_ =	sdelay $0x1  }
0x44: {  	_ =	swait.ge [sflag:s5], $0x4000  }
0x45: {  	[sflag:s5] =	ssyncset.done $0x0  }
0x46: {  	s20 =	simm.s32 $0x0;
	[sflag:s5] =	ssyncadd.s32 $0xFFFFC000  }
0x47: {  	s18 =	sor.u32 $0x8040, s18;
	v6 =	vld.idx.msk [tilespmem:v1+s20+$0x0 ss:$0x1], $0xffff  }
0x48: {  	v0 =	vmov s18;
	v8 =	vld.idx.msk [tilespmem:v1+s20+$0xFFFFFF90 ss:$0x1], $0xffff  }
0x49: {  	v7 =	vld.idx.msk [tilespmem:v1+s20+$0xFFFFFFA0 ss:$0x1], $0xffff  }
0x4a: {  	v5 =	vld.idx.msk [tilespmem:v1+s20+$0xFFFFFFB0 ss:$0x1], $0xffff  }
0x4b: {  	v4 =	vld.idx.msk [tilespmem:v1+s20+$0xFFFFFFC0 ss:$0x1], $0xffff  }
0x4c: {  	s31 =	sshll.u32 s14, $0xE;
	v2 =	vld.idx.msk [tilespmem:v1+s20+$0xFFFFFFD0 ss:$0x1], $0xffff  }
0x4d: {  	s18 =	sand.u32 $0x4000, s31;
	v3 =	vld.idx.msk [tilespmem:v1+s20+$0xFFFFFFE0 ss:$0x1], $0xffff;
	[tilespmem:v0+s20+$0x30 ss:$0x1] =	vst.idx.msk $0xffff, v6  }
0x4e: {  	s21 =	simm.s32 $0x400;
	s19 =	simm.s32 $0x80;
	s18 =	sor.u32 $0x8000, s18;
	[tilespmem:v0+s20+$0xFFFFFFC0 ss:$0x1] =	vst.idx.msk $0xffff, v8;
	v6 =	vld.idx.msk [tilespmem:v1+s20+$0xFFFFFFF0 ss:$0x1], $0xffff  }
.LBB1_3:
0x4f: {  	p0 =	sne.s32 s21, $0xFE00;
	v8 =	vld.idx.msk [tilespmem:v1+s19+$0x0 ss:$0x1], $0xffff;
	[tilespmem:v0+s20+$0xFFFFFFD0 ss:$0x1] =	vst.idx.msk $0xffff, v7  }
0x50: {  	v9 =	vld.idx.msk [tilespmem:v1+s19+$0xFFFFFF90 ss:$0x1], $0xffff;
	[tilespmem:v0+s20+$0xFFFFFFE0 ss:$0x1] =	vst.idx.msk $0xffff, v5  }
0x51: {  	v7 =	vld.idx.msk [tilespmem:v1+s19+$0xFFFFFFA0 ss:$0x1], $0xffff;
	[tilespmem:v0+s20+$0xFFFFFFF0 ss:$0x1] =	vst.idx.msk $0xffff, v4  }
.Ltmp3:
0x52: {  	v5 =	vld.idx.msk [tilespmem:v1+s19+$0xFFFFFFB0 ss:$0x1], $0xffff;
	[tilespmem:v0+s20+$0x0 ss:$0x1] =	vst.idx.msk $0xffff, v2;
	(pc) =	sbr.rel @p0 .LBB1_3-.Ltmp3, $4  }
0x53: {  	v4 =	vld.idx.msk [tilespmem:v1+s19+$0xFFFFFFC0 ss:$0x1], $0xffff;
	[tilespmem:v0+s20+$0x10 ss:$0x1] =	vst.idx.msk $0xffff, v3  }
0x54: {  	v2 =	vld.idx.msk [tilespmem:v1+s19+$0xFFFFFFD0 ss:$0x1], $0xffff;
	[tilespmem:v0+s20+$0x20 ss:$0x1] =	vst.idx.msk $0xffff, v6;
	s20 =	smov.u32 s19  }
0x55: {  	v3 =	vld.idx.msk [tilespmem:v1+s20+$0xFFFFFFE0 ss:$0x1], $0xffff;
	[tilespmem:v0+s20+$0x30 ss:$0x1] =	vst.idx.msk $0xffff, v8  }
0x56: {  	s19 =	sshra.s32 s21, $0x2;
	s21 =	sadd.s32 $0x200, s21;
	[tilespmem:v0+s20+$0xFFFFFFC0 ss:$0x1] =	vst.idx.msk $0xffff, v9;
	v6 =	vld.idx.msk [tilespmem:v1+s20+$0xFFFFFFF0 ss:$0x1], $0xffff  }
.Ltmp4:
0x57: {  	_ = 	snop;
	(pc) =	sbr.rel .LBB1_4-.Ltmp4, $1  }
0x58: {  	_ =	sdelay $0x3  }
.LBB1_6:
0x59: {  	_ =	sfence.sel $0x180000  }
0x5a: {  	s1 =	simm.s32 $0x1;
	[bflag:$0x0] =	sbarrier.arrive $0xFFFF  }
0x5b: {  	s31 =	simm.s32 $0x2;
	[sflag:s1] =	ssyncpa.u1 $0x1  }
0x5c: {  	[sflag:s31] =	ssyncpa.u1 $0x1  }
0x5d: {  	p0 =	sne.s32 s0, $0x0;
	_ =	strace $0x9000004D  }
0x5e: {  	s0 =	sadd.s32 @!p0 $0x100000, s3;
	[bflag:$0x2] =	sbarrier.arrive $0xFFFF  }
0x5f: {  	[sflag:s0] =	ssyncadd.tile.s32 @!p0 $0x1;
	_ =	shalt  }
.Lfunc_end1:
_tile_overlayer_lowered:
.L_overlay_start_2:
0x60: {  	(tag) =	ssettag $0x2  }
0x61: {  	s0 =	rddreg [dreg:$0x0];
	s2 =	stileid.u32  }
0x62: {  	s1 =	rddreg [dreg:$0x1];
	p0 =	sne.s32 s2, $0x0  }
0x63: {  	s3 =	rddreg [dreg:$0x2];
	[bflag:$0x3] =	sbarrier.arrive $0xFFFF;
	s2 =	simm.s32 @!p0 $0x1C01  }
0x64: {  	[timem:s3], [sflag:s2] =	dma.local @!p0 [hbm:s0], s1  }
0x65: {  	s0 =	simm.s32 @!p0 $0x1  }
0x66: {  	_ =	swait.ge @!p0 [sflag:s0], s1  }
0x67: {  	s1 =	ssub.s32 @!p0 $0x0, s1;
	[sflag:s0] =	ssyncset.done @!p0 $0x0  }
0x68: {  	[sflag:s0] =	ssyncadd.s32 @!p0 s1  }
0x69: {  	[bflag:$0x3] =	sbarrier.arrive $0xFFFF  }
0x6a: {  	_ =	shalt  }

</sc_bundles>
